<compile_context>
chip_gen: v7x
topology: tpu7x:2x2x1
jax: 0.10.2.dev20260603
libtpu: 0.0.44.dev20260713+nightly
codegen_flags: <defaults>
</compile_context>

<pallas_src>
import functools

import jax
import jax.numpy as jnp
from jax import lax
from jax.experimental import pallas as pl
from jax.experimental.pallas import tpu as pltpu
from jax.experimental.pallas import tpu_sc as plsc

N_NODES = 10000
N_REL = 500
R_PAD = 512
H_DIM = 128
N_EDGES = 320000

N_SC = 2
N_TILES = 16
N_CHUNKS = 4
CHUNK_NODES = N_NODES // N_CHUNKS
CHUNK_WORDS = CHUNK_NODES * R_PAD
EDGES_PER_TILE = N_EDGES // N_TILES
BATCH = 128
SBATCH = 1
SB_WORDS = SBATCH * BATCH
TABLE_WORDS = CHUNK_WORDS + SB_WORDS
N_SUPER = (EDGES_PER_TILE + SB_WORDS - 1) // SB_WORDS
STAGE = N_SUPER * SB_WORDS
TILE_WORDS = CHUNK_WORDS // N_TILES
PIECE = 3200
N_PIECE = TILE_WORDS // PIECE
RSTAGE = 2000


def _hist_body(dst_hbm, rel_hbm, out_hbm, key_v, idx_v, rel_s,
               ones_v, znc_v, table_sh, sem_a, sem_s):
    c = lax.axis_index("c")
    s = lax.axis_index("s")

    base = s * EDGES_PER_TILE
    pltpu.sync_copy(dst_hbm.at[pl.ds(base, EDGES_PER_TILE)],
                    key_v.at[pl.ds(0, EDGES_PER_TILE)])
    for p in range(EDGES_PER_TILE // RSTAGE):
        pltpu.sync_copy(rel_hbm.at[pl.ds(base + p * RSTAGE, RSTAGE)], rel_s)

        def _fold(i, carry, p=p):
            off = p * RSTAGE + i * 16
            key_v[pl.ds(off, 16)] = (
                key_v[pl.ds(off, 16)] * R_PAD + rel_s[pl.ds(i * 16, 16)])
            return carry

        lax.fori_loop(0, RSTAGE // 16, _fold, 0)
    neg1 = jnp.full((16,), -1, jnp.int32)
    for k in range(EDGES_PER_TILE, STAGE, 16):
        key_v[pl.ds(k, 16)] = neg1

    one16 = jnp.ones((16,), jnp.float32)
    for k in range(0, SB_WORDS, 16):
        ones_v[pl.ds(k, 16)] = one16

    zero16 = jnp.zeros((16,), jnp.float32)

    def _zfill(i, carry):
        znc_v[pl.ds(i * 16, 16)] = zero16
        return carry

    for cc in range(N_CHUNKS // N_SC):
        chunk = c * (N_CHUNKS // N_SC) + cc
        c0w = chunk * CHUNK_WORDS

        lax.fori_loop(0, (2 * PIECE) // 16, _zfill, 0)
        zdmas = []
        for z in range(N_PIECE):
            if z >= 4:
                zdmas[z - 4].wait()
            zdmas.append(pltpu.async_copy(
                znc_v.at[pl.ds((z % 2) * PIECE, PIECE)],
                table_sh.at[pl.ds(s * TILE_WORDS + z * PIECE, PIECE)], sem_a))

        for d in zdmas[-4:]:
            d.wait()
        plsc.subcore_barrier()

        def _sbatch(sb, carry):
            for k in range(0, SB_WORDS, 16):
                t = key_v[pl.ds(sb * SB_WORDS + k, 16)] - c0w
                ok = (t >= 0) & (t < CHUNK_WORDS)
                dummy = lax.iota(jnp.int32, 16) + (CHUNK_WORDS + k)
                idx_v[pl.ds(k, 16)] = jnp.where(ok, t, dummy)
            pltpu.sync_copy(ones_v, table_sh.at[idx_v], add=True)
            return carry

        lax.fori_loop(0, N_SUPER, _sbatch, 0)
        plsc.subcore_barrier()

        out_base = chunk * CHUNK_WORDS + s * TILE_WORDS
        outs = [None, None]
        for z in range(N_PIECE):
            b = z % 2
            if outs[b] is not None:
                outs[b].wait()
            pltpu.async_copy(
                table_sh.at[pl.ds(s * TILE_WORDS + z * PIECE, PIECE)],
                znc_v.at[pl.ds(b * PIECE, PIECE)], sem_a).wait()
            outs[b] = pltpu.async_copy(
                znc_v.at[pl.ds(b * PIECE, PIECE)],
                out_hbm.at[pl.ds(out_base + z * PIECE, PIECE)], sem_s)
        for o in outs:
            if o is not None:
                o.wait()
        plsc.subcore_barrier()


@functools.cache
def _make_hist():
  return pl.kernel(
    _hist_body,
    out_type=jax.ShapeDtypeStruct((N_NODES * R_PAD,), jnp.float32),
    mesh=plsc.VectorSubcoreMesh(core_axis_name="c", subcore_axis_name="s"),
    scratch_types=[
        pltpu.VMEM((STAGE,), jnp.int32),
        pltpu.VMEM((SB_WORDS,), jnp.int32),
        pltpu.VMEM((RSTAGE,), jnp.int32),
        pltpu.VMEM((SB_WORDS,), jnp.float32),
        pltpu.VMEM((2 * PIECE,), jnp.float32),
        pltpu.VMEM_SHARED((TABLE_WORDS,), jnp.float32),
        pltpu.SemaphoreType.DMA,
        pltpu.SemaphoreType.DMA,
    ],
  )


def _logits_body(ent_ref, relp_ref, out_ref):
    relp = jnp.concatenate(
        [relp_ref[...], jnp.zeros((R_PAD - N_REL, H_DIM), jnp.float32)],
        axis=0)
    out_ref[...] = lax.dot_general(ent_ref[...], relp, (((1,), (1,)), ((), ())),
                                   preferred_element_type=jnp.float32,
                                   precision=lax.Precision.HIGHEST)


def _dense_body(logit_ref, cnt_ref, relp_ref, nw_ref, out_ref):
    logits = logit_ref[...]
    cnt = cnt_ref[...]
    relp = jnp.concatenate(
        [relp_ref[...], jnp.zeros((R_PAD - N_REL, H_DIM), jnp.float32)],
        axis=0)
    mask = cnt > 0.0
    m = jnp.max(jnp.where(mask, logits, -jnp.inf), axis=1, keepdims=True)
    ex = jnp.exp(jnp.where(mask, logits - m, -30.0))
    p = cnt * ex
    ssum = jnp.sum(p, axis=1, keepdims=True)
    w = jnp.where(ssum > 0.0, p / ssum, 0.0)
    neigh = jnp.dot(w, relp, preferred_element_type=jnp.float32)
    out_ref[...] = jnp.tanh(jnp.dot(neigh, nw_ref[...],
                                    preferred_element_type=jnp.float32))


BLK = 2000

_logits = pl.pallas_call(
    _logits_body,
    grid=(N_NODES // BLK,),
    in_specs=[
        pl.BlockSpec((BLK, H_DIM), lambda i: (i, 0)),
        pl.BlockSpec((N_REL, H_DIM), lambda i: (0, 0)),
    ],
    out_specs=pl.BlockSpec((BLK, R_PAD), lambda i: (i, 0)),
    out_shape=jax.ShapeDtypeStruct((N_NODES, R_PAD), jnp.float32),
)

_dense = pl.pallas_call(
    _dense_body,
    grid=(N_NODES // BLK,),
    in_specs=[
        pl.BlockSpec((BLK, R_PAD), lambda i: (i, 0)),
        pl.BlockSpec((BLK, R_PAD), lambda i: (i, 0)),
        pl.BlockSpec((N_REL, H_DIM), lambda i: (0, 0)),
        pl.BlockSpec((H_DIM, H_DIM), lambda i: (0, 0)),
    ],
    out_specs=pl.BlockSpec((BLK, H_DIM), lambda i: (i, 0)),
    out_shape=jax.ShapeDtypeStruct((N_NODES, H_DIM), jnp.float32),
)


def kernel(ent_emb, rel_emb, neigh_w, edge_index, rel_id):
    cnt = _make_hist()(edge_index[1], rel_id).reshape(N_NODES, R_PAD)
    logits = _logits(ent_emb, rel_emb)
    return _dense(logits, cnt, rel_emb, neigh_w)

# --- scband reference (transcript-rebuilt; emitter-appended) ---
"""Pipeline reference for scband-edge-layer-1142461300898 (READ-ONLY COPY).

The authoritative reference and input builder live on the scoring server;
editing this copy changes nothing except your own understanding.
"""

import jax, jax.numpy as jnp
import numpy as np

N_NODES = 10000
N_EDGES = 320000
N_REL = 500
H_DIM = 128


def setup_inputs(seed: int = 0) -> dict:
    key = jax.random.key(seed)
    k1, k2, k3, k4, k5 = jax.random.split(key, 5)
    ent_emb = jax.random.normal(k1, (N_NODES, H_DIM), dtype=jnp.float32)
    rel_emb = jax.random.normal(k2, (N_REL, H_DIM), dtype=jnp.float32)
    neigh_w = jax.random.normal(k3, (H_DIM, H_DIM), dtype=jnp.float32) * 0.05
    edge_index = jax.random.randint(k4, (2, N_EDGES), 0, N_NODES, dtype=jnp.int32)
    rel_id = jax.random.randint(k5, (N_EDGES,), 0, N_REL, dtype=jnp.int32)
    return {"ent_emb": ent_emb, "rel_emb": rel_emb, "neigh_w": neigh_w,
            "edge_index": edge_index, "rel_id": rel_id}


def reference(ent_emb, rel_emb, neigh_w, edge_index, rel_id):
    n_nodes = ent_emb.shape[0]
    dst = edge_index[1]
    # kg.edata['emb'] = rel_emb[rel_id]  (gather)
    e_emb = jnp.take(rel_emb, rel_id, axis=0)  # [E, H]
    # fn.e_dot_v('emb','emb','norm'): edge emb dot dst-node emb -> [E, 1]
    dst_emb = jnp.take(ent_emb, dst, axis=0)  # [E, H]
    logits = jnp.sum(e_emb * dst_emb, axis=-1)  # [E]
    # dgl.ops.edge_softmax over incoming edges grouped by dst node
    seg_max = jax.ops.segment_max(logits, dst, num_segments=n_nodes)  # [N]
    ex = jnp.exp(logits - jnp.take(seg_max, dst, axis=0))
    seg_sum = jax.ops.segment_sum(ex, dst, num_segments=n_nodes)  # [N]
    alpha = ex / jnp.take(seg_sum, dst, axis=0)  # [E]
    # kg.edata['emb'] = emb * norm; update_all(copy_e, sum) -> scatter-add to dst
    weighted = e_emb * alpha[:, None]  # [E, H]
    neigh = jax.ops.segment_sum(weighted, dst, num_segments=n_nodes)  # [N, H]
    # neigh.mm(neigh_w); bn=False; tanh
    out = jnp.tanh(neigh @ neigh_w)
    return out

if __name__ == "__main__":
    import jax
    _d = setup_inputs()
    print(jax.jit(kernel)(*tuple(_d.values())))

</pallas_src>

<mosaic_0001>
#map = affine_map<(d0, d1) -> (0)>
module attributes {stable_mosaic.version = 14 : i64} {
  func.func @_hist_body(%arg0: i32, %arg1: i32, %arg2: memref<320000xi32, #tpu.memory_space<hbm>>, %arg3: memref<320000xi32, #tpu.memory_space<hbm>>, %arg4: memref<5120000xf32, #tpu.memory_space<hbm>>, %arg5: memref<20096xi32, #tpu.memory_space<vmem>>, %arg6: memref<128xi32, #tpu.memory_space<vmem>>, %arg7: memref<2000xi32, #tpu.memory_space<vmem>>, %arg8: memref<128xf32, #tpu.memory_space<vmem>>, %arg9: memref<6400xf32, #tpu.memory_space<vmem>>, %arg10: memref<1280128xf32, #tpu.memory_space<vmem_shared>>, %arg11: memref<!tpu.dma_semaphore, #tpu.memory_space<semaphore_mem>>, %arg12: memref<!tpu.dma_semaphore, #tpu.memory_space<semaphore_mem>>) attributes {dimension_semantics = [#tpu.dimension_semantics<core_parallel>, #tpu.dimension_semantics<subcore_parallel>], iteration_bounds = array<i64: 2, 16>, scalar_prefetch = 0 : i64, scratch_operands = 8 : i64, tpu.core_type = #tpu.core_type<sc_vector_subcore>, window_params = [{transform_indices = #map}, {transform_indices = #map}, {transform_indices = #map}]} {
    %mul3A = arith.constant 20000 : i32
    %mul3A_0 = arith.muli %arg1, %mul3A : i32
    "tpu.region"() ({
      %run_scoped3A = tpu.sem_alloc : memref<!tpu.dma_semaphore, #tpu.memory_space<semaphore_mem>>
      %dma_start3A_2488 = arith.constant 0 : i32
      %dma_start3A_2489 = tpu.memref_slice %arg5[%dma_start3A_2488] : memref<20096xi32, #tpu.memory_space<vmem>> -> memref<20000xi32, #tpu.memory_space<vmem>>
      %dma_start3A_2490 = tpu.memref_slice %arg2[%mul3A_0] : memref<320000xi32, #tpu.memory_space<hbm>> -> memref<20000xi32, #tpu.memory_space<hbm>>
      %dma_start3A_2491 = arith.constant 0 : i32
      %dma_start3A_2492 = tpu.memref_slice %arg5[%dma_start3A_2491] : memref<20096xi32, #tpu.memory_space<vmem>> -> memref<20000xi32, #tpu.memory_space<vmem>>
      %dma_start3A_2493 = tpu.memref_slice %arg2[%mul3A_0] : memref<320000xi32, #tpu.memory_space<hbm>> -> memref<20000xi32, #tpu.memory_space<hbm>>
      tpu.enqueue_dma source(%dma_start3A_2493 : memref<20000xi32, #tpu.memory_space<hbm>>) target(%dma_start3A_2492 : memref<20000xi32, #tpu.memory_space<vmem>>) target_semaphore(%run_scoped3A : memref<!tpu.dma_semaphore, #tpu.memory_space<semaphore_mem>>)
      %dma_wait3A_2494 = arith.constant 0 : i32
      %dma_wait3A_2495 = tpu.memref_slice %arg5[%dma_wait3A_2494] : memref<20096xi32, #tpu.memory_space<vmem>> -> memref<20000xi32, #tpu.memory_space<vmem>>
      %dma_wait3A_2496 = tpu.memref_slice %arg2[%mul3A_0] : memref<320000xi32, #tpu.memory_space<hbm>> -> memref<20000xi32, #tpu.memory_space<hbm>>
      %dma_wait3A_2497 = arith.constant 0 : i32
      %dma_wait3A_2498 = tpu.memref_slice %arg5[%dma_wait3A_2497] : memref<20096xi32, #tpu.memory_space<vmem>> -> memref<20000xi32, #tpu.memory_space<vmem>>
      %dma_wait3A_2499 = tpu.memref_slice %arg2[%mul3A_0] : memref<320000xi32, #tpu.memory_space<hbm>> -> memref<20000xi32, #tpu.memory_space<hbm>>
      tpu.wait_dma2 semaphore(%run_scoped3A : memref<!tpu.dma_semaphore, #tpu.memory_space<semaphore_mem>>) src(%dma_wait3A_2499 : memref<20000xi32, #tpu.memory_space<hbm>>) dst(%dma_wait3A_2498 : memref<20000xi32, #tpu.memory_space<vmem>>)
      tpu.yield
    }) : () -> ()
    %add3A = arith.constant 0 : i32
    %add3A_1 = arith.addi %mul3A_0, %add3A : i32
    "tpu.region"() ({
      %run_scoped3A = tpu.sem_alloc : memref<!tpu.dma_semaphore, #tpu.memory_space<semaphore_mem>>
      %dma_start3A_2488 = tpu.memref_slice %arg3[%add3A_1] : memref<320000xi32, #tpu.memory_space<hbm>> -> memref<2000xi32, #tpu.memory_space<hbm>>
      %dma_start3A_2489 = tpu.memref_slice %arg3[%add3A_1] : memref<320000xi32, #tpu.memory_space<hbm>> -> memref<2000xi32, #tpu.memory_space<hbm>>
      tpu.enqueue_dma source(%dma_start3A_2489 : memref<2000xi32, #tpu.memory_space<hbm>>) target(%arg7 : memref<2000xi32, #tpu.memory_space<vmem>>) target_semaphore(%run_scoped3A : memref<!tpu.dma_semaphore, #tpu.memory_space<semaphore_mem>>)
      %dma_wait3A_2490 = tpu.memref_slice %arg3[%add3A_1] : memref<320000xi32, #tpu.memory_space<hbm>> -> memref<2000xi32, #tpu.memory_space<hbm>>
      %dma_wait3A_2491 = tpu.memref_slice %arg3[%add3A_1] : memref<320000xi32, #tpu.memory_space<hbm>> -> memref<2000xi32, #tpu.memory_space<hbm>>
      tpu.wait_dma2 semaphore(%run_scoped3A : memref<!tpu.dma_semaphore, #tpu.memory_space<semaphore_mem>>) src(%dma_wait3A_2491 : memref<2000xi32, #tpu.memory_space<hbm>>) dst(%arg7 : memref<2000xi32, #tpu.memory_space<vmem>>)
      tpu.yield
    }) : () -> ()
    %scan3A = arith.constant 0 : i32
    %scan3A_2 = arith.constant 0 : i32
    %scan3A_3 = arith.constant 125 : i32
    %scan3A_4 = arith.addi %scan3A_2, %scan3A_3 : i32
    %scan3A_5 = arith.constant 1 : i32
    scf.for %scan3A_2488 = %scan3A_2 to %scan3A_4 step %scan3A_5  : i32 {
      %mul3A_2489 = arith.constant 16 : i32
      %mul3A_2490 = arith.muli %scan3A_2488, %mul3A_2489 : i32
      %add3A_2491 = arith.constant 0 : i32
      %add3A_2492 = arith.addi %add3A_2491, %mul3A_2490 : i32
      %get3A = arith.index_cast %add3A_2492 : i32 to index
      %get3A_2493 = tpu.vector_load %arg5[%get3A] {strides = array<i32>} : memref<20096xi32, #tpu.memory_space<vmem>>, vector<16xi32>,
      %get3A_2494 = vector.shape_cast %get3A_2493 : vector<16xi32> to vector<16xi32>
      %mul3A_2495 = arith.constant 512 : i32
      %mul3A_2496 = vector.broadcast %mul3A_2495 : i32 to vector<16xi32>
      %mul3A_2497 = arith.muli %get3A_2494, %mul3A_2496 : vector<16xi32>
      %mul3A_2498 = arith.constant 16 : i32
      %mul3A_2499 = arith.muli %scan3A_2488, %mul3A_2498 : i32
      %get3A_2500 = arith.index_cast %mul3A_2499 : i32 to index
      %get3A_2501 = tpu.vector_load %arg7[%get3A_2500] {strides = array<i32>} : memref<2000xi32, #tpu.memory_space<vmem>>, vector<16xi32>,
      %get3A_2502 = vector.shape_cast %get3A_2501 : vector<16xi32> to vector<16xi32>
      %add3A_2503 = arith.addi %mul3A_2497, %get3A_2502 : vector<16xi32>
      %swap3A_2504 = arith.index_cast %add3A_2492 : i32 to index
      %swap3A_2505 = tpu.vector_load %arg5[%swap3A_2504] {strides = array<i32>} : memref<20096xi32, #tpu.memory_space<vmem>>, vector<16xi32>,
      %swap3A_2506 = vector.shape_cast %swap3A_2505 : vector<16xi32> to vector<16xi32>
      %swap3A_2507 = vector.shape_cast %add3A_2503 : vector<16xi32> to vector<16xi32>
      tpu.vector_store %arg5[%swap3A_2504], %swap3A_2507 {strides = array<i32>} : memref<20096xi32, #tpu.memory_space<vmem>>, vector<16xi32>,
    }
    %scan3A_6 = arith.constant 125 : i32
    %add3A_7 = arith.constant 2000 : i32
    %add3A_8 = arith.addi %mul3A_0, %add3A_7 : i32
    "tpu.region"() ({
      %run_scoped3A = tpu.sem_alloc : memref<!tpu.dma_semaphore, #tpu.memory_space<semaphore_mem>>
      %dma_start3A_2488 = tpu.memref_slice %arg3[%add3A_8] : memref<320000xi32, #tpu.memory_space<hbm>> -> memref<2000xi32, #tpu.memory_space<hbm>>
      %dma_start3A_2489 = tpu.memref_slice %arg3[%add3A_8] : memref<320000xi32, #tpu.memory_space<hbm>> -> memref<2000xi32, #tpu.memory_space<hbm>>
      tpu.enqueue_dma source(%dma_start3A_2489 : memref<2000xi32, #tpu.memory_space<hbm>>) target(%arg7 : memref<2000xi32, #tpu.memory_space<vmem>>) target_semaphore(%run_scoped3A : memref<!tpu.dma_semaphore, #tpu.memory_space<semaphore_mem>>)
      %dma_wait3A_2490 = tpu.memref_slice %arg3[%add3A_8] : memref<320000xi32, #tpu.memory_space<hbm>> -> memref<2000xi32, #tpu.memory_space<hbm>>
      %dma_wait3A_2491 = tpu.memref_slice %arg3[%add3A_8] : memref<320000xi32, #tpu.memory_space<hbm>> -> memref<2000xi32, #tpu.memory_space<hbm>>
      tpu.wait_dma2 semaphore(%run_scoped3A : memref<!tpu.dma_semaphore, #tpu.memory_space<semaphore_mem>>) src(%dma_wait3A_2491 : memref<2000xi32, #tpu.memory_space<hbm>>) dst(%arg7 : memref<2000xi32, #tpu.memory_space<vmem>>)
      tpu.yield
    }) : () -> ()
    %scan3A_9 = arith.constant 0 : i32
    %scan3A_10 = arith.constant 0 : i32
    %scan3A_11 = arith.constant 125 : i32
    %scan3A_12 = arith.addi %scan3A_10, %scan3A_11 : i32
    %scan3A_13 = arith.constant 1 : i32
    scf.for %scan3A_2488 = %scan3A_10 to %scan3A_12 step %scan3A_13  : i32 {
      %mul3A_2489 = arith.constant 16 : i32
      %mul3A_2490 = arith.muli %scan3A_2488, %mul3A_2489 : i32
      %add3A_2491 = arith.constant 2000 : i32
      %add3A_2492 = arith.addi %add3A_2491, %mul3A_2490 : i32
      %get3A = arith.index_cast %add3A_2492 : i32 to index
      %get3A_2493 = tpu.vector_load %arg5[%get3A] {strides = array<i32>} : memref<20096xi32, #tpu.memory_space<vmem>>, vector<16xi32>,
      %get3A_2494 = vector.shape_cast %get3A_2493 : vector<16xi32> to vector<16xi32>
      %mul3A_2495 = arith.constant 512 : i32
      %mul3A_2496 = vector.broadcast %mul3A_2495 : i32 to vector<16xi32>
      %mul3A_2497 = arith.muli %get3A_2494, %mul3A_2496 : vector<16xi32>
      %mul3A_2498 = arith.constant 16 : i32
      %mul3A_2499 = arith.muli %scan3A_2488, %mul3A_2498 : i32
      %get3A_2500 = arith.index_cast %mul3A_2499 : i32 to index
      %get3A_2501 = tpu.vector_load %arg7[%get3A_2500] {strides = array<i32>} : memref<2000xi32, #tpu.memory_space<vmem>>, vector<16xi32>,
      %get3A_2502 = vector.shape_cast %get3A_2501 : vector<16xi32> to vector<16xi32>
      %add3A_2503 = arith.addi %mul3A_2497, %get3A_2502 : vector<16xi32>
      %swap3A_2504 = arith.index_cast %add3A_2492 : i32 to index
      %swap3A_2505 = tpu.vector_load %arg5[%swap3A_2504] {strides = array<i32>} : memref<20096xi32, #tpu.memory_space<vmem>>, vector<16xi32>,
      %swap3A_2506 = vector.shape_cast %swap3A_2505 : vector<16xi32> to vector<16xi32>
      %swap3A_2507 = vector.shape_cast %add3A_2503 : vector<16xi32> to vector<16xi32>
      tpu.vector_store %arg5[%swap3A_2504], %swap3A_2507 {strides = array<i32>} : memref<20096xi32, #tpu.memory_space<vmem>>, vector<16xi32>,
    }
    %scan3A_14 = arith.constant 125 : i32
    %add3A_15 = arith.constant 4000 : i32
    %add3A_16 = arith.addi %mul3A_0, %add3A_15 : i32
    "tpu.region"() ({
      %run_scoped3A = tpu.sem_alloc : memref<!tpu.dma_semaphore, #tpu.memory_space<semaphore_mem>>
      %dma_start3A_2488 = tpu.memref_slice %arg3[%add3A_16] : memref<320000xi32, #tpu.memory_space<hbm>> -> memref<2000xi32, #tpu.memory_space<hbm>>
      %dma_start3A_2489 = tpu.memref_slice %arg3[%add3A_16] : memref<320000xi32, #tpu.memory_space<hbm>> -> memref<2000xi32, #tpu.memory_space<hbm>>
      tpu.enqueue_dma source(%dma_start3A_2489 : memref<2000xi32, #tpu.memory_space<hbm>>) target(%arg7 : memref<2000xi32, #tpu.memory_space<vmem>>) target_semaphore(%run_scoped3A : memref<!tpu.dma_semaphore, #tpu.memory_space<semaphore_mem>>)
      %dma_wait3A_2490 = tpu.memref_slice %arg3[%add3A_16] : memref<320000xi32, #tpu.memory_space<hbm>> -> memref<2000xi32, #tpu.memory_space<hbm>>
      %dma_wait3A_2491 = tpu.memref_slice %arg3[%add3A_16] : memref<320000xi32, #tpu.memory_space<hbm>> -> memref<2000xi32, #tpu.memory_space<hbm>>
      tpu.wait_dma2 semaphore(%run_scoped3A : memref<!tpu.dma_semaphore, #tpu.memory_space<semaphore_mem>>) src(%dma_wait3A_2491 : memref<2000xi32, #tpu.memory_space<hbm>>) dst(%arg7 : memref<2000xi32, #tpu.memory_space<vmem>>)
      tpu.yield
    }) : () -> ()
    %scan3A_17 = arith.constant 0 : i32
    %scan3A_18 = arith.constant 0 : i32
    %scan3A_19 = arith.constant 125 : i32
    %scan3A_20 = arith.addi %scan3A_18, %scan3A_19 : i32
    %scan3A_21 = arith.constant 1 : i32
    scf.for %scan3A_2488 = %scan3A_18 to %scan3A_20 step %scan3A_21  : i32 {
      %mul3A_2489 = arith.constant 16 : i32
      %mul3A_2490 = arith.muli %scan3A_2488, %mul3A_2489 : i32
      %add3A_2491 = arith.constant 4000 : i32
      %add3A_2492 = arith.addi %add3A_2491, %mul3A_2490 : i32
      %get3A = arith.index_cast %add3A_2492 : i32 to index
      %get3A_2493 = tpu.vector_load %arg5[%get3A] {strides = array<i32>} : memref<20096xi32, #tpu.memory_space<vmem>>, vector<16xi32>,
      %get3A_2494 = vector.shape_cast %get3A_2493 : vector<16xi32> to vector<16xi32>
      %mul3A_2495 = arith.constant 512 : i32
      %mul3A_2496 = vector.broadcast %mul3A_2495 : i32 to vector<16xi32>
      %mul3A_2497 = arith.muli %get3A_2494, %mul3A_2496 : vector<16xi32>
      %mul3A_2498 = arith.constant 16 : i32
      %mul3A_2499 = arith.muli %scan3A_2488, %mul3A_2498 : i32
      %get3A_2500 = arith.index_cast %mul3A_2499 : i32 to index
      %get3A_2501 = tpu.vector_load %arg7[%get3A_2500] {strides = array<i32>} : memref<2000xi32, #tpu.memory_space<vmem>>, vector<16xi32>,
      %get3A_2502 = vector.shape_cast %get3A_2501 : vector<16xi32> to vector<16xi32>
      %add3A_2503 = arith.addi %mul3A_2497, %get3A_2502 : vector<16xi32>
      %swap3A_2504 = arith.index_cast %add3A_2492 : i32 to index
      %swap3A_2505 = tpu.vector_load %arg5[%swap3A_2504] {strides = array<i32>} : memref<20096xi32, #tpu.memory_space<vmem>>, vector<16xi32>,
      %swap3A_2506 = vector.shape_cast %swap3A_2505 : vector<16xi32> to vector<16xi32>
      %swap3A_2507 = vector.shape_cast %add3A_2503 : vector<16xi32> to vector<16xi32>
      tpu.vector_store %arg5[%swap3A_2504], %swap3A_2507 {strides = array<i32>} : memref<20096xi32, #tpu.memory_space<vmem>>, vector<16xi32>,
    }
    %scan3A_22 = arith.constant 125 : i32
    %add3A_23 = arith.constant 6000 : i32
    %add3A_24 = arith.addi %mul3A_0, %add3A_23 : i32
    "tpu.region"() ({
      %run_scoped3A = tpu.sem_alloc : memref<!tpu.dma_semaphore, #tpu.memory_space<semaphore_mem>>
      %dma_start3A_2488 = tpu.memref_slice %arg3[%add3A_24] : memref<320000xi32, #tpu.memory_space<hbm>> -> memref<2000xi32, #tpu.memory_space<hbm>>
      %dma_start3A_2489 = tpu.memref_slice %arg3[%add3A_24] : memref<320000xi32, #tpu.memory_space<hbm>> -> memref<2000xi32, #tpu.memory_space<hbm>>
      tpu.enqueue_dma source(%dma_start3A_2489 : memref<2000xi32, #tpu.memory_space<hbm>>) target(%arg7 : memref<2000xi32, #tpu.memory_space<vmem>>) target_semaphore(%run_scoped3A : memref<!tpu.dma_semaphore, #tpu.memory_space<semaphore_mem>>)
      %dma_wait3A_2490 = tpu.memref_slice %arg3[%add3A_24] : memref<320000xi32, #tpu.memory_space<hbm>> -> memref<2000xi32, #tpu.memory_space<hbm>>
      %dma_wait3A_2491 = tpu.memref_slice %arg3[%add3A_24] : memref<320000xi32, #tpu.memory_space<hbm>> -> memref<2000xi32, #tpu.memory_space<hbm>>
      tpu.wait_dma2 semaphore(%run_scoped3A : memref<!tpu.dma_semaphore, #tpu.memory_space<semaphore_mem>>) src(%dma_wait3A_2491 : memref<2000xi32, #tpu.memory_space<hbm>>) dst(%arg7 : memref<2000xi32, #tpu.memory_space<vmem>>)
      tpu.yield
    }) : () -> ()
    %scan3A_25 = arith.constant 0 : i32
    %scan3A_26 = arith.constant 0 : i32
    %scan3A_27 = arith.constant 125 : i32
    %scan3A_28 = arith.addi %scan3A_26, %scan3A_27 : i32
    %scan3A_29 = arith.constant 1 : i32
    scf.for %scan3A_2488 = %scan3A_26 to %scan3A_28 step %scan3A_29  : i32 {
      %mul3A_2489 = arith.constant 16 : i32
      %mul3A_2490 = arith.muli %scan3A_2488, %mul3A_2489 : i32
      %add3A_2491 = arith.constant 6000 : i32
      %add3A_2492 = arith.addi %add3A_2491, %mul3A_2490 : i32
      %get3A = arith.index_cast %add3A_2492 : i32 to index
      %get3A_2493 = tpu.vector_load %arg5[%get3A] {strides = array<i32>} : memref<20096xi32, #tpu.memory_space<vmem>>, vector<16xi32>,
      %get3A_2494 = vector.shape_cast %get3A_2493 : vector<16xi32> to vector<16xi32>
      %mul3A_2495 = arith.constant 512 : i32
      %mul3A_2496 = vector.broadcast %mul3A_2495 : i32 to vector<16xi32>
      %mul3A_2497 = arith.muli %get3A_2494, %mul3A_2496 : vector<16xi32>
      %mul3A_2498 = arith.constant 16 : i32
      %mul3A_2499 = arith.muli %scan3A_2488, %mul3A_2498 : i32
      %get3A_2500 = arith.index_cast %mul3A_2499 : i32 to index
      %get3A_2501 = tpu.vector_load %arg7[%get3A_2500] {strides = array<i32>} : memref<2000xi32, #tpu.memory_space<vmem>>, vector<16xi32>,
      %get3A_2502 = vector.shape_cast %get3A_2501 : vector<16xi32> to vector<16xi32>
      %add3A_2503 = arith.addi %mul3A_2497, %get3A_2502 : vector<16xi32>
      %swap3A_2504 = arith.index_cast %add3A_2492 : i32 to index
      %swap3A_2505 = tpu.vector_load %arg5[%swap3A_2504] {strides = array<i32>} : memref<20096xi32, #tpu.memory_space<vmem>>, vector<16xi32>,
      %swap3A_2506 = vector.shape_cast %swap3A_2505 : vector<16xi32> to vector<16xi32>
      %swap3A_2507 = vector.shape_cast %add3A_2503 : vector<16xi32> to vector<16xi32>
      tpu.vector_store %arg5[%swap3A_2504], %swap3A_2507 {strides = array<i32>} : memref<20096xi32, #tpu.memory_space<vmem>>, vector<16xi32>,
    }
    %scan3A_30 = arith.constant 125 : i32
    %add3A_31 = arith.constant 8000 : i32
    %add3A_32 = arith.addi %mul3A_0, %add3A_31 : i32
    "tpu.region"() ({
      %run_scoped3A = tpu.sem_alloc : memref<!tpu.dma_semaphore, #tpu.memory_space<semaphore_mem>>
      %dma_start3A_2488 = tpu.memref_slice %arg3[%add3A_32] : memref<320000xi32, #tpu.memory_space<hbm>> -> memref<2000xi32, #tpu.memory_space<hbm>>
      %dma_start3A_2489 = tpu.memref_slice %arg3[%add3A_32] : memref<320000xi32, #tpu.memory_space<hbm>> -> memref<2000xi32, #tpu.memory_space<hbm>>
      tpu.enqueue_dma source(%dma_start3A_2489 : memref<2000xi32, #tpu.memory_space<hbm>>) target(%arg7 : memref<2000xi32, #tpu.memory_space<vmem>>) target_semaphore(%run_scoped3A : memref<!tpu.dma_semaphore, #tpu.memory_space<semaphore_mem>>)
      %dma_wait3A_2490 = tpu.memref_slice %arg3[%add3A_32] : memref<320000xi32, #tpu.memory_space<hbm>> -> memref<2000xi32, #tpu.memory_space<hbm>>
      %dma_wait3A_2491 = tpu.memref_slice %arg3[%add3A_32] : memref<320000xi32, #tpu.memory_space<hbm>> -> memref<2000xi32, #tpu.memory_space<hbm>>
      tpu.wait_dma2 semaphore(%run_scoped3A : memref<!tpu.dma_semaphore, #tpu.memory_space<semaphore_mem>>) src(%dma_wait3A_2491 : memref<2000xi32, #tpu.memory_space<hbm>>) dst(%arg7 : memref<2000xi32, #tpu.memory_space<vmem>>)
      tpu.yield
    }) : () -> ()
    %scan3A_33 = arith.constant 0 : i32
    %scan3A_34 = arith.constant 0 : i32
    %scan3A_35 = arith.constant 125 : i32
    %scan3A_36 = arith.addi %scan3A_34, %scan3A_35 : i32
    %scan3A_37 = arith.constant 1 : i32
    scf.for %scan3A_2488 = %scan3A_34 to %scan3A_36 step %scan3A_37  : i32 {
      %mul3A_2489 = arith.constant 16 : i32
      %mul3A_2490 = arith.muli %scan3A_2488, %mul3A_2489 : i32
      %add3A_2491 = arith.constant 8000 : i32
      %add3A_2492 = arith.addi %add3A_2491, %mul3A_2490 : i32
      %get3A = arith.index_cast %add3A_2492 : i32 to index
      %get3A_2493 = tpu.vector_load %arg5[%get3A] {strides = array<i32>} : memref<20096xi32, #tpu.memory_space<vmem>>, vector<16xi32>,
      %get3A_2494 = vector.shape_cast %get3A_2493 : vector<16xi32> to vector<16xi32>
      %mul3A_2495 = arith.constant 512 : i32
      %mul3A_2496 = vector.broadcast %mul3A_2495 : i32 to vector<16xi32>
      %mul3A_2497 = arith.muli %get3A_2494, %mul3A_2496 : vector<16xi32>
      %mul3A_2498 = arith.constant 16 : i32
      %mul3A_2499 = arith.muli %scan3A_2488, %mul3A_2498 : i32
      %get3A_2500 = arith.index_cast %mul3A_2499 : i32 to index
      %get3A_2501 = tpu.vector_load %arg7[%get3A_2500] {strides = array<i32>} : memref<2000xi32, #tpu.memory_space<vmem>>, vector<16xi32>,
      %get3A_2502 = vector.shape_cast %get3A_2501 : vector<16xi32> to vector<16xi32>
      %add3A_2503 = arith.addi %mul3A_2497, %get3A_2502 : vector<16xi32>
      %swap3A_2504 = arith.index_cast %add3A_2492 : i32 to index
      %swap3A_2505 = tpu.vector_load %arg5[%swap3A_2504] {strides = array<i32>} : memref<20096xi32, #tpu.memory_space<vmem>>, vector<16xi32>,
      %swap3A_2506 = vector.shape_cast %swap3A_2505 : vector<16xi32> to vector<16xi32>
      %swap3A_2507 = vector.shape_cast %add3A_2503 : vector<16xi32> to vector<16xi32>
      tpu.vector_store %arg5[%swap3A_2504], %swap3A_2507 {strides = array<i32>} : memref<20096xi32, #tpu.memory_space<vmem>>, vector<16xi32>,
    }
    %scan3A_38 = arith.constant 125 : i32
    %add3A_39 = arith.constant 10000 : i32
    %add3A_40 = arith.addi %mul3A_0, %add3A_39 : i32
    "tpu.region"() ({
      %run_scoped3A = tpu.sem_alloc : memref<!tpu.dma_semaphore, #tpu.memory_space<semaphore_mem>>
      %dma_start3A_2488 = tpu.memref_slice %arg3[%add3A_40] : memref<320000xi32, #tpu.memory_space<hbm>> -> memref<2000xi32, #tpu.memory_space<hbm>>
      %dma_start3A_2489 = tpu.memref_slice %arg3[%add3A_40] : memref<320000xi32, #tpu.memory_space<hbm>> -> memref<2000xi32, #tpu.memory_space<hbm>>
      tpu.enqueue_dma source(%dma_start3A_2489 : memref<2000xi32, #tpu.memory_space<hbm>>) target(%arg7 : memref<2000xi32, #tpu.memory_space<vmem>>) target_semaphore(%run_scoped3A : memref<!tpu.dma_semaphore, #tpu.memory_space<semaphore_mem>>)
      %dma_wait3A_2490 = tpu.memref_slice %arg3[%add3A_40] : memref<320000xi32, #tpu.memory_space<hbm>> -> memref<2000xi32, #tpu.memory_space<hbm>>
      %dma_wait3A_2491 = tpu.memref_slice %arg3[%add3A_40] : memref<320000xi32, #tpu.memory_space<hbm>> -> memref<2000xi32, #tpu.memory_space<hbm>>
      tpu.wait_dma2 semaphore(%run_scoped3A : memref<!tpu.dma_semaphore, #tpu.memory_space<semaphore_mem>>) src(%dma_wait3A_2491 : memref<2000xi32, #tpu.memory_space<hbm>>) dst(%arg7 : memref<2000xi32, #tpu.memory_space<vmem>>)
      tpu.yield
    }) : () -> ()
    %scan3A_41 = arith.constant 0 : i32
    %scan3A_42 = arith.constant 0 : i32
    %scan3A_43 = arith.constant 125 : i32
    %scan3A_44 = arith.addi %scan3A_42, %scan3A_43 : i32
    %scan3A_45 = arith.constant 1 : i32
    scf.for %scan3A_2488 = %scan3A_42 to %scan3A_44 step %scan3A_45  : i32 {
      %mul3A_2489 = arith.constant 16 : i32
      %mul3A_2490 = arith.muli %scan3A_2488, %mul3A_2489 : i32
      %add3A_2491 = arith.constant 10000 : i32
      %add3A_2492 = arith.addi %add3A_2491, %mul3A_2490 : i32
      %get3A = arith.index_cast %add3A_2492 : i32 to index
      %get3A_2493 = tpu.vector_load %arg5[%get3A] {strides = array<i32>} : memref<20096xi32, #tpu.memory_space<vmem>>, vector<16xi32>,
      %get3A_2494 = vector.shape_cast %get3A_2493 : vector<16xi32> to vector<16xi32>
      %mul3A_2495 = arith.constant 512 : i32
      %mul3A_2496 = vector.broadcast %mul3A_2495 : i32 to vector<16xi32>
      %mul3A_2497 = arith.muli %get3A_2494, %mul3A_2496 : vector<16xi32>
      %mul3A_2498 = arith.constant 16 : i32
      %mul3A_2499 = arith.muli %scan3A_2488, %mul3A_2498 : i32
      %get3A_2500 = arith.index_cast %mul3A_2499 : i32 to index
      %get3A_2501 = tpu.vector_load %arg7[%get3A_2500] {strides = array<i32>} : memref<2000xi32, #tpu.memory_space<vmem>>, vector<16xi32>,
      %get3A_2502 = vector.shape_cast %get3A_2501 : vector<16xi32> to vector<16xi32>
      %add3A_2503 = arith.addi %mul3A_2497, %get3A_2502 : vector<16xi32>
      %swap3A_2504 = arith.index_cast %add3A_2492 : i32 to index
      %swap3A_2505 = tpu.vector_load %arg5[%swap3A_2504] {strides = array<i32>} : memref<20096xi32, #tpu.memory_space<vmem>>, vector<16xi32>,
      %swap3A_2506 = vector.shape_cast %swap3A_2505 : vector<16xi32> to vector<16xi32>
      %swap3A_2507 = vector.shape_cast %add3A_2503 : vector<16xi32> to vector<16xi32>
      tpu.vector_store %arg5[%swap3A_2504], %swap3A_2507 {strides = array<i32>} : memref<20096xi32, #tpu.memory_space<vmem>>, vector<16xi32>,
    }
    %scan3A_46 = arith.constant 125 : i32
    %add3A_47 = arith.constant 12000 : i32
    %add3A_48 = arith.addi %mul3A_0, %add3A_47 : i32
    "tpu.region"() ({
      %run_scoped3A = tpu.sem_alloc : memref<!tpu.dma_semaphore, #tpu.memory_space<semaphore_mem>>
      %dma_start3A_2488 = tpu.memref_slice %arg3[%add3A_48] : memref<320000xi32, #tpu.memory_space<hbm>> -> memref<2000xi32, #tpu.memory_space<hbm>>
      %dma_start3A_2489 = tpu.memref_slice %arg3[%add3A_48] : memref<320000xi32, #tpu.memory_space<hbm>> -> memref<2000xi32, #tpu.memory_space<hbm>>
      tpu.enqueue_dma source(%dma_start3A_2489 : memref<2000xi32, #tpu.memory_space<hbm>>) target(%arg7 : memref<2000xi32, #tpu.memory_space<vmem>>) target_semaphore(%run_scoped3A : memref<!tpu.dma_semaphore, #tpu.memory_space<semaphore_mem>>)
      %dma_wait3A_2490 = tpu.memref_slice %arg3[%add3A_48] : memref<320000xi32, #tpu.memory_space<hbm>> -> memref<2000xi32, #tpu.memory_space<hbm>>
      %dma_wait3A_2491 = tpu.memref_slice %arg3[%add3A_48] : memref<320000xi32, #tpu.memory_space<hbm>> -> memref<2000xi32, #tpu.memory_space<hbm>>
      tpu.wait_dma2 semaphore(%run_scoped3A : memref<!tpu.dma_semaphore, #tpu.memory_space<semaphore_mem>>) src(%dma_wait3A_2491 : memref<2000xi32, #tpu.memory_space<hbm>>) dst(%arg7 : memref<2000xi32, #tpu.memory_space<vmem>>)
      tpu.yield
    }) : () -> ()
    %scan3A_49 = arith.constant 0 : i32
    %scan3A_50 = arith.constant 0 : i32
    %scan3A_51 = arith.constant 125 : i32
    %scan3A_52 = arith.addi %scan3A_50, %scan3A_51 : i32
    %scan3A_53 = arith.constant 1 : i32
    scf.for %scan3A_2488 = %scan3A_50 to %scan3A_52 step %scan3A_53  : i32 {
      %mul3A_2489 = arith.constant 16 : i32
      %mul3A_2490 = arith.muli %scan3A_2488, %mul3A_2489 : i32
      %add3A_2491 = arith.constant 12000 : i32
      %add3A_2492 = arith.addi %add3A_2491, %mul3A_2490 : i32
      %get3A = arith.index_cast %add3A_2492 : i32 to index
      %get3A_2493 = tpu.vector_load %arg5[%get3A] {strides = array<i32>} : memref<20096xi32, #tpu.memory_space<vmem>>, vector<16xi32>,
      %get3A_2494 = vector.shape_cast %get3A_2493 : vector<16xi32> to vector<16xi32>
      %mul3A_2495 = arith.constant 512 : i32
      %mul3A_2496 = vector.broadcast %mul3A_2495 : i32 to vector<16xi32>
      %mul3A_2497 = arith.muli %get3A_2494, %mul3A_2496 : vector<16xi32>
      %mul3A_2498 = arith.constant 16 : i32
      %mul3A_2499 = arith.muli %scan3A_2488, %mul3A_2498 : i32
      %get3A_2500 = arith.index_cast %mul3A_2499 : i32 to index
      %get3A_2501 = tpu.vector_load %arg7[%get3A_2500] {strides = array<i32>} : memref<2000xi32, #tpu.memory_space<vmem>>, vector<16xi32>,
      %get3A_2502 = vector.shape_cast %get3A_2501 : vector<16xi32> to vector<16xi32>
      %add3A_2503 = arith.addi %mul3A_2497, %get3A_2502 : vector<16xi32>
      %swap3A_2504 = arith.index_cast %add3A_2492 : i32 to index
      %swap3A_2505 = tpu.vector_load %arg5[%swap3A_2504] {strides = array<i32>} : memref<20096xi32, #tpu.memory_space<vmem>>, vector<16xi32>,
      %swap3A_2506 = vector.shape_cast %swap3A_2505 : vector<16xi32> to vector<16xi32>
      %swap3A_2507 = vector.shape_cast %add3A_2503 : vector<16xi32> to vector<16xi32>
      tpu.vector_store %arg5[%swap3A_2504], %swap3A_2507 {strides = array<i32>} : memref<20096xi32, #tpu.memory_space<vmem>>, vector<16xi32>,
    }
    %scan3A_54 = arith.constant 125 : i32
    %add3A_55 = arith.constant 14000 : i32
    %add3A_56 = arith.addi %mul3A_0, %add3A_55 : i32
    "tpu.region"() ({
      %run_scoped3A = tpu.sem_alloc : memref<!tpu.dma_semaphore, #tpu.memory_space<semaphore_mem>>
      %dma_start3A_2488 = tpu.memref_slice %arg3[%add3A_56] : memref<320000xi32, #tpu.memory_space<hbm>> -> memref<2000xi32, #tpu.memory_space<hbm>>
      %dma_start3A_2489 = tpu.memref_slice %arg3[%add3A_56] : memref<320000xi32, #tpu.memory_space<hbm>> -> memref<2000xi32, #tpu.memory_space<hbm>>
      tpu.enqueue_dma source(%dma_start3A_2489 : memref<2000xi32, #tpu.memory_space<hbm>>) target(%arg7 : memref<2000xi32, #tpu.memory_space<vmem>>) target_semaphore(%run_scoped3A : memref<!tpu.dma_semaphore, #tpu.memory_space<semaphore_mem>>)
      %dma_wait3A_2490 = tpu.memref_slice %arg3[%add3A_56] : memref<320000xi32, #tpu.memory_space<hbm>> -> memref<2000xi32, #tpu.memory_space<hbm>>
      %dma_wait3A_2491 = tpu.memref_slice %arg3[%add3A_56] : memref<320000xi32, #tpu.memory_space<hbm>> -> memref<2000xi32, #tpu.memory_space<hbm>>
      tpu.wait_dma2 semaphore(%run_scoped3A : memref<!tpu.dma_semaphore, #tpu.memory_space<semaphore_mem>>) src(%dma_wait3A_2491 : memref<2000xi32, #tpu.memory_space<hbm>>) dst(%arg7 : memref<2000xi32, #tpu.memory_space<vmem>>)
      tpu.yield
    }) : () -> ()
    %scan3A_57 = arith.constant 0 : i32
    %scan3A_58 = arith.constant 0 : i32
    %scan3A_59 = arith.constant 125 : i32
    %scan3A_60 = arith.addi %scan3A_58, %scan3A_59 : i32
    %scan3A_61 = arith.constant 1 : i32
    scf.for %scan3A_2488 = %scan3A_58 to %scan3A_60 step %scan3A_61  : i32 {
      %mul3A_2489 = arith.constant 16 : i32
      %mul3A_2490 = arith.muli %scan3A_2488, %mul3A_2489 : i32
      %add3A_2491 = arith.constant 14000 : i32
      %add3A_2492 = arith.addi %add3A_2491, %mul3A_2490 : i32
      %get3A = arith.index_cast %add3A_2492 : i32 to index
      %get3A_2493 = tpu.vector_load %arg5[%get3A] {strides = array<i32>} : memref<20096xi32, #tpu.memory_space<vmem>>, vector<16xi32>,
      %get3A_2494 = vector.shape_cast %get3A_2493 : vector<16xi32> to vector<16xi32>
      %mul3A_2495 = arith.constant 512 : i32
      %mul3A_2496 = vector.broadcast %mul3A_2495 : i32 to vector<16xi32>
      %mul3A_2497 = arith.muli %get3A_2494, %mul3A_2496 : vector<16xi32>
      %mul3A_2498 = arith.constant 16 : i32
      %mul3A_2499 = arith.muli %scan3A_2488, %mul3A_2498 : i32
      %get3A_2500 = arith.index_cast %mul3A_2499 : i32 to index
      %get3A_2501 = tpu.vector_load %arg7[%get3A_2500] {strides = array<i32>} : memref<2000xi32, #tpu.memory_space<vmem>>, vector<16xi32>,
      %get3A_2502 = vector.shape_cast %get3A_2501 : vector<16xi32> to vector<16xi32>
      %add3A_2503 = arith.addi %mul3A_2497, %get3A_2502 : vector<16xi32>
      %swap3A_2504 = arith.index_cast %add3A_2492 : i32 to index
      %swap3A_2505 = tpu.vector_load %arg5[%swap3A_2504] {strides = array<i32>} : memref<20096xi32, #tpu.memory_space<vmem>>, vector<16xi32>,
      %swap3A_2506 = vector.shape_cast %swap3A_2505 : vector<16xi32> to vector<16xi32>
      %swap3A_2507 = vector.shape_cast %add3A_2503 : vector<16xi32> to vector<16xi32>
      tpu.vector_store %arg5[%swap3A_2504], %swap3A_2507 {strides = array<i32>} : memref<20096xi32, #tpu.memory_space<vmem>>, vector<16xi32>,
    }
    %scan3A_62 = arith.constant 125 : i32
    %add3A_63 = arith.constant 16000 : i32
    %add3A_64 = arith.addi %mul3A_0, %add3A_63 : i32
    "tpu.region"() ({
      %run_scoped3A = tpu.sem_alloc : memref<!tpu.dma_semaphore, #tpu.memory_space<semaphore_mem>>
      %dma_start3A_2488 = tpu.memref_slice %arg3[%add3A_64] : memref<320000xi32, #tpu.memory_space<hbm>> -> memref<2000xi32, #tpu.memory_space<hbm>>
      %dma_start3A_2489 = tpu.memref_slice %arg3[%add3A_64] : memref<320000xi32, #tpu.memory_space<hbm>> -> memref<2000xi32, #tpu.memory_space<hbm>>
      tpu.enqueue_dma source(%dma_start3A_2489 : memref<2000xi32, #tpu.memory_space<hbm>>) target(%arg7 : memref<2000xi32, #tpu.memory_space<vmem>>) target_semaphore(%run_scoped3A : memref<!tpu.dma_semaphore, #tpu.memory_space<semaphore_mem>>)
      %dma_wait3A_2490 = tpu.memref_slice %arg3[%add3A_64] : memref<320000xi32, #tpu.memory_space<hbm>> -> memref<2000xi32, #tpu.memory_space<hbm>>
      %dma_wait3A_2491 = tpu.memref_slice %arg3[%add3A_64] : memref<320000xi32, #tpu.memory_space<hbm>> -> memref<2000xi32, #tpu.memory_space<hbm>>
      tpu.wait_dma2 semaphore(%run_scoped3A : memref<!tpu.dma_semaphore, #tpu.memory_space<semaphore_mem>>) src(%dma_wait3A_2491 : memref<2000xi32, #tpu.memory_space<hbm>>) dst(%arg7 : memref<2000xi32, #tpu.memory_space<vmem>>)
      tpu.yield
    }) : () -> ()
    %scan3A_65 = arith.constant 0 : i32
    %scan3A_66 = arith.constant 0 : i32
    %scan3A_67 = arith.constant 125 : i32
    %scan3A_68 = arith.addi %scan3A_66, %scan3A_67 : i32
    %scan3A_69 = arith.constant 1 : i32
    scf.for %scan3A_2488 = %scan3A_66 to %scan3A_68 step %scan3A_69  : i32 {
      %mul3A_2489 = arith.constant 16 : i32
      %mul3A_2490 = arith.muli %scan3A_2488, %mul3A_2489 : i32
      %add3A_2491 = arith.constant 16000 : i32
      %add3A_2492 = arith.addi %add3A_2491, %mul3A_2490 : i32
      %get3A = arith.index_cast %add3A_2492 : i32 to index
      %get3A_2493 = tpu.vector_load %arg5[%get3A] {strides = array<i32>} : memref<20096xi32, #tpu.memory_space<vmem>>, vector<16xi32>,
      %get3A_2494 = vector.shape_cast %get3A_2493 : vector<16xi32> to vector<16xi32>
      %mul3A_2495 = arith.constant 512 : i32
      %mul3A_2496 = vector.broadcast %mul3A_2495 : i32 to vector<16xi32>
      %mul3A_2497 = arith.muli %get3A_2494, %mul3A_2496 : vector<16xi32>
      %mul3A_2498 = arith.constant 16 : i32
      %mul3A_2499 = arith.muli %scan3A_2488, %mul3A_2498 : i32
      %get3A_2500 = arith.index_cast %mul3A_2499 : i32 to index
      %get3A_2501 = tpu.vector_load %arg7[%get3A_2500] {strides = array<i32>} : memref<2000xi32, #tpu.memory_space<vmem>>, vector<16xi32>,
      %get3A_2502 = vector.shape_cast %get3A_2501 : vector<16xi32> to vector<16xi32>
      %add3A_2503 = arith.addi %mul3A_2497, %get3A_2502 : vector<16xi32>
      %swap3A_2504 = arith.index_cast %add3A_2492 : i32 to index
      %swap3A_2505 = tpu.vector_load %arg5[%swap3A_2504] {strides = array<i32>} : memref<20096xi32, #tpu.memory_space<vmem>>, vector<16xi32>,
      %swap3A_2506 = vector.shape_cast %swap3A_2505 : vector<16xi32> to vector<16xi32>
      %swap3A_2507 = vector.shape_cast %add3A_2503 : vector<16xi32> to vector<16xi32>
      tpu.vector_store %arg5[%swap3A_2504], %swap3A_2507 {strides = array<i32>} : memref<20096xi32, #tpu.memory_space<vmem>>, vector<16xi32>,
    }
    %scan3A_70 = arith.constant 125 : i32
    %add3A_71 = arith.constant 18000 : i32
    %add3A_72 = arith.addi %mul3A_0, %add3A_71 : i32
    "tpu.region"() ({
      %run_scoped3A = tpu.sem_alloc : memref<!tpu.dma_semaphore, #tpu.memory_space<semaphore_mem>>
      %dma_start3A_2488 = tpu.memref_slice %arg3[%add3A_72] : memref<320000xi32, #tpu.memory_space<hbm>> -> memref<2000xi32, #tpu.memory_space<hbm>>
      %dma_start3A_2489 = tpu.memref_slice %arg3[%add3A_72] : memref<320000xi32, #tpu.memory_space<hbm>> -> memref<2000xi32, #tpu.memory_space<hbm>>
      tpu.enqueue_dma source(%dma_start3A_2489 : memref<2000xi32, #tpu.memory_space<hbm>>) target(%arg7 : memref<2000xi32, #tpu.memory_space<vmem>>) target_semaphore(%run_scoped3A : memref<!tpu.dma_semaphore, #tpu.memory_space<semaphore_mem>>)
      %dma_wait3A_2490 = tpu.memref_slice %arg3[%add3A_72] : memref<320000xi32, #tpu.memory_space<hbm>> -> memref<2000xi32, #tpu.memory_space<hbm>>
      %dma_wait3A_2491 = tpu.memref_slice %arg3[%add3A_72] : memref<320000xi32, #tpu.memory_space<hbm>> -> memref<2000xi32, #tpu.memory_space<hbm>>
      tpu.wait_dma2 semaphore(%run_scoped3A : memref<!tpu.dma_semaphore, #tpu.memory_space<semaphore_mem>>) src(%dma_wait3A_2491 : memref<2000xi32, #tpu.memory_space<hbm>>) dst(%arg7 : memref<2000xi32, #tpu.memory_space<vmem>>)
      tpu.yield
    }) : () -> ()
    %scan3A_73 = arith.constant 0 : i32
    %scan3A_74 = arith.constant 0 : i32
    %scan3A_75 = arith.constant 125 : i32
    %scan3A_76 = arith.addi %scan3A_74, %scan3A_75 : i32
    %scan3A_77 = arith.constant 1 : i32
    scf.for %scan3A_2488 = %scan3A_74 to %scan3A_76 step %scan3A_77  : i32 {
      %mul3A_2489 = arith.constant 16 : i32
      %mul3A_2490 = arith.muli %scan3A_2488, %mul3A_2489 : i32
      %add3A_2491 = arith.constant 18000 : i32
      %add3A_2492 = arith.addi %add3A_2491, %mul3A_2490 : i32
      %get3A = arith.index_cast %add3A_2492 : i32 to index
      %get3A_2493 = tpu.vector_load %arg5[%get3A] {strides = array<i32>} : memref<20096xi32, #tpu.memory_space<vmem>>, vector<16xi32>,
      %get3A_2494 = vector.shape_cast %get3A_2493 : vector<16xi32> to vector<16xi32>
      %mul3A_2495 = arith.constant 512 : i32
      %mul3A_2496 = vector.broadcast %mul3A_2495 : i32 to vector<16xi32>
      %mul3A_2497 = arith.muli %get3A_2494, %mul3A_2496 : vector<16xi32>
      %mul3A_2498 = arith.constant 16 : i32
      %mul3A_2499 = arith.muli %scan3A_2488, %mul3A_2498 : i32
      %get3A_2500 = arith.index_cast %mul3A_2499 : i32 to index
      %get3A_2501 = tpu.vector_load %arg7[%get3A_2500] {strides = array<i32>} : memref<2000xi32, #tpu.memory_space<vmem>>, vector<16xi32>,
      %get3A_2502 = vector.shape_cast %get3A_2501 : vector<16xi32> to vector<16xi32>
      %add3A_2503 = arith.addi %mul3A_2497, %get3A_2502 : vector<16xi32>
      %swap3A_2504 = arith.index_cast %add3A_2492 : i32 to index
      %swap3A_2505 = tpu.vector_load %arg5[%swap3A_2504] {strides = array<i32>} : memref<20096xi32, #tpu.memory_space<vmem>>, vector<16xi32>,
      %swap3A_2506 = vector.shape_cast %swap3A_2505 : vector<16xi32> to vector<16xi32>
      %swap3A_2507 = vector.shape_cast %add3A_2503 : vector<16xi32> to vector<16xi32>
      tpu.vector_store %arg5[%swap3A_2504], %swap3A_2507 {strides = array<i32>} : memref<20096xi32, #tpu.memory_space<vmem>>, vector<16xi32>,
    }
    %scan3A_78 = arith.constant 125 : i32
    %broadcast_in_dim3A = arith.constant -1 : i32
    %broadcast_in_dim3A_79 = vector.broadcast %broadcast_in_dim3A : i32 to vector<16xi32>
    %swap3A = arith.constant 20000 : index
    %swap3A_80 = tpu.vector_load %arg5[%swap3A] {strides = array<i32>} : memref<20096xi32, #tpu.memory_space<vmem>>, vector<16xi32>,
    %swap3A_81 = vector.shape_cast %swap3A_80 : vector<16xi32> to vector<16xi32>
    %swap3A_82 = vector.shape_cast %broadcast_in_dim3A_79 : vector<16xi32> to vector<16xi32>
    tpu.vector_store %arg5[%swap3A], %swap3A_82 {strides = array<i32>} : memref<20096xi32, #tpu.memory_space<vmem>>, vector<16xi32>,
    %swap3A_83 = arith.constant 20016 : index
    %swap3A_84 = tpu.vector_load %arg5[%swap3A_83] {strides = array<i32>} : memref<20096xi32, #tpu.memory_space<vmem>>, vector<16xi32>,
    %swap3A_85 = vector.shape_cast %swap3A_84 : vector<16xi32> to vector<16xi32>
    %swap3A_86 = vector.shape_cast %broadcast_in_dim3A_79 : vector<16xi32> to vector<16xi32>
    tpu.vector_store %arg5[%swap3A_83], %swap3A_86 {strides = array<i32>} : memref<20096xi32, #tpu.memory_space<vmem>>, vector<16xi32>,
    %swap3A_87 = arith.constant 20032 : index
    %swap3A_88 = tpu.vector_load %arg5[%swap3A_87] {strides = array<i32>} : memref<20096xi32, #tpu.memory_space<vmem>>, vector<16xi32>,
    %swap3A_89 = vector.shape_cast %swap3A_88 : vector<16xi32> to vector<16xi32>
    %swap3A_90 = vector.shape_cast %broadcast_in_dim3A_79 : vector<16xi32> to vector<16xi32>
    tpu.vector_store %arg5[%swap3A_87], %swap3A_90 {strides = array<i32>} : memref<20096xi32, #tpu.memory_space<vmem>>, vector<16xi32>,
    %swap3A_91 = arith.constant 20048 : index
    %swap3A_92 = tpu.vector_load %arg5[%swap3A_91] {strides = array<i32>} : memref<20096xi32, #tpu.memory_space<vmem>>, vector<16xi32>,
    %swap3A_93 = vector.shape_cast %swap3A_92 : vector<16xi32> to vector<16xi32>
    %swap3A_94 = vector.shape_cast %broadcast_in_dim3A_79 : vector<16xi32> to vector<16xi32>
    tpu.vector_store %arg5[%swap3A_91], %swap3A_94 {strides = array<i32>} : memref<20096xi32, #tpu.memory_space<vmem>>, vector<16xi32>,
    %swap3A_95 = arith.constant 20064 : index
    %swap3A_96 = tpu.vector_load %arg5[%swap3A_95] {strides = array<i32>} : memref<20096xi32, #tpu.memory_space<vmem>>, vector<16xi32>,
    %swap3A_97 = vector.shape_cast %swap3A_96 : vector<16xi32> to vector<16xi32>
    %swap3A_98 = vector.shape_cast %broadcast_in_dim3A_79 : vector<16xi32> to vector<16xi32>
    tpu.vector_store %arg5[%swap3A_95], %swap3A_98 {strides = array<i32>} : memref<20096xi32, #tpu.memory_space<vmem>>, vector<16xi32>,
    %swap3A_99 = arith.constant 20080 : index
    %swap3A_100 = tpu.vector_load %arg5[%swap3A_99] {strides = array<i32>} : memref<20096xi32, #tpu.memory_space<vmem>>, vector<16xi32>,
    %swap3A_101 = vector.shape_cast %swap3A_100 : vector<16xi32> to vector<16xi32>
    %swap3A_102 = vector.shape_cast %broadcast_in_dim3A_79 : vector<16xi32> to vector<16xi32>
    tpu.vector_store %arg5[%swap3A_99], %swap3A_102 {strides = array<i32>} : memref<20096xi32, #tpu.memory_space<vmem>>, vector<16xi32>,
    %broadcast_in_dim3A_103 = arith.constant 1.000000e+00 : f32
    %broadcast_in_dim3A_104 = vector.broadcast %broadcast_in_dim3A_103 : f32 to vector<16xf32>
    %swap3A_105 = arith.constant 0 : index
    %swap3A_106 = tpu.vector_load %arg8[%swap3A_105] {strides = array<i32>} : memref<128xf32, #tpu.memory_space<vmem>>, vector<16xf32>,
    %swap3A_107 = vector.shape_cast %swap3A_106 : vector<16xf32> to vector<16xf32>
    %swap3A_108 = vector.shape_cast %broadcast_in_dim3A_104 : vector<16xf32> to vector<16xf32>
    tpu.vector_store %arg8[%swap3A_105], %swap3A_108 {strides = array<i32>} : memref<128xf32, #tpu.memory_space<vmem>>, vector<16xf32>,
    %swap3A_109 = arith.constant 16 : index
    %swap3A_110 = tpu.vector_load %arg8[%swap3A_109] {strides = array<i32>} : memref<128xf32, #tpu.memory_space<vmem>>, vector<16xf32>,
    %swap3A_111 = vector.shape_cast %swap3A_110 : vector<16xf32> to vector<16xf32>
    %swap3A_112 = vector.shape_cast %broadcast_in_dim3A_104 : vector<16xf32> to vector<16xf32>
    tpu.vector_store %arg8[%swap3A_109], %swap3A_112 {strides = array<i32>} : memref<128xf32, #tpu.memory_space<vmem>>, vector<16xf32>,
    %swap3A_113 = arith.constant 32 : index
    %swap3A_114 = tpu.vector_load %arg8[%swap3A_113] {strides = array<i32>} : memref<128xf32, #tpu.memory_space<vmem>>, vector<16xf32>,
    %swap3A_115 = vector.shape_cast %swap3A_114 : vector<16xf32> to vector<16xf32>
    %swap3A_116 = vector.shape_cast %broadcast_in_dim3A_104 : vector<16xf32> to vector<16xf32>
    tpu.vector_store %arg8[%swap3A_113], %swap3A_116 {strides = array<i32>} : memref<128xf32, #tpu.memory_space<vmem>>, vector<16xf32>,
    %swap3A_117 = arith.constant 48 : index
    %swap3A_118 = tpu.vector_load %arg8[%swap3A_117] {strides = array<i32>} : memref<128xf32, #tpu.memory_space<vmem>>, vector<16xf32>,
    %swap3A_119 = vector.shape_cast %swap3A_118 : vector<16xf32> to vector<16xf32>
    %swap3A_120 = vector.shape_cast %broadcast_in_dim3A_104 : vector<16xf32> to vector<16xf32>
    tpu.vector_store %arg8[%swap3A_117], %swap3A_120 {strides = array<i32>} : memref<128xf32, #tpu.memory_space<vmem>>, vector<16xf32>,
    %swap3A_121 = arith.constant 64 : index
    %swap3A_122 = tpu.vector_load %arg8[%swap3A_121] {strides = array<i32>} : memref<128xf32, #tpu.memory_space<vmem>>, vector<16xf32>,
    %swap3A_123 = vector.shape_cast %swap3A_122 : vector<16xf32> to vector<16xf32>
    %swap3A_124 = vector.shape_cast %broadcast_in_dim3A_104 : vector<16xf32> to vector<16xf32>
    tpu.vector_store %arg8[%swap3A_121], %swap3A_124 {strides = array<i32>} : memref<128xf32, #tpu.memory_space<vmem>>, vector<16xf32>,
    %swap3A_125 = arith.constant 80 : index
    %swap3A_126 = tpu.vector_load %arg8[%swap3A_125] {strides = array<i32>} : memref<128xf32, #tpu.memory_space<vmem>>, vector<16xf32>,
    %swap3A_127 = vector.shape_cast %swap3A_126 : vector<16xf32> to vector<16xf32>
    %swap3A_128 = vector.shape_cast %broadcast_in_dim3A_104 : vector<16xf32> to vector<16xf32>
    tpu.vector_store %arg8[%swap3A_125], %swap3A_128 {strides = array<i32>} : memref<128xf32, #tpu.memory_space<vmem>>, vector<16xf32>,
    %swap3A_129 = arith.constant 96 : index
    %swap3A_130 = tpu.vector_load %arg8[%swap3A_129] {strides = array<i32>} : memref<128xf32, #tpu.memory_space<vmem>>, vector<16xf32>,
    %swap3A_131 = vector.shape_cast %swap3A_130 : vector<16xf32> to vector<16xf32>
    %swap3A_132 = vector.shape_cast %broadcast_in_dim3A_104 : vector<16xf32> to vector<16xf32>
    tpu.vector_store %arg8[%swap3A_129], %swap3A_132 {strides = array<i32>} : memref<128xf32, #tpu.memory_space<vmem>>, vector<16xf32>,
    %swap3A_133 = arith.constant 112 : index
    %swap3A_134 = tpu.vector_load %arg8[%swap3A_133] {strides = array<i32>} : memref<128xf32, #tpu.memory_space<vmem>>, vector<16xf32>,
    %swap3A_135 = vector.shape_cast %swap3A_134 : vector<16xf32> to vector<16xf32>
    %swap3A_136 = vector.shape_cast %broadcast_in_dim3A_104 : vector<16xf32> to vector<16xf32>
    tpu.vector_store %arg8[%swap3A_133], %swap3A_136 {strides = array<i32>} : memref<128xf32, #tpu.memory_space<vmem>>, vector<16xf32>,
    %broadcast_in_dim3A_137 = arith.constant 0.000000e+00 : f32
    %broadcast_in_dim3A_138 = vector.broadcast %broadcast_in_dim3A_137 : f32 to vector<16xf32>
    %mul3A_139 = arith.constant 2 : i32
    %mul3A_140 = arith.muli %arg0, %mul3A_139 : i32
    %add3A_141 = arith.constant 0 : i32
    %add3A_142 = arith.addi %mul3A_140, %add3A_141 : i32
    %mul3A_143 = arith.constant 1280000 : i32
    %mul3A_144 = arith.muli %add3A_142, %mul3A_143 : i32
    %scan3A_145 = arith.constant 0 : i32
    %scan3A_146 = arith.constant 0 : i32
    %scan3A_147 = arith.constant 400 : i32
    %scan3A_148 = arith.addi %scan3A_146, %scan3A_147 : i32
    %scan3A_149 = arith.constant 1 : i32
    scf.for %scan3A_2488 = %scan3A_146 to %scan3A_148 step %scan3A_149  : i32 {
      %mul3A_2489 = arith.constant 16 : i32
      %mul3A_2490 = arith.muli %scan3A_2488, %mul3A_2489 : i32
      %swap3A_2491 = arith.index_cast %mul3A_2490 : i32 to index
      %swap3A_2492 = tpu.vector_load %arg9[%swap3A_2491] {strides = array<i32>} : memref<6400xf32, #tpu.memory_space<vmem>>, vector<16xf32>,
      %swap3A_2493 = vector.shape_cast %swap3A_2492 : vector<16xf32> to vector<16xf32>
      %swap3A_2494 = vector.shape_cast %broadcast_in_dim3A_138 : vector<16xf32> to vector<16xf32>
      tpu.vector_store %arg9[%swap3A_2491], %swap3A_2494 {strides = array<i32>} : memref<6400xf32, #tpu.memory_space<vmem>>, vector<16xf32>,
    }
    %scan3A_150 = arith.constant 400 : i32
    %mul3A_151 = arith.constant 80000 : i32
    %mul3A_152 = arith.muli %arg1, %mul3A_151 : i32
    %add3A_153 = arith.constant 0 : i32
    %add3A_154 = arith.addi %mul3A_152, %add3A_153 : i32
    %dma_start3A = arith.constant 0 : i32
    %dma_start3A_155 = tpu.memref_slice %arg9[%dma_start3A] : memref<6400xf32, #tpu.memory_space<vmem>> -> memref<3200xf32, #tpu.memory_space<vmem>>
    %dma_start3A_156 = tpu.memref_slice %arg10[%add3A_154] : memref<1280128xf32, #tpu.memory_space<vmem_shared>> -> memref<3200xf32, #tpu.memory_space<vmem_shared>>
    %dma_start3A_157 = tpu.memref_slice %arg10[%add3A_154] : memref<1280128xf32, #tpu.memory_space<vmem_shared>> -> memref<3200xf32, #tpu.memory_space<vmem_shared>>
    %dma_start3A_158 = arith.constant 0 : i32
    %dma_start3A_159 = tpu.memref_slice %arg9[%dma_start3A_158] : memref<6400xf32, #tpu.memory_space<vmem>> -> memref<3200xf32, #tpu.memory_space<vmem>>
    tpu.enqueue_dma source(%dma_start3A_159 : memref<3200xf32, #tpu.memory_space<vmem>>) target(%dma_start3A_157 : memref<3200xf32, #tpu.memory_space<vmem_shared>>) target_semaphore(%arg11 : memref<!tpu.dma_semaphore, #tpu.memory_space<semaphore_mem>>)
    %mul3A_160 = arith.constant 80000 : i32
    %mul3A_161 = arith.muli %arg1, %mul3A_160 : i32
    %add3A_162 = arith.constant 3200 : i32
    %add3A_163 = arith.addi %mul3A_161, %add3A_162 : i32
    %dma_start3A_164 = arith.constant 3200 : i32
    %dma_start3A_165 = tpu.memref_slice %arg9[%dma_start3A_164] : memref<6400xf32, #tpu.memory_space<vmem>> -> memref<3200xf32, #tpu.memory_space<vmem>>
    %dma_start3A_166 = tpu.memref_slice %arg10[%add3A_163] : memref<1280128xf32, #tpu.memory_space<vmem_shared>> -> memref<3200xf32, #tpu.memory_space<vmem_shared>>
    %dma_start3A_167 = tpu.memref_slice %arg10[%add3A_163] : memref<1280128xf32, #tpu.memory_space<vmem_shared>> -> memref<3200xf32, #tpu.memory_space<vmem_shared>>
    %dma_start3A_168 = arith.constant 3200 : i32
    %dma_start3A_169 = tpu.memref_slice %arg9[%dma_start3A_168] : memref<6400xf32, #tpu.memory_space<vmem>> -> memref<3200xf32, #tpu.memory_space<vmem>>
    tpu.enqueue_dma source(%dma_start3A_169 : memref<3200xf32, #tpu.memory_space<vmem>>) target(%dma_start3A_167 : memref<3200xf32, #tpu.memory_space<vmem_shared>>) target_semaphore(%arg11 : memref<!tpu.dma_semaphore, #tpu.memory_space<semaphore_mem>>)
    %mul3A_170 = arith.constant 80000 : i32
    %mul3A_171 = arith.muli %arg1, %mul3A_170 : i32
    %add3A_172 = arith.constant 6400 : i32
    %add3A_173 = arith.addi %mul3A_171, %add3A_172 : i32
    %dma_start3A_174 = arith.constant 0 : i32
    %dma_start3A_175 = tpu.memref_slice %arg9[%dma_start3A_174] : memref<6400xf32, #tpu.memory_space<vmem>> -> memref<3200xf32, #tpu.memory_space<vmem>>
    %dma_start3A_176 = tpu.memref_slice %arg10[%add3A_173] : memref<1280128xf32, #tpu.memory_space<vmem_shared>> -> memref<3200xf32, #tpu.memory_space<vmem_shared>>
    %dma_start3A_177 = tpu.memref_slice %arg10[%add3A_173] : memref<1280128xf32, #tpu.memory_space<vmem_shared>> -> memref<3200xf32, #tpu.memory_space<vmem_shared>>
    %dma_start3A_178 = arith.constant 0 : i32
    %dma_start3A_179 = tpu.memref_slice %arg9[%dma_start3A_178] : memref<6400xf32, #tpu.memory_space<vmem>> -> memref<3200xf32, #tpu.memory_space<vmem>>
    tpu.enqueue_dma source(%dma_start3A_179 : memref<3200xf32, #tpu.memory_space<vmem>>) target(%dma_start3A_177 : memref<3200xf32, #tpu.memory_space<vmem_shared>>) target_semaphore(%arg11 : memref<!tpu.dma_semaphore, #tpu.memory_space<semaphore_mem>>)
    %mul3A_180 = arith.constant 80000 : i32
    %mul3A_181 = arith.muli %arg1, %mul3A_180 : i32
    %add3A_182 = arith.constant 9600 : i32
    %add3A_183 = arith.addi %mul3A_181, %add3A_182 : i32
    %dma_start3A_184 = arith.constant 3200 : i32
    %dma_start3A_185 = tpu.memref_slice %arg9[%dma_start3A_184] : memref<6400xf32, #tpu.memory_space<vmem>> -> memref<3200xf32, #tpu.memory_space<vmem>>
    %dma_start3A_186 = tpu.memref_slice %arg10[%add3A_183] : memref<1280128xf32, #tpu.memory_space<vmem_shared>> -> memref<3200xf32, #tpu.memory_space<vmem_shared>>
    %dma_start3A_187 = tpu.memref_slice %arg10[%add3A_183] : memref<1280128xf32, #tpu.memory_space<vmem_shared>> -> memref<3200xf32, #tpu.memory_space<vmem_shared>>
    %dma_start3A_188 = arith.constant 3200 : i32
    %dma_start3A_189 = tpu.memref_slice %arg9[%dma_start3A_188] : memref<6400xf32, #tpu.memory_space<vmem>> -> memref<3200xf32, #tpu.memory_space<vmem>>
    tpu.enqueue_dma source(%dma_start3A_189 : memref<3200xf32, #tpu.memory_space<vmem>>) target(%dma_start3A_187 : memref<3200xf32, #tpu.memory_space<vmem_shared>>) target_semaphore(%arg11 : memref<!tpu.dma_semaphore, #tpu.memory_space<semaphore_mem>>)
    %dma_wait3A = arith.constant 0 : i32
    %dma_wait3A_190 = tpu.memref_slice %arg9[%dma_wait3A] : memref<6400xf32, #tpu.memory_space<vmem>> -> memref<3200xf32, #tpu.memory_space<vmem>>
    %dma_wait3A_191 = tpu.memref_slice %arg10[%add3A_154] : memref<1280128xf32, #tpu.memory_space<vmem_shared>> -> memref<3200xf32, #tpu.memory_space<vmem_shared>>
    %dma_wait3A_192 = tpu.memref_slice %arg10[%add3A_154] : memref<1280128xf32, #tpu.memory_space<vmem_shared>> -> memref<3200xf32, #tpu.memory_space<vmem_shared>>
    %dma_wait3A_193 = arith.constant 0 : i32
    %dma_wait3A_194 = tpu.memref_slice %arg9[%dma_wait3A_193] : memref<6400xf32, #tpu.memory_space<vmem>> -> memref<3200xf32, #tpu.memory_space<vmem>>
    tpu.wait_dma2 semaphore(%arg11 : memref<!tpu.dma_semaphore, #tpu.memory_space<semaphore_mem>>) src(%dma_wait3A_194 : memref<3200xf32, #tpu.memory_space<vmem>>) dst(%dma_wait3A_192 : memref<3200xf32, #tpu.memory_space<vmem_shared>>)
    %mul3A_195 = arith.constant 80000 : i32
    %mul3A_196 = arith.muli %arg1, %mul3A_195 : i32
    %add3A_197 = arith.constant 12800 : i32
    %add3A_198 = arith.addi %mul3A_196, %add3A_197 : i32
    %dma_start3A_199 = arith.constant 0 : i32
    %dma_start3A_200 = tpu.memref_slice %arg9[%dma_start3A_199] : memref<6400xf32, #tpu.memory_space<vmem>> -> memref<3200xf32, #tpu.memory_space<vmem>>
    %dma_start3A_201 = tpu.memref_slice %arg10[%add3A_198] : memref<1280128xf32, #tpu.memory_space<vmem_shared>> -> memref<3200xf32, #tpu.memory_space<vmem_shared>>
    %dma_start3A_202 = tpu.memref_slice %arg10[%add3A_198] : memref<1280128xf32, #tpu.memory_space<vmem_shared>> -> memref<3200xf32, #tpu.memory_space<vmem_shared>>
    %dma_start3A_203 = arith.constant 0 : i32
    %dma_start3A_204 = tpu.memref_slice %arg9[%dma_start3A_203] : memref<6400xf32, #tpu.memory_space<vmem>> -> memref<3200xf32, #tpu.memory_space<vmem>>
    tpu.enqueue_dma source(%dma_start3A_204 : memref<3200xf32, #tpu.memory_space<vmem>>) target(%dma_start3A_202 : memref<3200xf32, #tpu.memory_space<vmem_shared>>) target_semaphore(%arg11 : memref<!tpu.dma_semaphore, #tpu.memory_space<semaphore_mem>>)
    %dma_wait3A_205 = arith.constant 3200 : i32
    %dma_wait3A_206 = tpu.memref_slice %arg9[%dma_wait3A_205] : memref<6400xf32, #tpu.memory_space<vmem>> -> memref<3200xf32, #tpu.memory_space<vmem>>
    %dma_wait3A_207 = tpu.memref_slice %arg10[%add3A_163] : memref<1280128xf32, #tpu.memory_space<vmem_shared>> -> memref<3200xf32, #tpu.memory_space<vmem_shared>>
    %dma_wait3A_208 = tpu.memref_slice %arg10[%add3A_163] : memref<1280128xf32, #tpu.memory_space<vmem_shared>> -> memref<3200xf32, #tpu.memory_space<vmem_shared>>
    %dma_wait3A_209 = arith.constant 3200 : i32
    %dma_wait3A_210 = tpu.memref_slice %arg9[%dma_wait3A_209] : memref<6400xf32, #tpu.memory_space<vmem>> -> memref<3200xf32, #tpu.memory_space<vmem>>
    tpu.wait_dma2 semaphore(%arg11 : memref<!tpu.dma_semaphore, #tpu.memory_space<semaphore_mem>>) src(%dma_wait3A_210 : memref<3200xf32, #tpu.memory_space<vmem>>) dst(%dma_wait3A_208 : memref<3200xf32, #tpu.memory_space<vmem_shared>>)
    %mul3A_211 = arith.constant 80000 : i32
    %mul3A_212 = arith.muli %arg1, %mul3A_211 : i32
    %add3A_213 = arith.constant 16000 : i32
    %add3A_214 = arith.addi %mul3A_212, %add3A_213 : i32
    %dma_start3A_215 = arith.constant 3200 : i32
    %dma_start3A_216 = tpu.memref_slice %arg9[%dma_start3A_215] : memref<6400xf32, #tpu.memory_space<vmem>> -> memref<3200xf32, #tpu.memory_space<vmem>>
    %dma_start3A_217 = tpu.memref_slice %arg10[%add3A_214] : memref<1280128xf32, #tpu.memory_space<vmem_shared>> -> memref<3200xf32, #tpu.memory_space<vmem_shared>>
    %dma_start3A_218 = tpu.memref_slice %arg10[%add3A_214] : memref<1280128xf32, #tpu.memory_space<vmem_shared>> -> memref<3200xf32, #tpu.memory_space<vmem_shared>>
    %dma_start3A_219 = arith.constant 3200 : i32
    %dma_start3A_220 = tpu.memref_slice %arg9[%dma_start3A_219] : memref<6400xf32, #tpu.memory_space<vmem>> -> memref<3200xf32, #tpu.memory_space<vmem>>
    tpu.enqueue_dma source(%dma_start3A_220 : memref<3200xf32, #tpu.memory_space<vmem>>) target(%dma_start3A_218 : memref<3200xf32, #tpu.memory_space<vmem_shared>>) target_semaphore(%arg11 : memref<!tpu.dma_semaphore, #tpu.memory_space<semaphore_mem>>)
    %dma_wait3A_221 = arith.constant 0 : i32
    %dma_wait3A_222 = tpu.memref_slice %arg9[%dma_wait3A_221] : memref<6400xf32, #tpu.memory_space<vmem>> -> memref<3200xf32, #tpu.memory_space<vmem>>
    %dma_wait3A_223 = tpu.memref_slice %arg10[%add3A_173] : memref<1280128xf32, #tpu.memory_space<vmem_shared>> -> memref<3200xf32, #tpu.memory_space<vmem_shared>>
    %dma_wait3A_224 = tpu.memref_slice %arg10[%add3A_173] : memref<1280128xf32, #tpu.memory_space<vmem_shared>> -> memref<3200xf32, #tpu.memory_space<vmem_shared>>
    %dma_wait3A_225 = arith.constant 0 : i32
    %dma_wait3A_226 = tpu.memref_slice %arg9[%dma_wait3A_225] : memref<6400xf32, #tpu.memory_space<vmem>> -> memref<3200xf32, #tpu.memory_space<vmem>>
    tpu.wait_dma2 semaphore(%arg11 : memref<!tpu.dma_semaphore, #tpu.memory_space<semaphore_mem>>) src(%dma_wait3A_226 : memref<3200xf32, #tpu.memory_space<vmem>>) dst(%dma_wait3A_224 : memref<3200xf32, #tpu.memory_space<vmem_shared>>)
    %mul3A_227 = arith.constant 80000 : i32
    %mul3A_228 = arith.muli %arg1, %mul3A_227 : i32
    %add3A_229 = arith.constant 19200 : i32
    %add3A_230 = arith.addi %mul3A_228, %add3A_229 : i32
    %dma_start3A_231 = arith.constant 0 : i32
    %dma_start3A_232 = tpu.memref_slice %arg9[%dma_start3A_231] : memref<6400xf32, #tpu.memory_space<vmem>> -> memref<3200xf32, #tpu.memory_space<vmem>>
    %dma_start3A_233 = tpu.memref_slice %arg10[%add3A_230] : memref<1280128xf32, #tpu.memory_space<vmem_shared>> -> memref<3200xf32, #tpu.memory_space<vmem_shared>>
    %dma_start3A_234 = tpu.memref_slice %arg10[%add3A_230] : memref<1280128xf32, #tpu.memory_space<vmem_shared>> -> memref<3200xf32, #tpu.memory_space<vmem_shared>>
    %dma_start3A_235 = arith.constant 0 : i32
    %dma_start3A_236 = tpu.memref_slice %arg9[%dma_start3A_235] : memref<6400xf32, #tpu.memory_space<vmem>> -> memref<3200xf32, #tpu.memory_space<vmem>>
    tpu.enqueue_dma source(%dma_start3A_236 : memref<3200xf32, #tpu.memory_space<vmem>>) target(%dma_start3A_234 : memref<3200xf32, #tpu.memory_space<vmem_shared>>) target_semaphore(%arg11 : memref<!tpu.dma_semaphore, #tpu.memory_space<semaphore_mem>>)
    %dma_wait3A_237 = arith.constant 3200 : i32
    %dma_wait3A_238 = tpu.memref_slice %arg9[%dma_wait3A_237] : memref<6400xf32, #tpu.memory_space<vmem>> -> memref<3200xf32, #tpu.memory_space<vmem>>
    %dma_wait3A_239 = tpu.memref_slice %arg10[%add3A_183] : memref<1280128xf32, #tpu.memory_space<vmem_shared>> -> memref<3200xf32, #tpu.memory_space<vmem_shared>>
    %dma_wait3A_240 = tpu.memref_slice %arg10[%add3A_183] : memref<1280128xf32, #tpu.memory_space<vmem_shared>> -> memref<3200xf32, #tpu.memory_space<vmem_shared>>
    %dma_wait3A_241 = arith.constant 3200 : i32
    %dma_wait3A_242 = tpu.memref_slice %arg9[%dma_wait3A_241] : memref<6400xf32, #tpu.memory_space<vmem>> -> memref<3200xf32, #tpu.memory_space<vmem>>
    tpu.wait_dma2 semaphore(%arg11 : memref<!tpu.dma_semaphore, #tpu.memory_space<semaphore_mem>>) src(%dma_wait3A_242 : memref<3200xf32, #tpu.memory_space<vmem>>) dst(%dma_wait3A_240 : memref<3200xf32, #tpu.memory_space<vmem_shared>>)
    %mul3A_243 = arith.constant 80000 : i32
    %mul3A_244 = arith.muli %arg1, %mul3A_243 : i32
    %add3A_245 = arith.constant 22400 : i32
    %add3A_246 = arith.addi %mul3A_244, %add3A_245 : i32
    %dma_start3A_247 = arith.constant 3200 : i32
    %dma_start3A_248 = tpu.memref_slice %arg9[%dma_start3A_247] : memref<6400xf32, #tpu.memory_space<vmem>> -> memref<3200xf32, #tpu.memory_space<vmem>>
    %dma_start3A_249 = tpu.memref_slice %arg10[%add3A_246] : memref<1280128xf32, #tpu.memory_space<vmem_shared>> -> memref<3200xf32, #tpu.memory_space<vmem_shared>>
    %dma_start3A_250 = tpu.memref_slice %arg10[%add3A_246] : memref<1280128xf32, #tpu.memory_space<vmem_shared>> -> memref<3200xf32, #tpu.memory_space<vmem_shared>>
    %dma_start3A_251 = arith.constant 3200 : i32
    %dma_start3A_252 = tpu.memref_slice %arg9[%dma_start3A_251] : memref<6400xf32, #tpu.memory_space<vmem>> -> memref<3200xf32, #tpu.memory_space<vmem>>
    tpu.enqueue_dma source(%dma_start3A_252 : memref<3200xf32, #tpu.memory_space<vmem>>) target(%dma_start3A_250 : memref<3200xf32, #tpu.memory_space<vmem_shared>>) target_semaphore(%arg11 : memref<!tpu.dma_semaphore, #tpu.memory_space<semaphore_mem>>)
    %dma_wait3A_253 = arith.constant 0 : i32
    %dma_wait3A_254 = tpu.memref_slice %arg9[%dma_wait3A_253] : memref<6400xf32, #tpu.memory_space<vmem>> -> memref<3200xf32, #tpu.memory_space<vmem>>
    %dma_wait3A_255 = tpu.memref_slice %arg10[%add3A_198] : memref<1280128xf32, #tpu.memory_space<vmem_shared>> -> memref<3200xf32, #tpu.memory_space<vmem_shared>>
    %dma_wait3A_256 = tpu.memref_slice %arg10[%add3A_198] : memref<1280128xf32, #tpu.memory_space<vmem_shared>> -> memref<3200xf32, #tpu.memory_space<vmem_shared>>
    %dma_wait3A_257 = arith.constant 0 : i32
    %dma_wait3A_258 = tpu.memref_slice %arg9[%dma_wait3A_257] : memref<6400xf32, #tpu.memory_space<vmem>> -> memref<3200xf32, #tpu.memory_space<vmem>>
    tpu.wait_dma2 semaphore(%arg11 : memref<!tpu.dma_semaphore, #tpu.memory_space<semaphore_mem>>) src(%dma_wait3A_258 : memref<3200xf32, #tpu.memory_space<vmem>>) dst(%dma_wait3A_256 : memref<3200xf32, #tpu.memory_space<vmem_shared>>)
    %mul3A_259 = arith.constant 80000 : i32
    %mul3A_260 = arith.muli %arg1, %mul3A_259 : i32
    %add3A_261 = arith.constant 25600 : i32
    %add3A_262 = arith.addi %mul3A_260, %add3A_261 : i32
    %dma_start3A_263 = arith.constant 0 : i32
    %dma_start3A_264 = tpu.memref_slice %arg9[%dma_start3A_263] : memref<6400xf32, #tpu.memory_space<vmem>> -> memref<3200xf32, #tpu.memory_space<vmem>>
    %dma_start3A_265 = tpu.memref_slice %arg10[%add3A_262] : memref<1280128xf32, #tpu.memory_space<vmem_shared>> -> memref<3200xf32, #tpu.memory_space<vmem_shared>>
    %dma_start3A_266 = tpu.memref_slice %arg10[%add3A_262] : memref<1280128xf32, #tpu.memory_space<vmem_shared>> -> memref<3200xf32, #tpu.memory_space<vmem_shared>>
    %dma_start3A_267 = arith.constant 0 : i32
    %dma_start3A_268 = tpu.memref_slice %arg9[%dma_start3A_267] : memref<6400xf32, #tpu.memory_space<vmem>> -> memref<3200xf32, #tpu.memory_space<vmem>>
    tpu.enqueue_dma source(%dma_start3A_268 : memref<3200xf32, #tpu.memory_space<vmem>>) target(%dma_start3A_266 : memref<3200xf32, #tpu.memory_space<vmem_shared>>) target_semaphore(%arg11 : memref<!tpu.dma_semaphore, #tpu.memory_space<semaphore_mem>>)
    %dma_wait3A_269 = arith.constant 3200 : i32
    %dma_wait3A_270 = tpu.memref_slice %arg9[%dma_wait3A_269] : memref<6400xf32, #tpu.memory_space<vmem>> -> memref<3200xf32, #tpu.memory_space<vmem>>
    %dma_wait3A_271 = tpu.memref_slice %arg10[%add3A_214] : memref<1280128xf32, #tpu.memory_space<vmem_shared>> -> memref<3200xf32, #tpu.memory_space<vmem_shared>>
    %dma_wait3A_272 = tpu.memref_slice %arg10[%add3A_214] : memref<1280128xf32, #tpu.memory_space<vmem_shared>> -> memref<3200xf32, #tpu.memory_space<vmem_shared>>
    %dma_wait3A_273 = arith.constant 3200 : i32
    %dma_wait3A_274 = tpu.memref_slice %arg9[%dma_wait3A_273] : memref<6400xf32, #tpu.memory_space<vmem>> -> memref<3200xf32, #tpu.memory_space<vmem>>
    tpu.wait_dma2 semaphore(%arg11 : memref<!tpu.dma_semaphore, #tpu.memory_space<semaphore_mem>>) src(%dma_wait3A_274 : memref<3200xf32, #tpu.memory_space<vmem>>) dst(%dma_wait3A_272 : memref<3200xf32, #tpu.memory_space<vmem_shared>>)
    %mul3A_275 = arith.constant 80000 : i32
    %mul3A_276 = arith.muli %arg1, %mul3A_275 : i32
    %add3A_277 = arith.constant 28800 : i32
    %add3A_278 = arith.addi %mul3A_276, %add3A_277 : i32
    %dma_start3A_279 = arith.constant 3200 : i32
    %dma_start3A_280 = tpu.memref_slice %arg9[%dma_start3A_279] : memref<6400xf32, #tpu.memory_space<vmem>> -> memref<3200xf32, #tpu.memory_space<vmem>>
    %dma_start3A_281 = tpu.memref_slice %arg10[%add3A_278] : memref<1280128xf32, #tpu.memory_space<vmem_shared>> -> memref<3200xf32, #tpu.memory_space<vmem_shared>>
    %dma_start3A_282 = tpu.memref_slice %arg10[%add3A_278] : memref<1280128xf32, #tpu.memory_space<vmem_shared>> -> memref<3200xf32, #tpu.memory_space<vmem_shared>>
    %dma_start3A_283 = arith.constant 3200 : i32
    %dma_start3A_284 = tpu.memref_slice %arg9[%dma_start3A_283] : memref<6400xf32, #tpu.memory_space<vmem>> -> memref<3200xf32, #tpu.memory_space<vmem>>
    tpu.enqueue_dma source(%dma_start3A_284 : memref<3200xf32, #tpu.memory_space<vmem>>) target(%dma_start3A_282 : memref<3200xf32, #tpu.memory_space<vmem_shared>>) target_semaphore(%arg11 : memref<!tpu.dma_semaphore, #tpu.memory_space<semaphore_mem>>)
    %dma_wait3A_285 = arith.constant 0 : i32
    %dma_wait3A_286 = tpu.memref_slice %arg9[%dma_wait3A_285] : memref<6400xf32, #tpu.memory_space<vmem>> -> memref<3200xf32, #tpu.memory_space<vmem>>
    %dma_wait3A_287 = tpu.memref_slice %arg10[%add3A_230] : memref<1280128xf32, #tpu.memory_space<vmem_shared>> -> memref<3200xf32, #tpu.memory_space<vmem_shared>>
    %dma_wait3A_288 = tpu.memref_slice %arg10[%add3A_230] : memref<1280128xf32, #tpu.memory_space<vmem_shared>> -> memref<3200xf32, #tpu.memory_space<vmem_shared>>
    %dma_wait3A_289 = arith.constant 0 : i32
    %dma_wait3A_290 = tpu.memref_slice %arg9[%dma_wait3A_289] : memref<6400xf32, #tpu.memory_space<vmem>> -> memref<3200xf32, #tpu.memory_space<vmem>>
    tpu.wait_dma2 semaphore(%arg11 : memref<!tpu.dma_semaphore, #tpu.memory_space<semaphore_mem>>) src(%dma_wait3A_290 : memref<3200xf32, #tpu.memory_space<vmem>>) dst(%dma_wait3A_288 : memref<3200xf32, #tpu.memory_space<vmem_shared>>)
    %mul3A_291 = arith.constant 80000 : i32
    %mul3A_292 = arith.muli %arg1, %mul3A_291 : i32
    %add3A_293 = arith.constant 32000 : i32
    %add3A_294 = arith.addi %mul3A_292, %add3A_293 : i32
    %dma_start3A_295 = arith.constant 0 : i32
    %dma_start3A_296 = tpu.memref_slice %arg9[%dma_start3A_295] : memref<6400xf32, #tpu.memory_space<vmem>> -> memref<3200xf32, #tpu.memory_space<vmem>>
    %dma_start3A_297 = tpu.memref_slice %arg10[%add3A_294] : memref<1280128xf32, #tpu.memory_space<vmem_shared>> -> memref<3200xf32, #tpu.memory_space<vmem_shared>>
    %dma_start3A_298 = tpu.memref_slice %arg10[%add3A_294] : memref<1280128xf32, #tpu.memory_space<vmem_shared>> -> memref<3200xf32, #tpu.memory_space<vmem_shared>>
    %dma_start3A_299 = arith.constant 0 : i32
    %dma_start3A_300 = tpu.memref_slice %arg9[%dma_start3A_299] : memref<6400xf32, #tpu.memory_space<vmem>> -> memref<3200xf32, #tpu.memory_space<vmem>>
    tpu.enqueue_dma source(%dma_start3A_300 : memref<3200xf32, #tpu.memory_space<vmem>>) target(%dma_start3A_298 : memref<3200xf32, #tpu.memory_space<vmem_shared>>) target_semaphore(%arg11 : memref<!tpu.dma_semaphore, #tpu.memory_space<semaphore_mem>>)
    %dma_wait3A_301 = arith.constant 3200 : i32
    %dma_wait3A_302 = tpu.memref_slice %arg9[%dma_wait3A_301] : memref<6400xf32, #tpu.memory_space<vmem>> -> memref<3200xf32, #tpu.memory_space<vmem>>
    %dma_wait3A_303 = tpu.memref_slice %arg10[%add3A_246] : memref<1280128xf32, #tpu.memory_space<vmem_shared>> -> memref<3200xf32, #tpu.memory_space<vmem_shared>>
    %dma_wait3A_304 = tpu.memref_slice %arg10[%add3A_246] : memref<1280128xf32, #tpu.memory_space<vmem_shared>> -> memref<3200xf32, #tpu.memory_space<vmem_shared>>
    %dma_wait3A_305 = arith.constant 3200 : i32
    %dma_wait3A_306 = tpu.memref_slice %arg9[%dma_wait3A_305] : memref<6400xf32, #tpu.memory_space<vmem>> -> memref<3200xf32, #tpu.memory_space<vmem>>
    tpu.wait_dma2 semaphore(%arg11 : memref<!tpu.dma_semaphore, #tpu.memory_space<semaphore_mem>>) src(%dma_wait3A_306 : memref<3200xf32, #tpu.memory_space<vmem>>) dst(%dma_wait3A_304 : memref<3200xf32, #tpu.memory_space<vmem_shared>>)
    %mul3A_307 = arith.constant 80000 : i32
    %mul3A_308 = arith.muli %arg1, %mul3A_307 : i32
    %add3A_309 = arith.constant 35200 : i32
    %add3A_310 = arith.addi %mul3A_308, %add3A_309 : i32
    %dma_start3A_311 = arith.constant 3200 : i32
    %dma_start3A_312 = tpu.memref_slice %arg9[%dma_start3A_311] : memref<6400xf32, #tpu.memory_space<vmem>> -> memref<3200xf32, #tpu.memory_space<vmem>>
    %dma_start3A_313 = tpu.memref_slice %arg10[%add3A_310] : memref<1280128xf32, #tpu.memory_space<vmem_shared>> -> memref<3200xf32, #tpu.memory_space<vmem_shared>>
    %dma_start3A_314 = tpu.memref_slice %arg10[%add3A_310] : memref<1280128xf32, #tpu.memory_space<vmem_shared>> -> memref<3200xf32, #tpu.memory_space<vmem_shared>>
    %dma_start3A_315 = arith.constant 3200 : i32
    %dma_start3A_316 = tpu.memref_slice %arg9[%dma_start3A_315] : memref<6400xf32, #tpu.memory_space<vmem>> -> memref<3200xf32, #tpu.memory_space<vmem>>
    tpu.enqueue_dma source(%dma_start3A_316 : memref<3200xf32, #tpu.memory_space<vmem>>) target(%dma_start3A_314 : memref<3200xf32, #tpu.memory_space<vmem_shared>>) target_semaphore(%arg11 : memref<!tpu.dma_semaphore, #tpu.memory_space<semaphore_mem>>)
    %dma_wait3A_317 = arith.constant 0 : i32
    %dma_wait3A_318 = tpu.memref_slice %arg9[%dma_wait3A_317] : memref<6400xf32, #tpu.memory_space<vmem>> -> memref<3200xf32, #tpu.memory_space<vmem>>
    %dma_wait3A_319 = tpu.memref_slice %arg10[%add3A_262] : memref<1280128xf32, #tpu.memory_space<vmem_shared>> -> memref<3200xf32, #tpu.memory_space<vmem_shared>>
    %dma_wait3A_320 = tpu.memref_slice %arg10[%add3A_262] : memref<1280128xf32, #tpu.memory_space<vmem_shared>> -> memref<3200xf32, #tpu.memory_space<vmem_shared>>
    %dma_wait3A_321 = arith.constant 0 : i32
    %dma_wait3A_322 = tpu.memref_slice %arg9[%dma_wait3A_321] : memref<6400xf32, #tpu.memory_space<vmem>> -> memref<3200xf32, #tpu.memory_space<vmem>>
    tpu.wait_dma2 semaphore(%arg11 : memref<!tpu.dma_semaphore, #tpu.memory_space<semaphore_mem>>) src(%dma_wait3A_322 : memref<3200xf32, #tpu.memory_space<vmem>>) dst(%dma_wait3A_320 : memref<3200xf32, #tpu.memory_space<vmem_shared>>)
    %mul3A_323 = arith.constant 80000 : i32
    %mul3A_324 = arith.muli %arg1, %mul3A_323 : i32
    %add3A_325 = arith.constant 38400 : i32
    %add3A_326 = arith.addi %mul3A_324, %add3A_325 : i32
    %dma_start3A_327 = arith.constant 0 : i32
    %dma_start3A_328 = tpu.memref_slice %arg9[%dma_start3A_327] : memref<6400xf32, #tpu.memory_space<vmem>> -> memref<3200xf32, #tpu.memory_space<vmem>>
    %dma_start3A_329 = tpu.memref_slice %arg10[%add3A_326] : memref<1280128xf32, #tpu.memory_space<vmem_shared>> -> memref<3200xf32, #tpu.memory_space<vmem_shared>>
    %dma_start3A_330 = tpu.memref_slice %arg10[%add3A_326] : memref<1280128xf32, #tpu.memory_space<vmem_shared>> -> memref<3200xf32, #tpu.memory_space<vmem_shared>>
    %dma_start3A_331 = arith.constant 0 : i32
    %dma_start3A_332 = tpu.memref_slice %arg9[%dma_start3A_331] : memref<6400xf32, #tpu.memory_space<vmem>> -> memref<3200xf32, #tpu.memory_space<vmem>>
    tpu.enqueue_dma source(%dma_start3A_332 : memref<3200xf32, #tpu.memory_space<vmem>>) target(%dma_start3A_330 : memref<3200xf32, #tpu.memory_space<vmem_shared>>) target_semaphore(%arg11 : memref<!tpu.dma_semaphore, #tpu.memory_space<semaphore_mem>>)
    %dma_wait3A_333 = arith.constant 3200 : i32
    %dma_wait3A_334 = tpu.memref_slice %arg9[%dma_wait3A_333] : memref<6400xf32, #tpu.memory_space<vmem>> -> memref<3200xf32, #tpu.memory_space<vmem>>
    %dma_wait3A_335 = tpu.memref_slice %arg10[%add3A_278] : memref<1280128xf32, #tpu.memory_space<vmem_shared>> -> memref<3200xf32, #tpu.memory_space<vmem_shared>>
    %dma_wait3A_336 = tpu.memref_slice %arg10[%add3A_278] : memref<1280128xf32, #tpu.memory_space<vmem_shared>> -> memref<3200xf32, #tpu.memory_space<vmem_shared>>
    %dma_wait3A_337 = arith.constant 3200 : i32
    %dma_wait3A_338 = tpu.memref_slice %arg9[%dma_wait3A_337] : memref<6400xf32, #tpu.memory_space<vmem>> -> memref<3200xf32, #tpu.memory_space<vmem>>
    tpu.wait_dma2 semaphore(%arg11 : memref<!tpu.dma_semaphore, #tpu.memory_space<semaphore_mem>>) src(%dma_wait3A_338 : memref<3200xf32, #tpu.memory_space<vmem>>) dst(%dma_wait3A_336 : memref<3200xf32, #tpu.memory_space<vmem_shared>>)
    %mul3A_339 = arith.constant 80000 : i32
    %mul3A_340 = arith.muli %arg1, %mul3A_339 : i32
    %add3A_341 = arith.constant 41600 : i32
    %add3A_342 = arith.addi %mul3A_340, %add3A_341 : i32
    %dma_start3A_343 = arith.constant 3200 : i32
    %dma_start3A_344 = tpu.memref_slice %arg9[%dma_start3A_343] : memref<6400xf32, #tpu.memory_space<vmem>> -> memref<3200xf32, #tpu.memory_space<vmem>>
    %dma_start3A_345 = tpu.memref_slice %arg10[%add3A_342] : memref<1280128xf32, #tpu.memory_space<vmem_shared>> -> memref<3200xf32, #tpu.memory_space<vmem_shared>>
    %dma_start3A_346 = tpu.memref_slice %arg10[%add3A_342] : memref<1280128xf32, #tpu.memory_space<vmem_shared>> -> memref<3200xf32, #tpu.memory_space<vmem_shared>>
    %dma_start3A_347 = arith.constant 3200 : i32
    %dma_start3A_348 = tpu.memref_slice %arg9[%dma_start3A_347] : memref<6400xf32, #tpu.memory_space<vmem>> -> memref<3200xf32, #tpu.memory_space<vmem>>
    tpu.enqueue_dma source(%dma_start3A_348 : memref<3200xf32, #tpu.memory_space<vmem>>) target(%dma_start3A_346 : memref<3200xf32, #tpu.memory_space<vmem_shared>>) target_semaphore(%arg11 : memref<!tpu.dma_semaphore, #tpu.memory_space<semaphore_mem>>)
    %dma_wait3A_349 = arith.constant 0 : i32
    %dma_wait3A_350 = tpu.memref_slice %arg9[%dma_wait3A_349] : memref<6400xf32, #tpu.memory_space<vmem>> -> memref<3200xf32, #tpu.memory_space<vmem>>
    %dma_wait3A_351 = tpu.memref_slice %arg10[%add3A_294] : memref<1280128xf32, #tpu.memory_space<vmem_shared>> -> memref<3200xf32, #tpu.memory_space<vmem_shared>>
    %dma_wait3A_352 = tpu.memref_slice %arg10[%add3A_294] : memref<1280128xf32, #tpu.memory_space<vmem_shared>> -> memref<3200xf32, #tpu.memory_space<vmem_shared>>
    %dma_wait3A_353 = arith.constant 0 : i32
    %dma_wait3A_354 = tpu.memref_slice %arg9[%dma_wait3A_353] : memref<6400xf32, #tpu.memory_space<vmem>> -> memref<3200xf32, #tpu.memory_space<vmem>>
    tpu.wait_dma2 semaphore(%arg11 : memref<!tpu.dma_semaphore, #tpu.memory_space<semaphore_mem>>) src(%dma_wait3A_354 : memref<3200xf32, #tpu.memory_space<vmem>>) dst(%dma_wait3A_352 : memref<3200xf32, #tpu.memory_space<vmem_shared>>)
    %mul3A_355 = arith.constant 80000 : i32
    %mul3A_356 = arith.muli %arg1, %mul3A_355 : i32
    %add3A_357 = arith.constant 44800 : i32
    %add3A_358 = arith.addi %mul3A_356, %add3A_357 : i32
    %dma_start3A_359 = arith.constant 0 : i32
    %dma_start3A_360 = tpu.memref_slice %arg9[%dma_start3A_359] : memref<6400xf32, #tpu.memory_space<vmem>> -> memref<3200xf32, #tpu.memory_space<vmem>>
    %dma_start3A_361 = tpu.memref_slice %arg10[%add3A_358] : memref<1280128xf32, #tpu.memory_space<vmem_shared>> -> memref<3200xf32, #tpu.memory_space<vmem_shared>>
    %dma_start3A_362 = tpu.memref_slice %arg10[%add3A_358] : memref<1280128xf32, #tpu.memory_space<vmem_shared>> -> memref<3200xf32, #tpu.memory_space<vmem_shared>>
    %dma_start3A_363 = arith.constant 0 : i32
    %dma_start3A_364 = tpu.memref_slice %arg9[%dma_start3A_363] : memref<6400xf32, #tpu.memory_space<vmem>> -> memref<3200xf32, #tpu.memory_space<vmem>>
    tpu.enqueue_dma source(%dma_start3A_364 : memref<3200xf32, #tpu.memory_space<vmem>>) target(%dma_start3A_362 : memref<3200xf32, #tpu.memory_space<vmem_shared>>) target_semaphore(%arg11 : memref<!tpu.dma_semaphore, #tpu.memory_space<semaphore_mem>>)
    %dma_wait3A_365 = arith.constant 3200 : i32
    %dma_wait3A_366 = tpu.memref_slice %arg9[%dma_wait3A_365] : memref<6400xf32, #tpu.memory_space<vmem>> -> memref<3200xf32, #tpu.memory_space<vmem>>
    %dma_wait3A_367 = tpu.memref_slice %arg10[%add3A_310] : memref<1280128xf32, #tpu.memory_space<vmem_shared>> -> memref<3200xf32, #tpu.memory_space<vmem_shared>>
    %dma_wait3A_368 = tpu.memref_slice %arg10[%add3A_310] : memref<1280128xf32, #tpu.memory_space<vmem_shared>> -> memref<3200xf32, #tpu.memory_space<vmem_shared>>
    %dma_wait3A_369 = arith.constant 3200 : i32
    %dma_wait3A_370 = tpu.memref_slice %arg9[%dma_wait3A_369] : memref<6400xf32, #tpu.memory_space<vmem>> -> memref<3200xf32, #tpu.memory_space<vmem>>
    tpu.wait_dma2 semaphore(%arg11 : memref<!tpu.dma_semaphore, #tpu.memory_space<semaphore_mem>>) src(%dma_wait3A_370 : memref<3200xf32, #tpu.memory_space<vmem>>) dst(%dma_wait3A_368 : memref<3200xf32, #tpu.memory_space<vmem_shared>>)
    %mul3A_371 = arith.constant 80000 : i32
    %mul3A_372 = arith.muli %arg1, %mul3A_371 : i32
    %add3A_373 = arith.constant 48000 : i32
    %add3A_374 = arith.addi %mul3A_372, %add3A_373 : i32
    %dma_start3A_375 = arith.constant 3200 : i32
    %dma_start3A_376 = tpu.memref_slice %arg9[%dma_start3A_375] : memref<6400xf32, #tpu.memory_space<vmem>> -> memref<3200xf32, #tpu.memory_space<vmem>>
    %dma_start3A_377 = tpu.memref_slice %arg10[%add3A_374] : memref<1280128xf32, #tpu.memory_space<vmem_shared>> -> memref<3200xf32, #tpu.memory_space<vmem_shared>>
    %dma_start3A_378 = tpu.memref_slice %arg10[%add3A_374] : memref<1280128xf32, #tpu.memory_space<vmem_shared>> -> memref<3200xf32, #tpu.memory_space<vmem_shared>>
    %dma_start3A_379 = arith.constant 3200 : i32
    %dma_start3A_380 = tpu.memref_slice %arg9[%dma_start3A_379] : memref<6400xf32, #tpu.memory_space<vmem>> -> memref<3200xf32, #tpu.memory_space<vmem>>
    tpu.enqueue_dma source(%dma_start3A_380 : memref<3200xf32, #tpu.memory_space<vmem>>) target(%dma_start3A_378 : memref<3200xf32, #tpu.memory_space<vmem_shared>>) target_semaphore(%arg11 : memref<!tpu.dma_semaphore, #tpu.memory_space<semaphore_mem>>)
    %dma_wait3A_381 = arith.constant 0 : i32
    %dma_wait3A_382 = tpu.memref_slice %arg9[%dma_wait3A_381] : memref<6400xf32, #tpu.memory_space<vmem>> -> memref<3200xf32, #tpu.memory_space<vmem>>
    %dma_wait3A_383 = tpu.memref_slice %arg10[%add3A_326] : memref<1280128xf32, #tpu.memory_space<vmem_shared>> -> memref<3200xf32, #tpu.memory_space<vmem_shared>>
    %dma_wait3A_384 = tpu.memref_slice %arg10[%add3A_326] : memref<1280128xf32, #tpu.memory_space<vmem_shared>> -> memref<3200xf32, #tpu.memory_space<vmem_shared>>
    %dma_wait3A_385 = arith.constant 0 : i32
    %dma_wait3A_386 = tpu.memref_slice %arg9[%dma_wait3A_385] : memref<6400xf32, #tpu.memory_space<vmem>> -> memref<3200xf32, #tpu.memory_space<vmem>>
    tpu.wait_dma2 semaphore(%arg11 : memref<!tpu.dma_semaphore, #tpu.memory_space<semaphore_mem>>) src(%dma_wait3A_386 : memref<3200xf32, #tpu.memory_space<vmem>>) dst(%dma_wait3A_384 : memref<3200xf32, #tpu.memory_space<vmem_shared>>)
    %mul3A_387 = arith.constant 80000 : i32
    %mul3A_388 = arith.muli %arg1, %mul3A_387 : i32
    %add3A_389 = arith.constant 51200 : i32
    %add3A_390 = arith.addi %mul3A_388, %add3A_389 : i32
    %dma_start3A_391 = arith.constant 0 : i32
    %dma_start3A_392 = tpu.memref_slice %arg9[%dma_start3A_391] : memref<6400xf32, #tpu.memory_space<vmem>> -> memref<3200xf32, #tpu.memory_space<vmem>>
    %dma_start3A_393 = tpu.memref_slice %arg10[%add3A_390] : memref<1280128xf32, #tpu.memory_space<vmem_shared>> -> memref<3200xf32, #tpu.memory_space<vmem_shared>>
    %dma_start3A_394 = tpu.memref_slice %arg10[%add3A_390] : memref<1280128xf32, #tpu.memory_space<vmem_shared>> -> memref<3200xf32, #tpu.memory_space<vmem_shared>>
    %dma_start3A_395 = arith.constant 0 : i32
    %dma_start3A_396 = tpu.memref_slice %arg9[%dma_start3A_395] : memref<6400xf32, #tpu.memory_space<vmem>> -> memref<3200xf32, #tpu.memory_space<vmem>>
    tpu.enqueue_dma source(%dma_start3A_396 : memref<3200xf32, #tpu.memory_space<vmem>>) target(%dma_start3A_394 : memref<3200xf32, #tpu.memory_space<vmem_shared>>) target_semaphore(%arg11 : memref<!tpu.dma_semaphore, #tpu.memory_space<semaphore_mem>>)
    %dma_wait3A_397 = arith.constant 3200 : i32
    %dma_wait3A_398 = tpu.memref_slice %arg9[%dma_wait3A_397] : memref<6400xf32, #tpu.memory_space<vmem>> -> memref<3200xf32, #tpu.memory_space<vmem>>
    %dma_wait3A_399 = tpu.memref_slice %arg10[%add3A_342] : memref<1280128xf32, #tpu.memory_space<vmem_shared>> -> memref<3200xf32, #tpu.memory_space<vmem_shared>>
    %dma_wait3A_400 = tpu.memref_slice %arg10[%add3A_342] : memref<1280128xf32, #tpu.memory_space<vmem_shared>> -> memref<3200xf32, #tpu.memory_space<vmem_shared>>
    %dma_wait3A_401 = arith.constant 3200 : i32
    %dma_wait3A_402 = tpu.memref_slice %arg9[%dma_wait3A_401] : memref<6400xf32, #tpu.memory_space<vmem>> -> memref<3200xf32, #tpu.memory_space<vmem>>
    tpu.wait_dma2 semaphore(%arg11 : memref<!tpu.dma_semaphore, #tpu.memory_space<semaphore_mem>>) src(%dma_wait3A_402 : memref<3200xf32, #tpu.memory_space<vmem>>) dst(%dma_wait3A_400 : memref<3200xf32, #tpu.memory_space<vmem_shared>>)
    %mul3A_403 = arith.constant 80000 : i32
    %mul3A_404 = arith.muli %arg1, %mul3A_403 : i32
    %add3A_405 = arith.constant 54400 : i32
    %add3A_406 = arith.addi %mul3A_404, %add3A_405 : i32
    %dma_start3A_407 = arith.constant 3200 : i32
    %dma_start3A_408 = tpu.memref_slice %arg9[%dma_start3A_407] : memref<6400xf32, #tpu.memory_space<vmem>> -> memref<3200xf32, #tpu.memory_space<vmem>>
    %dma_start3A_409 = tpu.memref_slice %arg10[%add3A_406] : memref<1280128xf32, #tpu.memory_space<vmem_shared>> -> memref<3200xf32, #tpu.memory_space<vmem_shared>>
    %dma_start3A_410 = tpu.memref_slice %arg10[%add3A_406] : memref<1280128xf32, #tpu.memory_space<vmem_shared>> -> memref<3200xf32, #tpu.memory_space<vmem_shared>>
    %dma_start3A_411 = arith.constant 3200 : i32
    %dma_start3A_412 = tpu.memref_slice %arg9[%dma_start3A_411] : memref<6400xf32, #tpu.memory_space<vmem>> -> memref<3200xf32, #tpu.memory_space<vmem>>
    tpu.enqueue_dma source(%dma_start3A_412 : memref<3200xf32, #tpu.memory_space<vmem>>) target(%dma_start3A_410 : memref<3200xf32, #tpu.memory_space<vmem_shared>>) target_semaphore(%arg11 : memref<!tpu.dma_semaphore, #tpu.memory_space<semaphore_mem>>)
    %dma_wait3A_413 = arith.constant 0 : i32
    %dma_wait3A_414 = tpu.memref_slice %arg9[%dma_wait3A_413] : memref<6400xf32, #tpu.memory_space<vmem>> -> memref<3200xf32, #tpu.memory_space<vmem>>
    %dma_wait3A_415 = tpu.memref_slice %arg10[%add3A_358] : memref<1280128xf32, #tpu.memory_space<vmem_shared>> -> memref<3200xf32, #tpu.memory_space<vmem_shared>>
    %dma_wait3A_416 = tpu.memref_slice %arg10[%add3A_358] : memref<1280128xf32, #tpu.memory_space<vmem_shared>> -> memref<3200xf32, #tpu.memory_space<vmem_shared>>
    %dma_wait3A_417 = arith.constant 0 : i32
    %dma_wait3A_418 = tpu.memref_slice %arg9[%dma_wait3A_417] : memref<6400xf32, #tpu.memory_space<vmem>> -> memref<3200xf32, #tpu.memory_space<vmem>>
    tpu.wait_dma2 semaphore(%arg11 : memref<!tpu.dma_semaphore, #tpu.memory_space<semaphore_mem>>) src(%dma_wait3A_418 : memref<3200xf32, #tpu.memory_space<vmem>>) dst(%dma_wait3A_416 : memref<3200xf32, #tpu.memory_space<vmem_shared>>)
    %mul3A_419 = arith.constant 80000 : i32
    %mul3A_420 = arith.muli %arg1, %mul3A_419 : i32
    %add3A_421 = arith.constant 57600 : i32
    %add3A_422 = arith.addi %mul3A_420, %add3A_421 : i32
    %dma_start3A_423 = arith.constant 0 : i32
    %dma_start3A_424 = tpu.memref_slice %arg9[%dma_start3A_423] : memref<6400xf32, #tpu.memory_space<vmem>> -> memref<3200xf32, #tpu.memory_space<vmem>>
    %dma_start3A_425 = tpu.memref_slice %arg10[%add3A_422] : memref<1280128xf32, #tpu.memory_space<vmem_shared>> -> memref<3200xf32, #tpu.memory_space<vmem_shared>>
    %dma_start3A_426 = tpu.memref_slice %arg10[%add3A_422] : memref<1280128xf32, #tpu.memory_space<vmem_shared>> -> memref<3200xf32, #tpu.memory_space<vmem_shared>>
    %dma_start3A_427 = arith.constant 0 : i32
    %dma_start3A_428 = tpu.memref_slice %arg9[%dma_start3A_427] : memref<6400xf32, #tpu.memory_space<vmem>> -> memref<3200xf32, #tpu.memory_space<vmem>>
    tpu.enqueue_dma source(%dma_start3A_428 : memref<3200xf32, #tpu.memory_space<vmem>>) target(%dma_start3A_426 : memref<3200xf32, #tpu.memory_space<vmem_shared>>) target_semaphore(%arg11 : memref<!tpu.dma_semaphore, #tpu.memory_space<semaphore_mem>>)
    %dma_wait3A_429 = arith.constant 3200 : i32
    %dma_wait3A_430 = tpu.memref_slice %arg9[%dma_wait3A_429] : memref<6400xf32, #tpu.memory_space<vmem>> -> memref<3200xf32, #tpu.memory_space<vmem>>
    %dma_wait3A_431 = tpu.memref_slice %arg10[%add3A_374] : memref<1280128xf32, #tpu.memory_space<vmem_shared>> -> memref<3200xf32, #tpu.memory_space<vmem_shared>>
    %dma_wait3A_432 = tpu.memref_slice %arg10[%add3A_374] : memref<1280128xf32, #tpu.memory_space<vmem_shared>> -> memref<3200xf32, #tpu.memory_space<vmem_shared>>
    %dma_wait3A_433 = arith.constant 3200 : i32
    %dma_wait3A_434 = tpu.memref_slice %arg9[%dma_wait3A_433] : memref<6400xf32, #tpu.memory_space<vmem>> -> memref<3200xf32, #tpu.memory_space<vmem>>
    tpu.wait_dma2 semaphore(%arg11 : memref<!tpu.dma_semaphore, #tpu.memory_space<semaphore_mem>>) src(%dma_wait3A_434 : memref<3200xf32, #tpu.memory_space<vmem>>) dst(%dma_wait3A_432 : memref<3200xf32, #tpu.memory_space<vmem_shared>>)
    %mul3A_435 = arith.constant 80000 : i32
    %mul3A_436 = arith.muli %arg1, %mul3A_435 : i32
    %add3A_437 = arith.constant 60800 : i32
    %add3A_438 = arith.addi %mul3A_436, %add3A_437 : i32
    %dma_start3A_439 = arith.constant 3200 : i32
    %dma_start3A_440 = tpu.memref_slice %arg9[%dma_start3A_439] : memref<6400xf32, #tpu.memory_space<vmem>> -> memref<3200xf32, #tpu.memory_space<vmem>>
    %dma_start3A_441 = tpu.memref_slice %arg10[%add3A_438] : memref<1280128xf32, #tpu.memory_space<vmem_shared>> -> memref<3200xf32, #tpu.memory_space<vmem_shared>>
    %dma_start3A_442 = tpu.memref_slice %arg10[%add3A_438] : memref<1280128xf32, #tpu.memory_space<vmem_shared>> -> memref<3200xf32, #tpu.memory_space<vmem_shared>>
    %dma_start3A_443 = arith.constant 3200 : i32
    %dma_start3A_444 = tpu.memref_slice %arg9[%dma_start3A_443] : memref<6400xf32, #tpu.memory_space<vmem>> -> memref<3200xf32, #tpu.memory_space<vmem>>
    tpu.enqueue_dma source(%dma_start3A_444 : memref<3200xf32, #tpu.memory_space<vmem>>) target(%dma_start3A_442 : memref<3200xf32, #tpu.memory_space<vmem_shared>>) target_semaphore(%arg11 : memref<!tpu.dma_semaphore, #tpu.memory_space<semaphore_mem>>)
    %dma_wait3A_445 = arith.constant 0 : i32
    %dma_wait3A_446 = tpu.memref_slice %arg9[%dma_wait3A_445] : memref<6400xf32, #tpu.memory_space<vmem>> -> memref<3200xf32, #tpu.memory_space<vmem>>
    %dma_wait3A_447 = tpu.memref_slice %arg10[%add3A_390] : memref<1280128xf32, #tpu.memory_space<vmem_shared>> -> memref<3200xf32, #tpu.memory_space<vmem_shared>>
    %dma_wait3A_448 = tpu.memref_slice %arg10[%add3A_390] : memref<1280128xf32, #tpu.memory_space<vmem_shared>> -> memref<3200xf32, #tpu.memory_space<vmem_shared>>
    %dma_wait3A_449 = arith.constant 0 : i32
    %dma_wait3A_450 = tpu.memref_slice %arg9[%dma_wait3A_449] : memref<6400xf32, #tpu.memory_space<vmem>> -> memref<3200xf32, #tpu.memory_space<vmem>>
    tpu.wait_dma2 semaphore(%arg11 : memref<!tpu.dma_semaphore, #tpu.memory_space<semaphore_mem>>) src(%dma_wait3A_450 : memref<3200xf32, #tpu.memory_space<vmem>>) dst(%dma_wait3A_448 : memref<3200xf32, #tpu.memory_space<vmem_shared>>)
    %mul3A_451 = arith.constant 80000 : i32
    %mul3A_452 = arith.muli %arg1, %mul3A_451 : i32
    %add3A_453 = arith.constant 64000 : i32
    %add3A_454 = arith.addi %mul3A_452, %add3A_453 : i32
    %dma_start3A_455 = arith.constant 0 : i32
    %dma_start3A_456 = tpu.memref_slice %arg9[%dma_start3A_455] : memref<6400xf32, #tpu.memory_space<vmem>> -> memref<3200xf32, #tpu.memory_space<vmem>>
    %dma_start3A_457 = tpu.memref_slice %arg10[%add3A_454] : memref<1280128xf32, #tpu.memory_space<vmem_shared>> -> memref<3200xf32, #tpu.memory_space<vmem_shared>>
    %dma_start3A_458 = tpu.memref_slice %arg10[%add3A_454] : memref<1280128xf32, #tpu.memory_space<vmem_shared>> -> memref<3200xf32, #tpu.memory_space<vmem_shared>>
    %dma_start3A_459 = arith.constant 0 : i32
    %dma_start3A_460 = tpu.memref_slice %arg9[%dma_start3A_459] : memref<6400xf32, #tpu.memory_space<vmem>> -> memref<3200xf32, #tpu.memory_space<vmem>>
    tpu.enqueue_dma source(%dma_start3A_460 : memref<3200xf32, #tpu.memory_space<vmem>>) target(%dma_start3A_458 : memref<3200xf32, #tpu.memory_space<vmem_shared>>) target_semaphore(%arg11 : memref<!tpu.dma_semaphore, #tpu.memory_space<semaphore_mem>>)
    %dma_wait3A_461 = arith.constant 3200 : i32
    %dma_wait3A_462 = tpu.memref_slice %arg9[%dma_wait3A_461] : memref<6400xf32, #tpu.memory_space<vmem>> -> memref<3200xf32, #tpu.memory_space<vmem>>
    %dma_wait3A_463 = tpu.memref_slice %arg10[%add3A_406] : memref<1280128xf32, #tpu.memory_space<vmem_shared>> -> memref<3200xf32, #tpu.memory_space<vmem_shared>>
    %dma_wait3A_464 = tpu.memref_slice %arg10[%add3A_406] : memref<1280128xf32, #tpu.memory_space<vmem_shared>> -> memref<3200xf32, #tpu.memory_space<vmem_shared>>
    %dma_wait3A_465 = arith.constant 3200 : i32
    %dma_wait3A_466 = tpu.memref_slice %arg9[%dma_wait3A_465] : memref<6400xf32, #tpu.memory_space<vmem>> -> memref<3200xf32, #tpu.memory_space<vmem>>
    tpu.wait_dma2 semaphore(%arg11 : memref<!tpu.dma_semaphore, #tpu.memory_space<semaphore_mem>>) src(%dma_wait3A_466 : memref<3200xf32, #tpu.memory_space<vmem>>) dst(%dma_wait3A_464 : memref<3200xf32, #tpu.memory_space<vmem_shared>>)
    %mul3A_467 = arith.constant 80000 : i32
    %mul3A_468 = arith.muli %arg1, %mul3A_467 : i32
    %add3A_469 = arith.constant 67200 : i32
    %add3A_470 = arith.addi %mul3A_468, %add3A_469 : i32
    %dma_start3A_471 = arith.constant 3200 : i32
    %dma_start3A_472 = tpu.memref_slice %arg9[%dma_start3A_471] : memref<6400xf32, #tpu.memory_space<vmem>> -> memref<3200xf32, #tpu.memory_space<vmem>>
    %dma_start3A_473 = tpu.memref_slice %arg10[%add3A_470] : memref<1280128xf32, #tpu.memory_space<vmem_shared>> -> memref<3200xf32, #tpu.memory_space<vmem_shared>>
    %dma_start3A_474 = tpu.memref_slice %arg10[%add3A_470] : memref<1280128xf32, #tpu.memory_space<vmem_shared>> -> memref<3200xf32, #tpu.memory_space<vmem_shared>>
    %dma_start3A_475 = arith.constant 3200 : i32
    %dma_start3A_476 = tpu.memref_slice %arg9[%dma_start3A_475] : memref<6400xf32, #tpu.memory_space<vmem>> -> memref<3200xf32, #tpu.memory_space<vmem>>
    tpu.enqueue_dma source(%dma_start3A_476 : memref<3200xf32, #tpu.memory_space<vmem>>) target(%dma_start3A_474 : memref<3200xf32, #tpu.memory_space<vmem_shared>>) target_semaphore(%arg11 : memref<!tpu.dma_semaphore, #tpu.memory_space<semaphore_mem>>)
    %dma_wait3A_477 = arith.constant 0 : i32
    %dma_wait3A_478 = tpu.memref_slice %arg9[%dma_wait3A_477] : memref<6400xf32, #tpu.memory_space<vmem>> -> memref<3200xf32, #tpu.memory_space<vmem>>
    %dma_wait3A_479 = tpu.memref_slice %arg10[%add3A_422] : memref<1280128xf32, #tpu.memory_space<vmem_shared>> -> memref<3200xf32, #tpu.memory_space<vmem_shared>>
    %dma_wait3A_480 = tpu.memref_slice %arg10[%add3A_422] : memref<1280128xf32, #tpu.memory_space<vmem_shared>> -> memref<3200xf32, #tpu.memory_space<vmem_shared>>
    %dma_wait3A_481 = arith.constant 0 : i32
    %dma_wait3A_482 = tpu.memref_slice %arg9[%dma_wait3A_481] : memref<6400xf32, #tpu.memory_space<vmem>> -> memref<3200xf32, #tpu.memory_space<vmem>>
    tpu.wait_dma2 semaphore(%arg11 : memref<!tpu.dma_semaphore, #tpu.memory_space<semaphore_mem>>) src(%dma_wait3A_482 : memref<3200xf32, #tpu.memory_space<vmem>>) dst(%dma_wait3A_480 : memref<3200xf32, #tpu.memory_space<vmem_shared>>)
    %mul3A_483 = arith.constant 80000 : i32
    %mul3A_484 = arith.muli %arg1, %mul3A_483 : i32
    %add3A_485 = arith.constant 70400 : i32
    %add3A_486 = arith.addi %mul3A_484, %add3A_485 : i32
    %dma_start3A_487 = arith.constant 0 : i32
    %dma_start3A_488 = tpu.memref_slice %arg9[%dma_start3A_487] : memref<6400xf32, #tpu.memory_space<vmem>> -> memref<3200xf32, #tpu.memory_space<vmem>>
    %dma_start3A_489 = tpu.memref_slice %arg10[%add3A_486] : memref<1280128xf32, #tpu.memory_space<vmem_shared>> -> memref<3200xf32, #tpu.memory_space<vmem_shared>>
    %dma_start3A_490 = tpu.memref_slice %arg10[%add3A_486] : memref<1280128xf32, #tpu.memory_space<vmem_shared>> -> memref<3200xf32, #tpu.memory_space<vmem_shared>>
    %dma_start3A_491 = arith.constant 0 : i32
    %dma_start3A_492 = tpu.memref_slice %arg9[%dma_start3A_491] : memref<6400xf32, #tpu.memory_space<vmem>> -> memref<3200xf32, #tpu.memory_space<vmem>>
    tpu.enqueue_dma source(%dma_start3A_492 : memref<3200xf32, #tpu.memory_space<vmem>>) target(%dma_start3A_490 : memref<3200xf32, #tpu.memory_space<vmem_shared>>) target_semaphore(%arg11 : memref<!tpu.dma_semaphore, #tpu.memory_space<semaphore_mem>>)
    %dma_wait3A_493 = arith.constant 3200 : i32
    %dma_wait3A_494 = tpu.memref_slice %arg9[%dma_wait3A_493] : memref<6400xf32, #tpu.memory_space<vmem>> -> memref<3200xf32, #tpu.memory_space<vmem>>
    %dma_wait3A_495 = tpu.memref_slice %arg10[%add3A_438] : memref<1280128xf32, #tpu.memory_space<vmem_shared>> -> memref<3200xf32, #tpu.memory_space<vmem_shared>>
    %dma_wait3A_496 = tpu.memref_slice %arg10[%add3A_438] : memref<1280128xf32, #tpu.memory_space<vmem_shared>> -> memref<3200xf32, #tpu.memory_space<vmem_shared>>
    %dma_wait3A_497 = arith.constant 3200 : i32
    %dma_wait3A_498 = tpu.memref_slice %arg9[%dma_wait3A_497] : memref<6400xf32, #tpu.memory_space<vmem>> -> memref<3200xf32, #tpu.memory_space<vmem>>
    tpu.wait_dma2 semaphore(%arg11 : memref<!tpu.dma_semaphore, #tpu.memory_space<semaphore_mem>>) src(%dma_wait3A_498 : memref<3200xf32, #tpu.memory_space<vmem>>) dst(%dma_wait3A_496 : memref<3200xf32, #tpu.memory_space<vmem_shared>>)
    %mul3A_499 = arith.constant 80000 : i32
    %mul3A_500 = arith.muli %arg1, %mul3A_499 : i32
    %add3A_501 = arith.constant 73600 : i32
    %add3A_502 = arith.addi %mul3A_500, %add3A_501 : i32
    %dma_start3A_503 = arith.constant 3200 : i32
    %dma_start3A_504 = tpu.memref_slice %arg9[%dma_start3A_503] : memref<6400xf32, #tpu.memory_space<vmem>> -> memref<3200xf32, #tpu.memory_space<vmem>>
    %dma_start3A_505 = tpu.memref_slice %arg10[%add3A_502] : memref<1280128xf32, #tpu.memory_space<vmem_shared>> -> memref<3200xf32, #tpu.memory_space<vmem_shared>>
    %dma_start3A_506 = tpu.memref_slice %arg10[%add3A_502] : memref<1280128xf32, #tpu.memory_space<vmem_shared>> -> memref<3200xf32, #tpu.memory_space<vmem_shared>>
    %dma_start3A_507 = arith.constant 3200 : i32
    %dma_start3A_508 = tpu.memref_slice %arg9[%dma_start3A_507] : memref<6400xf32, #tpu.memory_space<vmem>> -> memref<3200xf32, #tpu.memory_space<vmem>>
    tpu.enqueue_dma source(%dma_start3A_508 : memref<3200xf32, #tpu.memory_space<vmem>>) target(%dma_start3A_506 : memref<3200xf32, #tpu.memory_space<vmem_shared>>) target_semaphore(%arg11 : memref<!tpu.dma_semaphore, #tpu.memory_space<semaphore_mem>>)
    %dma_wait3A_509 = arith.constant 0 : i32
    %dma_wait3A_510 = tpu.memref_slice %arg9[%dma_wait3A_509] : memref<6400xf32, #tpu.memory_space<vmem>> -> memref<3200xf32, #tpu.memory_space<vmem>>
    %dma_wait3A_511 = tpu.memref_slice %arg10[%add3A_454] : memref<1280128xf32, #tpu.memory_space<vmem_shared>> -> memref<3200xf32, #tpu.memory_space<vmem_shared>>
    %dma_wait3A_512 = tpu.memref_slice %arg10[%add3A_454] : memref<1280128xf32, #tpu.memory_space<vmem_shared>> -> memref<3200xf32, #tpu.memory_space<vmem_shared>>
    %dma_wait3A_513 = arith.constant 0 : i32
    %dma_wait3A_514 = tpu.memref_slice %arg9[%dma_wait3A_513] : memref<6400xf32, #tpu.memory_space<vmem>> -> memref<3200xf32, #tpu.memory_space<vmem>>
    tpu.wait_dma2 semaphore(%arg11 : memref<!tpu.dma_semaphore, #tpu.memory_space<semaphore_mem>>) src(%dma_wait3A_514 : memref<3200xf32, #tpu.memory_space<vmem>>) dst(%dma_wait3A_512 : memref<3200xf32, #tpu.memory_space<vmem_shared>>)
    %mul3A_515 = arith.constant 80000 : i32
    %mul3A_516 = arith.muli %arg1, %mul3A_515 : i32
    %add3A_517 = arith.constant 76800 : i32
    %add3A_518 = arith.addi %mul3A_516, %add3A_517 : i32
    %dma_start3A_519 = arith.constant 0 : i32
    %dma_start3A_520 = tpu.memref_slice %arg9[%dma_start3A_519] : memref<6400xf32, #tpu.memory_space<vmem>> -> memref<3200xf32, #tpu.memory_space<vmem>>
    %dma_start3A_521 = tpu.memref_slice %arg10[%add3A_518] : memref<1280128xf32, #tpu.memory_space<vmem_shared>> -> memref<3200xf32, #tpu.memory_space<vmem_shared>>
    %dma_start3A_522 = tpu.memref_slice %arg10[%add3A_518] : memref<1280128xf32, #tpu.memory_space<vmem_shared>> -> memref<3200xf32, #tpu.memory_space<vmem_shared>>
    %dma_start3A_523 = arith.constant 0 : i32
    %dma_start3A_524 = tpu.memref_slice %arg9[%dma_start3A_523] : memref<6400xf32, #tpu.memory_space<vmem>> -> memref<3200xf32, #tpu.memory_space<vmem>>
    tpu.enqueue_dma source(%dma_start3A_524 : memref<3200xf32, #tpu.memory_space<vmem>>) target(%dma_start3A_522 : memref<3200xf32, #tpu.memory_space<vmem_shared>>) target_semaphore(%arg11 : memref<!tpu.dma_semaphore, #tpu.memory_space<semaphore_mem>>)
    %dma_wait3A_525 = arith.constant 3200 : i32
    %dma_wait3A_526 = tpu.memref_slice %arg9[%dma_wait3A_525] : memref<6400xf32, #tpu.memory_space<vmem>> -> memref<3200xf32, #tpu.memory_space<vmem>>
    %dma_wait3A_527 = tpu.memref_slice %arg10[%add3A_470] : memref<1280128xf32, #tpu.memory_space<vmem_shared>> -> memref<3200xf32, #tpu.memory_space<vmem_shared>>
    %dma_wait3A_528 = tpu.memref_slice %arg10[%add3A_470] : memref<1280128xf32, #tpu.memory_space<vmem_shared>> -> memref<3200xf32, #tpu.memory_space<vmem_shared>>
    %dma_wait3A_529 = arith.constant 3200 : i32
    %dma_wait3A_530 = tpu.memref_slice %arg9[%dma_wait3A_529] : memref<6400xf32, #tpu.memory_space<vmem>> -> memref<3200xf32, #tpu.memory_space<vmem>>
    tpu.wait_dma2 semaphore(%arg11 : memref<!tpu.dma_semaphore, #tpu.memory_space<semaphore_mem>>) src(%dma_wait3A_530 : memref<3200xf32, #tpu.memory_space<vmem>>) dst(%dma_wait3A_528 : memref<3200xf32, #tpu.memory_space<vmem_shared>>)
    %dma_wait3A_531 = arith.constant 0 : i32
    %dma_wait3A_532 = tpu.memref_slice %arg9[%dma_wait3A_531] : memref<6400xf32, #tpu.memory_space<vmem>> -> memref<3200xf32, #tpu.memory_space<vmem>>
    %dma_wait3A_533 = tpu.memref_slice %arg10[%add3A_486] : memref<1280128xf32, #tpu.memory_space<vmem_shared>> -> memref<3200xf32, #tpu.memory_space<vmem_shared>>
    %dma_wait3A_534 = tpu.memref_slice %arg10[%add3A_486] : memref<1280128xf32, #tpu.memory_space<vmem_shared>> -> memref<3200xf32, #tpu.memory_space<vmem_shared>>
    %dma_wait3A_535 = arith.constant 0 : i32
    %dma_wait3A_536 = tpu.memref_slice %arg9[%dma_wait3A_535] : memref<6400xf32, #tpu.memory_space<vmem>> -> memref<3200xf32, #tpu.memory_space<vmem>>
    tpu.wait_dma2 semaphore(%arg11 : memref<!tpu.dma_semaphore, #tpu.memory_space<semaphore_mem>>) src(%dma_wait3A_536 : memref<3200xf32, #tpu.memory_space<vmem>>) dst(%dma_wait3A_534 : memref<3200xf32, #tpu.memory_space<vmem_shared>>)
    %dma_wait3A_537 = arith.constant 3200 : i32
    %dma_wait3A_538 = tpu.memref_slice %arg9[%dma_wait3A_537] : memref<6400xf32, #tpu.memory_space<vmem>> -> memref<3200xf32, #tpu.memory_space<vmem>>
    %dma_wait3A_539 = tpu.memref_slice %arg10[%add3A_502] : memref<1280128xf32, #tpu.memory_space<vmem_shared>> -> memref<3200xf32, #tpu.memory_space<vmem_shared>>
    %dma_wait3A_540 = tpu.memref_slice %arg10[%add3A_502] : memref<1280128xf32, #tpu.memory_space<vmem_shared>> -> memref<3200xf32, #tpu.memory_space<vmem_shared>>
    %dma_wait3A_541 = arith.constant 3200 : i32
    %dma_wait3A_542 = tpu.memref_slice %arg9[%dma_wait3A_541] : memref<6400xf32, #tpu.memory_space<vmem>> -> memref<3200xf32, #tpu.memory_space<vmem>>
    tpu.wait_dma2 semaphore(%arg11 : memref<!tpu.dma_semaphore, #tpu.memory_space<semaphore_mem>>) src(%dma_wait3A_542 : memref<3200xf32, #tpu.memory_space<vmem>>) dst(%dma_wait3A_540 : memref<3200xf32, #tpu.memory_space<vmem_shared>>)
    %dma_wait3A_543 = arith.constant 0 : i32
    %dma_wait3A_544 = tpu.memref_slice %arg9[%dma_wait3A_543] : memref<6400xf32, #tpu.memory_space<vmem>> -> memref<3200xf32, #tpu.memory_space<vmem>>
    %dma_wait3A_545 = tpu.memref_slice %arg10[%add3A_518] : memref<1280128xf32, #tpu.memory_space<vmem_shared>> -> memref<3200xf32, #tpu.memory_space<vmem_shared>>
    %dma_wait3A_546 = tpu.memref_slice %arg10[%add3A_518] : memref<1280128xf32, #tpu.memory_space<vmem_shared>> -> memref<3200xf32, #tpu.memory_space<vmem_shared>>
    %dma_wait3A_547 = arith.constant 0 : i32
    %dma_wait3A_548 = tpu.memref_slice %arg9[%dma_wait3A_547] : memref<6400xf32, #tpu.memory_space<vmem>> -> memref<3200xf32, #tpu.memory_space<vmem>>
    tpu.wait_dma2 semaphore(%arg11 : memref<!tpu.dma_semaphore, #tpu.memory_space<semaphore_mem>>) src(%dma_wait3A_548 : memref<3200xf32, #tpu.memory_space<vmem>>) dst(%dma_wait3A_546 : memref<3200xf32, #tpu.memory_space<vmem_shared>>)
    %barrier3A = arith.constant 0 : index
    tpu.barrier barrier_id(%barrier3A)
    %scan3A_549 = arith.constant 0 : i32
    %scan3A_550 = arith.constant 0 : i32
    %scan3A_551 = arith.constant 157 : i32
    %scan3A_552 = arith.addi %scan3A_550, %scan3A_551 : i32
    %scan3A_553 = arith.constant 1 : i32
    scf.for %scan3A_2488 = %scan3A_550 to %scan3A_552 step %scan3A_553  : i32 {
      %mul3A_2489 = arith.constant 128 : i32
      %mul3A_2490 = arith.muli %scan3A_2488, %mul3A_2489 : i32
      %add3A_2491 = arith.constant 0 : i32
      %add3A_2492 = arith.addi %mul3A_2490, %add3A_2491 : i32
      %get3A = arith.index_cast %add3A_2492 : i32 to index
      %get3A_2493 = tpu.vector_load %arg5[%get3A] {strides = array<i32>} : memref<20096xi32, #tpu.memory_space<vmem>>, vector<16xi32>,
      %get3A_2494 = vector.shape_cast %get3A_2493 : vector<16xi32> to vector<16xi32>
      %sub3A = vector.broadcast %mul3A_144 : i32 to vector<16xi32>
      %sub3A_2495 = arith.subi %get3A_2494, %sub3A : vector<16xi32>
      %ge3A = arith.constant 0 : i32
      %ge3A_2496 = vector.broadcast %ge3A : i32 to vector<16xi32>
      %ge3A_2497 = arith.cmpi sge, %sub3A_2495, %ge3A_2496 : vector<16xi32>
      %lt3A = arith.constant 1280000 : i32
      %lt3A_2498 = vector.broadcast %lt3A : i32 to vector<16xi32>
      %lt3A_2499 = arith.cmpi slt, %sub3A_2495, %lt3A_2498 : vector<16xi32>
      %and3A = arith.andi %ge3A_2497, %lt3A_2499 : vector<16xi1>
      %iota3A = tpu.iota {dimensions = array<i32: 0>} : vector<16xi32>
      %add3A_2500 = arith.constant 1280000 : i32
      %add3A_2501 = vector.broadcast %add3A_2500 : i32 to vector<16xi32>
      %add3A_2502 = arith.addi %iota3A, %add3A_2501 : vector<16xi32>
      %select_n3A = arith.select %and3A, %sub3A_2495, %add3A_2502 : vector<16xi1>, vector<16xi32>
      %swap3A_2503 = arith.constant 0 : index
      %swap3A_2504 = tpu.vector_load %arg6[%swap3A_2503] {strides = array<i32>} : memref<128xi32, #tpu.memory_space<vmem>>, vector<16xi32>,
      %swap3A_2505 = vector.shape_cast %swap3A_2504 : vector<16xi32> to vector<16xi32>
      %swap3A_2506 = vector.shape_cast %select_n3A : vector<16xi32> to vector<16xi32>
      tpu.vector_store %arg6[%swap3A_2503], %swap3A_2506 {strides = array<i32>} : memref<128xi32, #tpu.memory_space<vmem>>, vector<16xi32>,
      %mul3A_2507 = arith.constant 128 : i32
      %mul3A_2508 = arith.muli %scan3A_2488, %mul3A_2507 : i32
      %add3A_2509 = arith.constant 16 : i32
      %add3A_2510 = arith.addi %mul3A_2508, %add3A_2509 : i32
      %get3A_2511 = arith.index_cast %add3A_2510 : i32 to index
      %get3A_2512 = tpu.vector_load %arg5[%get3A_2511] {strides = array<i32>} : memref<20096xi32, #tpu.memory_space<vmem>>, vector<16xi32>,
      %get3A_2513 = vector.shape_cast %get3A_2512 : vector<16xi32> to vector<16xi32>
      %sub3A_2514 = vector.broadcast %mul3A_144 : i32 to vector<16xi32>
      %sub3A_2515 = arith.subi %get3A_2513, %sub3A_2514 : vector<16xi32>
      %ge3A_2516 = arith.constant 0 : i32
      %ge3A_2517 = vector.broadcast %ge3A_2516 : i32 to vector<16xi32>
      %ge3A_2518 = arith.cmpi sge, %sub3A_2515, %ge3A_2517 : vector<16xi32>
      %lt3A_2519 = arith.constant 1280000 : i32
      %lt3A_2520 = vector.broadcast %lt3A_2519 : i32 to vector<16xi32>
      %lt3A_2521 = arith.cmpi slt, %sub3A_2515, %lt3A_2520 : vector<16xi32>
      %and3A_2522 = arith.andi %ge3A_2518, %lt3A_2521 : vector<16xi1>
      %iota3A_2523 = tpu.iota {dimensions = array<i32: 0>} : vector<16xi32>
      %add3A_2524 = arith.constant 1280016 : i32
      %add3A_2525 = vector.broadcast %add3A_2524 : i32 to vector<16xi32>
      %add3A_2526 = arith.addi %iota3A_2523, %add3A_2525 : vector<16xi32>
      %select_n3A_2527 = arith.select %and3A_2522, %sub3A_2515, %add3A_2526 : vector<16xi1>, vector<16xi32>
      %swap3A_2528 = arith.constant 16 : index
      %swap3A_2529 = tpu.vector_load %arg6[%swap3A_2528] {strides = array<i32>} : memref<128xi32, #tpu.memory_space<vmem>>, vector<16xi32>,
      %swap3A_2530 = vector.shape_cast %swap3A_2529 : vector<16xi32> to vector<16xi32>
      %swap3A_2531 = vector.shape_cast %select_n3A_2527 : vector<16xi32> to vector<16xi32>
      tpu.vector_store %arg6[%swap3A_2528], %swap3A_2531 {strides = array<i32>} : memref<128xi32, #tpu.memory_space<vmem>>, vector<16xi32>,
      %mul3A_2532 = arith.constant 128 : i32
      %mul3A_2533 = arith.muli %scan3A_2488, %mul3A_2532 : i32
      %add3A_2534 = arith.constant 32 : i32
      %add3A_2535 = arith.addi %mul3A_2533, %add3A_2534 : i32
      %get3A_2536 = arith.index_cast %add3A_2535 : i32 to index
      %get3A_2537 = tpu.vector_load %arg5[%get3A_2536] {strides = array<i32>} : memref<20096xi32, #tpu.memory_space<vmem>>, vector<16xi32>,
      %get3A_2538 = vector.shape_cast %get3A_2537 : vector<16xi32> to vector<16xi32>
      %sub3A_2539 = vector.broadcast %mul3A_144 : i32 to vector<16xi32>
      %sub3A_2540 = arith.subi %get3A_2538, %sub3A_2539 : vector<16xi32>
      %ge3A_2541 = arith.constant 0 : i32
      %ge3A_2542 = vector.broadcast %ge3A_2541 : i32 to vector<16xi32>
      %ge3A_2543 = arith.cmpi sge, %sub3A_2540, %ge3A_2542 : vector<16xi32>
      %lt3A_2544 = arith.constant 1280000 : i32
      %lt3A_2545 = vector.broadcast %lt3A_2544 : i32 to vector<16xi32>
      %lt3A_2546 = arith.cmpi slt, %sub3A_2540, %lt3A_2545 : vector<16xi32>
      %and3A_2547 = arith.andi %ge3A_2543, %lt3A_2546 : vector<16xi1>
      %iota3A_2548 = tpu.iota {dimensions = array<i32: 0>} : vector<16xi32>
      %add3A_2549 = arith.constant 1280032 : i32
      %add3A_2550 = vector.broadcast %add3A_2549 : i32 to vector<16xi32>
      %add3A_2551 = arith.addi %iota3A_2548, %add3A_2550 : vector<16xi32>
      %select_n3A_2552 = arith.select %and3A_2547, %sub3A_2540, %add3A_2551 : vector<16xi1>, vector<16xi32>
      %swap3A_2553 = arith.constant 32 : index
      %swap3A_2554 = tpu.vector_load %arg6[%swap3A_2553] {strides = array<i32>} : memref<128xi32, #tpu.memory_space<vmem>>, vector<16xi32>,
      %swap3A_2555 = vector.shape_cast %swap3A_2554 : vector<16xi32> to vector<16xi32>
      %swap3A_2556 = vector.shape_cast %select_n3A_2552 : vector<16xi32> to vector<16xi32>
      tpu.vector_store %arg6[%swap3A_2553], %swap3A_2556 {strides = array<i32>} : memref<128xi32, #tpu.memory_space<vmem>>, vector<16xi32>,
      %mul3A_2557 = arith.constant 128 : i32
      %mul3A_2558 = arith.muli %scan3A_2488, %mul3A_2557 : i32
      %add3A_2559 = arith.constant 48 : i32
      %add3A_2560 = arith.addi %mul3A_2558, %add3A_2559 : i32
      %get3A_2561 = arith.index_cast %add3A_2560 : i32 to index
      %get3A_2562 = tpu.vector_load %arg5[%get3A_2561] {strides = array<i32>} : memref<20096xi32, #tpu.memory_space<vmem>>, vector<16xi32>,
      %get3A_2563 = vector.shape_cast %get3A_2562 : vector<16xi32> to vector<16xi32>
      %sub3A_2564 = vector.broadcast %mul3A_144 : i32 to vector<16xi32>
      %sub3A_2565 = arith.subi %get3A_2563, %sub3A_2564 : vector<16xi32>
      %ge3A_2566 = arith.constant 0 : i32
      %ge3A_2567 = vector.broadcast %ge3A_2566 : i32 to vector<16xi32>
      %ge3A_2568 = arith.cmpi sge, %sub3A_2565, %ge3A_2567 : vector<16xi32>
      %lt3A_2569 = arith.constant 1280000 : i32
      %lt3A_2570 = vector.broadcast %lt3A_2569 : i32 to vector<16xi32>
      %lt3A_2571 = arith.cmpi slt, %sub3A_2565, %lt3A_2570 : vector<16xi32>
      %and3A_2572 = arith.andi %ge3A_2568, %lt3A_2571 : vector<16xi1>
      %iota3A_2573 = tpu.iota {dimensions = array<i32: 0>} : vector<16xi32>
      %add3A_2574 = arith.constant 1280048 : i32
      %add3A_2575 = vector.broadcast %add3A_2574 : i32 to vector<16xi32>
      %add3A_2576 = arith.addi %iota3A_2573, %add3A_2575 : vector<16xi32>
      %select_n3A_2577 = arith.select %and3A_2572, %sub3A_2565, %add3A_2576 : vector<16xi1>, vector<16xi32>
      %swap3A_2578 = arith.constant 48 : index
      %swap3A_2579 = tpu.vector_load %arg6[%swap3A_2578] {strides = array<i32>} : memref<128xi32, #tpu.memory_space<vmem>>, vector<16xi32>,
      %swap3A_2580 = vector.shape_cast %swap3A_2579 : vector<16xi32> to vector<16xi32>
      %swap3A_2581 = vector.shape_cast %select_n3A_2577 : vector<16xi32> to vector<16xi32>
      tpu.vector_store %arg6[%swap3A_2578], %swap3A_2581 {strides = array<i32>} : memref<128xi32, #tpu.memory_space<vmem>>, vector<16xi32>,
      %mul3A_2582 = arith.constant 128 : i32
      %mul3A_2583 = arith.muli %scan3A_2488, %mul3A_2582 : i32
      %add3A_2584 = arith.constant 64 : i32
      %add3A_2585 = arith.addi %mul3A_2583, %add3A_2584 : i32
      %get3A_2586 = arith.index_cast %add3A_2585 : i32 to index
      %get3A_2587 = tpu.vector_load %arg5[%get3A_2586] {strides = array<i32>} : memref<20096xi32, #tpu.memory_space<vmem>>, vector<16xi32>,
      %get3A_2588 = vector.shape_cast %get3A_2587 : vector<16xi32> to vector<16xi32>
      %sub3A_2589 = vector.broadcast %mul3A_144 : i32 to vector<16xi32>
      %sub3A_2590 = arith.subi %get3A_2588, %sub3A_2589 : vector<16xi32>
      %ge3A_2591 = arith.constant 0 : i32
      %ge3A_2592 = vector.broadcast %ge3A_2591 : i32 to vector<16xi32>
      %ge3A_2593 = arith.cmpi sge, %sub3A_2590, %ge3A_2592 : vector<16xi32>
      %lt3A_2594 = arith.constant 1280000 : i32
      %lt3A_2595 = vector.broadcast %lt3A_2594 : i32 to vector<16xi32>
      %lt3A_2596 = arith.cmpi slt, %sub3A_2590, %lt3A_2595 : vector<16xi32>
      %and3A_2597 = arith.andi %ge3A_2593, %lt3A_2596 : vector<16xi1>
      %iota3A_2598 = tpu.iota {dimensions = array<i32: 0>} : vector<16xi32>
      %add3A_2599 = arith.constant 1280064 : i32
      %add3A_2600 = vector.broadcast %add3A_2599 : i32 to vector<16xi32>
      %add3A_2601 = arith.addi %iota3A_2598, %add3A_2600 : vector<16xi32>
      %select_n3A_2602 = arith.select %and3A_2597, %sub3A_2590, %add3A_2601 : vector<16xi1>, vector<16xi32>
      %swap3A_2603 = arith.constant 64 : index
      %swap3A_2604 = tpu.vector_load %arg6[%swap3A_2603] {strides = array<i32>} : memref<128xi32, #tpu.memory_space<vmem>>, vector<16xi32>,
      %swap3A_2605 = vector.shape_cast %swap3A_2604 : vector<16xi32> to vector<16xi32>
      %swap3A_2606 = vector.shape_cast %select_n3A_2602 : vector<16xi32> to vector<16xi32>
      tpu.vector_store %arg6[%swap3A_2603], %swap3A_2606 {strides = array<i32>} : memref<128xi32, #tpu.memory_space<vmem>>, vector<16xi32>,
      %mul3A_2607 = arith.constant 128 : i32
      %mul3A_2608 = arith.muli %scan3A_2488, %mul3A_2607 : i32
      %add3A_2609 = arith.constant 80 : i32
      %add3A_2610 = arith.addi %mul3A_2608, %add3A_2609 : i32
      %get3A_2611 = arith.index_cast %add3A_2610 : i32 to index
      %get3A_2612 = tpu.vector_load %arg5[%get3A_2611] {strides = array<i32>} : memref<20096xi32, #tpu.memory_space<vmem>>, vector<16xi32>,
      %get3A_2613 = vector.shape_cast %get3A_2612 : vector<16xi32> to vector<16xi32>
      %sub3A_2614 = vector.broadcast %mul3A_144 : i32 to vector<16xi32>
      %sub3A_2615 = arith.subi %get3A_2613, %sub3A_2614 : vector<16xi32>
      %ge3A_2616 = arith.constant 0 : i32
      %ge3A_2617 = vector.broadcast %ge3A_2616 : i32 to vector<16xi32>
      %ge3A_2618 = arith.cmpi sge, %sub3A_2615, %ge3A_2617 : vector<16xi32>
      %lt3A_2619 = arith.constant 1280000 : i32
      %lt3A_2620 = vector.broadcast %lt3A_2619 : i32 to vector<16xi32>
      %lt3A_2621 = arith.cmpi slt, %sub3A_2615, %lt3A_2620 : vector<16xi32>
      %and3A_2622 = arith.andi %ge3A_2618, %lt3A_2621 : vector<16xi1>
      %iota3A_2623 = tpu.iota {dimensions = array<i32: 0>} : vector<16xi32>
      %add3A_2624 = arith.constant 1280080 : i32
      %add3A_2625 = vector.broadcast %add3A_2624 : i32 to vector<16xi32>
      %add3A_2626 = arith.addi %iota3A_2623, %add3A_2625 : vector<16xi32>
      %select_n3A_2627 = arith.select %and3A_2622, %sub3A_2615, %add3A_2626 : vector<16xi1>, vector<16xi32>
      %swap3A_2628 = arith.constant 80 : index
      %swap3A_2629 = tpu.vector_load %arg6[%swap3A_2628] {strides = array<i32>} : memref<128xi32, #tpu.memory_space<vmem>>, vector<16xi32>,
      %swap3A_2630 = vector.shape_cast %swap3A_2629 : vector<16xi32> to vector<16xi32>
      %swap3A_2631 = vector.shape_cast %select_n3A_2627 : vector<16xi32> to vector<16xi32>
      tpu.vector_store %arg6[%swap3A_2628], %swap3A_2631 {strides = array<i32>} : memref<128xi32, #tpu.memory_space<vmem>>, vector<16xi32>,
      %mul3A_2632 = arith.constant 128 : i32
      %mul3A_2633 = arith.muli %scan3A_2488, %mul3A_2632 : i32
      %add3A_2634 = arith.constant 96 : i32
      %add3A_2635 = arith.addi %mul3A_2633, %add3A_2634 : i32
      %get3A_2636 = arith.index_cast %add3A_2635 : i32 to index
      %get3A_2637 = tpu.vector_load %arg5[%get3A_2636] {strides = array<i32>} : memref<20096xi32, #tpu.memory_space<vmem>>, vector<16xi32>,
      %get3A_2638 = vector.shape_cast %get3A_2637 : vector<16xi32> to vector<16xi32>
      %sub3A_2639 = vector.broadcast %mul3A_144 : i32 to vector<16xi32>
      %sub3A_2640 = arith.subi %get3A_2638, %sub3A_2639 : vector<16xi32>
      %ge3A_2641 = arith.constant 0 : i32
      %ge3A_2642 = vector.broadcast %ge3A_2641 : i32 to vector<16xi32>
      %ge3A_2643 = arith.cmpi sge, %sub3A_2640, %ge3A_2642 : vector<16xi32>
      %lt3A_2644 = arith.constant 1280000 : i32
      %lt3A_2645 = vector.broadcast %lt3A_2644 : i32 to vector<16xi32>
      %lt3A_2646 = arith.cmpi slt, %sub3A_2640, %lt3A_2645 : vector<16xi32>
      %and3A_2647 = arith.andi %ge3A_2643, %lt3A_2646 : vector<16xi1>
      %iota3A_2648 = tpu.iota {dimensions = array<i32: 0>} : vector<16xi32>
      %add3A_2649 = arith.constant 1280096 : i32
      %add3A_2650 = vector.broadcast %add3A_2649 : i32 to vector<16xi32>
      %add3A_2651 = arith.addi %iota3A_2648, %add3A_2650 : vector<16xi32>
      %select_n3A_2652 = arith.select %and3A_2647, %sub3A_2640, %add3A_2651 : vector<16xi1>, vector<16xi32>
      %swap3A_2653 = arith.constant 96 : index
      %swap3A_2654 = tpu.vector_load %arg6[%swap3A_2653] {strides = array<i32>} : memref<128xi32, #tpu.memory_space<vmem>>, vector<16xi32>,
      %swap3A_2655 = vector.shape_cast %swap3A_2654 : vector<16xi32> to vector<16xi32>
      %swap3A_2656 = vector.shape_cast %select_n3A_2652 : vector<16xi32> to vector<16xi32>
      tpu.vector_store %arg6[%swap3A_2653], %swap3A_2656 {strides = array<i32>} : memref<128xi32, #tpu.memory_space<vmem>>, vector<16xi32>,
      %mul3A_2657 = arith.constant 128 : i32
      %mul3A_2658 = arith.muli %scan3A_2488, %mul3A_2657 : i32
      %add3A_2659 = arith.constant 112 : i32
      %add3A_2660 = arith.addi %mul3A_2658, %add3A_2659 : i32
      %get3A_2661 = arith.index_cast %add3A_2660 : i32 to index
      %get3A_2662 = tpu.vector_load %arg5[%get3A_2661] {strides = array<i32>} : memref<20096xi32, #tpu.memory_space<vmem>>, vector<16xi32>,
      %get3A_2663 = vector.shape_cast %get3A_2662 : vector<16xi32> to vector<16xi32>
      %sub3A_2664 = vector.broadcast %mul3A_144 : i32 to vector<16xi32>
      %sub3A_2665 = arith.subi %get3A_2663, %sub3A_2664 : vector<16xi32>
      %ge3A_2666 = arith.constant 0 : i32
      %ge3A_2667 = vector.broadcast %ge3A_2666 : i32 to vector<16xi32>
      %ge3A_2668 = arith.cmpi sge, %sub3A_2665, %ge3A_2667 : vector<16xi32>
      %lt3A_2669 = arith.constant 1280000 : i32
      %lt3A_2670 = vector.broadcast %lt3A_2669 : i32 to vector<16xi32>
      %lt3A_2671 = arith.cmpi slt, %sub3A_2665, %lt3A_2670 : vector<16xi32>
      %and3A_2672 = arith.andi %ge3A_2668, %lt3A_2671 : vector<16xi1>
      %iota3A_2673 = tpu.iota {dimensions = array<i32: 0>} : vector<16xi32>
      %add3A_2674 = arith.constant 1280112 : i32
      %add3A_2675 = vector.broadcast %add3A_2674 : i32 to vector<16xi32>
      %add3A_2676 = arith.addi %iota3A_2673, %add3A_2675 : vector<16xi32>
      %select_n3A_2677 = arith.select %and3A_2672, %sub3A_2665, %add3A_2676 : vector<16xi1>, vector<16xi32>
      %swap3A_2678 = arith.constant 112 : index
      %swap3A_2679 = tpu.vector_load %arg6[%swap3A_2678] {strides = array<i32>} : memref<128xi32, #tpu.memory_space<vmem>>, vector<16xi32>,
      %swap3A_2680 = vector.shape_cast %swap3A_2679 : vector<16xi32> to vector<16xi32>
      %swap3A_2681 = vector.shape_cast %select_n3A_2677 : vector<16xi32> to vector<16xi32>
      tpu.vector_store %arg6[%swap3A_2678], %swap3A_2681 {strides = array<i32>} : memref<128xi32, #tpu.memory_space<vmem>>, vector<16xi32>,
      "tpu.region"() ({
        %run_scoped3A = tpu.sem_alloc : memref<!tpu.dma_semaphore, #tpu.memory_space<semaphore_mem>>
        %dma_start3A_2682 = arith.constant 0 : i32
        %dma_start3A_2683 = tpu.memref_slice %arg10[%dma_start3A_2682] : memref<1280128xf32, #tpu.memory_space<vmem_shared>> -> memref<1280128xf32, #tpu.memory_space<vmem_shared>>
        tpu.enqueue_indirect_dma source(%arg8 : memref<128xf32, #tpu.memory_space<vmem>>) target(%dma_start3A_2683 : memref<1280128xf32, #tpu.memory_space<vmem_shared>>) offsets(%arg6 : memref<128xi32, #tpu.memory_space<vmem>>) semaphore(%run_scoped3A : memref<!tpu.dma_semaphore, #tpu.memory_space<semaphore_mem>>) {add = true}
        %dma_wait3A_2684 = arith.constant 0 : i32
        %dma_wait3A_2685 = tpu.memref_slice %arg10[%dma_wait3A_2684] : memref<1280128xf32, #tpu.memory_space<vmem_shared>> -> memref<1280128xf32, #tpu.memory_space<vmem_shared>>
        tpu.wait_indirect_dma semaphore(%run_scoped3A : memref<!tpu.dma_semaphore, #tpu.memory_space<semaphore_mem>>) src(%arg8 : memref<128xf32, #tpu.memory_space<vmem>>) dst(%dma_wait3A_2685 : memref<1280128xf32, #tpu.memory_space<vmem_shared>>)
        tpu.yield
      }) : () -> ()
    }
    %scan3A_554 = arith.constant 157 : i32
    %barrier3A_555 = arith.constant 0 : index
    tpu.barrier barrier_id(%barrier3A_555)
    %mul3A_556 = arith.constant 1280000 : i32
    %mul3A_557 = arith.muli %add3A_142, %mul3A_556 : i32
    %mul3A_558 = arith.constant 80000 : i32
    %mul3A_559 = arith.muli %arg1, %mul3A_558 : i32
    %add3A_560 = arith.addi %mul3A_557, %mul3A_559 : i32
    %mul3A_561 = arith.constant 80000 : i32
    %mul3A_562 = arith.muli %arg1, %mul3A_561 : i32
    %add3A_563 = arith.constant 0 : i32
    %add3A_564 = arith.addi %mul3A_562, %add3A_563 : i32
    %dma_start3A_565 = arith.constant 0 : i32
    %dma_start3A_566 = tpu.memref_slice %arg9[%dma_start3A_565] : memref<6400xf32, #tpu.memory_space<vmem>> -> memref<3200xf32, #tpu.memory_space<vmem>>
    %dma_start3A_567 = tpu.memref_slice %arg10[%add3A_564] : memref<1280128xf32, #tpu.memory_space<vmem_shared>> -> memref<3200xf32, #tpu.memory_space<vmem_shared>>
    %dma_start3A_568 = arith.constant 0 : i32
    %dma_start3A_569 = tpu.memref_slice %arg9[%dma_start3A_568] : memref<6400xf32, #tpu.memory_space<vmem>> -> memref<3200xf32, #tpu.memory_space<vmem>>
    %dma_start3A_570 = tpu.memref_slice %arg10[%add3A_564] : memref<1280128xf32, #tpu.memory_space<vmem_shared>> -> memref<3200xf32, #tpu.memory_space<vmem_shared>>
    tpu.enqueue_dma source(%dma_start3A_570 : memref<3200xf32, #tpu.memory_space<vmem_shared>>) target(%dma_start3A_569 : memref<3200xf32, #tpu.memory_space<vmem>>) target_semaphore(%arg11 : memref<!tpu.dma_semaphore, #tpu.memory_space<semaphore_mem>>)
    %dma_wait3A_571 = arith.constant 0 : i32
    %dma_wait3A_572 = tpu.memref_slice %arg9[%dma_wait3A_571] : memref<6400xf32, #tpu.memory_space<vmem>> -> memref<3200xf32, #tpu.memory_space<vmem>>
    %dma_wait3A_573 = tpu.memref_slice %arg10[%add3A_564] : memref<1280128xf32, #tpu.memory_space<vmem_shared>> -> memref<3200xf32, #tpu.memory_space<vmem_shared>>
    %dma_wait3A_574 = arith.constant 0 : i32
    %dma_wait3A_575 = tpu.memref_slice %arg9[%dma_wait3A_574] : memref<6400xf32, #tpu.memory_space<vmem>> -> memref<3200xf32, #tpu.memory_space<vmem>>
    %dma_wait3A_576 = tpu.memref_slice %arg10[%add3A_564] : memref<1280128xf32, #tpu.memory_space<vmem_shared>> -> memref<3200xf32, #tpu.memory_space<vmem_shared>>
    tpu.wait_dma2 semaphore(%arg11 : memref<!tpu.dma_semaphore, #tpu.memory_space<semaphore_mem>>) src(%dma_wait3A_576 : memref<3200xf32, #tpu.memory_space<vmem_shared>>) dst(%dma_wait3A_575 : memref<3200xf32, #tpu.memory_space<vmem>>)
    %add3A_577 = arith.constant 0 : i32
    %add3A_578 = arith.addi %add3A_560, %add3A_577 : i32
    %dma_start3A_579 = arith.constant 0 : i32
    %dma_start3A_580 = tpu.memref_slice %arg9[%dma_start3A_579] : memref<6400xf32, #tpu.memory_space<vmem>> -> memref<3200xf32, #tpu.memory_space<vmem>>
    %dma_start3A_581 = tpu.memref_slice %arg4[%add3A_578] : memref<5120000xf32, #tpu.memory_space<hbm>> -> memref<3200xf32, #tpu.memory_space<hbm>>
    %dma_start3A_582 = tpu.memref_slice %arg4[%add3A_578] : memref<5120000xf32, #tpu.memory_space<hbm>> -> memref<3200xf32, #tpu.memory_space<hbm>>
    %dma_start3A_583 = arith.constant 0 : i32
    %dma_start3A_584 = tpu.memref_slice %arg9[%dma_start3A_583] : memref<6400xf32, #tpu.memory_space<vmem>> -> memref<3200xf32, #tpu.memory_space<vmem>>
    tpu.enqueue_dma source(%dma_start3A_584 : memref<3200xf32, #tpu.memory_space<vmem>>) target(%dma_start3A_582 : memref<3200xf32, #tpu.memory_space<hbm>>) target_semaphore(%arg12 : memref<!tpu.dma_semaphore, #tpu.memory_space<semaphore_mem>>)
    %mul3A_585 = arith.constant 80000 : i32
    %mul3A_586 = arith.muli %arg1, %mul3A_585 : i32
    %add3A_587 = arith.constant 3200 : i32
    %add3A_588 = arith.addi %mul3A_586, %add3A_587 : i32
    %dma_start3A_589 = arith.constant 3200 : i32
    %dma_start3A_590 = tpu.memref_slice %arg9[%dma_start3A_589] : memref<6400xf32, #tpu.memory_space<vmem>> -> memref<3200xf32, #tpu.memory_space<vmem>>
    %dma_start3A_591 = tpu.memref_slice %arg10[%add3A_588] : memref<1280128xf32, #tpu.memory_space<vmem_shared>> -> memref<3200xf32, #tpu.memory_space<vmem_shared>>
    %dma_start3A_592 = arith.constant 3200 : i32
    %dma_start3A_593 = tpu.memref_slice %arg9[%dma_start3A_592] : memref<6400xf32, #tpu.memory_space<vmem>> -> memref<3200xf32, #tpu.memory_space<vmem>>
    %dma_start3A_594 = tpu.memref_slice %arg10[%add3A_588] : memref<1280128xf32, #tpu.memory_space<vmem_shared>> -> memref<3200xf32, #tpu.memory_space<vmem_shared>>
    tpu.enqueue_dma source(%dma_start3A_594 : memref<3200xf32, #tpu.memory_space<vmem_shared>>) target(%dma_start3A_593 : memref<3200xf32, #tpu.memory_space<vmem>>) target_semaphore(%arg11 : memref<!tpu.dma_semaphore, #tpu.memory_space<semaphore_mem>>)
    %dma_wait3A_595 = arith.constant 3200 : i32
    %dma_wait3A_596 = tpu.memref_slice %arg9[%dma_wait3A_595] : memref<6400xf32, #tpu.memory_space<vmem>> -> memref<3200xf32, #tpu.memory_space<vmem>>
    %dma_wait3A_597 = tpu.memref_slice %arg10[%add3A_588] : memref<1280128xf32, #tpu.memory_space<vmem_shared>> -> memref<3200xf32, #tpu.memory_space<vmem_shared>>
    %dma_wait3A_598 = arith.constant 3200 : i32
    %dma_wait3A_599 = tpu.memref_slice %arg9[%dma_wait3A_598] : memref<6400xf32, #tpu.memory_space<vmem>> -> memref<3200xf32, #tpu.memory_space<vmem>>
    %dma_wait3A_600 = tpu.memref_slice %arg10[%add3A_588] : memref<1280128xf32, #tpu.memory_space<vmem_shared>> -> memref<3200xf32, #tpu.memory_space<vmem_shared>>
    tpu.wait_dma2 semaphore(%arg11 : memref<!tpu.dma_semaphore, #tpu.memory_space<semaphore_mem>>) src(%dma_wait3A_600 : memref<3200xf32, #tpu.memory_space<vmem_shared>>) dst(%dma_wait3A_599 : memref<3200xf32, #tpu.memory_space<vmem>>)
    %add3A_601 = arith.constant 3200 : i32
    %add3A_602 = arith.addi %add3A_560, %add3A_601 : i32
    %dma_start3A_603 = arith.constant 3200 : i32
    %dma_start3A_604 = tpu.memref_slice %arg9[%dma_start3A_603] : memref<6400xf32, #tpu.memory_space<vmem>> -> memref<3200xf32, #tpu.memory_space<vmem>>
    %dma_start3A_605 = tpu.memref_slice %arg4[%add3A_602] : memref<5120000xf32, #tpu.memory_space<hbm>> -> memref<3200xf32, #tpu.memory_space<hbm>>
    %dma_start3A_606 = tpu.memref_slice %arg4[%add3A_602] : memref<5120000xf32, #tpu.memory_space<hbm>> -> memref<3200xf32, #tpu.memory_space<hbm>>
    %dma_start3A_607 = arith.constant 3200 : i32
    %dma_start3A_608 = tpu.memref_slice %arg9[%dma_start3A_607] : memref<6400xf32, #tpu.memory_space<vmem>> -> memref<3200xf32, #tpu.memory_space<vmem>>
    tpu.enqueue_dma source(%dma_start3A_608 : memref<3200xf32, #tpu.memory_space<vmem>>) target(%dma_start3A_606 : memref<3200xf32, #tpu.memory_space<hbm>>) target_semaphore(%arg12 : memref<!tpu.dma_semaphore, #tpu.memory_space<semaphore_mem>>)
    %dma_wait3A_609 = arith.constant 0 : i32
    %dma_wait3A_610 = tpu.memref_slice %arg9[%dma_wait3A_609] : memref<6400xf32, #tpu.memory_space<vmem>> -> memref<3200xf32, #tpu.memory_space<vmem>>
    %dma_wait3A_611 = tpu.memref_slice %arg4[%add3A_578] : memref<5120000xf32, #tpu.memory_space<hbm>> -> memref<3200xf32, #tpu.memory_space<hbm>>
    %dma_wait3A_612 = tpu.memref_slice %arg4[%add3A_578] : memref<5120000xf32, #tpu.memory_space<hbm>> -> memref<3200xf32, #tpu.memory_space<hbm>>
    %dma_wait3A_613 = arith.constant 0 : i32
    %dma_wait3A_614 = tpu.memref_slice %arg9[%dma_wait3A_613] : memref<6400xf32, #tpu.memory_space<vmem>> -> memref<3200xf32, #tpu.memory_space<vmem>>
    tpu.wait_dma2 semaphore(%arg12 : memref<!tpu.dma_semaphore, #tpu.memory_space<semaphore_mem>>) src(%dma_wait3A_614 : memref<3200xf32, #tpu.memory_space<vmem>>) dst(%dma_wait3A_612 : memref<3200xf32, #tpu.memory_space<hbm>>)
    %mul3A_615 = arith.constant 80000 : i32
    %mul3A_616 = arith.muli %arg1, %mul3A_615 : i32
    %add3A_617 = arith.constant 6400 : i32
    %add3A_618 = arith.addi %mul3A_616, %add3A_617 : i32
    %dma_start3A_619 = arith.constant 0 : i32
    %dma_start3A_620 = tpu.memref_slice %arg9[%dma_start3A_619] : memref<6400xf32, #tpu.memory_space<vmem>> -> memref<3200xf32, #tpu.memory_space<vmem>>
    %dma_start3A_621 = tpu.memref_slice %arg10[%add3A_618] : memref<1280128xf32, #tpu.memory_space<vmem_shared>> -> memref<3200xf32, #tpu.memory_space<vmem_shared>>
    %dma_start3A_622 = arith.constant 0 : i32
    %dma_start3A_623 = tpu.memref_slice %arg9[%dma_start3A_622] : memref<6400xf32, #tpu.memory_space<vmem>> -> memref<3200xf32, #tpu.memory_space<vmem>>
    %dma_start3A_624 = tpu.memref_slice %arg10[%add3A_618] : memref<1280128xf32, #tpu.memory_space<vmem_shared>> -> memref<3200xf32, #tpu.memory_space<vmem_shared>>
    tpu.enqueue_dma source(%dma_start3A_624 : memref<3200xf32, #tpu.memory_space<vmem_shared>>) target(%dma_start3A_623 : memref<3200xf32, #tpu.memory_space<vmem>>) target_semaphore(%arg11 : memref<!tpu.dma_semaphore, #tpu.memory_space<semaphore_mem>>)
    %dma_wait3A_625 = arith.constant 0 : i32
    %dma_wait3A_626 = tpu.memref_slice %arg9[%dma_wait3A_625] : memref<6400xf32, #tpu.memory_space<vmem>> -> memref<3200xf32, #tpu.memory_space<vmem>>
    %dma_wait3A_627 = tpu.memref_slice %arg10[%add3A_618] : memref<1280128xf32, #tpu.memory_space<vmem_shared>> -> memref<3200xf32, #tpu.memory_space<vmem_shared>>
    %dma_wait3A_628 = arith.constant 0 : i32
    %dma_wait3A_629 = tpu.memref_slice %arg9[%dma_wait3A_628] : memref<6400xf32, #tpu.memory_space<vmem>> -> memref<3200xf32, #tpu.memory_space<vmem>>
    %dma_wait3A_630 = tpu.memref_slice %arg10[%add3A_618] : memref<1280128xf32, #tpu.memory_space<vmem_shared>> -> memref<3200xf32, #tpu.memory_space<vmem_shared>>
    tpu.wait_dma2 semaphore(%arg11 : memref<!tpu.dma_semaphore, #tpu.memory_space<semaphore_mem>>) src(%dma_wait3A_630 : memref<3200xf32, #tpu.memory_space<vmem_shared>>) dst(%dma_wait3A_629 : memref<3200xf32, #tpu.memory_space<vmem>>)
    %add3A_631 = arith.constant 6400 : i32
    %add3A_632 = arith.addi %add3A_560, %add3A_631 : i32
    %dma_start3A_633 = arith.constant 0 : i32
    %dma_start3A_634 = tpu.memref_slice %arg9[%dma_start3A_633] : memref<6400xf32, #tpu.memory_space<vmem>> -> memref<3200xf32, #tpu.memory_space<vmem>>
    %dma_start3A_635 = tpu.memref_slice %arg4[%add3A_632] : memref<5120000xf32, #tpu.memory_space<hbm>> -> memref<3200xf32, #tpu.memory_space<hbm>>
    %dma_start3A_636 = tpu.memref_slice %arg4[%add3A_632] : memref<5120000xf32, #tpu.memory_space<hbm>> -> memref<3200xf32, #tpu.memory_space<hbm>>
    %dma_start3A_637 = arith.constant 0 : i32
    %dma_start3A_638 = tpu.memref_slice %arg9[%dma_start3A_637] : memref<6400xf32, #tpu.memory_space<vmem>> -> memref<3200xf32, #tpu.memory_space<vmem>>
    tpu.enqueue_dma source(%dma_start3A_638 : memref<3200xf32, #tpu.memory_space<vmem>>) target(%dma_start3A_636 : memref<3200xf32, #tpu.memory_space<hbm>>) target_semaphore(%arg12 : memref<!tpu.dma_semaphore, #tpu.memory_space<semaphore_mem>>)
    %dma_wait3A_639 = arith.constant 3200 : i32
    %dma_wait3A_640 = tpu.memref_slice %arg9[%dma_wait3A_639] : memref<6400xf32, #tpu.memory_space<vmem>> -> memref<3200xf32, #tpu.memory_space<vmem>>
    %dma_wait3A_641 = tpu.memref_slice %arg4[%add3A_602] : memref<5120000xf32, #tpu.memory_space<hbm>> -> memref<3200xf32, #tpu.memory_space<hbm>>
    %dma_wait3A_642 = tpu.memref_slice %arg4[%add3A_602] : memref<5120000xf32, #tpu.memory_space<hbm>> -> memref<3200xf32, #tpu.memory_space<hbm>>
    %dma_wait3A_643 = arith.constant 3200 : i32
    %dma_wait3A_644 = tpu.memref_slice %arg9[%dma_wait3A_643] : memref<6400xf32, #tpu.memory_space<vmem>> -> memref<3200xf32, #tpu.memory_space<vmem>>
    tpu.wait_dma2 semaphore(%arg12 : memref<!tpu.dma_semaphore, #tpu.memory_space<semaphore_mem>>) src(%dma_wait3A_644 : memref<3200xf32, #tpu.memory_space<vmem>>) dst(%dma_wait3A_642 : memref<3200xf32, #tpu.memory_space<hbm>>)
    %mul3A_645 = arith.constant 80000 : i32
    %mul3A_646 = arith.muli %arg1, %mul3A_645 : i32
    %add3A_647 = arith.constant 9600 : i32
    %add3A_648 = arith.addi %mul3A_646, %add3A_647 : i32
    %dma_start3A_649 = arith.constant 3200 : i32
    %dma_start3A_650 = tpu.memref_slice %arg9[%dma_start3A_649] : memref<6400xf32, #tpu.memory_space<vmem>> -> memref<3200xf32, #tpu.memory_space<vmem>>
    %dma_start3A_651 = tpu.memref_slice %arg10[%add3A_648] : memref<1280128xf32, #tpu.memory_space<vmem_shared>> -> memref<3200xf32, #tpu.memory_space<vmem_shared>>
    %dma_start3A_652 = arith.constant 3200 : i32
    %dma_start3A_653 = tpu.memref_slice %arg9[%dma_start3A_652] : memref<6400xf32, #tpu.memory_space<vmem>> -> memref<3200xf32, #tpu.memory_space<vmem>>
    %dma_start3A_654 = tpu.memref_slice %arg10[%add3A_648] : memref<1280128xf32, #tpu.memory_space<vmem_shared>> -> memref<3200xf32, #tpu.memory_space<vmem_shared>>
    tpu.enqueue_dma source(%dma_start3A_654 : memref<3200xf32, #tpu.memory_space<vmem_shared>>) target(%dma_start3A_653 : memref<3200xf32, #tpu.memory_space<vmem>>) target_semaphore(%arg11 : memref<!tpu.dma_semaphore, #tpu.memory_space<semaphore_mem>>)
    %dma_wait3A_655 = arith.constant 3200 : i32
    %dma_wait3A_656 = tpu.memref_slice %arg9[%dma_wait3A_655] : memref<6400xf32, #tpu.memory_space<vmem>> -> memref<3200xf32, #tpu.memory_space<vmem>>
    %dma_wait3A_657 = tpu.memref_slice %arg10[%add3A_648] : memref<1280128xf32, #tpu.memory_space<vmem_shared>> -> memref<3200xf32, #tpu.memory_space<vmem_shared>>
    %dma_wait3A_658 = arith.constant 3200 : i32
    %dma_wait3A_659 = tpu.memref_slice %arg9[%dma_wait3A_658] : memref<6400xf32, #tpu.memory_space<vmem>> -> memref<3200xf32, #tpu.memory_space<vmem>>
    %dma_wait3A_660 = tpu.memref_slice %arg10[%add3A_648] : memref<1280128xf32, #tpu.memory_space<vmem_shared>> -> memref<3200xf32, #tpu.memory_space<vmem_shared>>
    tpu.wait_dma2 semaphore(%arg11 : memref<!tpu.dma_semaphore, #tpu.memory_space<semaphore_mem>>) src(%dma_wait3A_660 : memref<3200xf32, #tpu.memory_space<vmem_shared>>) dst(%dma_wait3A_659 : memref<3200xf32, #tpu.memory_space<vmem>>)
    %add3A_661 = arith.constant 9600 : i32
    %add3A_662 = arith.addi %add3A_560, %add3A_661 : i32
    %dma_start3A_663 = arith.constant 3200 : i32
    %dma_start3A_664 = tpu.memref_slice %arg9[%dma_start3A_663] : memref<6400xf32, #tpu.memory_space<vmem>> -> memref<3200xf32, #tpu.memory_space<vmem>>
    %dma_start3A_665 = tpu.memref_slice %arg4[%add3A_662] : memref<5120000xf32, #tpu.memory_space<hbm>> -> memref<3200xf32, #tpu.memory_space<hbm>>
    %dma_start3A_666 = tpu.memref_slice %arg4[%add3A_662] : memref<5120000xf32, #tpu.memory_space<hbm>> -> memref<3200xf32, #tpu.memory_space<hbm>>
    %dma_start3A_667 = arith.constant 3200 : i32
    %dma_start3A_668 = tpu.memref_slice %arg9[%dma_start3A_667] : memref<6400xf32, #tpu.memory_space<vmem>> -> memref<3200xf32, #tpu.memory_space<vmem>>
    tpu.enqueue_dma source(%dma_start3A_668 : memref<3200xf32, #tpu.memory_space<vmem>>) target(%dma_start3A_666 : memref<3200xf32, #tpu.memory_space<hbm>>) target_semaphore(%arg12 : memref<!tpu.dma_semaphore, #tpu.memory_space<semaphore_mem>>)
    %dma_wait3A_669 = arith.constant 0 : i32
    %dma_wait3A_670 = tpu.memref_slice %arg9[%dma_wait3A_669] : memref<6400xf32, #tpu.memory_space<vmem>> -> memref<3200xf32, #tpu.memory_space<vmem>>
    %dma_wait3A_671 = tpu.memref_slice %arg4[%add3A_632] : memref<5120000xf32, #tpu.memory_space<hbm>> -> memref<3200xf32, #tpu.memory_space<hbm>>
    %dma_wait3A_672 = tpu.memref_slice %arg4[%add3A_632] : memref<5120000xf32, #tpu.memory_space<hbm>> -> memref<3200xf32, #tpu.memory_space<hbm>>
    %dma_wait3A_673 = arith.constant 0 : i32
    %dma_wait3A_674 = tpu.memref_slice %arg9[%dma_wait3A_673] : memref<6400xf32, #tpu.memory_space<vmem>> -> memref<3200xf32, #tpu.memory_space<vmem>>
    tpu.wait_dma2 semaphore(%arg12 : memref<!tpu.dma_semaphore, #tpu.memory_space<semaphore_mem>>) src(%dma_wait3A_674 : memref<3200xf32, #tpu.memory_space<vmem>>) dst(%dma_wait3A_672 : memref<3200xf32, #tpu.memory_space<hbm>>)
    %mul3A_675 = arith.constant 80000 : i32
    %mul3A_676 = arith.muli %arg1, %mul3A_675 : i32
    %add3A_677 = arith.constant 12800 : i32
    %add3A_678 = arith.addi %mul3A_676, %add3A_677 : i32
    %dma_start3A_679 = arith.constant 0 : i32
    %dma_start3A_680 = tpu.memref_slice %arg9[%dma_start3A_679] : memref<6400xf32, #tpu.memory_space<vmem>> -> memref<3200xf32, #tpu.memory_space<vmem>>
    %dma_start3A_681 = tpu.memref_slice %arg10[%add3A_678] : memref<1280128xf32, #tpu.memory_space<vmem_shared>> -> memref<3200xf32, #tpu.memory_space<vmem_shared>>
    %dma_start3A_682 = arith.constant 0 : i32
    %dma_start3A_683 = tpu.memref_slice %arg9[%dma_start3A_682] : memref<6400xf32, #tpu.memory_space<vmem>> -> memref<3200xf32, #tpu.memory_space<vmem>>
    %dma_start3A_684 = tpu.memref_slice %arg10[%add3A_678] : memref<1280128xf32, #tpu.memory_space<vmem_shared>> -> memref<3200xf32, #tpu.memory_space<vmem_shared>>
    tpu.enqueue_dma source(%dma_start3A_684 : memref<3200xf32, #tpu.memory_space<vmem_shared>>) target(%dma_start3A_683 : memref<3200xf32, #tpu.memory_space<vmem>>) target_semaphore(%arg11 : memref<!tpu.dma_semaphore, #tpu.memory_space<semaphore_mem>>)
    %dma_wait3A_685 = arith.constant 0 : i32
    %dma_wait3A_686 = tpu.memref_slice %arg9[%dma_wait3A_685] : memref<6400xf32, #tpu.memory_space<vmem>> -> memref<3200xf32, #tpu.memory_space<vmem>>
    %dma_wait3A_687 = tpu.memref_slice %arg10[%add3A_678] : memref<1280128xf32, #tpu.memory_space<vmem_shared>> -> memref<3200xf32, #tpu.memory_space<vmem_shared>>
    %dma_wait3A_688 = arith.constant 0 : i32
    %dma_wait3A_689 = tpu.memref_slice %arg9[%dma_wait3A_688] : memref<6400xf32, #tpu.memory_space<vmem>> -> memref<3200xf32, #tpu.memory_space<vmem>>
    %dma_wait3A_690 = tpu.memref_slice %arg10[%add3A_678] : memref<1280128xf32, #tpu.memory_space<vmem_shared>> -> memref<3200xf32, #tpu.memory_space<vmem_shared>>
    tpu.wait_dma2 semaphore(%arg11 : memref<!tpu.dma_semaphore, #tpu.memory_space<semaphore_mem>>) src(%dma_wait3A_690 : memref<3200xf32, #tpu.memory_space<vmem_shared>>) dst(%dma_wait3A_689 : memref<3200xf32, #tpu.memory_space<vmem>>)
    %add3A_691 = arith.constant 12800 : i32
    %add3A_692 = arith.addi %add3A_560, %add3A_691 : i32
    %dma_start3A_693 = arith.constant 0 : i32
    %dma_start3A_694 = tpu.memref_slice %arg9[%dma_start3A_693] : memref<6400xf32, #tpu.memory_space<vmem>> -> memref<3200xf32, #tpu.memory_space<vmem>>
    %dma_start3A_695 = tpu.memref_slice %arg4[%add3A_692] : memref<5120000xf32, #tpu.memory_space<hbm>> -> memref<3200xf32, #tpu.memory_space<hbm>>
    %dma_start3A_696 = tpu.memref_slice %arg4[%add3A_692] : memref<5120000xf32, #tpu.memory_space<hbm>> -> memref<3200xf32, #tpu.memory_space<hbm>>
    %dma_start3A_697 = arith.constant 0 : i32
    %dma_start3A_698 = tpu.memref_slice %arg9[%dma_start3A_697] : memref<6400xf32, #tpu.memory_space<vmem>> -> memref<3200xf32, #tpu.memory_space<vmem>>
    tpu.enqueue_dma source(%dma_start3A_698 : memref<3200xf32, #tpu.memory_space<vmem>>) target(%dma_start3A_696 : memref<3200xf32, #tpu.memory_space<hbm>>) target_semaphore(%arg12 : memref<!tpu.dma_semaphore, #tpu.memory_space<semaphore_mem>>)
    %dma_wait3A_699 = arith.constant 3200 : i32
    %dma_wait3A_700 = tpu.memref_slice %arg9[%dma_wait3A_699] : memref<6400xf32, #tpu.memory_space<vmem>> -> memref<3200xf32, #tpu.memory_space<vmem>>
    %dma_wait3A_701 = tpu.memref_slice %arg4[%add3A_662] : memref<5120000xf32, #tpu.memory_space<hbm>> -> memref<3200xf32, #tpu.memory_space<hbm>>
    %dma_wait3A_702 = tpu.memref_slice %arg4[%add3A_662] : memref<5120000xf32, #tpu.memory_space<hbm>> -> memref<3200xf32, #tpu.memory_space<hbm>>
    %dma_wait3A_703 = arith.constant 3200 : i32
    %dma_wait3A_704 = tpu.memref_slice %arg9[%dma_wait3A_703] : memref<6400xf32, #tpu.memory_space<vmem>> -> memref<3200xf32, #tpu.memory_space<vmem>>
    tpu.wait_dma2 semaphore(%arg12 : memref<!tpu.dma_semaphore, #tpu.memory_space<semaphore_mem>>) src(%dma_wait3A_704 : memref<3200xf32, #tpu.memory_space<vmem>>) dst(%dma_wait3A_702 : memref<3200xf32, #tpu.memory_space<hbm>>)
    %mul3A_705 = arith.constant 80000 : i32
    %mul3A_706 = arith.muli %arg1, %mul3A_705 : i32
    %add3A_707 = arith.constant 16000 : i32
    %add3A_708 = arith.addi %mul3A_706, %add3A_707 : i32
    %dma_start3A_709 = arith.constant 3200 : i32
    %dma_start3A_710 = tpu.memref_slice %arg9[%dma_start3A_709] : memref<6400xf32, #tpu.memory_space<vmem>> -> memref<3200xf32, #tpu.memory_space<vmem>>
    %dma_start3A_711 = tpu.memref_slice %arg10[%add3A_708] : memref<1280128xf32, #tpu.memory_space<vmem_shared>> -> memref<3200xf32, #tpu.memory_space<vmem_shared>>
    %dma_start3A_712 = arith.constant 3200 : i32
    %dma_start3A_713 = tpu.memref_slice %arg9[%dma_start3A_712] : memref<6400xf32, #tpu.memory_space<vmem>> -> memref<3200xf32, #tpu.memory_space<vmem>>
    %dma_start3A_714 = tpu.memref_slice %arg10[%add3A_708] : memref<1280128xf32, #tpu.memory_space<vmem_shared>> -> memref<3200xf32, #tpu.memory_space<vmem_shared>>
    tpu.enqueue_dma source(%dma_start3A_714 : memref<3200xf32, #tpu.memory_space<vmem_shared>>) target(%dma_start3A_713 : memref<3200xf32, #tpu.memory_space<vmem>>) target_semaphore(%arg11 : memref<!tpu.dma_semaphore, #tpu.memory_space<semaphore_mem>>)
    %dma_wait3A_715 = arith.constant 3200 : i32
    %dma_wait3A_716 = tpu.memref_slice %arg9[%dma_wait3A_715] : memref<6400xf32, #tpu.memory_space<vmem>> -> memref<3200xf32, #tpu.memory_space<vmem>>
    %dma_wait3A_717 = tpu.memref_slice %arg10[%add3A_708] : memref<1280128xf32, #tpu.memory_space<vmem_shared>> -> memref<3200xf32, #tpu.memory_space<vmem_shared>>
    %dma_wait3A_718 = arith.constant 3200 : i32
    %dma_wait3A_719 = tpu.memref_slice %arg9[%dma_wait3A_718] : memref<6400xf32, #tpu.memory_space<vmem>> -> memref<3200xf32, #tpu.memory_space<vmem>>
    %dma_wait3A_720 = tpu.memref_slice %arg10[%add3A_708] : memref<1280128xf32, #tpu.memory_space<vmem_shared>> -> memref<3200xf32, #tpu.memory_space<vmem_shared>>
    tpu.wait_dma2 semaphore(%arg11 : memref<!tpu.dma_semaphore, #tpu.memory_space<semaphore_mem>>) src(%dma_wait3A_720 : memref<3200xf32, #tpu.memory_space<vmem_shared>>) dst(%dma_wait3A_719 : memref<3200xf32, #tpu.memory_space<vmem>>)
    %add3A_721 = arith.constant 16000 : i32
    %add3A_722 = arith.addi %add3A_560, %add3A_721 : i32
    %dma_start3A_723 = arith.constant 3200 : i32
    %dma_start3A_724 = tpu.memref_slice %arg9[%dma_start3A_723] : memref<6400xf32, #tpu.memory_space<vmem>> -> memref<3200xf32, #tpu.memory_space<vmem>>
    %dma_start3A_725 = tpu.memref_slice %arg4[%add3A_722] : memref<5120000xf32, #tpu.memory_space<hbm>> -> memref<3200xf32, #tpu.memory_space<hbm>>
    %dma_start3A_726 = tpu.memref_slice %arg4[%add3A_722] : memref<5120000xf32, #tpu.memory_space<hbm>> -> memref<3200xf32, #tpu.memory_space<hbm>>
    %dma_start3A_727 = arith.constant 3200 : i32
    %dma_start3A_728 = tpu.memref_slice %arg9[%dma_start3A_727] : memref<6400xf32, #tpu.memory_space<vmem>> -> memref<3200xf32, #tpu.memory_space<vmem>>
    tpu.enqueue_dma source(%dma_start3A_728 : memref<3200xf32, #tpu.memory_space<vmem>>) target(%dma_start3A_726 : memref<3200xf32, #tpu.memory_space<hbm>>) target_semaphore(%arg12 : memref<!tpu.dma_semaphore, #tpu.memory_space<semaphore_mem>>)
    %dma_wait3A_729 = arith.constant 0 : i32
    %dma_wait3A_730 = tpu.memref_slice %arg9[%dma_wait3A_729] : memref<6400xf32, #tpu.memory_space<vmem>> -> memref<3200xf32, #tpu.memory_space<vmem>>
    %dma_wait3A_731 = tpu.memref_slice %arg4[%add3A_692] : memref<5120000xf32, #tpu.memory_space<hbm>> -> memref<3200xf32, #tpu.memory_space<hbm>>
    %dma_wait3A_732 = tpu.memref_slice %arg4[%add3A_692] : memref<5120000xf32, #tpu.memory_space<hbm>> -> memref<3200xf32, #tpu.memory_space<hbm>>
    %dma_wait3A_733 = arith.constant 0 : i32
    %dma_wait3A_734 = tpu.memref_slice %arg9[%dma_wait3A_733] : memref<6400xf32, #tpu.memory_space<vmem>> -> memref<3200xf32, #tpu.memory_space<vmem>>
    tpu.wait_dma2 semaphore(%arg12 : memref<!tpu.dma_semaphore, #tpu.memory_space<semaphore_mem>>) src(%dma_wait3A_734 : memref<3200xf32, #tpu.memory_space<vmem>>) dst(%dma_wait3A_732 : memref<3200xf32, #tpu.memory_space<hbm>>)
    %mul3A_735 = arith.constant 80000 : i32
    %mul3A_736 = arith.muli %arg1, %mul3A_735 : i32
    %add3A_737 = arith.constant 19200 : i32
    %add3A_738 = arith.addi %mul3A_736, %add3A_737 : i32
    %dma_start3A_739 = arith.constant 0 : i32
    %dma_start3A_740 = tpu.memref_slice %arg9[%dma_start3A_739] : memref<6400xf32, #tpu.memory_space<vmem>> -> memref<3200xf32, #tpu.memory_space<vmem>>
    %dma_start3A_741 = tpu.memref_slice %arg10[%add3A_738] : memref<1280128xf32, #tpu.memory_space<vmem_shared>> -> memref<3200xf32, #tpu.memory_space<vmem_shared>>
    %dma_start3A_742 = arith.constant 0 : i32
    %dma_start3A_743 = tpu.memref_slice %arg9[%dma_start3A_742] : memref<6400xf32, #tpu.memory_space<vmem>> -> memref<3200xf32, #tpu.memory_space<vmem>>
    %dma_start3A_744 = tpu.memref_slice %arg10[%add3A_738] : memref<1280128xf32, #tpu.memory_space<vmem_shared>> -> memref<3200xf32, #tpu.memory_space<vmem_shared>>
    tpu.enqueue_dma source(%dma_start3A_744 : memref<3200xf32, #tpu.memory_space<vmem_shared>>) target(%dma_start3A_743 : memref<3200xf32, #tpu.memory_space<vmem>>) target_semaphore(%arg11 : memref<!tpu.dma_semaphore, #tpu.memory_space<semaphore_mem>>)
    %dma_wait3A_745 = arith.constant 0 : i32
    %dma_wait3A_746 = tpu.memref_slice %arg9[%dma_wait3A_745] : memref<6400xf32, #tpu.memory_space<vmem>> -> memref<3200xf32, #tpu.memory_space<vmem>>
    %dma_wait3A_747 = tpu.memref_slice %arg10[%add3A_738] : memref<1280128xf32, #tpu.memory_space<vmem_shared>> -> memref<3200xf32, #tpu.memory_space<vmem_shared>>
    %dma_wait3A_748 = arith.constant 0 : i32
    %dma_wait3A_749 = tpu.memref_slice %arg9[%dma_wait3A_748] : memref<6400xf32, #tpu.memory_space<vmem>> -> memref<3200xf32, #tpu.memory_space<vmem>>
    %dma_wait3A_750 = tpu.memref_slice %arg10[%add3A_738] : memref<1280128xf32, #tpu.memory_space<vmem_shared>> -> memref<3200xf32, #tpu.memory_space<vmem_shared>>
    tpu.wait_dma2 semaphore(%arg11 : memref<!tpu.dma_semaphore, #tpu.memory_space<semaphore_mem>>) src(%dma_wait3A_750 : memref<3200xf32, #tpu.memory_space<vmem_shared>>) dst(%dma_wait3A_749 : memref<3200xf32, #tpu.memory_space<vmem>>)
    %add3A_751 = arith.constant 19200 : i32
    %add3A_752 = arith.addi %add3A_560, %add3A_751 : i32
    %dma_start3A_753 = arith.constant 0 : i32
    %dma_start3A_754 = tpu.memref_slice %arg9[%dma_start3A_753] : memref<6400xf32, #tpu.memory_space<vmem>> -> memref<3200xf32, #tpu.memory_space<vmem>>
    %dma_start3A_755 = tpu.memref_slice %arg4[%add3A_752] : memref<5120000xf32, #tpu.memory_space<hbm>> -> memref<3200xf32, #tpu.memory_space<hbm>>
    %dma_start3A_756 = tpu.memref_slice %arg4[%add3A_752] : memref<5120000xf32, #tpu.memory_space<hbm>> -> memref<3200xf32, #tpu.memory_space<hbm>>
    %dma_start3A_757 = arith.constant 0 : i32
    %dma_start3A_758 = tpu.memref_slice %arg9[%dma_start3A_757] : memref<6400xf32, #tpu.memory_space<vmem>> -> memref<3200xf32, #tpu.memory_space<vmem>>
    tpu.enqueue_dma source(%dma_start3A_758 : memref<3200xf32, #tpu.memory_space<vmem>>) target(%dma_start3A_756 : memref<3200xf32, #tpu.memory_space<hbm>>) target_semaphore(%arg12 : memref<!tpu.dma_semaphore, #tpu.memory_space<semaphore_mem>>)
    %dma_wait3A_759 = arith.constant 3200 : i32
    %dma_wait3A_760 = tpu.memref_slice %arg9[%dma_wait3A_759] : memref<6400xf32, #tpu.memory_space<vmem>> -> memref<3200xf32, #tpu.memory_space<vmem>>
    %dma_wait3A_761 = tpu.memref_slice %arg4[%add3A_722] : memref<5120000xf32, #tpu.memory_space<hbm>> -> memref<3200xf32, #tpu.memory_space<hbm>>
    %dma_wait3A_762 = tpu.memref_slice %arg4[%add3A_722] : memref<5120000xf32, #tpu.memory_space<hbm>> -> memref<3200xf32, #tpu.memory_space<hbm>>
    %dma_wait3A_763 = arith.constant 3200 : i32
    %dma_wait3A_764 = tpu.memref_slice %arg9[%dma_wait3A_763] : memref<6400xf32, #tpu.memory_space<vmem>> -> memref<3200xf32, #tpu.memory_space<vmem>>
    tpu.wait_dma2 semaphore(%arg12 : memref<!tpu.dma_semaphore, #tpu.memory_space<semaphore_mem>>) src(%dma_wait3A_764 : memref<3200xf32, #tpu.memory_space<vmem>>) dst(%dma_wait3A_762 : memref<3200xf32, #tpu.memory_space<hbm>>)
    %mul3A_765 = arith.constant 80000 : i32
    %mul3A_766 = arith.muli %arg1, %mul3A_765 : i32
    %add3A_767 = arith.constant 22400 : i32
    %add3A_768 = arith.addi %mul3A_766, %add3A_767 : i32
    %dma_start3A_769 = arith.constant 3200 : i32
    %dma_start3A_770 = tpu.memref_slice %arg9[%dma_start3A_769] : memref<6400xf32, #tpu.memory_space<vmem>> -> memref<3200xf32, #tpu.memory_space<vmem>>
    %dma_start3A_771 = tpu.memref_slice %arg10[%add3A_768] : memref<1280128xf32, #tpu.memory_space<vmem_shared>> -> memref<3200xf32, #tpu.memory_space<vmem_shared>>
    %dma_start3A_772 = arith.constant 3200 : i32
    %dma_start3A_773 = tpu.memref_slice %arg9[%dma_start3A_772] : memref<6400xf32, #tpu.memory_space<vmem>> -> memref<3200xf32, #tpu.memory_space<vmem>>
    %dma_start3A_774 = tpu.memref_slice %arg10[%add3A_768] : memref<1280128xf32, #tpu.memory_space<vmem_shared>> -> memref<3200xf32, #tpu.memory_space<vmem_shared>>
    tpu.enqueue_dma source(%dma_start3A_774 : memref<3200xf32, #tpu.memory_space<vmem_shared>>) target(%dma_start3A_773 : memref<3200xf32, #tpu.memory_space<vmem>>) target_semaphore(%arg11 : memref<!tpu.dma_semaphore, #tpu.memory_space<semaphore_mem>>)
    %dma_wait3A_775 = arith.constant 3200 : i32
    %dma_wait3A_776 = tpu.memref_slice %arg9[%dma_wait3A_775] : memref<6400xf32, #tpu.memory_space<vmem>> -> memref<3200xf32, #tpu.memory_space<vmem>>
    %dma_wait3A_777 = tpu.memref_slice %arg10[%add3A_768] : memref<1280128xf32, #tpu.memory_space<vmem_shared>> -> memref<3200xf32, #tpu.memory_space<vmem_shared>>
    %dma_wait3A_778 = arith.constant 3200 : i32
    %dma_wait3A_779 = tpu.memref_slice %arg9[%dma_wait3A_778] : memref<6400xf32, #tpu.memory_space<vmem>> -> memref<3200xf32, #tpu.memory_space<vmem>>
    %dma_wait3A_780 = tpu.memref_slice %arg10[%add3A_768] : memref<1280128xf32, #tpu.memory_space<vmem_shared>> -> memref<3200xf32, #tpu.memory_space<vmem_shared>>
    tpu.wait_dma2 semaphore(%arg11 : memref<!tpu.dma_semaphore, #tpu.memory_space<semaphore_mem>>) src(%dma_wait3A_780 : memref<3200xf32, #tpu.memory_space<vmem_shared>>) dst(%dma_wait3A_779 : memref<3200xf32, #tpu.memory_space<vmem>>)
    %add3A_781 = arith.constant 22400 : i32
    %add3A_782 = arith.addi %add3A_560, %add3A_781 : i32
    %dma_start3A_783 = arith.constant 3200 : i32
    %dma_start3A_784 = tpu.memref_slice %arg9[%dma_start3A_783] : memref<6400xf32, #tpu.memory_space<vmem>> -> memref<3200xf32, #tpu.memory_space<vmem>>
    %dma_start3A_785 = tpu.memref_slice %arg4[%add3A_782] : memref<5120000xf32, #tpu.memory_space<hbm>> -> memref<3200xf32, #tpu.memory_space<hbm>>
    %dma_start3A_786 = tpu.memref_slice %arg4[%add3A_782] : memref<5120000xf32, #tpu.memory_space<hbm>> -> memref<3200xf32, #tpu.memory_space<hbm>>
    %dma_start3A_787 = arith.constant 3200 : i32
    %dma_start3A_788 = tpu.memref_slice %arg9[%dma_start3A_787] : memref<6400xf32, #tpu.memory_space<vmem>> -> memref<3200xf32, #tpu.memory_space<vmem>>
    tpu.enqueue_dma source(%dma_start3A_788 : memref<3200xf32, #tpu.memory_space<vmem>>) target(%dma_start3A_786 : memref<3200xf32, #tpu.memory_space<hbm>>) target_semaphore(%arg12 : memref<!tpu.dma_semaphore, #tpu.memory_space<semaphore_mem>>)
    %dma_wait3A_789 = arith.constant 0 : i32
    %dma_wait3A_790 = tpu.memref_slice %arg9[%dma_wait3A_789] : memref<6400xf32, #tpu.memory_space<vmem>> -> memref<3200xf32, #tpu.memory_space<vmem>>
    %dma_wait3A_791 = tpu.memref_slice %arg4[%add3A_752] : memref<5120000xf32, #tpu.memory_space<hbm>> -> memref<3200xf32, #tpu.memory_space<hbm>>
    %dma_wait3A_792 = tpu.memref_slice %arg4[%add3A_752] : memref<5120000xf32, #tpu.memory_space<hbm>> -> memref<3200xf32, #tpu.memory_space<hbm>>
    %dma_wait3A_793 = arith.constant 0 : i32
    %dma_wait3A_794 = tpu.memref_slice %arg9[%dma_wait3A_793] : memref<6400xf32, #tpu.memory_space<vmem>> -> memref<3200xf32, #tpu.memory_space<vmem>>
    tpu.wait_dma2 semaphore(%arg12 : memref<!tpu.dma_semaphore, #tpu.memory_space<semaphore_mem>>) src(%dma_wait3A_794 : memref<3200xf32, #tpu.memory_space<vmem>>) dst(%dma_wait3A_792 : memref<3200xf32, #tpu.memory_space<hbm>>)
    %mul3A_795 = arith.constant 80000 : i32
    %mul3A_796 = arith.muli %arg1, %mul3A_795 : i32
    %add3A_797 = arith.constant 25600 : i32
    %add3A_798 = arith.addi %mul3A_796, %add3A_797 : i32
    %dma_start3A_799 = arith.constant 0 : i32
    %dma_start3A_800 = tpu.memref_slice %arg9[%dma_start3A_799] : memref<6400xf32, #tpu.memory_space<vmem>> -> memref<3200xf32, #tpu.memory_space<vmem>>
    %dma_start3A_801 = tpu.memref_slice %arg10[%add3A_798] : memref<1280128xf32, #tpu.memory_space<vmem_shared>> -> memref<3200xf32, #tpu.memory_space<vmem_shared>>
    %dma_start3A_802 = arith.constant 0 : i32
    %dma_start3A_803 = tpu.memref_slice %arg9[%dma_start3A_802] : memref<6400xf32, #tpu.memory_space<vmem>> -> memref<3200xf32, #tpu.memory_space<vmem>>
    %dma_start3A_804 = tpu.memref_slice %arg10[%add3A_798] : memref<1280128xf32, #tpu.memory_space<vmem_shared>> -> memref<3200xf32, #tpu.memory_space<vmem_shared>>
    tpu.enqueue_dma source(%dma_start3A_804 : memref<3200xf32, #tpu.memory_space<vmem_shared>>) target(%dma_start3A_803 : memref<3200xf32, #tpu.memory_space<vmem>>) target_semaphore(%arg11 : memref<!tpu.dma_semaphore, #tpu.memory_space<semaphore_mem>>)
    %dma_wait3A_805 = arith.constant 0 : i32
    %dma_wait3A_806 = tpu.memref_slice %arg9[%dma_wait3A_805] : memref<6400xf32, #tpu.memory_space<vmem>> -> memref<3200xf32, #tpu.memory_space<vmem>>
    %dma_wait3A_807 = tpu.memref_slice %arg10[%add3A_798] : memref<1280128xf32, #tpu.memory_space<vmem_shared>> -> memref<3200xf32, #tpu.memory_space<vmem_shared>>
    %dma_wait3A_808 = arith.constant 0 : i32
    %dma_wait3A_809 = tpu.memref_slice %arg9[%dma_wait3A_808] : memref<6400xf32, #tpu.memory_space<vmem>> -> memref<3200xf32, #tpu.memory_space<vmem>>
    %dma_wait3A_810 = tpu.memref_slice %arg10[%add3A_798] : memref<1280128xf32, #tpu.memory_space<vmem_shared>> -> memref<3200xf32, #tpu.memory_space<vmem_shared>>
    tpu.wait_dma2 semaphore(%arg11 : memref<!tpu.dma_semaphore, #tpu.memory_space<semaphore_mem>>) src(%dma_wait3A_810 : memref<3200xf32, #tpu.memory_space<vmem_shared>>) dst(%dma_wait3A_809 : memref<3200xf32, #tpu.memory_space<vmem>>)
    %add3A_811 = arith.constant 25600 : i32
    %add3A_812 = arith.addi %add3A_560, %add3A_811 : i32
    %dma_start3A_813 = arith.constant 0 : i32
    %dma_start3A_814 = tpu.memref_slice %arg9[%dma_start3A_813] : memref<6400xf32, #tpu.memory_space<vmem>> -> memref<3200xf32, #tpu.memory_space<vmem>>
    %dma_start3A_815 = tpu.memref_slice %arg4[%add3A_812] : memref<5120000xf32, #tpu.memory_space<hbm>> -> memref<3200xf32, #tpu.memory_space<hbm>>
    %dma_start3A_816 = tpu.memref_slice %arg4[%add3A_812] : memref<5120000xf32, #tpu.memory_space<hbm>> -> memref<3200xf32, #tpu.memory_space<hbm>>
    %dma_start3A_817 = arith.constant 0 : i32
    %dma_start3A_818 = tpu.memref_slice %arg9[%dma_start3A_817] : memref<6400xf32, #tpu.memory_space<vmem>> -> memref<3200xf32, #tpu.memory_space<vmem>>
    tpu.enqueue_dma source(%dma_start3A_818 : memref<3200xf32, #tpu.memory_space<vmem>>) target(%dma_start3A_816 : memref<3200xf32, #tpu.memory_space<hbm>>) target_semaphore(%arg12 : memref<!tpu.dma_semaphore, #tpu.memory_space<semaphore_mem>>)
    %dma_wait3A_819 = arith.constant 3200 : i32
    %dma_wait3A_820 = tpu.memref_slice %arg9[%dma_wait3A_819] : memref<6400xf32, #tpu.memory_space<vmem>> -> memref<3200xf32, #tpu.memory_space<vmem>>
    %dma_wait3A_821 = tpu.memref_slice %arg4[%add3A_782] : memref<5120000xf32, #tpu.memory_space<hbm>> -> memref<3200xf32, #tpu.memory_space<hbm>>
    %dma_wait3A_822 = tpu.memref_slice %arg4[%add3A_782] : memref<5120000xf32, #tpu.memory_space<hbm>> -> memref<3200xf32, #tpu.memory_space<hbm>>
    %dma_wait3A_823 = arith.constant 3200 : i32
    %dma_wait3A_824 = tpu.memref_slice %arg9[%dma_wait3A_823] : memref<6400xf32, #tpu.memory_space<vmem>> -> memref<3200xf32, #tpu.memory_space<vmem>>
    tpu.wait_dma2 semaphore(%arg12 : memref<!tpu.dma_semaphore, #tpu.memory_space<semaphore_mem>>) src(%dma_wait3A_824 : memref<3200xf32, #tpu.memory_space<vmem>>) dst(%dma_wait3A_822 : memref<3200xf32, #tpu.memory_space<hbm>>)
    %mul3A_825 = arith.constant 80000 : i32
    %mul3A_826 = arith.muli %arg1, %mul3A_825 : i32
    %add3A_827 = arith.constant 28800 : i32
    %add3A_828 = arith.addi %mul3A_826, %add3A_827 : i32
    %dma_start3A_829 = arith.constant 3200 : i32
    %dma_start3A_830 = tpu.memref_slice %arg9[%dma_start3A_829] : memref<6400xf32, #tpu.memory_space<vmem>> -> memref<3200xf32, #tpu.memory_space<vmem>>
    %dma_start3A_831 = tpu.memref_slice %arg10[%add3A_828] : memref<1280128xf32, #tpu.memory_space<vmem_shared>> -> memref<3200xf32, #tpu.memory_space<vmem_shared>>
    %dma_start3A_832 = arith.constant 3200 : i32
    %dma_start3A_833 = tpu.memref_slice %arg9[%dma_start3A_832] : memref<6400xf32, #tpu.memory_space<vmem>> -> memref<3200xf32, #tpu.memory_space<vmem>>
    %dma_start3A_834 = tpu.memref_slice %arg10[%add3A_828] : memref<1280128xf32, #tpu.memory_space<vmem_shared>> -> memref<3200xf32, #tpu.memory_space<vmem_shared>>
    tpu.enqueue_dma source(%dma_start3A_834 : memref<3200xf32, #tpu.memory_space<vmem_shared>>) target(%dma_start3A_833 : memref<3200xf32, #tpu.memory_space<vmem>>) target_semaphore(%arg11 : memref<!tpu.dma_semaphore, #tpu.memory_space<semaphore_mem>>)
    %dma_wait3A_835 = arith.constant 3200 : i32
    %dma_wait3A_836 = tpu.memref_slice %arg9[%dma_wait3A_835] : memref<6400xf32, #tpu.memory_space<vmem>> -> memref<3200xf32, #tpu.memory_space<vmem>>
    %dma_wait3A_837 = tpu.memref_slice %arg10[%add3A_828] : memref<1280128xf32, #tpu.memory_space<vmem_shared>> -> memref<3200xf32, #tpu.memory_space<vmem_shared>>
    %dma_wait3A_838 = arith.constant 3200 : i32
    %dma_wait3A_839 = tpu.memref_slice %arg9[%dma_wait3A_838] : memref<6400xf32, #tpu.memory_space<vmem>> -> memref<3200xf32, #tpu.memory_space<vmem>>
    %dma_wait3A_840 = tpu.memref_slice %arg10[%add3A_828] : memref<1280128xf32, #tpu.memory_space<vmem_shared>> -> memref<3200xf32, #tpu.memory_space<vmem_shared>>
    tpu.wait_dma2 semaphore(%arg11 : memref<!tpu.dma_semaphore, #tpu.memory_space<semaphore_mem>>) src(%dma_wait3A_840 : memref<3200xf32, #tpu.memory_space<vmem_shared>>) dst(%dma_wait3A_839 : memref<3200xf32, #tpu.memory_space<vmem>>)
    %add3A_841 = arith.constant 28800 : i32
    %add3A_842 = arith.addi %add3A_560, %add3A_841 : i32
    %dma_start3A_843 = arith.constant 3200 : i32
    %dma_start3A_844 = tpu.memref_slice %arg9[%dma_start3A_843] : memref<6400xf32, #tpu.memory_space<vmem>> -> memref<3200xf32, #tpu.memory_space<vmem>>
    %dma_start3A_845 = tpu.memref_slice %arg4[%add3A_842] : memref<5120000xf32, #tpu.memory_space<hbm>> -> memref<3200xf32, #tpu.memory_space<hbm>>
    %dma_start3A_846 = tpu.memref_slice %arg4[%add3A_842] : memref<5120000xf32, #tpu.memory_space<hbm>> -> memref<3200xf32, #tpu.memory_space<hbm>>
    %dma_start3A_847 = arith.constant 3200 : i32
    %dma_start3A_848 = tpu.memref_slice %arg9[%dma_start3A_847] : memref<6400xf32, #tpu.memory_space<vmem>> -> memref<3200xf32, #tpu.memory_space<vmem>>
    tpu.enqueue_dma source(%dma_start3A_848 : memref<3200xf32, #tpu.memory_space<vmem>>) target(%dma_start3A_846 : memref<3200xf32, #tpu.memory_space<hbm>>) target_semaphore(%arg12 : memref<!tpu.dma_semaphore, #tpu.memory_space<semaphore_mem>>)
    %dma_wait3A_849 = arith.constant 0 : i32
    %dma_wait3A_850 = tpu.memref_slice %arg9[%dma_wait3A_849] : memref<6400xf32, #tpu.memory_space<vmem>> -> memref<3200xf32, #tpu.memory_space<vmem>>
    %dma_wait3A_851 = tpu.memref_slice %arg4[%add3A_812] : memref<5120000xf32, #tpu.memory_space<hbm>> -> memref<3200xf32, #tpu.memory_space<hbm>>
    %dma_wait3A_852 = tpu.memref_slice %arg4[%add3A_812] : memref<5120000xf32, #tpu.memory_space<hbm>> -> memref<3200xf32, #tpu.memory_space<hbm>>
    %dma_wait3A_853 = arith.constant 0 : i32
    %dma_wait3A_854 = tpu.memref_slice %arg9[%dma_wait3A_853] : memref<6400xf32, #tpu.memory_space<vmem>> -> memref<3200xf32, #tpu.memory_space<vmem>>
    tpu.wait_dma2 semaphore(%arg12 : memref<!tpu.dma_semaphore, #tpu.memory_space<semaphore_mem>>) src(%dma_wait3A_854 : memref<3200xf32, #tpu.memory_space<vmem>>) dst(%dma_wait3A_852 : memref<3200xf32, #tpu.memory_space<hbm>>)
    %mul3A_855 = arith.constant 80000 : i32
    %mul3A_856 = arith.muli %arg1, %mul3A_855 : i32
    %add3A_857 = arith.constant 32000 : i32
    %add3A_858 = arith.addi %mul3A_856, %add3A_857 : i32
    %dma_start3A_859 = arith.constant 0 : i32
    %dma_start3A_860 = tpu.memref_slice %arg9[%dma_start3A_859] : memref<6400xf32, #tpu.memory_space<vmem>> -> memref<3200xf32, #tpu.memory_space<vmem>>
    %dma_start3A_861 = tpu.memref_slice %arg10[%add3A_858] : memref<1280128xf32, #tpu.memory_space<vmem_shared>> -> memref<3200xf32, #tpu.memory_space<vmem_shared>>
    %dma_start3A_862 = arith.constant 0 : i32
    %dma_start3A_863 = tpu.memref_slice %arg9[%dma_start3A_862] : memref<6400xf32, #tpu.memory_space<vmem>> -> memref<3200xf32, #tpu.memory_space<vmem>>
    %dma_start3A_864 = tpu.memref_slice %arg10[%add3A_858] : memref<1280128xf32, #tpu.memory_space<vmem_shared>> -> memref<3200xf32, #tpu.memory_space<vmem_shared>>
    tpu.enqueue_dma source(%dma_start3A_864 : memref<3200xf32, #tpu.memory_space<vmem_shared>>) target(%dma_start3A_863 : memref<3200xf32, #tpu.memory_space<vmem>>) target_semaphore(%arg11 : memref<!tpu.dma_semaphore, #tpu.memory_space<semaphore_mem>>)
    %dma_wait3A_865 = arith.constant 0 : i32
    %dma_wait3A_866 = tpu.memref_slice %arg9[%dma_wait3A_865] : memref<6400xf32, #tpu.memory_space<vmem>> -> memref<3200xf32, #tpu.memory_space<vmem>>
    %dma_wait3A_867 = tpu.memref_slice %arg10[%add3A_858] : memref<1280128xf32, #tpu.memory_space<vmem_shared>> -> memref<3200xf32, #tpu.memory_space<vmem_shared>>
    %dma_wait3A_868 = arith.constant 0 : i32
    %dma_wait3A_869 = tpu.memref_slice %arg9[%dma_wait3A_868] : memref<6400xf32, #tpu.memory_space<vmem>> -> memref<3200xf32, #tpu.memory_space<vmem>>
    %dma_wait3A_870 = tpu.memref_slice %arg10[%add3A_858] : memref<1280128xf32, #tpu.memory_space<vmem_shared>> -> memref<3200xf32, #tpu.memory_space<vmem_shared>>
    tpu.wait_dma2 semaphore(%arg11 : memref<!tpu.dma_semaphore, #tpu.memory_space<semaphore_mem>>) src(%dma_wait3A_870 : memref<3200xf32, #tpu.memory_space<vmem_shared>>) dst(%dma_wait3A_869 : memref<3200xf32, #tpu.memory_space<vmem>>)
    %add3A_871 = arith.constant 32000 : i32
    %add3A_872 = arith.addi %add3A_560, %add3A_871 : i32
    %dma_start3A_873 = arith.constant 0 : i32
    %dma_start3A_874 = tpu.memref_slice %arg9[%dma_start3A_873] : memref<6400xf32, #tpu.memory_space<vmem>> -> memref<3200xf32, #tpu.memory_space<vmem>>
    %dma_start3A_875 = tpu.memref_slice %arg4[%add3A_872] : memref<5120000xf32, #tpu.memory_space<hbm>> -> memref<3200xf32, #tpu.memory_space<hbm>>
    %dma_start3A_876 = tpu.memref_slice %arg4[%add3A_872] : memref<5120000xf32, #tpu.memory_space<hbm>> -> memref<3200xf32, #tpu.memory_space<hbm>>
    %dma_start3A_877 = arith.constant 0 : i32
    %dma_start3A_878 = tpu.memref_slice %arg9[%dma_start3A_877] : memref<6400xf32, #tpu.memory_space<vmem>> -> memref<3200xf32, #tpu.memory_space<vmem>>
    tpu.enqueue_dma source(%dma_start3A_878 : memref<3200xf32, #tpu.memory_space<vmem>>) target(%dma_start3A_876 : memref<3200xf32, #tpu.memory_space<hbm>>) target_semaphore(%arg12 : memref<!tpu.dma_semaphore, #tpu.memory_space<semaphore_mem>>)
    %dma_wait3A_879 = arith.constant 3200 : i32
    %dma_wait3A_880 = tpu.memref_slice %arg9[%dma_wait3A_879] : memref<6400xf32, #tpu.memory_space<vmem>> -> memref<3200xf32, #tpu.memory_space<vmem>>
    %dma_wait3A_881 = tpu.memref_slice %arg4[%add3A_842] : memref<5120000xf32, #tpu.memory_space<hbm>> -> memref<3200xf32, #tpu.memory_space<hbm>>
    %dma_wait3A_882 = tpu.memref_slice %arg4[%add3A_842] : memref<5120000xf32, #tpu.memory_space<hbm>> -> memref<3200xf32, #tpu.memory_space<hbm>>
    %dma_wait3A_883 = arith.constant 3200 : i32
    %dma_wait3A_884 = tpu.memref_slice %arg9[%dma_wait3A_883] : memref<6400xf32, #tpu.memory_space<vmem>> -> memref<3200xf32, #tpu.memory_space<vmem>>
    tpu.wait_dma2 semaphore(%arg12 : memref<!tpu.dma_semaphore, #tpu.memory_space<semaphore_mem>>) src(%dma_wait3A_884 : memref<3200xf32, #tpu.memory_space<vmem>>) dst(%dma_wait3A_882 : memref<3200xf32, #tpu.memory_space<hbm>>)
    %mul3A_885 = arith.constant 80000 : i32
    %mul3A_886 = arith.muli %arg1, %mul3A_885 : i32
    %add3A_887 = arith.constant 35200 : i32
    %add3A_888 = arith.addi %mul3A_886, %add3A_887 : i32
    %dma_start3A_889 = arith.constant 3200 : i32
    %dma_start3A_890 = tpu.memref_slice %arg9[%dma_start3A_889] : memref<6400xf32, #tpu.memory_space<vmem>> -> memref<3200xf32, #tpu.memory_space<vmem>>
    %dma_start3A_891 = tpu.memref_slice %arg10[%add3A_888] : memref<1280128xf32, #tpu.memory_space<vmem_shared>> -> memref<3200xf32, #tpu.memory_space<vmem_shared>>
    %dma_start3A_892 = arith.constant 3200 : i32
    %dma_start3A_893 = tpu.memref_slice %arg9[%dma_start3A_892] : memref<6400xf32, #tpu.memory_space<vmem>> -> memref<3200xf32, #tpu.memory_space<vmem>>
    %dma_start3A_894 = tpu.memref_slice %arg10[%add3A_888] : memref<1280128xf32, #tpu.memory_space<vmem_shared>> -> memref<3200xf32, #tpu.memory_space<vmem_shared>>
    tpu.enqueue_dma source(%dma_start3A_894 : memref<3200xf32, #tpu.memory_space<vmem_shared>>) target(%dma_start3A_893 : memref<3200xf32, #tpu.memory_space<vmem>>) target_semaphore(%arg11 : memref<!tpu.dma_semaphore, #tpu.memory_space<semaphore_mem>>)
    %dma_wait3A_895 = arith.constant 3200 : i32
    %dma_wait3A_896 = tpu.memref_slice %arg9[%dma_wait3A_895] : memref<6400xf32, #tpu.memory_space<vmem>> -> memref<3200xf32, #tpu.memory_space<vmem>>
    %dma_wait3A_897 = tpu.memref_slice %arg10[%add3A_888] : memref<1280128xf32, #tpu.memory_space<vmem_shared>> -> memref<3200xf32, #tpu.memory_space<vmem_shared>>
    %dma_wait3A_898 = arith.constant 3200 : i32
    %dma_wait3A_899 = tpu.memref_slice %arg9[%dma_wait3A_898] : memref<6400xf32, #tpu.memory_space<vmem>> -> memref<3200xf32, #tpu.memory_space<vmem>>
    %dma_wait3A_900 = tpu.memref_slice %arg10[%add3A_888] : memref<1280128xf32, #tpu.memory_space<vmem_shared>> -> memref<3200xf32, #tpu.memory_space<vmem_shared>>
    tpu.wait_dma2 semaphore(%arg11 : memref<!tpu.dma_semaphore, #tpu.memory_space<semaphore_mem>>) src(%dma_wait3A_900 : memref<3200xf32, #tpu.memory_space<vmem_shared>>) dst(%dma_wait3A_899 : memref<3200xf32, #tpu.memory_space<vmem>>)
    %add3A_901 = arith.constant 35200 : i32
    %add3A_902 = arith.addi %add3A_560, %add3A_901 : i32
    %dma_start3A_903 = arith.constant 3200 : i32
    %dma_start3A_904 = tpu.memref_slice %arg9[%dma_start3A_903] : memref<6400xf32, #tpu.memory_space<vmem>> -> memref<3200xf32, #tpu.memory_space<vmem>>
    %dma_start3A_905 = tpu.memref_slice %arg4[%add3A_902] : memref<5120000xf32, #tpu.memory_space<hbm>> -> memref<3200xf32, #tpu.memory_space<hbm>>
    %dma_start3A_906 = tpu.memref_slice %arg4[%add3A_902] : memref<5120000xf32, #tpu.memory_space<hbm>> -> memref<3200xf32, #tpu.memory_space<hbm>>
    %dma_start3A_907 = arith.constant 3200 : i32
    %dma_start3A_908 = tpu.memref_slice %arg9[%dma_start3A_907] : memref<6400xf32, #tpu.memory_space<vmem>> -> memref<3200xf32, #tpu.memory_space<vmem>>
    tpu.enqueue_dma source(%dma_start3A_908 : memref<3200xf32, #tpu.memory_space<vmem>>) target(%dma_start3A_906 : memref<3200xf32, #tpu.memory_space<hbm>>) target_semaphore(%arg12 : memref<!tpu.dma_semaphore, #tpu.memory_space<semaphore_mem>>)
    %dma_wait3A_909 = arith.constant 0 : i32
    %dma_wait3A_910 = tpu.memref_slice %arg9[%dma_wait3A_909] : memref<6400xf32, #tpu.memory_space<vmem>> -> memref<3200xf32, #tpu.memory_space<vmem>>
    %dma_wait3A_911 = tpu.memref_slice %arg4[%add3A_872] : memref<5120000xf32, #tpu.memory_space<hbm>> -> memref<3200xf32, #tpu.memory_space<hbm>>
    %dma_wait3A_912 = tpu.memref_slice %arg4[%add3A_872] : memref<5120000xf32, #tpu.memory_space<hbm>> -> memref<3200xf32, #tpu.memory_space<hbm>>
    %dma_wait3A_913 = arith.constant 0 : i32
    %dma_wait3A_914 = tpu.memref_slice %arg9[%dma_wait3A_913] : memref<6400xf32, #tpu.memory_space<vmem>> -> memref<3200xf32, #tpu.memory_space<vmem>>
    tpu.wait_dma2 semaphore(%arg12 : memref<!tpu.dma_semaphore, #tpu.memory_space<semaphore_mem>>) src(%dma_wait3A_914 : memref<3200xf32, #tpu.memory_space<vmem>>) dst(%dma_wait3A_912 : memref<3200xf32, #tpu.memory_space<hbm>>)
    %mul3A_915 = arith.constant 80000 : i32
    %mul3A_916 = arith.muli %arg1, %mul3A_915 : i32
    %add3A_917 = arith.constant 38400 : i32
    %add3A_918 = arith.addi %mul3A_916, %add3A_917 : i32
    %dma_start3A_919 = arith.constant 0 : i32
    %dma_start3A_920 = tpu.memref_slice %arg9[%dma_start3A_919] : memref<6400xf32, #tpu.memory_space<vmem>> -> memref<3200xf32, #tpu.memory_space<vmem>>
    %dma_start3A_921 = tpu.memref_slice %arg10[%add3A_918] : memref<1280128xf32, #tpu.memory_space<vmem_shared>> -> memref<3200xf32, #tpu.memory_space<vmem_shared>>
    %dma_start3A_922 = arith.constant 0 : i32
    %dma_start3A_923 = tpu.memref_slice %arg9[%dma_start3A_922] : memref<6400xf32, #tpu.memory_space<vmem>> -> memref<3200xf32, #tpu.memory_space<vmem>>
    %dma_start3A_924 = tpu.memref_slice %arg10[%add3A_918] : memref<1280128xf32, #tpu.memory_space<vmem_shared>> -> memref<3200xf32, #tpu.memory_space<vmem_shared>>
    tpu.enqueue_dma source(%dma_start3A_924 : memref<3200xf32, #tpu.memory_space<vmem_shared>>) target(%dma_start3A_923 : memref<3200xf32, #tpu.memory_space<vmem>>) target_semaphore(%arg11 : memref<!tpu.dma_semaphore, #tpu.memory_space<semaphore_mem>>)
    %dma_wait3A_925 = arith.constant 0 : i32
    %dma_wait3A_926 = tpu.memref_slice %arg9[%dma_wait3A_925] : memref<6400xf32, #tpu.memory_space<vmem>> -> memref<3200xf32, #tpu.memory_space<vmem>>
    %dma_wait3A_927 = tpu.memref_slice %arg10[%add3A_918] : memref<1280128xf32, #tpu.memory_space<vmem_shared>> -> memref<3200xf32, #tpu.memory_space<vmem_shared>>
    %dma_wait3A_928 = arith.constant 0 : i32
    %dma_wait3A_929 = tpu.memref_slice %arg9[%dma_wait3A_928] : memref<6400xf32, #tpu.memory_space<vmem>> -> memref<3200xf32, #tpu.memory_space<vmem>>
    %dma_wait3A_930 = tpu.memref_slice %arg10[%add3A_918] : memref<1280128xf32, #tpu.memory_space<vmem_shared>> -> memref<3200xf32, #tpu.memory_space<vmem_shared>>
    tpu.wait_dma2 semaphore(%arg11 : memref<!tpu.dma_semaphore, #tpu.memory_space<semaphore_mem>>) src(%dma_wait3A_930 : memref<3200xf32, #tpu.memory_space<vmem_shared>>) dst(%dma_wait3A_929 : memref<3200xf32, #tpu.memory_space<vmem>>)
    %add3A_931 = arith.constant 38400 : i32
    %add3A_932 = arith.addi %add3A_560, %add3A_931 : i32
    %dma_start3A_933 = arith.constant 0 : i32
    %dma_start3A_934 = tpu.memref_slice %arg9[%dma_start3A_933] : memref<6400xf32, #tpu.memory_space<vmem>> -> memref<3200xf32, #tpu.memory_space<vmem>>
    %dma_start3A_935 = tpu.memref_slice %arg4[%add3A_932] : memref<5120000xf32, #tpu.memory_space<hbm>> -> memref<3200xf32, #tpu.memory_space<hbm>>
    %dma_start3A_936 = tpu.memref_slice %arg4[%add3A_932] : memref<5120000xf32, #tpu.memory_space<hbm>> -> memref<3200xf32, #tpu.memory_space<hbm>>
    %dma_start3A_937 = arith.constant 0 : i32
    %dma_start3A_938 = tpu.memref_slice %arg9[%dma_start3A_937] : memref<6400xf32, #tpu.memory_space<vmem>> -> memref<3200xf32, #tpu.memory_space<vmem>>
    tpu.enqueue_dma source(%dma_start3A_938 : memref<3200xf32, #tpu.memory_space<vmem>>) target(%dma_start3A_936 : memref<3200xf32, #tpu.memory_space<hbm>>) target_semaphore(%arg12 : memref<!tpu.dma_semaphore, #tpu.memory_space<semaphore_mem>>)
    %dma_wait3A_939 = arith.constant 3200 : i32
    %dma_wait3A_940 = tpu.memref_slice %arg9[%dma_wait3A_939] : memref<6400xf32, #tpu.memory_space<vmem>> -> memref<3200xf32, #tpu.memory_space<vmem>>
    %dma_wait3A_941 = tpu.memref_slice %arg4[%add3A_902] : memref<5120000xf32, #tpu.memory_space<hbm>> -> memref<3200xf32, #tpu.memory_space<hbm>>
    %dma_wait3A_942 = tpu.memref_slice %arg4[%add3A_902] : memref<5120000xf32, #tpu.memory_space<hbm>> -> memref<3200xf32, #tpu.memory_space<hbm>>
    %dma_wait3A_943 = arith.constant 3200 : i32
    %dma_wait3A_944 = tpu.memref_slice %arg9[%dma_wait3A_943] : memref<6400xf32, #tpu.memory_space<vmem>> -> memref<3200xf32, #tpu.memory_space<vmem>>
    tpu.wait_dma2 semaphore(%arg12 : memref<!tpu.dma_semaphore, #tpu.memory_space<semaphore_mem>>) src(%dma_wait3A_944 : memref<3200xf32, #tpu.memory_space<vmem>>) dst(%dma_wait3A_942 : memref<3200xf32, #tpu.memory_space<hbm>>)
    %mul3A_945 = arith.constant 80000 : i32
    %mul3A_946 = arith.muli %arg1, %mul3A_945 : i32
    %add3A_947 = arith.constant 41600 : i32
    %add3A_948 = arith.addi %mul3A_946, %add3A_947 : i32
    %dma_start3A_949 = arith.constant 3200 : i32
    %dma_start3A_950 = tpu.memref_slice %arg9[%dma_start3A_949] : memref<6400xf32, #tpu.memory_space<vmem>> -> memref<3200xf32, #tpu.memory_space<vmem>>
    %dma_start3A_951 = tpu.memref_slice %arg10[%add3A_948] : memref<1280128xf32, #tpu.memory_space<vmem_shared>> -> memref<3200xf32, #tpu.memory_space<vmem_shared>>
    %dma_start3A_952 = arith.constant 3200 : i32
    %dma_start3A_953 = tpu.memref_slice %arg9[%dma_start3A_952] : memref<6400xf32, #tpu.memory_space<vmem>> -> memref<3200xf32, #tpu.memory_space<vmem>>
    %dma_start3A_954 = tpu.memref_slice %arg10[%add3A_948] : memref<1280128xf32, #tpu.memory_space<vmem_shared>> -> memref<3200xf32, #tpu.memory_space<vmem_shared>>
    tpu.enqueue_dma source(%dma_start3A_954 : memref<3200xf32, #tpu.memory_space<vmem_shared>>) target(%dma_start3A_953 : memref<3200xf32, #tpu.memory_space<vmem>>) target_semaphore(%arg11 : memref<!tpu.dma_semaphore, #tpu.memory_space<semaphore_mem>>)
    %dma_wait3A_955 = arith.constant 3200 : i32
    %dma_wait3A_956 = tpu.memref_slice %arg9[%dma_wait3A_955] : memref<6400xf32, #tpu.memory_space<vmem>> -> memref<3200xf32, #tpu.memory_space<vmem>>
    %dma_wait3A_957 = tpu.memref_slice %arg10[%add3A_948] : memref<1280128xf32, #tpu.memory_space<vmem_shared>> -> memref<3200xf32, #tpu.memory_space<vmem_shared>>
    %dma_wait3A_958 = arith.constant 3200 : i32
    %dma_wait3A_959 = tpu.memref_slice %arg9[%dma_wait3A_958] : memref<6400xf32, #tpu.memory_space<vmem>> -> memref<3200xf32, #tpu.memory_space<vmem>>
    %dma_wait3A_960 = tpu.memref_slice %arg10[%add3A_948] : memref<1280128xf32, #tpu.memory_space<vmem_shared>> -> memref<3200xf32, #tpu.memory_space<vmem_shared>>
    tpu.wait_dma2 semaphore(%arg11 : memref<!tpu.dma_semaphore, #tpu.memory_space<semaphore_mem>>) src(%dma_wait3A_960 : memref<3200xf32, #tpu.memory_space<vmem_shared>>) dst(%dma_wait3A_959 : memref<3200xf32, #tpu.memory_space<vmem>>)
    %add3A_961 = arith.constant 41600 : i32
    %add3A_962 = arith.addi %add3A_560, %add3A_961 : i32
    %dma_start3A_963 = arith.constant 3200 : i32
    %dma_start3A_964 = tpu.memref_slice %arg9[%dma_start3A_963] : memref<6400xf32, #tpu.memory_space<vmem>> -> memref<3200xf32, #tpu.memory_space<vmem>>
    %dma_start3A_965 = tpu.memref_slice %arg4[%add3A_962] : memref<5120000xf32, #tpu.memory_space<hbm>> -> memref<3200xf32, #tpu.memory_space<hbm>>
    %dma_start3A_966 = tpu.memref_slice %arg4[%add3A_962] : memref<5120000xf32, #tpu.memory_space<hbm>> -> memref<3200xf32, #tpu.memory_space<hbm>>
    %dma_start3A_967 = arith.constant 3200 : i32
    %dma_start3A_968 = tpu.memref_slice %arg9[%dma_start3A_967] : memref<6400xf32, #tpu.memory_space<vmem>> -> memref<3200xf32, #tpu.memory_space<vmem>>
    tpu.enqueue_dma source(%dma_start3A_968 : memref<3200xf32, #tpu.memory_space<vmem>>) target(%dma_start3A_966 : memref<3200xf32, #tpu.memory_space<hbm>>) target_semaphore(%arg12 : memref<!tpu.dma_semaphore, #tpu.memory_space<semaphore_mem>>)
    %dma_wait3A_969 = arith.constant 0 : i32
    %dma_wait3A_970 = tpu.memref_slice %arg9[%dma_wait3A_969] : memref<6400xf32, #tpu.memory_space<vmem>> -> memref<3200xf32, #tpu.memory_space<vmem>>
    %dma_wait3A_971 = tpu.memref_slice %arg4[%add3A_932] : memref<5120000xf32, #tpu.memory_space<hbm>> -> memref<3200xf32, #tpu.memory_space<hbm>>
    %dma_wait3A_972 = tpu.memref_slice %arg4[%add3A_932] : memref<5120000xf32, #tpu.memory_space<hbm>> -> memref<3200xf32, #tpu.memory_space<hbm>>
    %dma_wait3A_973 = arith.constant 0 : i32
    %dma_wait3A_974 = tpu.memref_slice %arg9[%dma_wait3A_973] : memref<6400xf32, #tpu.memory_space<vmem>> -> memref<3200xf32, #tpu.memory_space<vmem>>
    tpu.wait_dma2 semaphore(%arg12 : memref<!tpu.dma_semaphore, #tpu.memory_space<semaphore_mem>>) src(%dma_wait3A_974 : memref<3200xf32, #tpu.memory_space<vmem>>) dst(%dma_wait3A_972 : memref<3200xf32, #tpu.memory_space<hbm>>)
    %mul3A_975 = arith.constant 80000 : i32
    %mul3A_976 = arith.muli %arg1, %mul3A_975 : i32
    %add3A_977 = arith.constant 44800 : i32
    %add3A_978 = arith.addi %mul3A_976, %add3A_977 : i32
    %dma_start3A_979 = arith.constant 0 : i32
    %dma_start3A_980 = tpu.memref_slice %arg9[%dma_start3A_979] : memref<6400xf32, #tpu.memory_space<vmem>> -> memref<3200xf32, #tpu.memory_space<vmem>>
    %dma_start3A_981 = tpu.memref_slice %arg10[%add3A_978] : memref<1280128xf32, #tpu.memory_space<vmem_shared>> -> memref<3200xf32, #tpu.memory_space<vmem_shared>>
    %dma_start3A_982 = arith.constant 0 : i32
    %dma_start3A_983 = tpu.memref_slice %arg9[%dma_start3A_982] : memref<6400xf32, #tpu.memory_space<vmem>> -> memref<3200xf32, #tpu.memory_space<vmem>>
    %dma_start3A_984 = tpu.memref_slice %arg10[%add3A_978] : memref<1280128xf32, #tpu.memory_space<vmem_shared>> -> memref<3200xf32, #tpu.memory_space<vmem_shared>>
    tpu.enqueue_dma source(%dma_start3A_984 : memref<3200xf32, #tpu.memory_space<vmem_shared>>) target(%dma_start3A_983 : memref<3200xf32, #tpu.memory_space<vmem>>) target_semaphore(%arg11 : memref<!tpu.dma_semaphore, #tpu.memory_space<semaphore_mem>>)
    %dma_wait3A_985 = arith.constant 0 : i32
    %dma_wait3A_986 = tpu.memref_slice %arg9[%dma_wait3A_985] : memref<6400xf32, #tpu.memory_space<vmem>> -> memref<3200xf32, #tpu.memory_space<vmem>>
    %dma_wait3A_987 = tpu.memref_slice %arg10[%add3A_978] : memref<1280128xf32, #tpu.memory_space<vmem_shared>> -> memref<3200xf32, #tpu.memory_space<vmem_shared>>
    %dma_wait3A_988 = arith.constant 0 : i32
    %dma_wait3A_989 = tpu.memref_slice %arg9[%dma_wait3A_988] : memref<6400xf32, #tpu.memory_space<vmem>> -> memref<3200xf32, #tpu.memory_space<vmem>>
    %dma_wait3A_990 = tpu.memref_slice %arg10[%add3A_978] : memref<1280128xf32, #tpu.memory_space<vmem_shared>> -> memref<3200xf32, #tpu.memory_space<vmem_shared>>
    tpu.wait_dma2 semaphore(%arg11 : memref<!tpu.dma_semaphore, #tpu.memory_space<semaphore_mem>>) src(%dma_wait3A_990 : memref<3200xf32, #tpu.memory_space<vmem_shared>>) dst(%dma_wait3A_989 : memref<3200xf32, #tpu.memory_space<vmem>>)
    %add3A_991 = arith.constant 44800 : i32
    %add3A_992 = arith.addi %add3A_560, %add3A_991 : i32
    %dma_start3A_993 = arith.constant 0 : i32
    %dma_start3A_994 = tpu.memref_slice %arg9[%dma_start3A_993] : memref<6400xf32, #tpu.memory_space<vmem>> -> memref<3200xf32, #tpu.memory_space<vmem>>
    %dma_start3A_995 = tpu.memref_slice %arg4[%add3A_992] : memref<5120000xf32, #tpu.memory_space<hbm>> -> memref<3200xf32, #tpu.memory_space<hbm>>
    %dma_start3A_996 = tpu.memref_slice %arg4[%add3A_992] : memref<5120000xf32, #tpu.memory_space<hbm>> -> memref<3200xf32, #tpu.memory_space<hbm>>
    %dma_start3A_997 = arith.constant 0 : i32
    %dma_start3A_998 = tpu.memref_slice %arg9[%dma_start3A_997] : memref<6400xf32, #tpu.memory_space<vmem>> -> memref<3200xf32, #tpu.memory_space<vmem>>
    tpu.enqueue_dma source(%dma_start3A_998 : memref<3200xf32, #tpu.memory_space<vmem>>) target(%dma_start3A_996 : memref<3200xf32, #tpu.memory_space<hbm>>) target_semaphore(%arg12 : memref<!tpu.dma_semaphore, #tpu.memory_space<semaphore_mem>>)
    %dma_wait3A_999 = arith.constant 3200 : i32
    %dma_wait3A_1000 = tpu.memref_slice %arg9[%dma_wait3A_999] : memref<6400xf32, #tpu.memory_space<vmem>> -> memref<3200xf32, #tpu.memory_space<vmem>>
    %dma_wait3A_1001 = tpu.memref_slice %arg4[%add3A_962] : memref<5120000xf32, #tpu.memory_space<hbm>> -> memref<3200xf32, #tpu.memory_space<hbm>>
    %dma_wait3A_1002 = tpu.memref_slice %arg4[%add3A_962] : memref<5120000xf32, #tpu.memory_space<hbm>> -> memref<3200xf32, #tpu.memory_space<hbm>>
    %dma_wait3A_1003 = arith.constant 3200 : i32
    %dma_wait3A_1004 = tpu.memref_slice %arg9[%dma_wait3A_1003] : memref<6400xf32, #tpu.memory_space<vmem>> -> memref<3200xf32, #tpu.memory_space<vmem>>
    tpu.wait_dma2 semaphore(%arg12 : memref<!tpu.dma_semaphore, #tpu.memory_space<semaphore_mem>>) src(%dma_wait3A_1004 : memref<3200xf32, #tpu.memory_space<vmem>>) dst(%dma_wait3A_1002 : memref<3200xf32, #tpu.memory_space<hbm>>)
    %mul3A_1005 = arith.constant 80000 : i32
    %mul3A_1006 = arith.muli %arg1, %mul3A_1005 : i32
    %add3A_1007 = arith.constant 48000 : i32
    %add3A_1008 = arith.addi %mul3A_1006, %add3A_1007 : i32
    %dma_start3A_1009 = arith.constant 3200 : i32
    %dma_start3A_1010 = tpu.memref_slice %arg9[%dma_start3A_1009] : memref<6400xf32, #tpu.memory_space<vmem>> -> memref<3200xf32, #tpu.memory_space<vmem>>
    %dma_start3A_1011 = tpu.memref_slice %arg10[%add3A_1008] : memref<1280128xf32, #tpu.memory_space<vmem_shared>> -> memref<3200xf32, #tpu.memory_space<vmem_shared>>
    %dma_start3A_1012 = arith.constant 3200 : i32
    %dma_start3A_1013 = tpu.memref_slice %arg9[%dma_start3A_1012] : memref<6400xf32, #tpu.memory_space<vmem>> -> memref<3200xf32, #tpu.memory_space<vmem>>
    %dma_start3A_1014 = tpu.memref_slice %arg10[%add3A_1008] : memref<1280128xf32, #tpu.memory_space<vmem_shared>> -> memref<3200xf32, #tpu.memory_space<vmem_shared>>
    tpu.enqueue_dma source(%dma_start3A_1014 : memref<3200xf32, #tpu.memory_space<vmem_shared>>) target(%dma_start3A_1013 : memref<3200xf32, #tpu.memory_space<vmem>>) target_semaphore(%arg11 : memref<!tpu.dma_semaphore, #tpu.memory_space<semaphore_mem>>)
    %dma_wait3A_1015 = arith.constant 3200 : i32
    %dma_wait3A_1016 = tpu.memref_slice %arg9[%dma_wait3A_1015] : memref<6400xf32, #tpu.memory_space<vmem>> -> memref<3200xf32, #tpu.memory_space<vmem>>
    %dma_wait3A_1017 = tpu.memref_slice %arg10[%add3A_1008] : memref<1280128xf32, #tpu.memory_space<vmem_shared>> -> memref<3200xf32, #tpu.memory_space<vmem_shared>>
    %dma_wait3A_1018 = arith.constant 3200 : i32
    %dma_wait3A_1019 = tpu.memref_slice %arg9[%dma_wait3A_1018] : memref<6400xf32, #tpu.memory_space<vmem>> -> memref<3200xf32, #tpu.memory_space<vmem>>
    %dma_wait3A_1020 = tpu.memref_slice %arg10[%add3A_1008] : memref<1280128xf32, #tpu.memory_space<vmem_shared>> -> memref<3200xf32, #tpu.memory_space<vmem_shared>>
    tpu.wait_dma2 semaphore(%arg11 : memref<!tpu.dma_semaphore, #tpu.memory_space<semaphore_mem>>) src(%dma_wait3A_1020 : memref<3200xf32, #tpu.memory_space<vmem_shared>>) dst(%dma_wait3A_1019 : memref<3200xf32, #tpu.memory_space<vmem>>)
    %add3A_1021 = arith.constant 48000 : i32
    %add3A_1022 = arith.addi %add3A_560, %add3A_1021 : i32
    %dma_start3A_1023 = arith.constant 3200 : i32
    %dma_start3A_1024 = tpu.memref_slice %arg9[%dma_start3A_1023] : memref<6400xf32, #tpu.memory_space<vmem>> -> memref<3200xf32, #tpu.memory_space<vmem>>
    %dma_start3A_1025 = tpu.memref_slice %arg4[%add3A_1022] : memref<5120000xf32, #tpu.memory_space<hbm>> -> memref<3200xf32, #tpu.memory_space<hbm>>
    %dma_start3A_1026 = tpu.memref_slice %arg4[%add3A_1022] : memref<5120000xf32, #tpu.memory_space<hbm>> -> memref<3200xf32, #tpu.memory_space<hbm>>
    %dma_start3A_1027 = arith.constant 3200 : i32
    %dma_start3A_1028 = tpu.memref_slice %arg9[%dma_start3A_1027] : memref<6400xf32, #tpu.memory_space<vmem>> -> memref<3200xf32, #tpu.memory_space<vmem>>
    tpu.enqueue_dma source(%dma_start3A_1028 : memref<3200xf32, #tpu.memory_space<vmem>>) target(%dma_start3A_1026 : memref<3200xf32, #tpu.memory_space<hbm>>) target_semaphore(%arg12 : memref<!tpu.dma_semaphore, #tpu.memory_space<semaphore_mem>>)
    %dma_wait3A_1029 = arith.constant 0 : i32
    %dma_wait3A_1030 = tpu.memref_slice %arg9[%dma_wait3A_1029] : memref<6400xf32, #tpu.memory_space<vmem>> -> memref<3200xf32, #tpu.memory_space<vmem>>
    %dma_wait3A_1031 = tpu.memref_slice %arg4[%add3A_992] : memref<5120000xf32, #tpu.memory_space<hbm>> -> memref<3200xf32, #tpu.memory_space<hbm>>
    %dma_wait3A_1032 = tpu.memref_slice %arg4[%add3A_992] : memref<5120000xf32, #tpu.memory_space<hbm>> -> memref<3200xf32, #tpu.memory_space<hbm>>
    %dma_wait3A_1033 = arith.constant 0 : i32
    %dma_wait3A_1034 = tpu.memref_slice %arg9[%dma_wait3A_1033] : memref<6400xf32, #tpu.memory_space<vmem>> -> memref<3200xf32, #tpu.memory_space<vmem>>
    tpu.wait_dma2 semaphore(%arg12 : memref<!tpu.dma_semaphore, #tpu.memory_space<semaphore_mem>>) src(%dma_wait3A_1034 : memref<3200xf32, #tpu.memory_space<vmem>>) dst(%dma_wait3A_1032 : memref<3200xf32, #tpu.memory_space<hbm>>)
    %mul3A_1035 = arith.constant 80000 : i32
    %mul3A_1036 = arith.muli %arg1, %mul3A_1035 : i32
    %add3A_1037 = arith.constant 51200 : i32
    %add3A_1038 = arith.addi %mul3A_1036, %add3A_1037 : i32
    %dma_start3A_1039 = arith.constant 0 : i32
    %dma_start3A_1040 = tpu.memref_slice %arg9[%dma_start3A_1039] : memref<6400xf32, #tpu.memory_space<vmem>> -> memref<3200xf32, #tpu.memory_space<vmem>>
    %dma_start3A_1041 = tpu.memref_slice %arg10[%add3A_1038] : memref<1280128xf32, #tpu.memory_space<vmem_shared>> -> memref<3200xf32, #tpu.memory_space<vmem_shared>>
    %dma_start3A_1042 = arith.constant 0 : i32
    %dma_start3A_1043 = tpu.memref_slice %arg9[%dma_start3A_1042] : memref<6400xf32, #tpu.memory_space<vmem>> -> memref<3200xf32, #tpu.memory_space<vmem>>
    %dma_start3A_1044 = tpu.memref_slice %arg10[%add3A_1038] : memref<1280128xf32, #tpu.memory_space<vmem_shared>> -> memref<3200xf32, #tpu.memory_space<vmem_shared>>
    tpu.enqueue_dma source(%dma_start3A_1044 : memref<3200xf32, #tpu.memory_space<vmem_shared>>) target(%dma_start3A_1043 : memref<3200xf32, #tpu.memory_space<vmem>>) target_semaphore(%arg11 : memref<!tpu.dma_semaphore, #tpu.memory_space<semaphore_mem>>)
    %dma_wait3A_1045 = arith.constant 0 : i32
    %dma_wait3A_1046 = tpu.memref_slice %arg9[%dma_wait3A_1045] : memref<6400xf32, #tpu.memory_space<vmem>> -> memref<3200xf32, #tpu.memory_space<vmem>>
    %dma_wait3A_1047 = tpu.memref_slice %arg10[%add3A_1038] : memref<1280128xf32, #tpu.memory_space<vmem_shared>> -> memref<3200xf32, #tpu.memory_space<vmem_shared>>
    %dma_wait3A_1048 = arith.constant 0 : i32
    %dma_wait3A_1049 = tpu.memref_slice %arg9[%dma_wait3A_1048] : memref<6400xf32, #tpu.memory_space<vmem>> -> memref<3200xf32, #tpu.memory_space<vmem>>
    %dma_wait3A_1050 = tpu.memref_slice %arg10[%add3A_1038] : memref<1280128xf32, #tpu.memory_space<vmem_shared>> -> memref<3200xf32, #tpu.memory_space<vmem_shared>>
    tpu.wait_dma2 semaphore(%arg11 : memref<!tpu.dma_semaphore, #tpu.memory_space<semaphore_mem>>) src(%dma_wait3A_1050 : memref<3200xf32, #tpu.memory_space<vmem_shared>>) dst(%dma_wait3A_1049 : memref<3200xf32, #tpu.memory_space<vmem>>)
    %add3A_1051 = arith.constant 51200 : i32
    %add3A_1052 = arith.addi %add3A_560, %add3A_1051 : i32
    %dma_start3A_1053 = arith.constant 0 : i32
    %dma_start3A_1054 = tpu.memref_slice %arg9[%dma_start3A_1053] : memref<6400xf32, #tpu.memory_space<vmem>> -> memref<3200xf32, #tpu.memory_space<vmem>>
    %dma_start3A_1055 = tpu.memref_slice %arg4[%add3A_1052] : memref<5120000xf32, #tpu.memory_space<hbm>> -> memref<3200xf32, #tpu.memory_space<hbm>>
    %dma_start3A_1056 = tpu.memref_slice %arg4[%add3A_1052] : memref<5120000xf32, #tpu.memory_space<hbm>> -> memref<3200xf32, #tpu.memory_space<hbm>>
    %dma_start3A_1057 = arith.constant 0 : i32
    %dma_start3A_1058 = tpu.memref_slice %arg9[%dma_start3A_1057] : memref<6400xf32, #tpu.memory_space<vmem>> -> memref<3200xf32, #tpu.memory_space<vmem>>
    tpu.enqueue_dma source(%dma_start3A_1058 : memref<3200xf32, #tpu.memory_space<vmem>>) target(%dma_start3A_1056 : memref<3200xf32, #tpu.memory_space<hbm>>) target_semaphore(%arg12 : memref<!tpu.dma_semaphore, #tpu.memory_space<semaphore_mem>>)
    %dma_wait3A_1059 = arith.constant 3200 : i32
    %dma_wait3A_1060 = tpu.memref_slice %arg9[%dma_wait3A_1059] : memref<6400xf32, #tpu.memory_space<vmem>> -> memref<3200xf32, #tpu.memory_space<vmem>>
    %dma_wait3A_1061 = tpu.memref_slice %arg4[%add3A_1022] : memref<5120000xf32, #tpu.memory_space<hbm>> -> memref<3200xf32, #tpu.memory_space<hbm>>
    %dma_wait3A_1062 = tpu.memref_slice %arg4[%add3A_1022] : memref<5120000xf32, #tpu.memory_space<hbm>> -> memref<3200xf32, #tpu.memory_space<hbm>>
    %dma_wait3A_1063 = arith.constant 3200 : i32
    %dma_wait3A_1064 = tpu.memref_slice %arg9[%dma_wait3A_1063] : memref<6400xf32, #tpu.memory_space<vmem>> -> memref<3200xf32, #tpu.memory_space<vmem>>
    tpu.wait_dma2 semaphore(%arg12 : memref<!tpu.dma_semaphore, #tpu.memory_space<semaphore_mem>>) src(%dma_wait3A_1064 : memref<3200xf32, #tpu.memory_space<vmem>>) dst(%dma_wait3A_1062 : memref<3200xf32, #tpu.memory_space<hbm>>)
    %mul3A_1065 = arith.constant 80000 : i32
    %mul3A_1066 = arith.muli %arg1, %mul3A_1065 : i32
    %add3A_1067 = arith.constant 54400 : i32
    %add3A_1068 = arith.addi %mul3A_1066, %add3A_1067 : i32
    %dma_start3A_1069 = arith.constant 3200 : i32
    %dma_start3A_1070 = tpu.memref_slice %arg9[%dma_start3A_1069] : memref<6400xf32, #tpu.memory_space<vmem>> -> memref<3200xf32, #tpu.memory_space<vmem>>
    %dma_start3A_1071 = tpu.memref_slice %arg10[%add3A_1068] : memref<1280128xf32, #tpu.memory_space<vmem_shared>> -> memref<3200xf32, #tpu.memory_space<vmem_shared>>
    %dma_start3A_1072 = arith.constant 3200 : i32
    %dma_start3A_1073 = tpu.memref_slice %arg9[%dma_start3A_1072] : memref<6400xf32, #tpu.memory_space<vmem>> -> memref<3200xf32, #tpu.memory_space<vmem>>
    %dma_start3A_1074 = tpu.memref_slice %arg10[%add3A_1068] : memref<1280128xf32, #tpu.memory_space<vmem_shared>> -> memref<3200xf32, #tpu.memory_space<vmem_shared>>
    tpu.enqueue_dma source(%dma_start3A_1074 : memref<3200xf32, #tpu.memory_space<vmem_shared>>) target(%dma_start3A_1073 : memref<3200xf32, #tpu.memory_space<vmem>>) target_semaphore(%arg11 : memref<!tpu.dma_semaphore, #tpu.memory_space<semaphore_mem>>)
    %dma_wait3A_1075 = arith.constant 3200 : i32
    %dma_wait3A_1076 = tpu.memref_slice %arg9[%dma_wait3A_1075] : memref<6400xf32, #tpu.memory_space<vmem>> -> memref<3200xf32, #tpu.memory_space<vmem>>
    %dma_wait3A_1077 = tpu.memref_slice %arg10[%add3A_1068] : memref<1280128xf32, #tpu.memory_space<vmem_shared>> -> memref<3200xf32, #tpu.memory_space<vmem_shared>>
    %dma_wait3A_1078 = arith.constant 3200 : i32
    %dma_wait3A_1079 = tpu.memref_slice %arg9[%dma_wait3A_1078] : memref<6400xf32, #tpu.memory_space<vmem>> -> memref<3200xf32, #tpu.memory_space<vmem>>
    %dma_wait3A_1080 = tpu.memref_slice %arg10[%add3A_1068] : memref<1280128xf32, #tpu.memory_space<vmem_shared>> -> memref<3200xf32, #tpu.memory_space<vmem_shared>>
    tpu.wait_dma2 semaphore(%arg11 : memref<!tpu.dma_semaphore, #tpu.memory_space<semaphore_mem>>) src(%dma_wait3A_1080 : memref<3200xf32, #tpu.memory_space<vmem_shared>>) dst(%dma_wait3A_1079 : memref<3200xf32, #tpu.memory_space<vmem>>)
    %add3A_1081 = arith.constant 54400 : i32
    %add3A_1082 = arith.addi %add3A_560, %add3A_1081 : i32
    %dma_start3A_1083 = arith.constant 3200 : i32
    %dma_start3A_1084 = tpu.memref_slice %arg9[%dma_start3A_1083] : memref<6400xf32, #tpu.memory_space<vmem>> -> memref<3200xf32, #tpu.memory_space<vmem>>
    %dma_start3A_1085 = tpu.memref_slice %arg4[%add3A_1082] : memref<5120000xf32, #tpu.memory_space<hbm>> -> memref<3200xf32, #tpu.memory_space<hbm>>
    %dma_start3A_1086 = tpu.memref_slice %arg4[%add3A_1082] : memref<5120000xf32, #tpu.memory_space<hbm>> -> memref<3200xf32, #tpu.memory_space<hbm>>
    %dma_start3A_1087 = arith.constant 3200 : i32
    %dma_start3A_1088 = tpu.memref_slice %arg9[%dma_start3A_1087] : memref<6400xf32, #tpu.memory_space<vmem>> -> memref<3200xf32, #tpu.memory_space<vmem>>
    tpu.enqueue_dma source(%dma_start3A_1088 : memref<3200xf32, #tpu.memory_space<vmem>>) target(%dma_start3A_1086 : memref<3200xf32, #tpu.memory_space<hbm>>) target_semaphore(%arg12 : memref<!tpu.dma_semaphore, #tpu.memory_space<semaphore_mem>>)
    %dma_wait3A_1089 = arith.constant 0 : i32
    %dma_wait3A_1090 = tpu.memref_slice %arg9[%dma_wait3A_1089] : memref<6400xf32, #tpu.memory_space<vmem>> -> memref<3200xf32, #tpu.memory_space<vmem>>
    %dma_wait3A_1091 = tpu.memref_slice %arg4[%add3A_1052] : memref<5120000xf32, #tpu.memory_space<hbm>> -> memref<3200xf32, #tpu.memory_space<hbm>>
    %dma_wait3A_1092 = tpu.memref_slice %arg4[%add3A_1052] : memref<5120000xf32, #tpu.memory_space<hbm>> -> memref<3200xf32, #tpu.memory_space<hbm>>
    %dma_wait3A_1093 = arith.constant 0 : i32
    %dma_wait3A_1094 = tpu.memref_slice %arg9[%dma_wait3A_1093] : memref<6400xf32, #tpu.memory_space<vmem>> -> memref<3200xf32, #tpu.memory_space<vmem>>
    tpu.wait_dma2 semaphore(%arg12 : memref<!tpu.dma_semaphore, #tpu.memory_space<semaphore_mem>>) src(%dma_wait3A_1094 : memref<3200xf32, #tpu.memory_space<vmem>>) dst(%dma_wait3A_1092 : memref<3200xf32, #tpu.memory_space<hbm>>)
    %mul3A_1095 = arith.constant 80000 : i32
    %mul3A_1096 = arith.muli %arg1, %mul3A_1095 : i32
    %add3A_1097 = arith.constant 57600 : i32
    %add3A_1098 = arith.addi %mul3A_1096, %add3A_1097 : i32
    %dma_start3A_1099 = arith.constant 0 : i32
    %dma_start3A_1100 = tpu.memref_slice %arg9[%dma_start3A_1099] : memref<6400xf32, #tpu.memory_space<vmem>> -> memref<3200xf32, #tpu.memory_space<vmem>>
    %dma_start3A_1101 = tpu.memref_slice %arg10[%add3A_1098] : memref<1280128xf32, #tpu.memory_space<vmem_shared>> -> memref<3200xf32, #tpu.memory_space<vmem_shared>>
    %dma_start3A_1102 = arith.constant 0 : i32
    %dma_start3A_1103 = tpu.memref_slice %arg9[%dma_start3A_1102] : memref<6400xf32, #tpu.memory_space<vmem>> -> memref<3200xf32, #tpu.memory_space<vmem>>
    %dma_start3A_1104 = tpu.memref_slice %arg10[%add3A_1098] : memref<1280128xf32, #tpu.memory_space<vmem_shared>> -> memref<3200xf32, #tpu.memory_space<vmem_shared>>
    tpu.enqueue_dma source(%dma_start3A_1104 : memref<3200xf32, #tpu.memory_space<vmem_shared>>) target(%dma_start3A_1103 : memref<3200xf32, #tpu.memory_space<vmem>>) target_semaphore(%arg11 : memref<!tpu.dma_semaphore, #tpu.memory_space<semaphore_mem>>)
    %dma_wait3A_1105 = arith.constant 0 : i32
    %dma_wait3A_1106 = tpu.memref_slice %arg9[%dma_wait3A_1105] : memref<6400xf32, #tpu.memory_space<vmem>> -> memref<3200xf32, #tpu.memory_space<vmem>>
    %dma_wait3A_1107 = tpu.memref_slice %arg10[%add3A_1098] : memref<1280128xf32, #tpu.memory_space<vmem_shared>> -> memref<3200xf32, #tpu.memory_space<vmem_shared>>
    %dma_wait3A_1108 = arith.constant 0 : i32
    %dma_wait3A_1109 = tpu.memref_slice %arg9[%dma_wait3A_1108] : memref<6400xf32, #tpu.memory_space<vmem>> -> memref<3200xf32, #tpu.memory_space<vmem>>
    %dma_wait3A_1110 = tpu.memref_slice %arg10[%add3A_1098] : memref<1280128xf32, #tpu.memory_space<vmem_shared>> -> memref<3200xf32, #tpu.memory_space<vmem_shared>>
    tpu.wait_dma2 semaphore(%arg11 : memref<!tpu.dma_semaphore, #tpu.memory_space<semaphore_mem>>) src(%dma_wait3A_1110 : memref<3200xf32, #tpu.memory_space<vmem_shared>>) dst(%dma_wait3A_1109 : memref<3200xf32, #tpu.memory_space<vmem>>)
    %add3A_1111 = arith.constant 57600 : i32
    %add3A_1112 = arith.addi %add3A_560, %add3A_1111 : i32
    %dma_start3A_1113 = arith.constant 0 : i32
    %dma_start3A_1114 = tpu.memref_slice %arg9[%dma_start3A_1113] : memref<6400xf32, #tpu.memory_space<vmem>> -> memref<3200xf32, #tpu.memory_space<vmem>>
    %dma_start3A_1115 = tpu.memref_slice %arg4[%add3A_1112] : memref<5120000xf32, #tpu.memory_space<hbm>> -> memref<3200xf32, #tpu.memory_space<hbm>>
    %dma_start3A_1116 = tpu.memref_slice %arg4[%add3A_1112] : memref<5120000xf32, #tpu.memory_space<hbm>> -> memref<3200xf32, #tpu.memory_space<hbm>>
    %dma_start3A_1117 = arith.constant 0 : i32
    %dma_start3A_1118 = tpu.memref_slice %arg9[%dma_start3A_1117] : memref<6400xf32, #tpu.memory_space<vmem>> -> memref<3200xf32, #tpu.memory_space<vmem>>
    tpu.enqueue_dma source(%dma_start3A_1118 : memref<3200xf32, #tpu.memory_space<vmem>>) target(%dma_start3A_1116 : memref<3200xf32, #tpu.memory_space<hbm>>) target_semaphore(%arg12 : memref<!tpu.dma_semaphore, #tpu.memory_space<semaphore_mem>>)
    %dma_wait3A_1119 = arith.constant 3200 : i32
    %dma_wait3A_1120 = tpu.memref_slice %arg9[%dma_wait3A_1119] : memref<6400xf32, #tpu.memory_space<vmem>> -> memref<3200xf32, #tpu.memory_space<vmem>>
    %dma_wait3A_1121 = tpu.memref_slice %arg4[%add3A_1082] : memref<5120000xf32, #tpu.memory_space<hbm>> -> memref<3200xf32, #tpu.memory_space<hbm>>
    %dma_wait3A_1122 = tpu.memref_slice %arg4[%add3A_1082] : memref<5120000xf32, #tpu.memory_space<hbm>> -> memref<3200xf32, #tpu.memory_space<hbm>>
    %dma_wait3A_1123 = arith.constant 3200 : i32
    %dma_wait3A_1124 = tpu.memref_slice %arg9[%dma_wait3A_1123] : memref<6400xf32, #tpu.memory_space<vmem>> -> memref<3200xf32, #tpu.memory_space<vmem>>
    tpu.wait_dma2 semaphore(%arg12 : memref<!tpu.dma_semaphore, #tpu.memory_space<semaphore_mem>>) src(%dma_wait3A_1124 : memref<3200xf32, #tpu.memory_space<vmem>>) dst(%dma_wait3A_1122 : memref<3200xf32, #tpu.memory_space<hbm>>)
    %mul3A_1125 = arith.constant 80000 : i32
    %mul3A_1126 = arith.muli %arg1, %mul3A_1125 : i32
    %add3A_1127 = arith.constant 60800 : i32
    %add3A_1128 = arith.addi %mul3A_1126, %add3A_1127 : i32
    %dma_start3A_1129 = arith.constant 3200 : i32
    %dma_start3A_1130 = tpu.memref_slice %arg9[%dma_start3A_1129] : memref<6400xf32, #tpu.memory_space<vmem>> -> memref<3200xf32, #tpu.memory_space<vmem>>
    %dma_start3A_1131 = tpu.memref_slice %arg10[%add3A_1128] : memref<1280128xf32, #tpu.memory_space<vmem_shared>> -> memref<3200xf32, #tpu.memory_space<vmem_shared>>
    %dma_start3A_1132 = arith.constant 3200 : i32
    %dma_start3A_1133 = tpu.memref_slice %arg9[%dma_start3A_1132] : memref<6400xf32, #tpu.memory_space<vmem>> -> memref<3200xf32, #tpu.memory_space<vmem>>
    %dma_start3A_1134 = tpu.memref_slice %arg10[%add3A_1128] : memref<1280128xf32, #tpu.memory_space<vmem_shared>> -> memref<3200xf32, #tpu.memory_space<vmem_shared>>
    tpu.enqueue_dma source(%dma_start3A_1134 : memref<3200xf32, #tpu.memory_space<vmem_shared>>) target(%dma_start3A_1133 : memref<3200xf32, #tpu.memory_space<vmem>>) target_semaphore(%arg11 : memref<!tpu.dma_semaphore, #tpu.memory_space<semaphore_mem>>)
    %dma_wait3A_1135 = arith.constant 3200 : i32
    %dma_wait3A_1136 = tpu.memref_slice %arg9[%dma_wait3A_1135] : memref<6400xf32, #tpu.memory_space<vmem>> -> memref<3200xf32, #tpu.memory_space<vmem>>
    %dma_wait3A_1137 = tpu.memref_slice %arg10[%add3A_1128] : memref<1280128xf32, #tpu.memory_space<vmem_shared>> -> memref<3200xf32, #tpu.memory_space<vmem_shared>>
    %dma_wait3A_1138 = arith.constant 3200 : i32
    %dma_wait3A_1139 = tpu.memref_slice %arg9[%dma_wait3A_1138] : memref<6400xf32, #tpu.memory_space<vmem>> -> memref<3200xf32, #tpu.memory_space<vmem>>
    %dma_wait3A_1140 = tpu.memref_slice %arg10[%add3A_1128] : memref<1280128xf32, #tpu.memory_space<vmem_shared>> -> memref<3200xf32, #tpu.memory_space<vmem_shared>>
    tpu.wait_dma2 semaphore(%arg11 : memref<!tpu.dma_semaphore, #tpu.memory_space<semaphore_mem>>) src(%dma_wait3A_1140 : memref<3200xf32, #tpu.memory_space<vmem_shared>>) dst(%dma_wait3A_1139 : memref<3200xf32, #tpu.memory_space<vmem>>)
    %add3A_1141 = arith.constant 60800 : i32
    %add3A_1142 = arith.addi %add3A_560, %add3A_1141 : i32
    %dma_start3A_1143 = arith.constant 3200 : i32
    %dma_start3A_1144 = tpu.memref_slice %arg9[%dma_start3A_1143] : memref<6400xf32, #tpu.memory_space<vmem>> -> memref<3200xf32, #tpu.memory_space<vmem>>
    %dma_start3A_1145 = tpu.memref_slice %arg4[%add3A_1142] : memref<5120000xf32, #tpu.memory_space<hbm>> -> memref<3200xf32, #tpu.memory_space<hbm>>
    %dma_start3A_1146 = tpu.memref_slice %arg4[%add3A_1142] : memref<5120000xf32, #tpu.memory_space<hbm>> -> memref<3200xf32, #tpu.memory_space<hbm>>
    %dma_start3A_1147 = arith.constant 3200 : i32
    %dma_start3A_1148 = tpu.memref_slice %arg9[%dma_start3A_1147] : memref<6400xf32, #tpu.memory_space<vmem>> -> memref<3200xf32, #tpu.memory_space<vmem>>
    tpu.enqueue_dma source(%dma_start3A_1148 : memref<3200xf32, #tpu.memory_space<vmem>>) target(%dma_start3A_1146 : memref<3200xf32, #tpu.memory_space<hbm>>) target_semaphore(%arg12 : memref<!tpu.dma_semaphore, #tpu.memory_space<semaphore_mem>>)
    %dma_wait3A_1149 = arith.constant 0 : i32
    %dma_wait3A_1150 = tpu.memref_slice %arg9[%dma_wait3A_1149] : memref<6400xf32, #tpu.memory_space<vmem>> -> memref<3200xf32, #tpu.memory_space<vmem>>
    %dma_wait3A_1151 = tpu.memref_slice %arg4[%add3A_1112] : memref<5120000xf32, #tpu.memory_space<hbm>> -> memref<3200xf32, #tpu.memory_space<hbm>>
    %dma_wait3A_1152 = tpu.memref_slice %arg4[%add3A_1112] : memref<5120000xf32, #tpu.memory_space<hbm>> -> memref<3200xf32, #tpu.memory_space<hbm>>
    %dma_wait3A_1153 = arith.constant 0 : i32
    %dma_wait3A_1154 = tpu.memref_slice %arg9[%dma_wait3A_1153] : memref<6400xf32, #tpu.memory_space<vmem>> -> memref<3200xf32, #tpu.memory_space<vmem>>
    tpu.wait_dma2 semaphore(%arg12 : memref<!tpu.dma_semaphore, #tpu.memory_space<semaphore_mem>>) src(%dma_wait3A_1154 : memref<3200xf32, #tpu.memory_space<vmem>>) dst(%dma_wait3A_1152 : memref<3200xf32, #tpu.memory_space<hbm>>)
    %mul3A_1155 = arith.constant 80000 : i32
    %mul3A_1156 = arith.muli %arg1, %mul3A_1155 : i32
    %add3A_1157 = arith.constant 64000 : i32
    %add3A_1158 = arith.addi %mul3A_1156, %add3A_1157 : i32
    %dma_start3A_1159 = arith.constant 0 : i32
    %dma_start3A_1160 = tpu.memref_slice %arg9[%dma_start3A_1159] : memref<6400xf32, #tpu.memory_space<vmem>> -> memref<3200xf32, #tpu.memory_space<vmem>>
    %dma_start3A_1161 = tpu.memref_slice %arg10[%add3A_1158] : memref<1280128xf32, #tpu.memory_space<vmem_shared>> -> memref<3200xf32, #tpu.memory_space<vmem_shared>>
    %dma_start3A_1162 = arith.constant 0 : i32
    %dma_start3A_1163 = tpu.memref_slice %arg9[%dma_start3A_1162] : memref<6400xf32, #tpu.memory_space<vmem>> -> memref<3200xf32, #tpu.memory_space<vmem>>
    %dma_start3A_1164 = tpu.memref_slice %arg10[%add3A_1158] : memref<1280128xf32, #tpu.memory_space<vmem_shared>> -> memref<3200xf32, #tpu.memory_space<vmem_shared>>
    tpu.enqueue_dma source(%dma_start3A_1164 : memref<3200xf32, #tpu.memory_space<vmem_shared>>) target(%dma_start3A_1163 : memref<3200xf32, #tpu.memory_space<vmem>>) target_semaphore(%arg11 : memref<!tpu.dma_semaphore, #tpu.memory_space<semaphore_mem>>)
    %dma_wait3A_1165 = arith.constant 0 : i32
    %dma_wait3A_1166 = tpu.memref_slice %arg9[%dma_wait3A_1165] : memref<6400xf32, #tpu.memory_space<vmem>> -> memref<3200xf32, #tpu.memory_space<vmem>>
    %dma_wait3A_1167 = tpu.memref_slice %arg10[%add3A_1158] : memref<1280128xf32, #tpu.memory_space<vmem_shared>> -> memref<3200xf32, #tpu.memory_space<vmem_shared>>
    %dma_wait3A_1168 = arith.constant 0 : i32
    %dma_wait3A_1169 = tpu.memref_slice %arg9[%dma_wait3A_1168] : memref<6400xf32, #tpu.memory_space<vmem>> -> memref<3200xf32, #tpu.memory_space<vmem>>
    %dma_wait3A_1170 = tpu.memref_slice %arg10[%add3A_1158] : memref<1280128xf32, #tpu.memory_space<vmem_shared>> -> memref<3200xf32, #tpu.memory_space<vmem_shared>>
    tpu.wait_dma2 semaphore(%arg11 : memref<!tpu.dma_semaphore, #tpu.memory_space<semaphore_mem>>) src(%dma_wait3A_1170 : memref<3200xf32, #tpu.memory_space<vmem_shared>>) dst(%dma_wait3A_1169 : memref<3200xf32, #tpu.memory_space<vmem>>)
    %add3A_1171 = arith.constant 64000 : i32
    %add3A_1172 = arith.addi %add3A_560, %add3A_1171 : i32
    %dma_start3A_1173 = arith.constant 0 : i32
    %dma_start3A_1174 = tpu.memref_slice %arg9[%dma_start3A_1173] : memref<6400xf32, #tpu.memory_space<vmem>> -> memref<3200xf32, #tpu.memory_space<vmem>>
    %dma_start3A_1175 = tpu.memref_slice %arg4[%add3A_1172] : memref<5120000xf32, #tpu.memory_space<hbm>> -> memref<3200xf32, #tpu.memory_space<hbm>>
    %dma_start3A_1176 = tpu.memref_slice %arg4[%add3A_1172] : memref<5120000xf32, #tpu.memory_space<hbm>> -> memref<3200xf32, #tpu.memory_space<hbm>>
    %dma_start3A_1177 = arith.constant 0 : i32
    %dma_start3A_1178 = tpu.memref_slice %arg9[%dma_start3A_1177] : memref<6400xf32, #tpu.memory_space<vmem>> -> memref<3200xf32, #tpu.memory_space<vmem>>
    tpu.enqueue_dma source(%dma_start3A_1178 : memref<3200xf32, #tpu.memory_space<vmem>>) target(%dma_start3A_1176 : memref<3200xf32, #tpu.memory_space<hbm>>) target_semaphore(%arg12 : memref<!tpu.dma_semaphore, #tpu.memory_space<semaphore_mem>>)
    %dma_wait3A_1179 = arith.constant 3200 : i32
    %dma_wait3A_1180 = tpu.memref_slice %arg9[%dma_wait3A_1179] : memref<6400xf32, #tpu.memory_space<vmem>> -> memref<3200xf32, #tpu.memory_space<vmem>>
    %dma_wait3A_1181 = tpu.memref_slice %arg4[%add3A_1142] : memref<5120000xf32, #tpu.memory_space<hbm>> -> memref<3200xf32, #tpu.memory_space<hbm>>
    %dma_wait3A_1182 = tpu.memref_slice %arg4[%add3A_1142] : memref<5120000xf32, #tpu.memory_space<hbm>> -> memref<3200xf32, #tpu.memory_space<hbm>>
    %dma_wait3A_1183 = arith.constant 3200 : i32
    %dma_wait3A_1184 = tpu.memref_slice %arg9[%dma_wait3A_1183] : memref<6400xf32, #tpu.memory_space<vmem>> -> memref<3200xf32, #tpu.memory_space<vmem>>
    tpu.wait_dma2 semaphore(%arg12 : memref<!tpu.dma_semaphore, #tpu.memory_space<semaphore_mem>>) src(%dma_wait3A_1184 : memref<3200xf32, #tpu.memory_space<vmem>>) dst(%dma_wait3A_1182 : memref<3200xf32, #tpu.memory_space<hbm>>)
    %mul3A_1185 = arith.constant 80000 : i32
    %mul3A_1186 = arith.muli %arg1, %mul3A_1185 : i32
    %add3A_1187 = arith.constant 67200 : i32
    %add3A_1188 = arith.addi %mul3A_1186, %add3A_1187 : i32
    %dma_start3A_1189 = arith.constant 3200 : i32
    %dma_start3A_1190 = tpu.memref_slice %arg9[%dma_start3A_1189] : memref<6400xf32, #tpu.memory_space<vmem>> -> memref<3200xf32, #tpu.memory_space<vmem>>
    %dma_start3A_1191 = tpu.memref_slice %arg10[%add3A_1188] : memref<1280128xf32, #tpu.memory_space<vmem_shared>> -> memref<3200xf32, #tpu.memory_space<vmem_shared>>
    %dma_start3A_1192 = arith.constant 3200 : i32
    %dma_start3A_1193 = tpu.memref_slice %arg9[%dma_start3A_1192] : memref<6400xf32, #tpu.memory_space<vmem>> -> memref<3200xf32, #tpu.memory_space<vmem>>
    %dma_start3A_1194 = tpu.memref_slice %arg10[%add3A_1188] : memref<1280128xf32, #tpu.memory_space<vmem_shared>> -> memref<3200xf32, #tpu.memory_space<vmem_shared>>
    tpu.enqueue_dma source(%dma_start3A_1194 : memref<3200xf32, #tpu.memory_space<vmem_shared>>) target(%dma_start3A_1193 : memref<3200xf32, #tpu.memory_space<vmem>>) target_semaphore(%arg11 : memref<!tpu.dma_semaphore, #tpu.memory_space<semaphore_mem>>)
    %dma_wait3A_1195 = arith.constant 3200 : i32
    %dma_wait3A_1196 = tpu.memref_slice %arg9[%dma_wait3A_1195] : memref<6400xf32, #tpu.memory_space<vmem>> -> memref<3200xf32, #tpu.memory_space<vmem>>
    %dma_wait3A_1197 = tpu.memref_slice %arg10[%add3A_1188] : memref<1280128xf32, #tpu.memory_space<vmem_shared>> -> memref<3200xf32, #tpu.memory_space<vmem_shared>>
    %dma_wait3A_1198 = arith.constant 3200 : i32
    %dma_wait3A_1199 = tpu.memref_slice %arg9[%dma_wait3A_1198] : memref<6400xf32, #tpu.memory_space<vmem>> -> memref<3200xf32, #tpu.memory_space<vmem>>
    %dma_wait3A_1200 = tpu.memref_slice %arg10[%add3A_1188] : memref<1280128xf32, #tpu.memory_space<vmem_shared>> -> memref<3200xf32, #tpu.memory_space<vmem_shared>>
    tpu.wait_dma2 semaphore(%arg11 : memref<!tpu.dma_semaphore, #tpu.memory_space<semaphore_mem>>) src(%dma_wait3A_1200 : memref<3200xf32, #tpu.memory_space<vmem_shared>>) dst(%dma_wait3A_1199 : memref<3200xf32, #tpu.memory_space<vmem>>)
    %add3A_1201 = arith.constant 67200 : i32
    %add3A_1202 = arith.addi %add3A_560, %add3A_1201 : i32
    %dma_start3A_1203 = arith.constant 3200 : i32
    %dma_start3A_1204 = tpu.memref_slice %arg9[%dma_start3A_1203] : memref<6400xf32, #tpu.memory_space<vmem>> -> memref<3200xf32, #tpu.memory_space<vmem>>
    %dma_start3A_1205 = tpu.memref_slice %arg4[%add3A_1202] : memref<5120000xf32, #tpu.memory_space<hbm>> -> memref<3200xf32, #tpu.memory_space<hbm>>
    %dma_start3A_1206 = tpu.memref_slice %arg4[%add3A_1202] : memref<5120000xf32, #tpu.memory_space<hbm>> -> memref<3200xf32, #tpu.memory_space<hbm>>
    %dma_start3A_1207 = arith.constant 3200 : i32
    %dma_start3A_1208 = tpu.memref_slice %arg9[%dma_start3A_1207] : memref<6400xf32, #tpu.memory_space<vmem>> -> memref<3200xf32, #tpu.memory_space<vmem>>
    tpu.enqueue_dma source(%dma_start3A_1208 : memref<3200xf32, #tpu.memory_space<vmem>>) target(%dma_start3A_1206 : memref<3200xf32, #tpu.memory_space<hbm>>) target_semaphore(%arg12 : memref<!tpu.dma_semaphore, #tpu.memory_space<semaphore_mem>>)
    %dma_wait3A_1209 = arith.constant 0 : i32
    %dma_wait3A_1210 = tpu.memref_slice %arg9[%dma_wait3A_1209] : memref<6400xf32, #tpu.memory_space<vmem>> -> memref<3200xf32, #tpu.memory_space<vmem>>
    %dma_wait3A_1211 = tpu.memref_slice %arg4[%add3A_1172] : memref<5120000xf32, #tpu.memory_space<hbm>> -> memref<3200xf32, #tpu.memory_space<hbm>>
    %dma_wait3A_1212 = tpu.memref_slice %arg4[%add3A_1172] : memref<5120000xf32, #tpu.memory_space<hbm>> -> memref<3200xf32, #tpu.memory_space<hbm>>
    %dma_wait3A_1213 = arith.constant 0 : i32
    %dma_wait3A_1214 = tpu.memref_slice %arg9[%dma_wait3A_1213] : memref<6400xf32, #tpu.memory_space<vmem>> -> memref<3200xf32, #tpu.memory_space<vmem>>
    tpu.wait_dma2 semaphore(%arg12 : memref<!tpu.dma_semaphore, #tpu.memory_space<semaphore_mem>>) src(%dma_wait3A_1214 : memref<3200xf32, #tpu.memory_space<vmem>>) dst(%dma_wait3A_1212 : memref<3200xf32, #tpu.memory_space<hbm>>)
    %mul3A_1215 = arith.constant 80000 : i32
    %mul3A_1216 = arith.muli %arg1, %mul3A_1215 : i32
    %add3A_1217 = arith.constant 70400 : i32
    %add3A_1218 = arith.addi %mul3A_1216, %add3A_1217 : i32
    %dma_start3A_1219 = arith.constant 0 : i32
    %dma_start3A_1220 = tpu.memref_slice %arg9[%dma_start3A_1219] : memref<6400xf32, #tpu.memory_space<vmem>> -> memref<3200xf32, #tpu.memory_space<vmem>>
    %dma_start3A_1221 = tpu.memref_slice %arg10[%add3A_1218] : memref<1280128xf32, #tpu.memory_space<vmem_shared>> -> memref<3200xf32, #tpu.memory_space<vmem_shared>>
    %dma_start3A_1222 = arith.constant 0 : i32
    %dma_start3A_1223 = tpu.memref_slice %arg9[%dma_start3A_1222] : memref<6400xf32, #tpu.memory_space<vmem>> -> memref<3200xf32, #tpu.memory_space<vmem>>
    %dma_start3A_1224 = tpu.memref_slice %arg10[%add3A_1218] : memref<1280128xf32, #tpu.memory_space<vmem_shared>> -> memref<3200xf32, #tpu.memory_space<vmem_shared>>
    tpu.enqueue_dma source(%dma_start3A_1224 : memref<3200xf32, #tpu.memory_space<vmem_shared>>) target(%dma_start3A_1223 : memref<3200xf32, #tpu.memory_space<vmem>>) target_semaphore(%arg11 : memref<!tpu.dma_semaphore, #tpu.memory_space<semaphore_mem>>)
    %dma_wait3A_1225 = arith.constant 0 : i32
    %dma_wait3A_1226 = tpu.memref_slice %arg9[%dma_wait3A_1225] : memref<6400xf32, #tpu.memory_space<vmem>> -> memref<3200xf32, #tpu.memory_space<vmem>>
    %dma_wait3A_1227 = tpu.memref_slice %arg10[%add3A_1218] : memref<1280128xf32, #tpu.memory_space<vmem_shared>> -> memref<3200xf32, #tpu.memory_space<vmem_shared>>
    %dma_wait3A_1228 = arith.constant 0 : i32
    %dma_wait3A_1229 = tpu.memref_slice %arg9[%dma_wait3A_1228] : memref<6400xf32, #tpu.memory_space<vmem>> -> memref<3200xf32, #tpu.memory_space<vmem>>
    %dma_wait3A_1230 = tpu.memref_slice %arg10[%add3A_1218] : memref<1280128xf32, #tpu.memory_space<vmem_shared>> -> memref<3200xf32, #tpu.memory_space<vmem_shared>>
    tpu.wait_dma2 semaphore(%arg11 : memref<!tpu.dma_semaphore, #tpu.memory_space<semaphore_mem>>) src(%dma_wait3A_1230 : memref<3200xf32, #tpu.memory_space<vmem_shared>>) dst(%dma_wait3A_1229 : memref<3200xf32, #tpu.memory_space<vmem>>)
    %add3A_1231 = arith.constant 70400 : i32
    %add3A_1232 = arith.addi %add3A_560, %add3A_1231 : i32
    %dma_start3A_1233 = arith.constant 0 : i32
    %dma_start3A_1234 = tpu.memref_slice %arg9[%dma_start3A_1233] : memref<6400xf32, #tpu.memory_space<vmem>> -> memref<3200xf32, #tpu.memory_space<vmem>>
    %dma_start3A_1235 = tpu.memref_slice %arg4[%add3A_1232] : memref<5120000xf32, #tpu.memory_space<hbm>> -> memref<3200xf32, #tpu.memory_space<hbm>>
    %dma_start3A_1236 = tpu.memref_slice %arg4[%add3A_1232] : memref<5120000xf32, #tpu.memory_space<hbm>> -> memref<3200xf32, #tpu.memory_space<hbm>>
    %dma_start3A_1237 = arith.constant 0 : i32
    %dma_start3A_1238 = tpu.memref_slice %arg9[%dma_start3A_1237] : memref<6400xf32, #tpu.memory_space<vmem>> -> memref<3200xf32, #tpu.memory_space<vmem>>
    tpu.enqueue_dma source(%dma_start3A_1238 : memref<3200xf32, #tpu.memory_space<vmem>>) target(%dma_start3A_1236 : memref<3200xf32, #tpu.memory_space<hbm>>) target_semaphore(%arg12 : memref<!tpu.dma_semaphore, #tpu.memory_space<semaphore_mem>>)
    %dma_wait3A_1239 = arith.constant 3200 : i32
    %dma_wait3A_1240 = tpu.memref_slice %arg9[%dma_wait3A_1239] : memref<6400xf32, #tpu.memory_space<vmem>> -> memref<3200xf32, #tpu.memory_space<vmem>>
    %dma_wait3A_1241 = tpu.memref_slice %arg4[%add3A_1202] : memref<5120000xf32, #tpu.memory_space<hbm>> -> memref<3200xf32, #tpu.memory_space<hbm>>
    %dma_wait3A_1242 = tpu.memref_slice %arg4[%add3A_1202] : memref<5120000xf32, #tpu.memory_space<hbm>> -> memref<3200xf32, #tpu.memory_space<hbm>>
    %dma_wait3A_1243 = arith.constant 3200 : i32
    %dma_wait3A_1244 = tpu.memref_slice %arg9[%dma_wait3A_1243] : memref<6400xf32, #tpu.memory_space<vmem>> -> memref<3200xf32, #tpu.memory_space<vmem>>
    tpu.wait_dma2 semaphore(%arg12 : memref<!tpu.dma_semaphore, #tpu.memory_space<semaphore_mem>>) src(%dma_wait3A_1244 : memref<3200xf32, #tpu.memory_space<vmem>>) dst(%dma_wait3A_1242 : memref<3200xf32, #tpu.memory_space<hbm>>)
    %mul3A_1245 = arith.constant 80000 : i32
    %mul3A_1246 = arith.muli %arg1, %mul3A_1245 : i32
    %add3A_1247 = arith.constant 73600 : i32
    %add3A_1248 = arith.addi %mul3A_1246, %add3A_1247 : i32
    %dma_start3A_1249 = arith.constant 3200 : i32
    %dma_start3A_1250 = tpu.memref_slice %arg9[%dma_start3A_1249] : memref<6400xf32, #tpu.memory_space<vmem>> -> memref<3200xf32, #tpu.memory_space<vmem>>
    %dma_start3A_1251 = tpu.memref_slice %arg10[%add3A_1248] : memref<1280128xf32, #tpu.memory_space<vmem_shared>> -> memref<3200xf32, #tpu.memory_space<vmem_shared>>
    %dma_start3A_1252 = arith.constant 3200 : i32
    %dma_start3A_1253 = tpu.memref_slice %arg9[%dma_start3A_1252] : memref<6400xf32, #tpu.memory_space<vmem>> -> memref<3200xf32, #tpu.memory_space<vmem>>
    %dma_start3A_1254 = tpu.memref_slice %arg10[%add3A_1248] : memref<1280128xf32, #tpu.memory_space<vmem_shared>> -> memref<3200xf32, #tpu.memory_space<vmem_shared>>
    tpu.enqueue_dma source(%dma_start3A_1254 : memref<3200xf32, #tpu.memory_space<vmem_shared>>) target(%dma_start3A_1253 : memref<3200xf32, #tpu.memory_space<vmem>>) target_semaphore(%arg11 : memref<!tpu.dma_semaphore, #tpu.memory_space<semaphore_mem>>)
    %dma_wait3A_1255 = arith.constant 3200 : i32
    %dma_wait3A_1256 = tpu.memref_slice %arg9[%dma_wait3A_1255] : memref<6400xf32, #tpu.memory_space<vmem>> -> memref<3200xf32, #tpu.memory_space<vmem>>
    %dma_wait3A_1257 = tpu.memref_slice %arg10[%add3A_1248] : memref<1280128xf32, #tpu.memory_space<vmem_shared>> -> memref<3200xf32, #tpu.memory_space<vmem_shared>>
    %dma_wait3A_1258 = arith.constant 3200 : i32
    %dma_wait3A_1259 = tpu.memref_slice %arg9[%dma_wait3A_1258] : memref<6400xf32, #tpu.memory_space<vmem>> -> memref<3200xf32, #tpu.memory_space<vmem>>
    %dma_wait3A_1260 = tpu.memref_slice %arg10[%add3A_1248] : memref<1280128xf32, #tpu.memory_space<vmem_shared>> -> memref<3200xf32, #tpu.memory_space<vmem_shared>>
    tpu.wait_dma2 semaphore(%arg11 : memref<!tpu.dma_semaphore, #tpu.memory_space<semaphore_mem>>) src(%dma_wait3A_1260 : memref<3200xf32, #tpu.memory_space<vmem_shared>>) dst(%dma_wait3A_1259 : memref<3200xf32, #tpu.memory_space<vmem>>)
    %add3A_1261 = arith.constant 73600 : i32
    %add3A_1262 = arith.addi %add3A_560, %add3A_1261 : i32
    %dma_start3A_1263 = arith.constant 3200 : i32
    %dma_start3A_1264 = tpu.memref_slice %arg9[%dma_start3A_1263] : memref<6400xf32, #tpu.memory_space<vmem>> -> memref<3200xf32, #tpu.memory_space<vmem>>
    %dma_start3A_1265 = tpu.memref_slice %arg4[%add3A_1262] : memref<5120000xf32, #tpu.memory_space<hbm>> -> memref<3200xf32, #tpu.memory_space<hbm>>
    %dma_start3A_1266 = tpu.memref_slice %arg4[%add3A_1262] : memref<5120000xf32, #tpu.memory_space<hbm>> -> memref<3200xf32, #tpu.memory_space<hbm>>
    %dma_start3A_1267 = arith.constant 3200 : i32
    %dma_start3A_1268 = tpu.memref_slice %arg9[%dma_start3A_1267] : memref<6400xf32, #tpu.memory_space<vmem>> -> memref<3200xf32, #tpu.memory_space<vmem>>
    tpu.enqueue_dma source(%dma_start3A_1268 : memref<3200xf32, #tpu.memory_space<vmem>>) target(%dma_start3A_1266 : memref<3200xf32, #tpu.memory_space<hbm>>) target_semaphore(%arg12 : memref<!tpu.dma_semaphore, #tpu.memory_space<semaphore_mem>>)
    %dma_wait3A_1269 = arith.constant 0 : i32
    %dma_wait3A_1270 = tpu.memref_slice %arg9[%dma_wait3A_1269] : memref<6400xf32, #tpu.memory_space<vmem>> -> memref<3200xf32, #tpu.memory_space<vmem>>
    %dma_wait3A_1271 = tpu.memref_slice %arg4[%add3A_1232] : memref<5120000xf32, #tpu.memory_space<hbm>> -> memref<3200xf32, #tpu.memory_space<hbm>>
    %dma_wait3A_1272 = tpu.memref_slice %arg4[%add3A_1232] : memref<5120000xf32, #tpu.memory_space<hbm>> -> memref<3200xf32, #tpu.memory_space<hbm>>
    %dma_wait3A_1273 = arith.constant 0 : i32
    %dma_wait3A_1274 = tpu.memref_slice %arg9[%dma_wait3A_1273] : memref<6400xf32, #tpu.memory_space<vmem>> -> memref<3200xf32, #tpu.memory_space<vmem>>
    tpu.wait_dma2 semaphore(%arg12 : memref<!tpu.dma_semaphore, #tpu.memory_space<semaphore_mem>>) src(%dma_wait3A_1274 : memref<3200xf32, #tpu.memory_space<vmem>>) dst(%dma_wait3A_1272 : memref<3200xf32, #tpu.memory_space<hbm>>)
    %mul3A_1275 = arith.constant 80000 : i32
    %mul3A_1276 = arith.muli %arg1, %mul3A_1275 : i32
    %add3A_1277 = arith.constant 76800 : i32
    %add3A_1278 = arith.addi %mul3A_1276, %add3A_1277 : i32
    %dma_start3A_1279 = arith.constant 0 : i32
    %dma_start3A_1280 = tpu.memref_slice %arg9[%dma_start3A_1279] : memref<6400xf32, #tpu.memory_space<vmem>> -> memref<3200xf32, #tpu.memory_space<vmem>>
    %dma_start3A_1281 = tpu.memref_slice %arg10[%add3A_1278] : memref<1280128xf32, #tpu.memory_space<vmem_shared>> -> memref<3200xf32, #tpu.memory_space<vmem_shared>>
    %dma_start3A_1282 = arith.constant 0 : i32
    %dma_start3A_1283 = tpu.memref_slice %arg9[%dma_start3A_1282] : memref<6400xf32, #tpu.memory_space<vmem>> -> memref<3200xf32, #tpu.memory_space<vmem>>
    %dma_start3A_1284 = tpu.memref_slice %arg10[%add3A_1278] : memref<1280128xf32, #tpu.memory_space<vmem_shared>> -> memref<3200xf32, #tpu.memory_space<vmem_shared>>
    tpu.enqueue_dma source(%dma_start3A_1284 : memref<3200xf32, #tpu.memory_space<vmem_shared>>) target(%dma_start3A_1283 : memref<3200xf32, #tpu.memory_space<vmem>>) target_semaphore(%arg11 : memref<!tpu.dma_semaphore, #tpu.memory_space<semaphore_mem>>)
    %dma_wait3A_1285 = arith.constant 0 : i32
    %dma_wait3A_1286 = tpu.memref_slice %arg9[%dma_wait3A_1285] : memref<6400xf32, #tpu.memory_space<vmem>> -> memref<3200xf32, #tpu.memory_space<vmem>>
    %dma_wait3A_1287 = tpu.memref_slice %arg10[%add3A_1278] : memref<1280128xf32, #tpu.memory_space<vmem_shared>> -> memref<3200xf32, #tpu.memory_space<vmem_shared>>
    %dma_wait3A_1288 = arith.constant 0 : i32
    %dma_wait3A_1289 = tpu.memref_slice %arg9[%dma_wait3A_1288] : memref<6400xf32, #tpu.memory_space<vmem>> -> memref<3200xf32, #tpu.memory_space<vmem>>
    %dma_wait3A_1290 = tpu.memref_slice %arg10[%add3A_1278] : memref<1280128xf32, #tpu.memory_space<vmem_shared>> -> memref<3200xf32, #tpu.memory_space<vmem_shared>>
    tpu.wait_dma2 semaphore(%arg11 : memref<!tpu.dma_semaphore, #tpu.memory_space<semaphore_mem>>) src(%dma_wait3A_1290 : memref<3200xf32, #tpu.memory_space<vmem_shared>>) dst(%dma_wait3A_1289 : memref<3200xf32, #tpu.memory_space<vmem>>)
    %add3A_1291 = arith.constant 76800 : i32
    %add3A_1292 = arith.addi %add3A_560, %add3A_1291 : i32
    %dma_start3A_1293 = arith.constant 0 : i32
    %dma_start3A_1294 = tpu.memref_slice %arg9[%dma_start3A_1293] : memref<6400xf32, #tpu.memory_space<vmem>> -> memref<3200xf32, #tpu.memory_space<vmem>>
    %dma_start3A_1295 = tpu.memref_slice %arg4[%add3A_1292] : memref<5120000xf32, #tpu.memory_space<hbm>> -> memref<3200xf32, #tpu.memory_space<hbm>>
    %dma_start3A_1296 = tpu.memref_slice %arg4[%add3A_1292] : memref<5120000xf32, #tpu.memory_space<hbm>> -> memref<3200xf32, #tpu.memory_space<hbm>>
    %dma_start3A_1297 = arith.constant 0 : i32
    %dma_start3A_1298 = tpu.memref_slice %arg9[%dma_start3A_1297] : memref<6400xf32, #tpu.memory_space<vmem>> -> memref<3200xf32, #tpu.memory_space<vmem>>
    tpu.enqueue_dma source(%dma_start3A_1298 : memref<3200xf32, #tpu.memory_space<vmem>>) target(%dma_start3A_1296 : memref<3200xf32, #tpu.memory_space<hbm>>) target_semaphore(%arg12 : memref<!tpu.dma_semaphore, #tpu.memory_space<semaphore_mem>>)
    %dma_wait3A_1299 = arith.constant 0 : i32
    %dma_wait3A_1300 = tpu.memref_slice %arg9[%dma_wait3A_1299] : memref<6400xf32, #tpu.memory_space<vmem>> -> memref<3200xf32, #tpu.memory_space<vmem>>
    %dma_wait3A_1301 = tpu.memref_slice %arg4[%add3A_1292] : memref<5120000xf32, #tpu.memory_space<hbm>> -> memref<3200xf32, #tpu.memory_space<hbm>>
    %dma_wait3A_1302 = tpu.memref_slice %arg4[%add3A_1292] : memref<5120000xf32, #tpu.memory_space<hbm>> -> memref<3200xf32, #tpu.memory_space<hbm>>
    %dma_wait3A_1303 = arith.constant 0 : i32
    %dma_wait3A_1304 = tpu.memref_slice %arg9[%dma_wait3A_1303] : memref<6400xf32, #tpu.memory_space<vmem>> -> memref<3200xf32, #tpu.memory_space<vmem>>
    tpu.wait_dma2 semaphore(%arg12 : memref<!tpu.dma_semaphore, #tpu.memory_space<semaphore_mem>>) src(%dma_wait3A_1304 : memref<3200xf32, #tpu.memory_space<vmem>>) dst(%dma_wait3A_1302 : memref<3200xf32, #tpu.memory_space<hbm>>)
    %dma_wait3A_1305 = arith.constant 3200 : i32
    %dma_wait3A_1306 = tpu.memref_slice %arg9[%dma_wait3A_1305] : memref<6400xf32, #tpu.memory_space<vmem>> -> memref<3200xf32, #tpu.memory_space<vmem>>
    %dma_wait3A_1307 = tpu.memref_slice %arg4[%add3A_1262] : memref<5120000xf32, #tpu.memory_space<hbm>> -> memref<3200xf32, #tpu.memory_space<hbm>>
    %dma_wait3A_1308 = tpu.memref_slice %arg4[%add3A_1262] : memref<5120000xf32, #tpu.memory_space<hbm>> -> memref<3200xf32, #tpu.memory_space<hbm>>
    %dma_wait3A_1309 = arith.constant 3200 : i32
    %dma_wait3A_1310 = tpu.memref_slice %arg9[%dma_wait3A_1309] : memref<6400xf32, #tpu.memory_space<vmem>> -> memref<3200xf32, #tpu.memory_space<vmem>>
    tpu.wait_dma2 semaphore(%arg12 : memref<!tpu.dma_semaphore, #tpu.memory_space<semaphore_mem>>) src(%dma_wait3A_1310 : memref<3200xf32, #tpu.memory_space<vmem>>) dst(%dma_wait3A_1308 : memref<3200xf32, #tpu.memory_space<hbm>>)
    %barrier3A_1311 = arith.constant 0 : index
    tpu.barrier barrier_id(%barrier3A_1311)
    %mul3A_1312 = arith.constant 2 : i32
    %mul3A_1313 = arith.muli %arg0, %mul3A_1312 : i32
    %add3A_1314 = arith.constant 1 : i32
    %add3A_1315 = arith.addi %mul3A_1313, %add3A_1314 : i32
    %mul3A_1316 = arith.constant 1280000 : i32
    %mul3A_1317 = arith.muli %add3A_1315, %mul3A_1316 : i32
    %scan3A_1318 = arith.constant 0 : i32
    %scan3A_1319 = arith.constant 0 : i32
    %scan3A_1320 = arith.constant 400 : i32
    %scan3A_1321 = arith.addi %scan3A_1319, %scan3A_1320 : i32
    %scan3A_1322 = arith.constant 1 : i32
    scf.for %scan3A_2488 = %scan3A_1319 to %scan3A_1321 step %scan3A_1322  : i32 {
      %mul3A_2489 = arith.constant 16 : i32
      %mul3A_2490 = arith.muli %scan3A_2488, %mul3A_2489 : i32
      %swap3A_2491 = arith.index_cast %mul3A_2490 : i32 to index
      %swap3A_2492 = tpu.vector_load %arg9[%swap3A_2491] {strides = array<i32>} : memref<6400xf32, #tpu.memory_space<vmem>>, vector<16xf32>,
      %swap3A_2493 = vector.shape_cast %swap3A_2492 : vector<16xf32> to vector<16xf32>
      %swap3A_2494 = vector.shape_cast %broadcast_in_dim3A_138 : vector<16xf32> to vector<16xf32>
      tpu.vector_store %arg9[%swap3A_2491], %swap3A_2494 {strides = array<i32>} : memref<6400xf32, #tpu.memory_space<vmem>>, vector<16xf32>,
    }
    %scan3A_1323 = arith.constant 400 : i32
    %mul3A_1324 = arith.constant 80000 : i32
    %mul3A_1325 = arith.muli %arg1, %mul3A_1324 : i32
    %add3A_1326 = arith.constant 0 : i32
    %add3A_1327 = arith.addi %mul3A_1325, %add3A_1326 : i32
    %dma_start3A_1328 = arith.constant 0 : i32
    %dma_start3A_1329 = tpu.memref_slice %arg9[%dma_start3A_1328] : memref<6400xf32, #tpu.memory_space<vmem>> -> memref<3200xf32, #tpu.memory_space<vmem>>
    %dma_start3A_1330 = tpu.memref_slice %arg10[%add3A_1327] : memref<1280128xf32, #tpu.memory_space<vmem_shared>> -> memref<3200xf32, #tpu.memory_space<vmem_shared>>
    %dma_start3A_1331 = tpu.memref_slice %arg10[%add3A_1327] : memref<1280128xf32, #tpu.memory_space<vmem_shared>> -> memref<3200xf32, #tpu.memory_space<vmem_shared>>
    %dma_start3A_1332 = arith.constant 0 : i32
    %dma_start3A_1333 = tpu.memref_slice %arg9[%dma_start3A_1332] : memref<6400xf32, #tpu.memory_space<vmem>> -> memref<3200xf32, #tpu.memory_space<vmem>>
    tpu.enqueue_dma source(%dma_start3A_1333 : memref<3200xf32, #tpu.memory_space<vmem>>) target(%dma_start3A_1331 : memref<3200xf32, #tpu.memory_space<vmem_shared>>) target_semaphore(%arg11 : memref<!tpu.dma_semaphore, #tpu.memory_space<semaphore_mem>>)
    %mul3A_1334 = arith.constant 80000 : i32
    %mul3A_1335 = arith.muli %arg1, %mul3A_1334 : i32
    %add3A_1336 = arith.constant 3200 : i32
    %add3A_1337 = arith.addi %mul3A_1335, %add3A_1336 : i32
    %dma_start3A_1338 = arith.constant 3200 : i32
    %dma_start3A_1339 = tpu.memref_slice %arg9[%dma_start3A_1338] : memref<6400xf32, #tpu.memory_space<vmem>> -> memref<3200xf32, #tpu.memory_space<vmem>>
    %dma_start3A_1340 = tpu.memref_slice %arg10[%add3A_1337] : memref<1280128xf32, #tpu.memory_space<vmem_shared>> -> memref<3200xf32, #tpu.memory_space<vmem_shared>>
    %dma_start3A_1341 = tpu.memref_slice %arg10[%add3A_1337] : memref<1280128xf32, #tpu.memory_space<vmem_shared>> -> memref<3200xf32, #tpu.memory_space<vmem_shared>>
    %dma_start3A_1342 = arith.constant 3200 : i32
    %dma_start3A_1343 = tpu.memref_slice %arg9[%dma_start3A_1342] : memref<6400xf32, #tpu.memory_space<vmem>> -> memref<3200xf32, #tpu.memory_space<vmem>>
    tpu.enqueue_dma source(%dma_start3A_1343 : memref<3200xf32, #tpu.memory_space<vmem>>) target(%dma_start3A_1341 : memref<3200xf32, #tpu.memory_space<vmem_shared>>) target_semaphore(%arg11 : memref<!tpu.dma_semaphore, #tpu.memory_space<semaphore_mem>>)
    %mul3A_1344 = arith.constant 80000 : i32
    %mul3A_1345 = arith.muli %arg1, %mul3A_1344 : i32
    %add3A_1346 = arith.constant 6400 : i32
    %add3A_1347 = arith.addi %mul3A_1345, %add3A_1346 : i32
    %dma_start3A_1348 = arith.constant 0 : i32
    %dma_start3A_1349 = tpu.memref_slice %arg9[%dma_start3A_1348] : memref<6400xf32, #tpu.memory_space<vmem>> -> memref<3200xf32, #tpu.memory_space<vmem>>
    %dma_start3A_1350 = tpu.memref_slice %arg10[%add3A_1347] : memref<1280128xf32, #tpu.memory_space<vmem_shared>> -> memref<3200xf32, #tpu.memory_space<vmem_shared>>
    %dma_start3A_1351 = tpu.memref_slice %arg10[%add3A_1347] : memref<1280128xf32, #tpu.memory_space<vmem_shared>> -> memref<3200xf32, #tpu.memory_space<vmem_shared>>
    %dma_start3A_1352 = arith.constant 0 : i32
    %dma_start3A_1353 = tpu.memref_slice %arg9[%dma_start3A_1352] : memref<6400xf32, #tpu.memory_space<vmem>> -> memref<3200xf32, #tpu.memory_space<vmem>>
    tpu.enqueue_dma source(%dma_start3A_1353 : memref<3200xf32, #tpu.memory_space<vmem>>) target(%dma_start3A_1351 : memref<3200xf32, #tpu.memory_space<vmem_shared>>) target_semaphore(%arg11 : memref<!tpu.dma_semaphore, #tpu.memory_space<semaphore_mem>>)
    %mul3A_1354 = arith.constant 80000 : i32
    %mul3A_1355 = arith.muli %arg1, %mul3A_1354 : i32
    %add3A_1356 = arith.constant 9600 : i32
    %add3A_1357 = arith.addi %mul3A_1355, %add3A_1356 : i32
    %dma_start3A_1358 = arith.constant 3200 : i32
    %dma_start3A_1359 = tpu.memref_slice %arg9[%dma_start3A_1358] : memref<6400xf32, #tpu.memory_space<vmem>> -> memref<3200xf32, #tpu.memory_space<vmem>>
    %dma_start3A_1360 = tpu.memref_slice %arg10[%add3A_1357] : memref<1280128xf32, #tpu.memory_space<vmem_shared>> -> memref<3200xf32, #tpu.memory_space<vmem_shared>>
    %dma_start3A_1361 = tpu.memref_slice %arg10[%add3A_1357] : memref<1280128xf32, #tpu.memory_space<vmem_shared>> -> memref<3200xf32, #tpu.memory_space<vmem_shared>>
    %dma_start3A_1362 = arith.constant 3200 : i32
    %dma_start3A_1363 = tpu.memref_slice %arg9[%dma_start3A_1362] : memref<6400xf32, #tpu.memory_space<vmem>> -> memref<3200xf32, #tpu.memory_space<vmem>>
    tpu.enqueue_dma source(%dma_start3A_1363 : memref<3200xf32, #tpu.memory_space<vmem>>) target(%dma_start3A_1361 : memref<3200xf32, #tpu.memory_space<vmem_shared>>) target_semaphore(%arg11 : memref<!tpu.dma_semaphore, #tpu.memory_space<semaphore_mem>>)
    %dma_wait3A_1364 = arith.constant 0 : i32
    %dma_wait3A_1365 = tpu.memref_slice %arg9[%dma_wait3A_1364] : memref<6400xf32, #tpu.memory_space<vmem>> -> memref<3200xf32, #tpu.memory_space<vmem>>
    %dma_wait3A_1366 = tpu.memref_slice %arg10[%add3A_1327] : memref<1280128xf32, #tpu.memory_space<vmem_shared>> -> memref<3200xf32, #tpu.memory_space<vmem_shared>>
    %dma_wait3A_1367 = tpu.memref_slice %arg10[%add3A_1327] : memref<1280128xf32, #tpu.memory_space<vmem_shared>> -> memref<3200xf32, #tpu.memory_space<vmem_shared>>
    %dma_wait3A_1368 = arith.constant 0 : i32
    %dma_wait3A_1369 = tpu.memref_slice %arg9[%dma_wait3A_1368] : memref<6400xf32, #tpu.memory_space<vmem>> -> memref<3200xf32, #tpu.memory_space<vmem>>
    tpu.wait_dma2 semaphore(%arg11 : memref<!tpu.dma_semaphore, #tpu.memory_space<semaphore_mem>>) src(%dma_wait3A_1369 : memref<3200xf32, #tpu.memory_space<vmem>>) dst(%dma_wait3A_1367 : memref<3200xf32, #tpu.memory_space<vmem_shared>>)
    %mul3A_1370 = arith.constant 80000 : i32
    %mul3A_1371 = arith.muli %arg1, %mul3A_1370 : i32
    %add3A_1372 = arith.constant 12800 : i32
    %add3A_1373 = arith.addi %mul3A_1371, %add3A_1372 : i32
    %dma_start3A_1374 = arith.constant 0 : i32
    %dma_start3A_1375 = tpu.memref_slice %arg9[%dma_start3A_1374] : memref<6400xf32, #tpu.memory_space<vmem>> -> memref<3200xf32, #tpu.memory_space<vmem>>
    %dma_start3A_1376 = tpu.memref_slice %arg10[%add3A_1373] : memref<1280128xf32, #tpu.memory_space<vmem_shared>> -> memref<3200xf32, #tpu.memory_space<vmem_shared>>
    %dma_start3A_1377 = tpu.memref_slice %arg10[%add3A_1373] : memref<1280128xf32, #tpu.memory_space<vmem_shared>> -> memref<3200xf32, #tpu.memory_space<vmem_shared>>
    %dma_start3A_1378 = arith.constant 0 : i32
    %dma_start3A_1379 = tpu.memref_slice %arg9[%dma_start3A_1378] : memref<6400xf32, #tpu.memory_space<vmem>> -> memref<3200xf32, #tpu.memory_space<vmem>>
    tpu.enqueue_dma source(%dma_start3A_1379 : memref<3200xf32, #tpu.memory_space<vmem>>) target(%dma_start3A_1377 : memref<3200xf32, #tpu.memory_space<vmem_shared>>) target_semaphore(%arg11 : memref<!tpu.dma_semaphore, #tpu.memory_space<semaphore_mem>>)
    %dma_wait3A_1380 = arith.constant 3200 : i32
    %dma_wait3A_1381 = tpu.memref_slice %arg9[%dma_wait3A_1380] : memref<6400xf32, #tpu.memory_space<vmem>> -> memref<3200xf32, #tpu.memory_space<vmem>>
    %dma_wait3A_1382 = tpu.memref_slice %arg10[%add3A_1337] : memref<1280128xf32, #tpu.memory_space<vmem_shared>> -> memref<3200xf32, #tpu.memory_space<vmem_shared>>
    %dma_wait3A_1383 = tpu.memref_slice %arg10[%add3A_1337] : memref<1280128xf32, #tpu.memory_space<vmem_shared>> -> memref<3200xf32, #tpu.memory_space<vmem_shared>>
    %dma_wait3A_1384 = arith.constant 3200 : i32
    %dma_wait3A_1385 = tpu.memref_slice %arg9[%dma_wait3A_1384] : memref<6400xf32, #tpu.memory_space<vmem>> -> memref<3200xf32, #tpu.memory_space<vmem>>
    tpu.wait_dma2 semaphore(%arg11 : memref<!tpu.dma_semaphore, #tpu.memory_space<semaphore_mem>>) src(%dma_wait3A_1385 : memref<3200xf32, #tpu.memory_space<vmem>>) dst(%dma_wait3A_1383 : memref<3200xf32, #tpu.memory_space<vmem_shared>>)
    %mul3A_1386 = arith.constant 80000 : i32
    %mul3A_1387 = arith.muli %arg1, %mul3A_1386 : i32
    %add3A_1388 = arith.constant 16000 : i32
    %add3A_1389 = arith.addi %mul3A_1387, %add3A_1388 : i32
    %dma_start3A_1390 = arith.constant 3200 : i32
    %dma_start3A_1391 = tpu.memref_slice %arg9[%dma_start3A_1390] : memref<6400xf32, #tpu.memory_space<vmem>> -> memref<3200xf32, #tpu.memory_space<vmem>>
    %dma_start3A_1392 = tpu.memref_slice %arg10[%add3A_1389] : memref<1280128xf32, #tpu.memory_space<vmem_shared>> -> memref<3200xf32, #tpu.memory_space<vmem_shared>>
    %dma_start3A_1393 = tpu.memref_slice %arg10[%add3A_1389] : memref<1280128xf32, #tpu.memory_space<vmem_shared>> -> memref<3200xf32, #tpu.memory_space<vmem_shared>>
    %dma_start3A_1394 = arith.constant 3200 : i32
    %dma_start3A_1395 = tpu.memref_slice %arg9[%dma_start3A_1394] : memref<6400xf32, #tpu.memory_space<vmem>> -> memref<3200xf32, #tpu.memory_space<vmem>>
    tpu.enqueue_dma source(%dma_start3A_1395 : memref<3200xf32, #tpu.memory_space<vmem>>) target(%dma_start3A_1393 : memref<3200xf32, #tpu.memory_space<vmem_shared>>) target_semaphore(%arg11 : memref<!tpu.dma_semaphore, #tpu.memory_space<semaphore_mem>>)
    %dma_wait3A_1396 = arith.constant 0 : i32
    %dma_wait3A_1397 = tpu.memref_slice %arg9[%dma_wait3A_1396] : memref<6400xf32, #tpu.memory_space<vmem>> -> memref<3200xf32, #tpu.memory_space<vmem>>
    %dma_wait3A_1398 = tpu.memref_slice %arg10[%add3A_1347] : memref<1280128xf32, #tpu.memory_space<vmem_shared>> -> memref<3200xf32, #tpu.memory_space<vmem_shared>>
    %dma_wait3A_1399 = tpu.memref_slice %arg10[%add3A_1347] : memref<1280128xf32, #tpu.memory_space<vmem_shared>> -> memref<3200xf32, #tpu.memory_space<vmem_shared>>
    %dma_wait3A_1400 = arith.constant 0 : i32
    %dma_wait3A_1401 = tpu.memref_slice %arg9[%dma_wait3A_1400] : memref<6400xf32, #tpu.memory_space<vmem>> -> memref<3200xf32, #tpu.memory_space<vmem>>
    tpu.wait_dma2 semaphore(%arg11 : memref<!tpu.dma_semaphore, #tpu.memory_space<semaphore_mem>>) src(%dma_wait3A_1401 : memref<3200xf32, #tpu.memory_space<vmem>>) dst(%dma_wait3A_1399 : memref<3200xf32, #tpu.memory_space<vmem_shared>>)
    %mul3A_1402 = arith.constant 80000 : i32
    %mul3A_1403 = arith.muli %arg1, %mul3A_1402 : i32
    %add3A_1404 = arith.constant 19200 : i32
    %add3A_1405 = arith.addi %mul3A_1403, %add3A_1404 : i32
    %dma_start3A_1406 = arith.constant 0 : i32
    %dma_start3A_1407 = tpu.memref_slice %arg9[%dma_start3A_1406] : memref<6400xf32, #tpu.memory_space<vmem>> -> memref<3200xf32, #tpu.memory_space<vmem>>
    %dma_start3A_1408 = tpu.memref_slice %arg10[%add3A_1405] : memref<1280128xf32, #tpu.memory_space<vmem_shared>> -> memref<3200xf32, #tpu.memory_space<vmem_shared>>
    %dma_start3A_1409 = tpu.memref_slice %arg10[%add3A_1405] : memref<1280128xf32, #tpu.memory_space<vmem_shared>> -> memref<3200xf32, #tpu.memory_space<vmem_shared>>
    %dma_start3A_1410 = arith.constant 0 : i32
    %dma_start3A_1411 = tpu.memref_slice %arg9[%dma_start3A_1410] : memref<6400xf32, #tpu.memory_space<vmem>> -> memref<3200xf32, #tpu.memory_space<vmem>>
    tpu.enqueue_dma source(%dma_start3A_1411 : memref<3200xf32, #tpu.memory_space<vmem>>) target(%dma_start3A_1409 : memref<3200xf32, #tpu.memory_space<vmem_shared>>) target_semaphore(%arg11 : memref<!tpu.dma_semaphore, #tpu.memory_space<semaphore_mem>>)
    %dma_wait3A_1412 = arith.constant 3200 : i32
    %dma_wait3A_1413 = tpu.memref_slice %arg9[%dma_wait3A_1412] : memref<6400xf32, #tpu.memory_space<vmem>> -> memref<3200xf32, #tpu.memory_space<vmem>>
    %dma_wait3A_1414 = tpu.memref_slice %arg10[%add3A_1357] : memref<1280128xf32, #tpu.memory_space<vmem_shared>> -> memref<3200xf32, #tpu.memory_space<vmem_shared>>
    %dma_wait3A_1415 = tpu.memref_slice %arg10[%add3A_1357] : memref<1280128xf32, #tpu.memory_space<vmem_shared>> -> memref<3200xf32, #tpu.memory_space<vmem_shared>>
    %dma_wait3A_1416 = arith.constant 3200 : i32
    %dma_wait3A_1417 = tpu.memref_slice %arg9[%dma_wait3A_1416] : memref<6400xf32, #tpu.memory_space<vmem>> -> memref<3200xf32, #tpu.memory_space<vmem>>
    tpu.wait_dma2 semaphore(%arg11 : memref<!tpu.dma_semaphore, #tpu.memory_space<semaphore_mem>>) src(%dma_wait3A_1417 : memref<3200xf32, #tpu.memory_space<vmem>>) dst(%dma_wait3A_1415 : memref<3200xf32, #tpu.memory_space<vmem_shared>>)
    %mul3A_1418 = arith.constant 80000 : i32
    %mul3A_1419 = arith.muli %arg1, %mul3A_1418 : i32
    %add3A_1420 = arith.constant 22400 : i32
    %add3A_1421 = arith.addi %mul3A_1419, %add3A_1420 : i32
    %dma_start3A_1422 = arith.constant 3200 : i32
    %dma_start3A_1423 = tpu.memref_slice %arg9[%dma_start3A_1422] : memref<6400xf32, #tpu.memory_space<vmem>> -> memref<3200xf32, #tpu.memory_space<vmem>>
    %dma_start3A_1424 = tpu.memref_slice %arg10[%add3A_1421] : memref<1280128xf32, #tpu.memory_space<vmem_shared>> -> memref<3200xf32, #tpu.memory_space<vmem_shared>>
    %dma_start3A_1425 = tpu.memref_slice %arg10[%add3A_1421] : memref<1280128xf32, #tpu.memory_space<vmem_shared>> -> memref<3200xf32, #tpu.memory_space<vmem_shared>>
    %dma_start3A_1426 = arith.constant 3200 : i32
    %dma_start3A_1427 = tpu.memref_slice %arg9[%dma_start3A_1426] : memref<6400xf32, #tpu.memory_space<vmem>> -> memref<3200xf32, #tpu.memory_space<vmem>>
    tpu.enqueue_dma source(%dma_start3A_1427 : memref<3200xf32, #tpu.memory_space<vmem>>) target(%dma_start3A_1425 : memref<3200xf32, #tpu.memory_space<vmem_shared>>) target_semaphore(%arg11 : memref<!tpu.dma_semaphore, #tpu.memory_space<semaphore_mem>>)
    %dma_wait3A_1428 = arith.constant 0 : i32
    %dma_wait3A_1429 = tpu.memref_slice %arg9[%dma_wait3A_1428] : memref<6400xf32, #tpu.memory_space<vmem>> -> memref<3200xf32, #tpu.memory_space<vmem>>
    %dma_wait3A_1430 = tpu.memref_slice %arg10[%add3A_1373] : memref<1280128xf32, #tpu.memory_space<vmem_shared>> -> memref<3200xf32, #tpu.memory_space<vmem_shared>>
    %dma_wait3A_1431 = tpu.memref_slice %arg10[%add3A_1373] : memref<1280128xf32, #tpu.memory_space<vmem_shared>> -> memref<3200xf32, #tpu.memory_space<vmem_shared>>
    %dma_wait3A_1432 = arith.constant 0 : i32
    %dma_wait3A_1433 = tpu.memref_slice %arg9[%dma_wait3A_1432] : memref<6400xf32, #tpu.memory_space<vmem>> -> memref<3200xf32, #tpu.memory_space<vmem>>
    tpu.wait_dma2 semaphore(%arg11 : memref<!tpu.dma_semaphore, #tpu.memory_space<semaphore_mem>>) src(%dma_wait3A_1433 : memref<3200xf32, #tpu.memory_space<vmem>>) dst(%dma_wait3A_1431 : memref<3200xf32, #tpu.memory_space<vmem_shared>>)
    %mul3A_1434 = arith.constant 80000 : i32
    %mul3A_1435 = arith.muli %arg1, %mul3A_1434 : i32
    %add3A_1436 = arith.constant 25600 : i32
    %add3A_1437 = arith.addi %mul3A_1435, %add3A_1436 : i32
    %dma_start3A_1438 = arith.constant 0 : i32
    %dma_start3A_1439 = tpu.memref_slice %arg9[%dma_start3A_1438] : memref<6400xf32, #tpu.memory_space<vmem>> -> memref<3200xf32, #tpu.memory_space<vmem>>
    %dma_start3A_1440 = tpu.memref_slice %arg10[%add3A_1437] : memref<1280128xf32, #tpu.memory_space<vmem_shared>> -> memref<3200xf32, #tpu.memory_space<vmem_shared>>
    %dma_start3A_1441 = tpu.memref_slice %arg10[%add3A_1437] : memref<1280128xf32, #tpu.memory_space<vmem_shared>> -> memref<3200xf32, #tpu.memory_space<vmem_shared>>
    %dma_start3A_1442 = arith.constant 0 : i32
    %dma_start3A_1443 = tpu.memref_slice %arg9[%dma_start3A_1442] : memref<6400xf32, #tpu.memory_space<vmem>> -> memref<3200xf32, #tpu.memory_space<vmem>>
    tpu.enqueue_dma source(%dma_start3A_1443 : memref<3200xf32, #tpu.memory_space<vmem>>) target(%dma_start3A_1441 : memref<3200xf32, #tpu.memory_space<vmem_shared>>) target_semaphore(%arg11 : memref<!tpu.dma_semaphore, #tpu.memory_space<semaphore_mem>>)
    %dma_wait3A_1444 = arith.constant 3200 : i32
    %dma_wait3A_1445 = tpu.memref_slice %arg9[%dma_wait3A_1444] : memref<6400xf32, #tpu.memory_space<vmem>> -> memref<3200xf32, #tpu.memory_space<vmem>>
    %dma_wait3A_1446 = tpu.memref_slice %arg10[%add3A_1389] : memref<1280128xf32, #tpu.memory_space<vmem_shared>> -> memref<3200xf32, #tpu.memory_space<vmem_shared>>
    %dma_wait3A_1447 = tpu.memref_slice %arg10[%add3A_1389] : memref<1280128xf32, #tpu.memory_space<vmem_shared>> -> memref<3200xf32, #tpu.memory_space<vmem_shared>>
    %dma_wait3A_1448 = arith.constant 3200 : i32
    %dma_wait3A_1449 = tpu.memref_slice %arg9[%dma_wait3A_1448] : memref<6400xf32, #tpu.memory_space<vmem>> -> memref<3200xf32, #tpu.memory_space<vmem>>
    tpu.wait_dma2 semaphore(%arg11 : memref<!tpu.dma_semaphore, #tpu.memory_space<semaphore_mem>>) src(%dma_wait3A_1449 : memref<3200xf32, #tpu.memory_space<vmem>>) dst(%dma_wait3A_1447 : memref<3200xf32, #tpu.memory_space<vmem_shared>>)
    %mul3A_1450 = arith.constant 80000 : i32
    %mul3A_1451 = arith.muli %arg1, %mul3A_1450 : i32
    %add3A_1452 = arith.constant 28800 : i32
    %add3A_1453 = arith.addi %mul3A_1451, %add3A_1452 : i32
    %dma_start3A_1454 = arith.constant 3200 : i32
    %dma_start3A_1455 = tpu.memref_slice %arg9[%dma_start3A_1454] : memref<6400xf32, #tpu.memory_space<vmem>> -> memref<3200xf32, #tpu.memory_space<vmem>>
    %dma_start3A_1456 = tpu.memref_slice %arg10[%add3A_1453] : memref<1280128xf32, #tpu.memory_space<vmem_shared>> -> memref<3200xf32, #tpu.memory_space<vmem_shared>>
    %dma_start3A_1457 = tpu.memref_slice %arg10[%add3A_1453] : memref<1280128xf32, #tpu.memory_space<vmem_shared>> -> memref<3200xf32, #tpu.memory_space<vmem_shared>>
    %dma_start3A_1458 = arith.constant 3200 : i32
    %dma_start3A_1459 = tpu.memref_slice %arg9[%dma_start3A_1458] : memref<6400xf32, #tpu.memory_space<vmem>> -> memref<3200xf32, #tpu.memory_space<vmem>>
    tpu.enqueue_dma source(%dma_start3A_1459 : memref<3200xf32, #tpu.memory_space<vmem>>) target(%dma_start3A_1457 : memref<3200xf32, #tpu.memory_space<vmem_shared>>) target_semaphore(%arg11 : memref<!tpu.dma_semaphore, #tpu.memory_space<semaphore_mem>>)
    %dma_wait3A_1460 = arith.constant 0 : i32
    %dma_wait3A_1461 = tpu.memref_slice %arg9[%dma_wait3A_1460] : memref<6400xf32, #tpu.memory_space<vmem>> -> memref<3200xf32, #tpu.memory_space<vmem>>
    %dma_wait3A_1462 = tpu.memref_slice %arg10[%add3A_1405] : memref<1280128xf32, #tpu.memory_space<vmem_shared>> -> memref<3200xf32, #tpu.memory_space<vmem_shared>>
    %dma_wait3A_1463 = tpu.memref_slice %arg10[%add3A_1405] : memref<1280128xf32, #tpu.memory_space<vmem_shared>> -> memref<3200xf32, #tpu.memory_space<vmem_shared>>
    %dma_wait3A_1464 = arith.constant 0 : i32
    %dma_wait3A_1465 = tpu.memref_slice %arg9[%dma_wait3A_1464] : memref<6400xf32, #tpu.memory_space<vmem>> -> memref<3200xf32, #tpu.memory_space<vmem>>
    tpu.wait_dma2 semaphore(%arg11 : memref<!tpu.dma_semaphore, #tpu.memory_space<semaphore_mem>>) src(%dma_wait3A_1465 : memref<3200xf32, #tpu.memory_space<vmem>>) dst(%dma_wait3A_1463 : memref<3200xf32, #tpu.memory_space<vmem_shared>>)
    %mul3A_1466 = arith.constant 80000 : i32
    %mul3A_1467 = arith.muli %arg1, %mul3A_1466 : i32
    %add3A_1468 = arith.constant 32000 : i32
    %add3A_1469 = arith.addi %mul3A_1467, %add3A_1468 : i32
    %dma_start3A_1470 = arith.constant 0 : i32
    %dma_start3A_1471 = tpu.memref_slice %arg9[%dma_start3A_1470] : memref<6400xf32, #tpu.memory_space<vmem>> -> memref<3200xf32, #tpu.memory_space<vmem>>
    %dma_start3A_1472 = tpu.memref_slice %arg10[%add3A_1469] : memref<1280128xf32, #tpu.memory_space<vmem_shared>> -> memref<3200xf32, #tpu.memory_space<vmem_shared>>
    %dma_start3A_1473 = tpu.memref_slice %arg10[%add3A_1469] : memref<1280128xf32, #tpu.memory_space<vmem_shared>> -> memref<3200xf32, #tpu.memory_space<vmem_shared>>
    %dma_start3A_1474 = arith.constant 0 : i32
    %dma_start3A_1475 = tpu.memref_slice %arg9[%dma_start3A_1474] : memref<6400xf32, #tpu.memory_space<vmem>> -> memref<3200xf32, #tpu.memory_space<vmem>>
    tpu.enqueue_dma source(%dma_start3A_1475 : memref<3200xf32, #tpu.memory_space<vmem>>) target(%dma_start3A_1473 : memref<3200xf32, #tpu.memory_space<vmem_shared>>) target_semaphore(%arg11 : memref<!tpu.dma_semaphore, #tpu.memory_space<semaphore_mem>>)
    %dma_wait3A_1476 = arith.constant 3200 : i32
    %dma_wait3A_1477 = tpu.memref_slice %arg9[%dma_wait3A_1476] : memref<6400xf32, #tpu.memory_space<vmem>> -> memref<3200xf32, #tpu.memory_space<vmem>>
    %dma_wait3A_1478 = tpu.memref_slice %arg10[%add3A_1421] : memref<1280128xf32, #tpu.memory_space<vmem_shared>> -> memref<3200xf32, #tpu.memory_space<vmem_shared>>
    %dma_wait3A_1479 = tpu.memref_slice %arg10[%add3A_1421] : memref<1280128xf32, #tpu.memory_space<vmem_shared>> -> memref<3200xf32, #tpu.memory_space<vmem_shared>>
    %dma_wait3A_1480 = arith.constant 3200 : i32
    %dma_wait3A_1481 = tpu.memref_slice %arg9[%dma_wait3A_1480] : memref<6400xf32, #tpu.memory_space<vmem>> -> memref<3200xf32, #tpu.memory_space<vmem>>
    tpu.wait_dma2 semaphore(%arg11 : memref<!tpu.dma_semaphore, #tpu.memory_space<semaphore_mem>>) src(%dma_wait3A_1481 : memref<3200xf32, #tpu.memory_space<vmem>>) dst(%dma_wait3A_1479 : memref<3200xf32, #tpu.memory_space<vmem_shared>>)
    %mul3A_1482 = arith.constant 80000 : i32
    %mul3A_1483 = arith.muli %arg1, %mul3A_1482 : i32
    %add3A_1484 = arith.constant 35200 : i32
    %add3A_1485 = arith.addi %mul3A_1483, %add3A_1484 : i32
    %dma_start3A_1486 = arith.constant 3200 : i32
    %dma_start3A_1487 = tpu.memref_slice %arg9[%dma_start3A_1486] : memref<6400xf32, #tpu.memory_space<vmem>> -> memref<3200xf32, #tpu.memory_space<vmem>>
    %dma_start3A_1488 = tpu.memref_slice %arg10[%add3A_1485] : memref<1280128xf32, #tpu.memory_space<vmem_shared>> -> memref<3200xf32, #tpu.memory_space<vmem_shared>>
    %dma_start3A_1489 = tpu.memref_slice %arg10[%add3A_1485] : memref<1280128xf32, #tpu.memory_space<vmem_shared>> -> memref<3200xf32, #tpu.memory_space<vmem_shared>>
    %dma_start3A_1490 = arith.constant 3200 : i32
    %dma_start3A_1491 = tpu.memref_slice %arg9[%dma_start3A_1490] : memref<6400xf32, #tpu.memory_space<vmem>> -> memref<3200xf32, #tpu.memory_space<vmem>>
    tpu.enqueue_dma source(%dma_start3A_1491 : memref<3200xf32, #tpu.memory_space<vmem>>) target(%dma_start3A_1489 : memref<3200xf32, #tpu.memory_space<vmem_shared>>) target_semaphore(%arg11 : memref<!tpu.dma_semaphore, #tpu.memory_space<semaphore_mem>>)
    %dma_wait3A_1492 = arith.constant 0 : i32
    %dma_wait3A_1493 = tpu.memref_slice %arg9[%dma_wait3A_1492] : memref<6400xf32, #tpu.memory_space<vmem>> -> memref<3200xf32, #tpu.memory_space<vmem>>
    %dma_wait3A_1494 = tpu.memref_slice %arg10[%add3A_1437] : memref<1280128xf32, #tpu.memory_space<vmem_shared>> -> memref<3200xf32, #tpu.memory_space<vmem_shared>>
    %dma_wait3A_1495 = tpu.memref_slice %arg10[%add3A_1437] : memref<1280128xf32, #tpu.memory_space<vmem_shared>> -> memref<3200xf32, #tpu.memory_space<vmem_shared>>
    %dma_wait3A_1496 = arith.constant 0 : i32
    %dma_wait3A_1497 = tpu.memref_slice %arg9[%dma_wait3A_1496] : memref<6400xf32, #tpu.memory_space<vmem>> -> memref<3200xf32, #tpu.memory_space<vmem>>
    tpu.wait_dma2 semaphore(%arg11 : memref<!tpu.dma_semaphore, #tpu.memory_space<semaphore_mem>>) src(%dma_wait3A_1497 : memref<3200xf32, #tpu.memory_space<vmem>>) dst(%dma_wait3A_1495 : memref<3200xf32, #tpu.memory_space<vmem_shared>>)
    %mul3A_1498 = arith.constant 80000 : i32
    %mul3A_1499 = arith.muli %arg1, %mul3A_1498 : i32
    %add3A_1500 = arith.constant 38400 : i32
    %add3A_1501 = arith.addi %mul3A_1499, %add3A_1500 : i32
    %dma_start3A_1502 = arith.constant 0 : i32
    %dma_start3A_1503 = tpu.memref_slice %arg9[%dma_start3A_1502] : memref<6400xf32, #tpu.memory_space<vmem>> -> memref<3200xf32, #tpu.memory_space<vmem>>
    %dma_start3A_1504 = tpu.memref_slice %arg10[%add3A_1501] : memref<1280128xf32, #tpu.memory_space<vmem_shared>> -> memref<3200xf32, #tpu.memory_space<vmem_shared>>
    %dma_start3A_1505 = tpu.memref_slice %arg10[%add3A_1501] : memref<1280128xf32, #tpu.memory_space<vmem_shared>> -> memref<3200xf32, #tpu.memory_space<vmem_shared>>
    %dma_start3A_1506 = arith.constant 0 : i32
    %dma_start3A_1507 = tpu.memref_slice %arg9[%dma_start3A_1506] : memref<6400xf32, #tpu.memory_space<vmem>> -> memref<3200xf32, #tpu.memory_space<vmem>>
    tpu.enqueue_dma source(%dma_start3A_1507 : memref<3200xf32, #tpu.memory_space<vmem>>) target(%dma_start3A_1505 : memref<3200xf32, #tpu.memory_space<vmem_shared>>) target_semaphore(%arg11 : memref<!tpu.dma_semaphore, #tpu.memory_space<semaphore_mem>>)
    %dma_wait3A_1508 = arith.constant 3200 : i32
    %dma_wait3A_1509 = tpu.memref_slice %arg9[%dma_wait3A_1508] : memref<6400xf32, #tpu.memory_space<vmem>> -> memref<3200xf32, #tpu.memory_space<vmem>>
    %dma_wait3A_1510 = tpu.memref_slice %arg10[%add3A_1453] : memref<1280128xf32, #tpu.memory_space<vmem_shared>> -> memref<3200xf32, #tpu.memory_space<vmem_shared>>
    %dma_wait3A_1511 = tpu.memref_slice %arg10[%add3A_1453] : memref<1280128xf32, #tpu.memory_space<vmem_shared>> -> memref<3200xf32, #tpu.memory_space<vmem_shared>>
    %dma_wait3A_1512 = arith.constant 3200 : i32
    %dma_wait3A_1513 = tpu.memref_slice %arg9[%dma_wait3A_1512] : memref<6400xf32, #tpu.memory_space<vmem>> -> memref<3200xf32, #tpu.memory_space<vmem>>
    tpu.wait_dma2 semaphore(%arg11 : memref<!tpu.dma_semaphore, #tpu.memory_space<semaphore_mem>>) src(%dma_wait3A_1513 : memref<3200xf32, #tpu.memory_space<vmem>>) dst(%dma_wait3A_1511 : memref<3200xf32, #tpu.memory_space<vmem_shared>>)
    %mul3A_1514 = arith.constant 80000 : i32
    %mul3A_1515 = arith.muli %arg1, %mul3A_1514 : i32
    %add3A_1516 = arith.constant 41600 : i32
    %add3A_1517 = arith.addi %mul3A_1515, %add3A_1516 : i32
    %dma_start3A_1518 = arith.constant 3200 : i32
    %dma_start3A_1519 = tpu.memref_slice %arg9[%dma_start3A_1518] : memref<6400xf32, #tpu.memory_space<vmem>> -> memref<3200xf32, #tpu.memory_space<vmem>>
    %dma_start3A_1520 = tpu.memref_slice %arg10[%add3A_1517] : memref<1280128xf32, #tpu.memory_space<vmem_shared>> -> memref<3200xf32, #tpu.memory_space<vmem_shared>>
    %dma_start3A_1521 = tpu.memref_slice %arg10[%add3A_1517] : memref<1280128xf32, #tpu.memory_space<vmem_shared>> -> memref<3200xf32, #tpu.memory_space<vmem_shared>>
    %dma_start3A_1522 = arith.constant 3200 : i32
    %dma_start3A_1523 = tpu.memref_slice %arg9[%dma_start3A_1522] : memref<6400xf32, #tpu.memory_space<vmem>> -> memref<3200xf32, #tpu.memory_space<vmem>>
    tpu.enqueue_dma source(%dma_start3A_1523 : memref<3200xf32, #tpu.memory_space<vmem>>) target(%dma_start3A_1521 : memref<3200xf32, #tpu.memory_space<vmem_shared>>) target_semaphore(%arg11 : memref<!tpu.dma_semaphore, #tpu.memory_space<semaphore_mem>>)
    %dma_wait3A_1524 = arith.constant 0 : i32
    %dma_wait3A_1525 = tpu.memref_slice %arg9[%dma_wait3A_1524] : memref<6400xf32, #tpu.memory_space<vmem>> -> memref<3200xf32, #tpu.memory_space<vmem>>
    %dma_wait3A_1526 = tpu.memref_slice %arg10[%add3A_1469] : memref<1280128xf32, #tpu.memory_space<vmem_shared>> -> memref<3200xf32, #tpu.memory_space<vmem_shared>>
    %dma_wait3A_1527 = tpu.memref_slice %arg10[%add3A_1469] : memref<1280128xf32, #tpu.memory_space<vmem_shared>> -> memref<3200xf32, #tpu.memory_space<vmem_shared>>
    %dma_wait3A_1528 = arith.constant 0 : i32
    %dma_wait3A_1529 = tpu.memref_slice %arg9[%dma_wait3A_1528] : memref<6400xf32, #tpu.memory_space<vmem>> -> memref<3200xf32, #tpu.memory_space<vmem>>
    tpu.wait_dma2 semaphore(%arg11 : memref<!tpu.dma_semaphore, #tpu.memory_space<semaphore_mem>>) src(%dma_wait3A_1529 : memref<3200xf32, #tpu.memory_space<vmem>>) dst(%dma_wait3A_1527 : memref<3200xf32, #tpu.memory_space<vmem_shared>>)
    %mul3A_1530 = arith.constant 80000 : i32
    %mul3A_1531 = arith.muli %arg1, %mul3A_1530 : i32
    %add3A_1532 = arith.constant 44800 : i32
    %add3A_1533 = arith.addi %mul3A_1531, %add3A_1532 : i32
    %dma_start3A_1534 = arith.constant 0 : i32
    %dma_start3A_1535 = tpu.memref_slice %arg9[%dma_start3A_1534] : memref<6400xf32, #tpu.memory_space<vmem>> -> memref<3200xf32, #tpu.memory_space<vmem>>
    %dma_start3A_1536 = tpu.memref_slice %arg10[%add3A_1533] : memref<1280128xf32, #tpu.memory_space<vmem_shared>> -> memref<3200xf32, #tpu.memory_space<vmem_shared>>
    %dma_start3A_1537 = tpu.memref_slice %arg10[%add3A_1533] : memref<1280128xf32, #tpu.memory_space<vmem_shared>> -> memref<3200xf32, #tpu.memory_space<vmem_shared>>
    %dma_start3A_1538 = arith.constant 0 : i32
    %dma_start3A_1539 = tpu.memref_slice %arg9[%dma_start3A_1538] : memref<6400xf32, #tpu.memory_space<vmem>> -> memref<3200xf32, #tpu.memory_space<vmem>>
    tpu.enqueue_dma source(%dma_start3A_1539 : memref<3200xf32, #tpu.memory_space<vmem>>) target(%dma_start3A_1537 : memref<3200xf32, #tpu.memory_space<vmem_shared>>) target_semaphore(%arg11 : memref<!tpu.dma_semaphore, #tpu.memory_space<semaphore_mem>>)
    %dma_wait3A_1540 = arith.constant 3200 : i32
    %dma_wait3A_1541 = tpu.memref_slice %arg9[%dma_wait3A_1540] : memref<6400xf32, #tpu.memory_space<vmem>> -> memref<3200xf32, #tpu.memory_space<vmem>>
    %dma_wait3A_1542 = tpu.memref_slice %arg10[%add3A_1485] : memref<1280128xf32, #tpu.memory_space<vmem_shared>> -> memref<3200xf32, #tpu.memory_space<vmem_shared>>
    %dma_wait3A_1543 = tpu.memref_slice %arg10[%add3A_1485] : memref<1280128xf32, #tpu.memory_space<vmem_shared>> -> memref<3200xf32, #tpu.memory_space<vmem_shared>>
    %dma_wait3A_1544 = arith.constant 3200 : i32
    %dma_wait3A_1545 = tpu.memref_slice %arg9[%dma_wait3A_1544] : memref<6400xf32, #tpu.memory_space<vmem>> -> memref<3200xf32, #tpu.memory_space<vmem>>
    tpu.wait_dma2 semaphore(%arg11 : memref<!tpu.dma_semaphore, #tpu.memory_space<semaphore_mem>>) src(%dma_wait3A_1545 : memref<3200xf32, #tpu.memory_space<vmem>>) dst(%dma_wait3A_1543 : memref<3200xf32, #tpu.memory_space<vmem_shared>>)
    %mul3A_1546 = arith.constant 80000 : i32
    %mul3A_1547 = arith.muli %arg1, %mul3A_1546 : i32
    %add3A_1548 = arith.constant 48000 : i32
    %add3A_1549 = arith.addi %mul3A_1547, %add3A_1548 : i32
    %dma_start3A_1550 = arith.constant 3200 : i32
    %dma_start3A_1551 = tpu.memref_slice %arg9[%dma_start3A_1550] : memref<6400xf32, #tpu.memory_space<vmem>> -> memref<3200xf32, #tpu.memory_space<vmem>>
    %dma_start3A_1552 = tpu.memref_slice %arg10[%add3A_1549] : memref<1280128xf32, #tpu.memory_space<vmem_shared>> -> memref<3200xf32, #tpu.memory_space<vmem_shared>>
    %dma_start3A_1553 = tpu.memref_slice %arg10[%add3A_1549] : memref<1280128xf32, #tpu.memory_space<vmem_shared>> -> memref<3200xf32, #tpu.memory_space<vmem_shared>>
    %dma_start3A_1554 = arith.constant 3200 : i32
    %dma_start3A_1555 = tpu.memref_slice %arg9[%dma_start3A_1554] : memref<6400xf32, #tpu.memory_space<vmem>> -> memref<3200xf32, #tpu.memory_space<vmem>>
    tpu.enqueue_dma source(%dma_start3A_1555 : memref<3200xf32, #tpu.memory_space<vmem>>) target(%dma_start3A_1553 : memref<3200xf32, #tpu.memory_space<vmem_shared>>) target_semaphore(%arg11 : memref<!tpu.dma_semaphore, #tpu.memory_space<semaphore_mem>>)
    %dma_wait3A_1556 = arith.constant 0 : i32
    %dma_wait3A_1557 = tpu.memref_slice %arg9[%dma_wait3A_1556] : memref<6400xf32, #tpu.memory_space<vmem>> -> memref<3200xf32, #tpu.memory_space<vmem>>
    %dma_wait3A_1558 = tpu.memref_slice %arg10[%add3A_1501] : memref<1280128xf32, #tpu.memory_space<vmem_shared>> -> memref<3200xf32, #tpu.memory_space<vmem_shared>>
    %dma_wait3A_1559 = tpu.memref_slice %arg10[%add3A_1501] : memref<1280128xf32, #tpu.memory_space<vmem_shared>> -> memref<3200xf32, #tpu.memory_space<vmem_shared>>
    %dma_wait3A_1560 = arith.constant 0 : i32
    %dma_wait3A_1561 = tpu.memref_slice %arg9[%dma_wait3A_1560] : memref<6400xf32, #tpu.memory_space<vmem>> -> memref<3200xf32, #tpu.memory_space<vmem>>
    tpu.wait_dma2 semaphore(%arg11 : memref<!tpu.dma_semaphore, #tpu.memory_space<semaphore_mem>>) src(%dma_wait3A_1561 : memref<3200xf32, #tpu.memory_space<vmem>>) dst(%dma_wait3A_1559 : memref<3200xf32, #tpu.memory_space<vmem_shared>>)
    %mul3A_1562 = arith.constant 80000 : i32
    %mul3A_1563 = arith.muli %arg1, %mul3A_1562 : i32
    %add3A_1564 = arith.constant 51200 : i32
    %add3A_1565 = arith.addi %mul3A_1563, %add3A_1564 : i32
    %dma_start3A_1566 = arith.constant 0 : i32
    %dma_start3A_1567 = tpu.memref_slice %arg9[%dma_start3A_1566] : memref<6400xf32, #tpu.memory_space<vmem>> -> memref<3200xf32, #tpu.memory_space<vmem>>
    %dma_start3A_1568 = tpu.memref_slice %arg10[%add3A_1565] : memref<1280128xf32, #tpu.memory_space<vmem_shared>> -> memref<3200xf32, #tpu.memory_space<vmem_shared>>
    %dma_start3A_1569 = tpu.memref_slice %arg10[%add3A_1565] : memref<1280128xf32, #tpu.memory_space<vmem_shared>> -> memref<3200xf32, #tpu.memory_space<vmem_shared>>
    %dma_start3A_1570 = arith.constant 0 : i32
    %dma_start3A_1571 = tpu.memref_slice %arg9[%dma_start3A_1570] : memref<6400xf32, #tpu.memory_space<vmem>> -> memref<3200xf32, #tpu.memory_space<vmem>>
    tpu.enqueue_dma source(%dma_start3A_1571 : memref<3200xf32, #tpu.memory_space<vmem>>) target(%dma_start3A_1569 : memref<3200xf32, #tpu.memory_space<vmem_shared>>) target_semaphore(%arg11 : memref<!tpu.dma_semaphore, #tpu.memory_space<semaphore_mem>>)
    %dma_wait3A_1572 = arith.constant 3200 : i32
    %dma_wait3A_1573 = tpu.memref_slice %arg9[%dma_wait3A_1572] : memref<6400xf32, #tpu.memory_space<vmem>> -> memref<3200xf32, #tpu.memory_space<vmem>>
    %dma_wait3A_1574 = tpu.memref_slice %arg10[%add3A_1517] : memref<1280128xf32, #tpu.memory_space<vmem_shared>> -> memref<3200xf32, #tpu.memory_space<vmem_shared>>
    %dma_wait3A_1575 = tpu.memref_slice %arg10[%add3A_1517] : memref<1280128xf32, #tpu.memory_space<vmem_shared>> -> memref<3200xf32, #tpu.memory_space<vmem_shared>>
    %dma_wait3A_1576 = arith.constant 3200 : i32
    %dma_wait3A_1577 = tpu.memref_slice %arg9[%dma_wait3A_1576] : memref<6400xf32, #tpu.memory_space<vmem>> -> memref<3200xf32, #tpu.memory_space<vmem>>
    tpu.wait_dma2 semaphore(%arg11 : memref<!tpu.dma_semaphore, #tpu.memory_space<semaphore_mem>>) src(%dma_wait3A_1577 : memref<3200xf32, #tpu.memory_space<vmem>>) dst(%dma_wait3A_1575 : memref<3200xf32, #tpu.memory_space<vmem_shared>>)
    %mul3A_1578 = arith.constant 80000 : i32
    %mul3A_1579 = arith.muli %arg1, %mul3A_1578 : i32
    %add3A_1580 = arith.constant 54400 : i32
    %add3A_1581 = arith.addi %mul3A_1579, %add3A_1580 : i32
    %dma_start3A_1582 = arith.constant 3200 : i32
    %dma_start3A_1583 = tpu.memref_slice %arg9[%dma_start3A_1582] : memref<6400xf32, #tpu.memory_space<vmem>> -> memref<3200xf32, #tpu.memory_space<vmem>>
    %dma_start3A_1584 = tpu.memref_slice %arg10[%add3A_1581] : memref<1280128xf32, #tpu.memory_space<vmem_shared>> -> memref<3200xf32, #tpu.memory_space<vmem_shared>>
    %dma_start3A_1585 = tpu.memref_slice %arg10[%add3A_1581] : memref<1280128xf32, #tpu.memory_space<vmem_shared>> -> memref<3200xf32, #tpu.memory_space<vmem_shared>>
    %dma_start3A_1586 = arith.constant 3200 : i32
    %dma_start3A_1587 = tpu.memref_slice %arg9[%dma_start3A_1586] : memref<6400xf32, #tpu.memory_space<vmem>> -> memref<3200xf32, #tpu.memory_space<vmem>>
    tpu.enqueue_dma source(%dma_start3A_1587 : memref<3200xf32, #tpu.memory_space<vmem>>) target(%dma_start3A_1585 : memref<3200xf32, #tpu.memory_space<vmem_shared>>) target_semaphore(%arg11 : memref<!tpu.dma_semaphore, #tpu.memory_space<semaphore_mem>>)
    %dma_wait3A_1588 = arith.constant 0 : i32
    %dma_wait3A_1589 = tpu.memref_slice %arg9[%dma_wait3A_1588] : memref<6400xf32, #tpu.memory_space<vmem>> -> memref<3200xf32, #tpu.memory_space<vmem>>
    %dma_wait3A_1590 = tpu.memref_slice %arg10[%add3A_1533] : memref<1280128xf32, #tpu.memory_space<vmem_shared>> -> memref<3200xf32, #tpu.memory_space<vmem_shared>>
    %dma_wait3A_1591 = tpu.memref_slice %arg10[%add3A_1533] : memref<1280128xf32, #tpu.memory_space<vmem_shared>> -> memref<3200xf32, #tpu.memory_space<vmem_shared>>
    %dma_wait3A_1592 = arith.constant 0 : i32
    %dma_wait3A_1593 = tpu.memref_slice %arg9[%dma_wait3A_1592] : memref<6400xf32, #tpu.memory_space<vmem>> -> memref<3200xf32, #tpu.memory_space<vmem>>
    tpu.wait_dma2 semaphore(%arg11 : memref<!tpu.dma_semaphore, #tpu.memory_space<semaphore_mem>>) src(%dma_wait3A_1593 : memref<3200xf32, #tpu.memory_space<vmem>>) dst(%dma_wait3A_1591 : memref<3200xf32, #tpu.memory_space<vmem_shared>>)
    %mul3A_1594 = arith.constant 80000 : i32
    %mul3A_1595 = arith.muli %arg1, %mul3A_1594 : i32
    %add3A_1596 = arith.constant 57600 : i32
    %add3A_1597 = arith.addi %mul3A_1595, %add3A_1596 : i32
    %dma_start3A_1598 = arith.constant 0 : i32
    %dma_start3A_1599 = tpu.memref_slice %arg9[%dma_start3A_1598] : memref<6400xf32, #tpu.memory_space<vmem>> -> memref<3200xf32, #tpu.memory_space<vmem>>
    %dma_start3A_1600 = tpu.memref_slice %arg10[%add3A_1597] : memref<1280128xf32, #tpu.memory_space<vmem_shared>> -> memref<3200xf32, #tpu.memory_space<vmem_shared>>
    %dma_start3A_1601 = tpu.memref_slice %arg10[%add3A_1597] : memref<1280128xf32, #tpu.memory_space<vmem_shared>> -> memref<3200xf32, #tpu.memory_space<vmem_shared>>
    %dma_start3A_1602 = arith.constant 0 : i32
    %dma_start3A_1603 = tpu.memref_slice %arg9[%dma_start3A_1602] : memref<6400xf32, #tpu.memory_space<vmem>> -> memref<3200xf32, #tpu.memory_space<vmem>>
    tpu.enqueue_dma source(%dma_start3A_1603 : memref<3200xf32, #tpu.memory_space<vmem>>) target(%dma_start3A_1601 : memref<3200xf32, #tpu.memory_space<vmem_shared>>) target_semaphore(%arg11 : memref<!tpu.dma_semaphore, #tpu.memory_space<semaphore_mem>>)
    %dma_wait3A_1604 = arith.constant 3200 : i32
    %dma_wait3A_1605 = tpu.memref_slice %arg9[%dma_wait3A_1604] : memref<6400xf32, #tpu.memory_space<vmem>> -> memref<3200xf32, #tpu.memory_space<vmem>>
    %dma_wait3A_1606 = tpu.memref_slice %arg10[%add3A_1549] : memref<1280128xf32, #tpu.memory_space<vmem_shared>> -> memref<3200xf32, #tpu.memory_space<vmem_shared>>
    %dma_wait3A_1607 = tpu.memref_slice %arg10[%add3A_1549] : memref<1280128xf32, #tpu.memory_space<vmem_shared>> -> memref<3200xf32, #tpu.memory_space<vmem_shared>>
    %dma_wait3A_1608 = arith.constant 3200 : i32
    %dma_wait3A_1609 = tpu.memref_slice %arg9[%dma_wait3A_1608] : memref<6400xf32, #tpu.memory_space<vmem>> -> memref<3200xf32, #tpu.memory_space<vmem>>
    tpu.wait_dma2 semaphore(%arg11 : memref<!tpu.dma_semaphore, #tpu.memory_space<semaphore_mem>>) src(%dma_wait3A_1609 : memref<3200xf32, #tpu.memory_space<vmem>>) dst(%dma_wait3A_1607 : memref<3200xf32, #tpu.memory_space<vmem_shared>>)
    %mul3A_1610 = arith.constant 80000 : i32
    %mul3A_1611 = arith.muli %arg1, %mul3A_1610 : i32
    %add3A_1612 = arith.constant 60800 : i32
    %add3A_1613 = arith.addi %mul3A_1611, %add3A_1612 : i32
    %dma_start3A_1614 = arith.constant 3200 : i32
    %dma_start3A_1615 = tpu.memref_slice %arg9[%dma_start3A_1614] : memref<6400xf32, #tpu.memory_space<vmem>> -> memref<3200xf32, #tpu.memory_space<vmem>>
    %dma_start3A_1616 = tpu.memref_slice %arg10[%add3A_1613] : memref<1280128xf32, #tpu.memory_space<vmem_shared>> -> memref<3200xf32, #tpu.memory_space<vmem_shared>>
    %dma_start3A_1617 = tpu.memref_slice %arg10[%add3A_1613] : memref<1280128xf32, #tpu.memory_space<vmem_shared>> -> memref<3200xf32, #tpu.memory_space<vmem_shared>>
    %dma_start3A_1618 = arith.constant 3200 : i32
    %dma_start3A_1619 = tpu.memref_slice %arg9[%dma_start3A_1618] : memref<6400xf32, #tpu.memory_space<vmem>> -> memref<3200xf32, #tpu.memory_space<vmem>>
    tpu.enqueue_dma source(%dma_start3A_1619 : memref<3200xf32, #tpu.memory_space<vmem>>) target(%dma_start3A_1617 : memref<3200xf32, #tpu.memory_space<vmem_shared>>) target_semaphore(%arg11 : memref<!tpu.dma_semaphore, #tpu.memory_space<semaphore_mem>>)
    %dma_wait3A_1620 = arith.constant 0 : i32
    %dma_wait3A_1621 = tpu.memref_slice %arg9[%dma_wait3A_1620] : memref<6400xf32, #tpu.memory_space<vmem>> -> memref<3200xf32, #tpu.memory_space<vmem>>
    %dma_wait3A_1622 = tpu.memref_slice %arg10[%add3A_1565] : memref<1280128xf32, #tpu.memory_space<vmem_shared>> -> memref<3200xf32, #tpu.memory_space<vmem_shared>>
    %dma_wait3A_1623 = tpu.memref_slice %arg10[%add3A_1565] : memref<1280128xf32, #tpu.memory_space<vmem_shared>> -> memref<3200xf32, #tpu.memory_space<vmem_shared>>
    %dma_wait3A_1624 = arith.constant 0 : i32
    %dma_wait3A_1625 = tpu.memref_slice %arg9[%dma_wait3A_1624] : memref<6400xf32, #tpu.memory_space<vmem>> -> memref<3200xf32, #tpu.memory_space<vmem>>
    tpu.wait_dma2 semaphore(%arg11 : memref<!tpu.dma_semaphore, #tpu.memory_space<semaphore_mem>>) src(%dma_wait3A_1625 : memref<3200xf32, #tpu.memory_space<vmem>>) dst(%dma_wait3A_1623 : memref<3200xf32, #tpu.memory_space<vmem_shared>>)
    %mul3A_1626 = arith.constant 80000 : i32
    %mul3A_1627 = arith.muli %arg1, %mul3A_1626 : i32
    %add3A_1628 = arith.constant 64000 : i32
    %add3A_1629 = arith.addi %mul3A_1627, %add3A_1628 : i32
    %dma_start3A_1630 = arith.constant 0 : i32
    %dma_start3A_1631 = tpu.memref_slice %arg9[%dma_start3A_1630] : memref<6400xf32, #tpu.memory_space<vmem>> -> memref<3200xf32, #tpu.memory_space<vmem>>
    %dma_start3A_1632 = tpu.memref_slice %arg10[%add3A_1629] : memref<1280128xf32, #tpu.memory_space<vmem_shared>> -> memref<3200xf32, #tpu.memory_space<vmem_shared>>
    %dma_start3A_1633 = tpu.memref_slice %arg10[%add3A_1629] : memref<1280128xf32, #tpu.memory_space<vmem_shared>> -> memref<3200xf32, #tpu.memory_space<vmem_shared>>
    %dma_start3A_1634 = arith.constant 0 : i32
    %dma_start3A_1635 = tpu.memref_slice %arg9[%dma_start3A_1634] : memref<6400xf32, #tpu.memory_space<vmem>> -> memref<3200xf32, #tpu.memory_space<vmem>>
    tpu.enqueue_dma source(%dma_start3A_1635 : memref<3200xf32, #tpu.memory_space<vmem>>) target(%dma_start3A_1633 : memref<3200xf32, #tpu.memory_space<vmem_shared>>) target_semaphore(%arg11 : memref<!tpu.dma_semaphore, #tpu.memory_space<semaphore_mem>>)
    %dma_wait3A_1636 = arith.constant 3200 : i32
    %dma_wait3A_1637 = tpu.memref_slice %arg9[%dma_wait3A_1636] : memref<6400xf32, #tpu.memory_space<vmem>> -> memref<3200xf32, #tpu.memory_space<vmem>>
    %dma_wait3A_1638 = tpu.memref_slice %arg10[%add3A_1581] : memref<1280128xf32, #tpu.memory_space<vmem_shared>> -> memref<3200xf32, #tpu.memory_space<vmem_shared>>
    %dma_wait3A_1639 = tpu.memref_slice %arg10[%add3A_1581] : memref<1280128xf32, #tpu.memory_space<vmem_shared>> -> memref<3200xf32, #tpu.memory_space<vmem_shared>>
    %dma_wait3A_1640 = arith.constant 3200 : i32
    %dma_wait3A_1641 = tpu.memref_slice %arg9[%dma_wait3A_1640] : memref<6400xf32, #tpu.memory_space<vmem>> -> memref<3200xf32, #tpu.memory_space<vmem>>
    tpu.wait_dma2 semaphore(%arg11 : memref<!tpu.dma_semaphore, #tpu.memory_space<semaphore_mem>>) src(%dma_wait3A_1641 : memref<3200xf32, #tpu.memory_space<vmem>>) dst(%dma_wait3A_1639 : memref<3200xf32, #tpu.memory_space<vmem_shared>>)
    %mul3A_1642 = arith.constant 80000 : i32
    %mul3A_1643 = arith.muli %arg1, %mul3A_1642 : i32
    %add3A_1644 = arith.constant 67200 : i32
    %add3A_1645 = arith.addi %mul3A_1643, %add3A_1644 : i32
    %dma_start3A_1646 = arith.constant 3200 : i32
    %dma_start3A_1647 = tpu.memref_slice %arg9[%dma_start3A_1646] : memref<6400xf32, #tpu.memory_space<vmem>> -> memref<3200xf32, #tpu.memory_space<vmem>>
    %dma_start3A_1648 = tpu.memref_slice %arg10[%add3A_1645] : memref<1280128xf32, #tpu.memory_space<vmem_shared>> -> memref<3200xf32, #tpu.memory_space<vmem_shared>>
    %dma_start3A_1649 = tpu.memref_slice %arg10[%add3A_1645] : memref<1280128xf32, #tpu.memory_space<vmem_shared>> -> memref<3200xf32, #tpu.memory_space<vmem_shared>>
    %dma_start3A_1650 = arith.constant 3200 : i32
    %dma_start3A_1651 = tpu.memref_slice %arg9[%dma_start3A_1650] : memref<6400xf32, #tpu.memory_space<vmem>> -> memref<3200xf32, #tpu.memory_space<vmem>>
    tpu.enqueue_dma source(%dma_start3A_1651 : memref<3200xf32, #tpu.memory_space<vmem>>) target(%dma_start3A_1649 : memref<3200xf32, #tpu.memory_space<vmem_shared>>) target_semaphore(%arg11 : memref<!tpu.dma_semaphore, #tpu.memory_space<semaphore_mem>>)
    %dma_wait3A_1652 = arith.constant 0 : i32
    %dma_wait3A_1653 = tpu.memref_slice %arg9[%dma_wait3A_1652] : memref<6400xf32, #tpu.memory_space<vmem>> -> memref<3200xf32, #tpu.memory_space<vmem>>
    %dma_wait3A_1654 = tpu.memref_slice %arg10[%add3A_1597] : memref<1280128xf32, #tpu.memory_space<vmem_shared>> -> memref<3200xf32, #tpu.memory_space<vmem_shared>>
    %dma_wait3A_1655 = tpu.memref_slice %arg10[%add3A_1597] : memref<1280128xf32, #tpu.memory_space<vmem_shared>> -> memref<3200xf32, #tpu.memory_space<vmem_shared>>
    %dma_wait3A_1656 = arith.constant 0 : i32
    %dma_wait3A_1657 = tpu.memref_slice %arg9[%dma_wait3A_1656] : memref<6400xf32, #tpu.memory_space<vmem>> -> memref<3200xf32, #tpu.memory_space<vmem>>
    tpu.wait_dma2 semaphore(%arg11 : memref<!tpu.dma_semaphore, #tpu.memory_space<semaphore_mem>>) src(%dma_wait3A_1657 : memref<3200xf32, #tpu.memory_space<vmem>>) dst(%dma_wait3A_1655 : memref<3200xf32, #tpu.memory_space<vmem_shared>>)
    %mul3A_1658 = arith.constant 80000 : i32
    %mul3A_1659 = arith.muli %arg1, %mul3A_1658 : i32
    %add3A_1660 = arith.constant 70400 : i32
    %add3A_1661 = arith.addi %mul3A_1659, %add3A_1660 : i32
    %dma_start3A_1662 = arith.constant 0 : i32
    %dma_start3A_1663 = tpu.memref_slice %arg9[%dma_start3A_1662] : memref<6400xf32, #tpu.memory_space<vmem>> -> memref<3200xf32, #tpu.memory_space<vmem>>
    %dma_start3A_1664 = tpu.memref_slice %arg10[%add3A_1661] : memref<1280128xf32, #tpu.memory_space<vmem_shared>> -> memref<3200xf32, #tpu.memory_space<vmem_shared>>
    %dma_start3A_1665 = tpu.memref_slice %arg10[%add3A_1661] : memref<1280128xf32, #tpu.memory_space<vmem_shared>> -> memref<3200xf32, #tpu.memory_space<vmem_shared>>
    %dma_start3A_1666 = arith.constant 0 : i32
    %dma_start3A_1667 = tpu.memref_slice %arg9[%dma_start3A_1666] : memref<6400xf32, #tpu.memory_space<vmem>> -> memref<3200xf32, #tpu.memory_space<vmem>>
    tpu.enqueue_dma source(%dma_start3A_1667 : memref<3200xf32, #tpu.memory_space<vmem>>) target(%dma_start3A_1665 : memref<3200xf32, #tpu.memory_space<vmem_shared>>) target_semaphore(%arg11 : memref<!tpu.dma_semaphore, #tpu.memory_space<semaphore_mem>>)
    %dma_wait3A_1668 = arith.constant 3200 : i32
    %dma_wait3A_1669 = tpu.memref_slice %arg9[%dma_wait3A_1668] : memref<6400xf32, #tpu.memory_space<vmem>> -> memref<3200xf32, #tpu.memory_space<vmem>>
    %dma_wait3A_1670 = tpu.memref_slice %arg10[%add3A_1613] : memref<1280128xf32, #tpu.memory_space<vmem_shared>> -> memref<3200xf32, #tpu.memory_space<vmem_shared>>
    %dma_wait3A_1671 = tpu.memref_slice %arg10[%add3A_1613] : memref<1280128xf32, #tpu.memory_space<vmem_shared>> -> memref<3200xf32, #tpu.memory_space<vmem_shared>>
    %dma_wait3A_1672 = arith.constant 3200 : i32
    %dma_wait3A_1673 = tpu.memref_slice %arg9[%dma_wait3A_1672] : memref<6400xf32, #tpu.memory_space<vmem>> -> memref<3200xf32, #tpu.memory_space<vmem>>
    tpu.wait_dma2 semaphore(%arg11 : memref<!tpu.dma_semaphore, #tpu.memory_space<semaphore_mem>>) src(%dma_wait3A_1673 : memref<3200xf32, #tpu.memory_space<vmem>>) dst(%dma_wait3A_1671 : memref<3200xf32, #tpu.memory_space<vmem_shared>>)
    %mul3A_1674 = arith.constant 80000 : i32
    %mul3A_1675 = arith.muli %arg1, %mul3A_1674 : i32
    %add3A_1676 = arith.constant 73600 : i32
    %add3A_1677 = arith.addi %mul3A_1675, %add3A_1676 : i32
    %dma_start3A_1678 = arith.constant 3200 : i32
    %dma_start3A_1679 = tpu.memref_slice %arg9[%dma_start3A_1678] : memref<6400xf32, #tpu.memory_space<vmem>> -> memref<3200xf32, #tpu.memory_space<vmem>>
    %dma_start3A_1680 = tpu.memref_slice %arg10[%add3A_1677] : memref<1280128xf32, #tpu.memory_space<vmem_shared>> -> memref<3200xf32, #tpu.memory_space<vmem_shared>>
    %dma_start3A_1681 = tpu.memref_slice %arg10[%add3A_1677] : memref<1280128xf32, #tpu.memory_space<vmem_shared>> -> memref<3200xf32, #tpu.memory_space<vmem_shared>>
    %dma_start3A_1682 = arith.constant 3200 : i32
    %dma_start3A_1683 = tpu.memref_slice %arg9[%dma_start3A_1682] : memref<6400xf32, #tpu.memory_space<vmem>> -> memref<3200xf32, #tpu.memory_space<vmem>>
    tpu.enqueue_dma source(%dma_start3A_1683 : memref<3200xf32, #tpu.memory_space<vmem>>) target(%dma_start3A_1681 : memref<3200xf32, #tpu.memory_space<vmem_shared>>) target_semaphore(%arg11 : memref<!tpu.dma_semaphore, #tpu.memory_space<semaphore_mem>>)
    %dma_wait3A_1684 = arith.constant 0 : i32
    %dma_wait3A_1685 = tpu.memref_slice %arg9[%dma_wait3A_1684] : memref<6400xf32, #tpu.memory_space<vmem>> -> memref<3200xf32, #tpu.memory_space<vmem>>
    %dma_wait3A_1686 = tpu.memref_slice %arg10[%add3A_1629] : memref<1280128xf32, #tpu.memory_space<vmem_shared>> -> memref<3200xf32, #tpu.memory_space<vmem_shared>>
    %dma_wait3A_1687 = tpu.memref_slice %arg10[%add3A_1629] : memref<1280128xf32, #tpu.memory_space<vmem_shared>> -> memref<3200xf32, #tpu.memory_space<vmem_shared>>
    %dma_wait3A_1688 = arith.constant 0 : i32
    %dma_wait3A_1689 = tpu.memref_slice %arg9[%dma_wait3A_1688] : memref<6400xf32, #tpu.memory_space<vmem>> -> memref<3200xf32, #tpu.memory_space<vmem>>
    tpu.wait_dma2 semaphore(%arg11 : memref<!tpu.dma_semaphore, #tpu.memory_space<semaphore_mem>>) src(%dma_wait3A_1689 : memref<3200xf32, #tpu.memory_space<vmem>>) dst(%dma_wait3A_1687 : memref<3200xf32, #tpu.memory_space<vmem_shared>>)
    %mul3A_1690 = arith.constant 80000 : i32
    %mul3A_1691 = arith.muli %arg1, %mul3A_1690 : i32
    %add3A_1692 = arith.constant 76800 : i32
    %add3A_1693 = arith.addi %mul3A_1691, %add3A_1692 : i32
    %dma_start3A_1694 = arith.constant 0 : i32
    %dma_start3A_1695 = tpu.memref_slice %arg9[%dma_start3A_1694] : memref<6400xf32, #tpu.memory_space<vmem>> -> memref<3200xf32, #tpu.memory_space<vmem>>
    %dma_start3A_1696 = tpu.memref_slice %arg10[%add3A_1693] : memref<1280128xf32, #tpu.memory_space<vmem_shared>> -> memref<3200xf32, #tpu.memory_space<vmem_shared>>
    %dma_start3A_1697 = tpu.memref_slice %arg10[%add3A_1693] : memref<1280128xf32, #tpu.memory_space<vmem_shared>> -> memref<3200xf32, #tpu.memory_space<vmem_shared>>
    %dma_start3A_1698 = arith.constant 0 : i32
    %dma_start3A_1699 = tpu.memref_slice %arg9[%dma_start3A_1698] : memref<6400xf32, #tpu.memory_space<vmem>> -> memref<3200xf32, #tpu.memory_space<vmem>>
    tpu.enqueue_dma source(%dma_start3A_1699 : memref<3200xf32, #tpu.memory_space<vmem>>) target(%dma_start3A_1697 : memref<3200xf32, #tpu.memory_space<vmem_shared>>) target_semaphore(%arg11 : memref<!tpu.dma_semaphore, #tpu.memory_space<semaphore_mem>>)
    %dma_wait3A_1700 = arith.constant 3200 : i32
    %dma_wait3A_1701 = tpu.memref_slice %arg9[%dma_wait3A_1700] : memref<6400xf32, #tpu.memory_space<vmem>> -> memref<3200xf32, #tpu.memory_space<vmem>>
    %dma_wait3A_1702 = tpu.memref_slice %arg10[%add3A_1645] : memref<1280128xf32, #tpu.memory_space<vmem_shared>> -> memref<3200xf32, #tpu.memory_space<vmem_shared>>
    %dma_wait3A_1703 = tpu.memref_slice %arg10[%add3A_1645] : memref<1280128xf32, #tpu.memory_space<vmem_shared>> -> memref<3200xf32, #tpu.memory_space<vmem_shared>>
    %dma_wait3A_1704 = arith.constant 3200 : i32
    %dma_wait3A_1705 = tpu.memref_slice %arg9[%dma_wait3A_1704] : memref<6400xf32, #tpu.memory_space<vmem>> -> memref<3200xf32, #tpu.memory_space<vmem>>
    tpu.wait_dma2 semaphore(%arg11 : memref<!tpu.dma_semaphore, #tpu.memory_space<semaphore_mem>>) src(%dma_wait3A_1705 : memref<3200xf32, #tpu.memory_space<vmem>>) dst(%dma_wait3A_1703 : memref<3200xf32, #tpu.memory_space<vmem_shared>>)
    %dma_wait3A_1706 = arith.constant 0 : i32
    %dma_wait3A_1707 = tpu.memref_slice %arg9[%dma_wait3A_1706] : memref<6400xf32, #tpu.memory_space<vmem>> -> memref<3200xf32, #tpu.memory_space<vmem>>
    %dma_wait3A_1708 = tpu.memref_slice %arg10[%add3A_1661] : memref<1280128xf32, #tpu.memory_space<vmem_shared>> -> memref<3200xf32, #tpu.memory_space<vmem_shared>>
    %dma_wait3A_1709 = tpu.memref_slice %arg10[%add3A_1661] : memref<1280128xf32, #tpu.memory_space<vmem_shared>> -> memref<3200xf32, #tpu.memory_space<vmem_shared>>
    %dma_wait3A_1710 = arith.constant 0 : i32
    %dma_wait3A_1711 = tpu.memref_slice %arg9[%dma_wait3A_1710] : memref<6400xf32, #tpu.memory_space<vmem>> -> memref<3200xf32, #tpu.memory_space<vmem>>
    tpu.wait_dma2 semaphore(%arg11 : memref<!tpu.dma_semaphore, #tpu.memory_space<semaphore_mem>>) src(%dma_wait3A_1711 : memref<3200xf32, #tpu.memory_space<vmem>>) dst(%dma_wait3A_1709 : memref<3200xf32, #tpu.memory_space<vmem_shared>>)
    %dma_wait3A_1712 = arith.constant 3200 : i32
    %dma_wait3A_1713 = tpu.memref_slice %arg9[%dma_wait3A_1712] : memref<6400xf32, #tpu.memory_space<vmem>> -> memref<3200xf32, #tpu.memory_space<vmem>>
    %dma_wait3A_1714 = tpu.memref_slice %arg10[%add3A_1677] : memref<1280128xf32, #tpu.memory_space<vmem_shared>> -> memref<3200xf32, #tpu.memory_space<vmem_shared>>
    %dma_wait3A_1715 = tpu.memref_slice %arg10[%add3A_1677] : memref<1280128xf32, #tpu.memory_space<vmem_shared>> -> memref<3200xf32, #tpu.memory_space<vmem_shared>>
    %dma_wait3A_1716 = arith.constant 3200 : i32
    %dma_wait3A_1717 = tpu.memref_slice %arg9[%dma_wait3A_1716] : memref<6400xf32, #tpu.memory_space<vmem>> -> memref<3200xf32, #tpu.memory_space<vmem>>
    tpu.wait_dma2 semaphore(%arg11 : memref<!tpu.dma_semaphore, #tpu.memory_space<semaphore_mem>>) src(%dma_wait3A_1717 : memref<3200xf32, #tpu.memory_space<vmem>>) dst(%dma_wait3A_1715 : memref<3200xf32, #tpu.memory_space<vmem_shared>>)
    %dma_wait3A_1718 = arith.constant 0 : i32
    %dma_wait3A_1719 = tpu.memref_slice %arg9[%dma_wait3A_1718] : memref<6400xf32, #tpu.memory_space<vmem>> -> memref<3200xf32, #tpu.memory_space<vmem>>
    %dma_wait3A_1720 = tpu.memref_slice %arg10[%add3A_1693] : memref<1280128xf32, #tpu.memory_space<vmem_shared>> -> memref<3200xf32, #tpu.memory_space<vmem_shared>>
    %dma_wait3A_1721 = tpu.memref_slice %arg10[%add3A_1693] : memref<1280128xf32, #tpu.memory_space<vmem_shared>> -> memref<3200xf32, #tpu.memory_space<vmem_shared>>
    %dma_wait3A_1722 = arith.constant 0 : i32
    %dma_wait3A_1723 = tpu.memref_slice %arg9[%dma_wait3A_1722] : memref<6400xf32, #tpu.memory_space<vmem>> -> memref<3200xf32, #tpu.memory_space<vmem>>
    tpu.wait_dma2 semaphore(%arg11 : memref<!tpu.dma_semaphore, #tpu.memory_space<semaphore_mem>>) src(%dma_wait3A_1723 : memref<3200xf32, #tpu.memory_space<vmem>>) dst(%dma_wait3A_1721 : memref<3200xf32, #tpu.memory_space<vmem_shared>>)
    %barrier3A_1724 = arith.constant 0 : index
    tpu.barrier barrier_id(%barrier3A_1724)
    %scan3A_1725 = arith.constant 0 : i32
    %scan3A_1726 = arith.constant 0 : i32
    %scan3A_1727 = arith.constant 157 : i32
    %scan3A_1728 = arith.addi %scan3A_1726, %scan3A_1727 : i32
    %scan3A_1729 = arith.constant 1 : i32
    scf.for %scan3A_2488 = %scan3A_1726 to %scan3A_1728 step %scan3A_1729  : i32 {
      %mul3A_2489 = arith.constant 128 : i32
      %mul3A_2490 = arith.muli %scan3A_2488, %mul3A_2489 : i32
      %add3A_2491 = arith.constant 0 : i32
      %add3A_2492 = arith.addi %mul3A_2490, %add3A_2491 : i32
      %get3A = arith.index_cast %add3A_2492 : i32 to index
      %get3A_2493 = tpu.vector_load %arg5[%get3A] {strides = array<i32>} : memref<20096xi32, #tpu.memory_space<vmem>>, vector<16xi32>,
      %get3A_2494 = vector.shape_cast %get3A_2493 : vector<16xi32> to vector<16xi32>
      %sub3A = vector.broadcast %mul3A_1317 : i32 to vector<16xi32>
      %sub3A_2495 = arith.subi %get3A_2494, %sub3A : vector<16xi32>
      %ge3A = arith.constant 0 : i32
      %ge3A_2496 = vector.broadcast %ge3A : i32 to vector<16xi32>
      %ge3A_2497 = arith.cmpi sge, %sub3A_2495, %ge3A_2496 : vector<16xi32>
      %lt3A = arith.constant 1280000 : i32
      %lt3A_2498 = vector.broadcast %lt3A : i32 to vector<16xi32>
      %lt3A_2499 = arith.cmpi slt, %sub3A_2495, %lt3A_2498 : vector<16xi32>
      %and3A = arith.andi %ge3A_2497, %lt3A_2499 : vector<16xi1>
      %iota3A = tpu.iota {dimensions = array<i32: 0>} : vector<16xi32>
      %add3A_2500 = arith.constant 1280000 : i32
      %add3A_2501 = vector.broadcast %add3A_2500 : i32 to vector<16xi32>
      %add3A_2502 = arith.addi %iota3A, %add3A_2501 : vector<16xi32>
      %select_n3A = arith.select %and3A, %sub3A_2495, %add3A_2502 : vector<16xi1>, vector<16xi32>
      %swap3A_2503 = arith.constant 0 : index
      %swap3A_2504 = tpu.vector_load %arg6[%swap3A_2503] {strides = array<i32>} : memref<128xi32, #tpu.memory_space<vmem>>, vector<16xi32>,
      %swap3A_2505 = vector.shape_cast %swap3A_2504 : vector<16xi32> to vector<16xi32>
      %swap3A_2506 = vector.shape_cast %select_n3A : vector<16xi32> to vector<16xi32>
      tpu.vector_store %arg6[%swap3A_2503], %swap3A_2506 {strides = array<i32>} : memref<128xi32, #tpu.memory_space<vmem>>, vector<16xi32>,
      %mul3A_2507 = arith.constant 128 : i32
      %mul3A_2508 = arith.muli %scan3A_2488, %mul3A_2507 : i32
      %add3A_2509 = arith.constant 16 : i32
      %add3A_2510 = arith.addi %mul3A_2508, %add3A_2509 : i32
      %get3A_2511 = arith.index_cast %add3A_2510 : i32 to index
      %get3A_2512 = tpu.vector_load %arg5[%get3A_2511] {strides = array<i32>} : memref<20096xi32, #tpu.memory_space<vmem>>, vector<16xi32>,
      %get3A_2513 = vector.shape_cast %get3A_2512 : vector<16xi32> to vector<16xi32>
      %sub3A_2514 = vector.broadcast %mul3A_1317 : i32 to vector<16xi32>
      %sub3A_2515 = arith.subi %get3A_2513, %sub3A_2514 : vector<16xi32>
      %ge3A_2516 = arith.constant 0 : i32
      %ge3A_2517 = vector.broadcast %ge3A_2516 : i32 to vector<16xi32>
      %ge3A_2518 = arith.cmpi sge, %sub3A_2515, %ge3A_2517 : vector<16xi32>
      %lt3A_2519 = arith.constant 1280000 : i32
      %lt3A_2520 = vector.broadcast %lt3A_2519 : i32 to vector<16xi32>
      %lt3A_2521 = arith.cmpi slt, %sub3A_2515, %lt3A_2520 : vector<16xi32>
      %and3A_2522 = arith.andi %ge3A_2518, %lt3A_2521 : vector<16xi1>
      %iota3A_2523 = tpu.iota {dimensions = array<i32: 0>} : vector<16xi32>
      %add3A_2524 = arith.constant 1280016 : i32
      %add3A_2525 = vector.broadcast %add3A_2524 : i32 to vector<16xi32>
      %add3A_2526 = arith.addi %iota3A_2523, %add3A_2525 : vector<16xi32>
      %select_n3A_2527 = arith.select %and3A_2522, %sub3A_2515, %add3A_2526 : vector<16xi1>, vector<16xi32>
      %swap3A_2528 = arith.constant 16 : index
      %swap3A_2529 = tpu.vector_load %arg6[%swap3A_2528] {strides = array<i32>} : memref<128xi32, #tpu.memory_space<vmem>>, vector<16xi32>,
      %swap3A_2530 = vector.shape_cast %swap3A_2529 : vector<16xi32> to vector<16xi32>
      %swap3A_2531 = vector.shape_cast %select_n3A_2527 : vector<16xi32> to vector<16xi32>
      tpu.vector_store %arg6[%swap3A_2528], %swap3A_2531 {strides = array<i32>} : memref<128xi32, #tpu.memory_space<vmem>>, vector<16xi32>,
      %mul3A_2532 = arith.constant 128 : i32
      %mul3A_2533 = arith.muli %scan3A_2488, %mul3A_2532 : i32
      %add3A_2534 = arith.constant 32 : i32
      %add3A_2535 = arith.addi %mul3A_2533, %add3A_2534 : i32
      %get3A_2536 = arith.index_cast %add3A_2535 : i32 to index
      %get3A_2537 = tpu.vector_load %arg5[%get3A_2536] {strides = array<i32>} : memref<20096xi32, #tpu.memory_space<vmem>>, vector<16xi32>,
      %get3A_2538 = vector.shape_cast %get3A_2537 : vector<16xi32> to vector<16xi32>
      %sub3A_2539 = vector.broadcast %mul3A_1317 : i32 to vector<16xi32>
      %sub3A_2540 = arith.subi %get3A_2538, %sub3A_2539 : vector<16xi32>
      %ge3A_2541 = arith.constant 0 : i32
      %ge3A_2542 = vector.broadcast %ge3A_2541 : i32 to vector<16xi32>
      %ge3A_2543 = arith.cmpi sge, %sub3A_2540, %ge3A_2542 : vector<16xi32>
      %lt3A_2544 = arith.constant 1280000 : i32
      %lt3A_2545 = vector.broadcast %lt3A_2544 : i32 to vector<16xi32>
      %lt3A_2546 = arith.cmpi slt, %sub3A_2540, %lt3A_2545 : vector<16xi32>
      %and3A_2547 = arith.andi %ge3A_2543, %lt3A_2546 : vector<16xi1>
      %iota3A_2548 = tpu.iota {dimensions = array<i32: 0>} : vector<16xi32>
      %add3A_2549 = arith.constant 1280032 : i32
      %add3A_2550 = vector.broadcast %add3A_2549 : i32 to vector<16xi32>
      %add3A_2551 = arith.addi %iota3A_2548, %add3A_2550 : vector<16xi32>
      %select_n3A_2552 = arith.select %and3A_2547, %sub3A_2540, %add3A_2551 : vector<16xi1>, vector<16xi32>
      %swap3A_2553 = arith.constant 32 : index
      %swap3A_2554 = tpu.vector_load %arg6[%swap3A_2553] {strides = array<i32>} : memref<128xi32, #tpu.memory_space<vmem>>, vector<16xi32>,
      %swap3A_2555 = vector.shape_cast %swap3A_2554 : vector<16xi32> to vector<16xi32>
      %swap3A_2556 = vector.shape_cast %select_n3A_2552 : vector<16xi32> to vector<16xi32>
      tpu.vector_store %arg6[%swap3A_2553], %swap3A_2556 {strides = array<i32>} : memref<128xi32, #tpu.memory_space<vmem>>, vector<16xi32>,
      %mul3A_2557 = arith.constant 128 : i32
      %mul3A_2558 = arith.muli %scan3A_2488, %mul3A_2557 : i32
      %add3A_2559 = arith.constant 48 : i32
      %add3A_2560 = arith.addi %mul3A_2558, %add3A_2559 : i32
      %get3A_2561 = arith.index_cast %add3A_2560 : i32 to index
      %get3A_2562 = tpu.vector_load %arg5[%get3A_2561] {strides = array<i32>} : memref<20096xi32, #tpu.memory_space<vmem>>, vector<16xi32>,
      %get3A_2563 = vector.shape_cast %get3A_2562 : vector<16xi32> to vector<16xi32>
      %sub3A_2564 = vector.broadcast %mul3A_1317 : i32 to vector<16xi32>
      %sub3A_2565 = arith.subi %get3A_2563, %sub3A_2564 : vector<16xi32>
      %ge3A_2566 = arith.constant 0 : i32
      %ge3A_2567 = vector.broadcast %ge3A_2566 : i32 to vector<16xi32>
      %ge3A_2568 = arith.cmpi sge, %sub3A_2565, %ge3A_2567 : vector<16xi32>
      %lt3A_2569 = arith.constant 1280000 : i32
      %lt3A_2570 = vector.broadcast %lt3A_2569 : i32 to vector<16xi32>
      %lt3A_2571 = arith.cmpi slt, %sub3A_2565, %lt3A_2570 : vector<16xi32>
      %and3A_2572 = arith.andi %ge3A_2568, %lt3A_2571 : vector<16xi1>
      %iota3A_2573 = tpu.iota {dimensions = array<i32: 0>} : vector<16xi32>
      %add3A_2574 = arith.constant 1280048 : i32
      %add3A_2575 = vector.broadcast %add3A_2574 : i32 to vector<16xi32>
      %add3A_2576 = arith.addi %iota3A_2573, %add3A_2575 : vector<16xi32>
      %select_n3A_2577 = arith.select %and3A_2572, %sub3A_2565, %add3A_2576 : vector<16xi1>, vector<16xi32>
      %swap3A_2578 = arith.constant 48 : index
      %swap3A_2579 = tpu.vector_load %arg6[%swap3A_2578] {strides = array<i32>} : memref<128xi32, #tpu.memory_space<vmem>>, vector<16xi32>,
      %swap3A_2580 = vector.shape_cast %swap3A_2579 : vector<16xi32> to vector<16xi32>
      %swap3A_2581 = vector.shape_cast %select_n3A_2577 : vector<16xi32> to vector<16xi32>
      tpu.vector_store %arg6[%swap3A_2578], %swap3A_2581 {strides = array<i32>} : memref<128xi32, #tpu.memory_space<vmem>>, vector<16xi32>,
      %mul3A_2582 = arith.constant 128 : i32
      %mul3A_2583 = arith.muli %scan3A_2488, %mul3A_2582 : i32
      %add3A_2584 = arith.constant 64 : i32
      %add3A_2585 = arith.addi %mul3A_2583, %add3A_2584 : i32
      %get3A_2586 = arith.index_cast %add3A_2585 : i32 to index
      %get3A_2587 = tpu.vector_load %arg5[%get3A_2586] {strides = array<i32>} : memref<20096xi32, #tpu.memory_space<vmem>>, vector<16xi32>,
      %get3A_2588 = vector.shape_cast %get3A_2587 : vector<16xi32> to vector<16xi32>
      %sub3A_2589 = vector.broadcast %mul3A_1317 : i32 to vector<16xi32>
      %sub3A_2590 = arith.subi %get3A_2588, %sub3A_2589 : vector<16xi32>
      %ge3A_2591 = arith.constant 0 : i32
      %ge3A_2592 = vector.broadcast %ge3A_2591 : i32 to vector<16xi32>
      %ge3A_2593 = arith.cmpi sge, %sub3A_2590, %ge3A_2592 : vector<16xi32>
      %lt3A_2594 = arith.constant 1280000 : i32
      %lt3A_2595 = vector.broadcast %lt3A_2594 : i32 to vector<16xi32>
      %lt3A_2596 = arith.cmpi slt, %sub3A_2590, %lt3A_2595 : vector<16xi32>
      %and3A_2597 = arith.andi %ge3A_2593, %lt3A_2596 : vector<16xi1>
      %iota3A_2598 = tpu.iota {dimensions = array<i32: 0>} : vector<16xi32>
      %add3A_2599 = arith.constant 1280064 : i32
      %add3A_2600 = vector.broadcast %add3A_2599 : i32 to vector<16xi32>
      %add3A_2601 = arith.addi %iota3A_2598, %add3A_2600 : vector<16xi32>
      %select_n3A_2602 = arith.select %and3A_2597, %sub3A_2590, %add3A_2601 : vector<16xi1>, vector<16xi32>
      %swap3A_2603 = arith.constant 64 : index
      %swap3A_2604 = tpu.vector_load %arg6[%swap3A_2603] {strides = array<i32>} : memref<128xi32, #tpu.memory_space<vmem>>, vector<16xi32>,
      %swap3A_2605 = vector.shape_cast %swap3A_2604 : vector<16xi32> to vector<16xi32>
      %swap3A_2606 = vector.shape_cast %select_n3A_2602 : vector<16xi32> to vector<16xi32>
      tpu.vector_store %arg6[%swap3A_2603], %swap3A_2606 {strides = array<i32>} : memref<128xi32, #tpu.memory_space<vmem>>, vector<16xi32>,
      %mul3A_2607 = arith.constant 128 : i32
      %mul3A_2608 = arith.muli %scan3A_2488, %mul3A_2607 : i32
      %add3A_2609 = arith.constant 80 : i32
      %add3A_2610 = arith.addi %mul3A_2608, %add3A_2609 : i32
      %get3A_2611 = arith.index_cast %add3A_2610 : i32 to index
      %get3A_2612 = tpu.vector_load %arg5[%get3A_2611] {strides = array<i32>} : memref<20096xi32, #tpu.memory_space<vmem>>, vector<16xi32>,
      %get3A_2613 = vector.shape_cast %get3A_2612 : vector<16xi32> to vector<16xi32>
      %sub3A_2614 = vector.broadcast %mul3A_1317 : i32 to vector<16xi32>
      %sub3A_2615 = arith.subi %get3A_2613, %sub3A_2614 : vector<16xi32>
      %ge3A_2616 = arith.constant 0 : i32
      %ge3A_2617 = vector.broadcast %ge3A_2616 : i32 to vector<16xi32>
      %ge3A_2618 = arith.cmpi sge, %sub3A_2615, %ge3A_2617 : vector<16xi32>
      %lt3A_2619 = arith.constant 1280000 : i32
      %lt3A_2620 = vector.broadcast %lt3A_2619 : i32 to vector<16xi32>
      %lt3A_2621 = arith.cmpi slt, %sub3A_2615, %lt3A_2620 : vector<16xi32>
      %and3A_2622 = arith.andi %ge3A_2618, %lt3A_2621 : vector<16xi1>
      %iota3A_2623 = tpu.iota {dimensions = array<i32: 0>} : vector<16xi32>
      %add3A_2624 = arith.constant 1280080 : i32
      %add3A_2625 = vector.broadcast %add3A_2624 : i32 to vector<16xi32>
      %add3A_2626 = arith.addi %iota3A_2623, %add3A_2625 : vector<16xi32>
      %select_n3A_2627 = arith.select %and3A_2622, %sub3A_2615, %add3A_2626 : vector<16xi1>, vector<16xi32>
      %swap3A_2628 = arith.constant 80 : index
      %swap3A_2629 = tpu.vector_load %arg6[%swap3A_2628] {strides = array<i32>} : memref<128xi32, #tpu.memory_space<vmem>>, vector<16xi32>,
      %swap3A_2630 = vector.shape_cast %swap3A_2629 : vector<16xi32> to vector<16xi32>
      %swap3A_2631 = vector.shape_cast %select_n3A_2627 : vector<16xi32> to vector<16xi32>
      tpu.vector_store %arg6[%swap3A_2628], %swap3A_2631 {strides = array<i32>} : memref<128xi32, #tpu.memory_space<vmem>>, vector<16xi32>,
      %mul3A_2632 = arith.constant 128 : i32
      %mul3A_2633 = arith.muli %scan3A_2488, %mul3A_2632 : i32
      %add3A_2634 = arith.constant 96 : i32
      %add3A_2635 = arith.addi %mul3A_2633, %add3A_2634 : i32
      %get3A_2636 = arith.index_cast %add3A_2635 : i32 to index
      %get3A_2637 = tpu.vector_load %arg5[%get3A_2636] {strides = array<i32>} : memref<20096xi32, #tpu.memory_space<vmem>>, vector<16xi32>,
      %get3A_2638 = vector.shape_cast %get3A_2637 : vector<16xi32> to vector<16xi32>
      %sub3A_2639 = vector.broadcast %mul3A_1317 : i32 to vector<16xi32>
      %sub3A_2640 = arith.subi %get3A_2638, %sub3A_2639 : vector<16xi32>
      %ge3A_2641 = arith.constant 0 : i32
      %ge3A_2642 = vector.broadcast %ge3A_2641 : i32 to vector<16xi32>
      %ge3A_2643 = arith.cmpi sge, %sub3A_2640, %ge3A_2642 : vector<16xi32>
      %lt3A_2644 = arith.constant 1280000 : i32
      %lt3A_2645 = vector.broadcast %lt3A_2644 : i32 to vector<16xi32>
      %lt3A_2646 = arith.cmpi slt, %sub3A_2640, %lt3A_2645 : vector<16xi32>
      %and3A_2647 = arith.andi %ge3A_2643, %lt3A_2646 : vector<16xi1>
      %iota3A_2648 = tpu.iota {dimensions = array<i32: 0>} : vector<16xi32>
      %add3A_2649 = arith.constant 1280096 : i32
      %add3A_2650 = vector.broadcast %add3A_2649 : i32 to vector<16xi32>
      %add3A_2651 = arith.addi %iota3A_2648, %add3A_2650 : vector<16xi32>
      %select_n3A_2652 = arith.select %and3A_2647, %sub3A_2640, %add3A_2651 : vector<16xi1>, vector<16xi32>
      %swap3A_2653 = arith.constant 96 : index
      %swap3A_2654 = tpu.vector_load %arg6[%swap3A_2653] {strides = array<i32>} : memref<128xi32, #tpu.memory_space<vmem>>, vector<16xi32>,
      %swap3A_2655 = vector.shape_cast %swap3A_2654 : vector<16xi32> to vector<16xi32>
      %swap3A_2656 = vector.shape_cast %select_n3A_2652 : vector<16xi32> to vector<16xi32>
      tpu.vector_store %arg6[%swap3A_2653], %swap3A_2656 {strides = array<i32>} : memref<128xi32, #tpu.memory_space<vmem>>, vector<16xi32>,
      %mul3A_2657 = arith.constant 128 : i32
      %mul3A_2658 = arith.muli %scan3A_2488, %mul3A_2657 : i32
      %add3A_2659 = arith.constant 112 : i32
      %add3A_2660 = arith.addi %mul3A_2658, %add3A_2659 : i32
      %get3A_2661 = arith.index_cast %add3A_2660 : i32 to index
      %get3A_2662 = tpu.vector_load %arg5[%get3A_2661] {strides = array<i32>} : memref<20096xi32, #tpu.memory_space<vmem>>, vector<16xi32>,
      %get3A_2663 = vector.shape_cast %get3A_2662 : vector<16xi32> to vector<16xi32>
      %sub3A_2664 = vector.broadcast %mul3A_1317 : i32 to vector<16xi32>
      %sub3A_2665 = arith.subi %get3A_2663, %sub3A_2664 : vector<16xi32>
      %ge3A_2666 = arith.constant 0 : i32
      %ge3A_2667 = vector.broadcast %ge3A_2666 : i32 to vector<16xi32>
      %ge3A_2668 = arith.cmpi sge, %sub3A_2665, %ge3A_2667 : vector<16xi32>
      %lt3A_2669 = arith.constant 1280000 : i32
      %lt3A_2670 = vector.broadcast %lt3A_2669 : i32 to vector<16xi32>
      %lt3A_2671 = arith.cmpi slt, %sub3A_2665, %lt3A_2670 : vector<16xi32>
      %and3A_2672 = arith.andi %ge3A_2668, %lt3A_2671 : vector<16xi1>
      %iota3A_2673 = tpu.iota {dimensions = array<i32: 0>} : vector<16xi32>
      %add3A_2674 = arith.constant 1280112 : i32
      %add3A_2675 = vector.broadcast %add3A_2674 : i32 to vector<16xi32>
      %add3A_2676 = arith.addi %iota3A_2673, %add3A_2675 : vector<16xi32>
      %select_n3A_2677 = arith.select %and3A_2672, %sub3A_2665, %add3A_2676 : vector<16xi1>, vector<16xi32>
      %swap3A_2678 = arith.constant 112 : index
      %swap3A_2679 = tpu.vector_load %arg6[%swap3A_2678] {strides = array<i32>} : memref<128xi32, #tpu.memory_space<vmem>>, vector<16xi32>,
      %swap3A_2680 = vector.shape_cast %swap3A_2679 : vector<16xi32> to vector<16xi32>
      %swap3A_2681 = vector.shape_cast %select_n3A_2677 : vector<16xi32> to vector<16xi32>
      tpu.vector_store %arg6[%swap3A_2678], %swap3A_2681 {strides = array<i32>} : memref<128xi32, #tpu.memory_space<vmem>>, vector<16xi32>,
      "tpu.region"() ({
        %run_scoped3A = tpu.sem_alloc : memref<!tpu.dma_semaphore, #tpu.memory_space<semaphore_mem>>
        %dma_start3A_2682 = arith.constant 0 : i32
        %dma_start3A_2683 = tpu.memref_slice %arg10[%dma_start3A_2682] : memref<1280128xf32, #tpu.memory_space<vmem_shared>> -> memref<1280128xf32, #tpu.memory_space<vmem_shared>>
        tpu.enqueue_indirect_dma source(%arg8 : memref<128xf32, #tpu.memory_space<vmem>>) target(%dma_start3A_2683 : memref<1280128xf32, #tpu.memory_space<vmem_shared>>) offsets(%arg6 : memref<128xi32, #tpu.memory_space<vmem>>) semaphore(%run_scoped3A : memref<!tpu.dma_semaphore, #tpu.memory_space<semaphore_mem>>) {add = true}
        %dma_wait3A_2684 = arith.constant 0 : i32
        %dma_wait3A_2685 = tpu.memref_slice %arg10[%dma_wait3A_2684] : memref<1280128xf32, #tpu.memory_space<vmem_shared>> -> memref<1280128xf32, #tpu.memory_space<vmem_shared>>
        tpu.wait_indirect_dma semaphore(%run_scoped3A : memref<!tpu.dma_semaphore, #tpu.memory_space<semaphore_mem>>) src(%arg8 : memref<128xf32, #tpu.memory_space<vmem>>) dst(%dma_wait3A_2685 : memref<1280128xf32, #tpu.memory_space<vmem_shared>>)
        tpu.yield
      }) : () -> ()
    }
    %scan3A_1730 = arith.constant 157 : i32
    %barrier3A_1731 = arith.constant 0 : index
    tpu.barrier barrier_id(%barrier3A_1731)
    %mul3A_1732 = arith.constant 1280000 : i32
    %mul3A_1733 = arith.muli %add3A_1315, %mul3A_1732 : i32
    %mul3A_1734 = arith.constant 80000 : i32
    %mul3A_1735 = arith.muli %arg1, %mul3A_1734 : i32
    %add3A_1736 = arith.addi %mul3A_1733, %mul3A_1735 : i32
    %mul3A_1737 = arith.constant 80000 : i32
    %mul3A_1738 = arith.muli %arg1, %mul3A_1737 : i32
    %add3A_1739 = arith.constant 0 : i32
    %add3A_1740 = arith.addi %mul3A_1738, %add3A_1739 : i32
    %dma_start3A_1741 = arith.constant 0 : i32
    %dma_start3A_1742 = tpu.memref_slice %arg9[%dma_start3A_1741] : memref<6400xf32, #tpu.memory_space<vmem>> -> memref<3200xf32, #tpu.memory_space<vmem>>
    %dma_start3A_1743 = tpu.memref_slice %arg10[%add3A_1740] : memref<1280128xf32, #tpu.memory_space<vmem_shared>> -> memref<3200xf32, #tpu.memory_space<vmem_shared>>
    %dma_start3A_1744 = arith.constant 0 : i32
    %dma_start3A_1745 = tpu.memref_slice %arg9[%dma_start3A_1744] : memref<6400xf32, #tpu.memory_space<vmem>> -> memref<3200xf32, #tpu.memory_space<vmem>>
    %dma_start3A_1746 = tpu.memref_slice %arg10[%add3A_1740] : memref<1280128xf32, #tpu.memory_space<vmem_shared>> -> memref<3200xf32, #tpu.memory_space<vmem_shared>>
    tpu.enqueue_dma source(%dma_start3A_1746 : memref<3200xf32, #tpu.memory_space<vmem_shared>>) target(%dma_start3A_1745 : memref<3200xf32, #tpu.memory_space<vmem>>) target_semaphore(%arg11 : memref<!tpu.dma_semaphore, #tpu.memory_space<semaphore_mem>>)
    %dma_wait3A_1747 = arith.constant 0 : i32
    %dma_wait3A_1748 = tpu.memref_slice %arg9[%dma_wait3A_1747] : memref<6400xf32, #tpu.memory_space<vmem>> -> memref<3200xf32, #tpu.memory_space<vmem>>
    %dma_wait3A_1749 = tpu.memref_slice %arg10[%add3A_1740] : memref<1280128xf32, #tpu.memory_space<vmem_shared>> -> memref<3200xf32, #tpu.memory_space<vmem_shared>>
    %dma_wait3A_1750 = arith.constant 0 : i32
    %dma_wait3A_1751 = tpu.memref_slice %arg9[%dma_wait3A_1750] : memref<6400xf32, #tpu.memory_space<vmem>> -> memref<3200xf32, #tpu.memory_space<vmem>>
    %dma_wait3A_1752 = tpu.memref_slice %arg10[%add3A_1740] : memref<1280128xf32, #tpu.memory_space<vmem_shared>> -> memref<3200xf32, #tpu.memory_space<vmem_shared>>
    tpu.wait_dma2 semaphore(%arg11 : memref<!tpu.dma_semaphore, #tpu.memory_space<semaphore_mem>>) src(%dma_wait3A_1752 : memref<3200xf32, #tpu.memory_space<vmem_shared>>) dst(%dma_wait3A_1751 : memref<3200xf32, #tpu.memory_space<vmem>>)
    %add3A_1753 = arith.constant 0 : i32
    %add3A_1754 = arith.addi %add3A_1736, %add3A_1753 : i32
    %dma_start3A_1755 = arith.constant 0 : i32
    %dma_start3A_1756 = tpu.memref_slice %arg9[%dma_start3A_1755] : memref<6400xf32, #tpu.memory_space<vmem>> -> memref<3200xf32, #tpu.memory_space<vmem>>
    %dma_start3A_1757 = tpu.memref_slice %arg4[%add3A_1754] : memref<5120000xf32, #tpu.memory_space<hbm>> -> memref<3200xf32, #tpu.memory_space<hbm>>
    %dma_start3A_1758 = tpu.memref_slice %arg4[%add3A_1754] : memref<5120000xf32, #tpu.memory_space<hbm>> -> memref<3200xf32, #tpu.memory_space<hbm>>
    %dma_start3A_1759 = arith.constant 0 : i32
    %dma_start3A_1760 = tpu.memref_slice %arg9[%dma_start3A_1759] : memref<6400xf32, #tpu.memory_space<vmem>> -> memref<3200xf32, #tpu.memory_space<vmem>>
    tpu.enqueue_dma source(%dma_start3A_1760 : memref<3200xf32, #tpu.memory_space<vmem>>) target(%dma_start3A_1758 : memref<3200xf32, #tpu.memory_space<hbm>>) target_semaphore(%arg12 : memref<!tpu.dma_semaphore, #tpu.memory_space<semaphore_mem>>)
    %mul3A_1761 = arith.constant 80000 : i32
    %mul3A_1762 = arith.muli %arg1, %mul3A_1761 : i32
    %add3A_1763 = arith.constant 3200 : i32
    %add3A_1764 = arith.addi %mul3A_1762, %add3A_1763 : i32
    %dma_start3A_1765 = arith.constant 3200 : i32
    %dma_start3A_1766 = tpu.memref_slice %arg9[%dma_start3A_1765] : memref<6400xf32, #tpu.memory_space<vmem>> -> memref<3200xf32, #tpu.memory_space<vmem>>
    %dma_start3A_1767 = tpu.memref_slice %arg10[%add3A_1764] : memref<1280128xf32, #tpu.memory_space<vmem_shared>> -> memref<3200xf32, #tpu.memory_space<vmem_shared>>
    %dma_start3A_1768 = arith.constant 3200 : i32
    %dma_start3A_1769 = tpu.memref_slice %arg9[%dma_start3A_1768] : memref<6400xf32, #tpu.memory_space<vmem>> -> memref<3200xf32, #tpu.memory_space<vmem>>
    %dma_start3A_1770 = tpu.memref_slice %arg10[%add3A_1764] : memref<1280128xf32, #tpu.memory_space<vmem_shared>> -> memref<3200xf32, #tpu.memory_space<vmem_shared>>
    tpu.enqueue_dma source(%dma_start3A_1770 : memref<3200xf32, #tpu.memory_space<vmem_shared>>) target(%dma_start3A_1769 : memref<3200xf32, #tpu.memory_space<vmem>>) target_semaphore(%arg11 : memref<!tpu.dma_semaphore, #tpu.memory_space<semaphore_mem>>)
    %dma_wait3A_1771 = arith.constant 3200 : i32
    %dma_wait3A_1772 = tpu.memref_slice %arg9[%dma_wait3A_1771] : memref<6400xf32, #tpu.memory_space<vmem>> -> memref<3200xf32, #tpu.memory_space<vmem>>
    %dma_wait3A_1773 = tpu.memref_slice %arg10[%add3A_1764] : memref<1280128xf32, #tpu.memory_space<vmem_shared>> -> memref<3200xf32, #tpu.memory_space<vmem_shared>>
    %dma_wait3A_1774 = arith.constant 3200 : i32
    %dma_wait3A_1775 = tpu.memref_slice %arg9[%dma_wait3A_1774] : memref<6400xf32, #tpu.memory_space<vmem>> -> memref<3200xf32, #tpu.memory_space<vmem>>
    %dma_wait3A_1776 = tpu.memref_slice %arg10[%add3A_1764] : memref<1280128xf32, #tpu.memory_space<vmem_shared>> -> memref<3200xf32, #tpu.memory_space<vmem_shared>>
    tpu.wait_dma2 semaphore(%arg11 : memref<!tpu.dma_semaphore, #tpu.memory_space<semaphore_mem>>) src(%dma_wait3A_1776 : memref<3200xf32, #tpu.memory_space<vmem_shared>>) dst(%dma_wait3A_1775 : memref<3200xf32, #tpu.memory_space<vmem>>)
    %add3A_1777 = arith.constant 3200 : i32
    %add3A_1778 = arith.addi %add3A_1736, %add3A_1777 : i32
    %dma_start3A_1779 = arith.constant 3200 : i32
    %dma_start3A_1780 = tpu.memref_slice %arg9[%dma_start3A_1779] : memref<6400xf32, #tpu.memory_space<vmem>> -> memref<3200xf32, #tpu.memory_space<vmem>>
    %dma_start3A_1781 = tpu.memref_slice %arg4[%add3A_1778] : memref<5120000xf32, #tpu.memory_space<hbm>> -> memref<3200xf32, #tpu.memory_space<hbm>>
    %dma_start3A_1782 = tpu.memref_slice %arg4[%add3A_1778] : memref<5120000xf32, #tpu.memory_space<hbm>> -> memref<3200xf32, #tpu.memory_space<hbm>>
    %dma_start3A_1783 = arith.constant 3200 : i32
    %dma_start3A_1784 = tpu.memref_slice %arg9[%dma_start3A_1783] : memref<6400xf32, #tpu.memory_space<vmem>> -> memref<3200xf32, #tpu.memory_space<vmem>>
    tpu.enqueue_dma source(%dma_start3A_1784 : memref<3200xf32, #tpu.memory_space<vmem>>) target(%dma_start3A_1782 : memref<3200xf32, #tpu.memory_space<hbm>>) target_semaphore(%arg12 : memref<!tpu.dma_semaphore, #tpu.memory_space<semaphore_mem>>)
    %dma_wait3A_1785 = arith.constant 0 : i32
    %dma_wait3A_1786 = tpu.memref_slice %arg9[%dma_wait3A_1785] : memref<6400xf32, #tpu.memory_space<vmem>> -> memref<3200xf32, #tpu.memory_space<vmem>>
    %dma_wait3A_1787 = tpu.memref_slice %arg4[%add3A_1754] : memref<5120000xf32, #tpu.memory_space<hbm>> -> memref<3200xf32, #tpu.memory_space<hbm>>
    %dma_wait3A_1788 = tpu.memref_slice %arg4[%add3A_1754] : memref<5120000xf32, #tpu.memory_space<hbm>> -> memref<3200xf32, #tpu.memory_space<hbm>>
    %dma_wait3A_1789 = arith.constant 0 : i32
    %dma_wait3A_1790 = tpu.memref_slice %arg9[%dma_wait3A_1789] : memref<6400xf32, #tpu.memory_space<vmem>> -> memref<3200xf32, #tpu.memory_space<vmem>>
    tpu.wait_dma2 semaphore(%arg12 : memref<!tpu.dma_semaphore, #tpu.memory_space<semaphore_mem>>) src(%dma_wait3A_1790 : memref<3200xf32, #tpu.memory_space<vmem>>) dst(%dma_wait3A_1788 : memref<3200xf32, #tpu.memory_space<hbm>>)
    %mul3A_1791 = arith.constant 80000 : i32
    %mul3A_1792 = arith.muli %arg1, %mul3A_1791 : i32
    %add3A_1793 = arith.constant 6400 : i32
    %add3A_1794 = arith.addi %mul3A_1792, %add3A_1793 : i32
    %dma_start3A_1795 = arith.constant 0 : i32
    %dma_start3A_1796 = tpu.memref_slice %arg9[%dma_start3A_1795] : memref<6400xf32, #tpu.memory_space<vmem>> -> memref<3200xf32, #tpu.memory_space<vmem>>
    %dma_start3A_1797 = tpu.memref_slice %arg10[%add3A_1794] : memref<1280128xf32, #tpu.memory_space<vmem_shared>> -> memref<3200xf32, #tpu.memory_space<vmem_shared>>
    %dma_start3A_1798 = arith.constant 0 : i32
    %dma_start3A_1799 = tpu.memref_slice %arg9[%dma_start3A_1798] : memref<6400xf32, #tpu.memory_space<vmem>> -> memref<3200xf32, #tpu.memory_space<vmem>>
    %dma_start3A_1800 = tpu.memref_slice %arg10[%add3A_1794] : memref<1280128xf32, #tpu.memory_space<vmem_shared>> -> memref<3200xf32, #tpu.memory_space<vmem_shared>>
    tpu.enqueue_dma source(%dma_start3A_1800 : memref<3200xf32, #tpu.memory_space<vmem_shared>>) target(%dma_start3A_1799 : memref<3200xf32, #tpu.memory_space<vmem>>) target_semaphore(%arg11 : memref<!tpu.dma_semaphore, #tpu.memory_space<semaphore_mem>>)
    %dma_wait3A_1801 = arith.constant 0 : i32
    %dma_wait3A_1802 = tpu.memref_slice %arg9[%dma_wait3A_1801] : memref<6400xf32, #tpu.memory_space<vmem>> -> memref<3200xf32, #tpu.memory_space<vmem>>
    %dma_wait3A_1803 = tpu.memref_slice %arg10[%add3A_1794] : memref<1280128xf32, #tpu.memory_space<vmem_shared>> -> memref<3200xf32, #tpu.memory_space<vmem_shared>>
    %dma_wait3A_1804 = arith.constant 0 : i32
    %dma_wait3A_1805 = tpu.memref_slice %arg9[%dma_wait3A_1804] : memref<6400xf32, #tpu.memory_space<vmem>> -> memref<3200xf32, #tpu.memory_space<vmem>>
    %dma_wait3A_1806 = tpu.memref_slice %arg10[%add3A_1794] : memref<1280128xf32, #tpu.memory_space<vmem_shared>> -> memref<3200xf32, #tpu.memory_space<vmem_shared>>
    tpu.wait_dma2 semaphore(%arg11 : memref<!tpu.dma_semaphore, #tpu.memory_space<semaphore_mem>>) src(%dma_wait3A_1806 : memref<3200xf32, #tpu.memory_space<vmem_shared>>) dst(%dma_wait3A_1805 : memref<3200xf32, #tpu.memory_space<vmem>>)
    %add3A_1807 = arith.constant 6400 : i32
    %add3A_1808 = arith.addi %add3A_1736, %add3A_1807 : i32
    %dma_start3A_1809 = arith.constant 0 : i32
    %dma_start3A_1810 = tpu.memref_slice %arg9[%dma_start3A_1809] : memref<6400xf32, #tpu.memory_space<vmem>> -> memref<3200xf32, #tpu.memory_space<vmem>>
    %dma_start3A_1811 = tpu.memref_slice %arg4[%add3A_1808] : memref<5120000xf32, #tpu.memory_space<hbm>> -> memref<3200xf32, #tpu.memory_space<hbm>>
    %dma_start3A_1812 = tpu.memref_slice %arg4[%add3A_1808] : memref<5120000xf32, #tpu.memory_space<hbm>> -> memref<3200xf32, #tpu.memory_space<hbm>>
    %dma_start3A_1813 = arith.constant 0 : i32
    %dma_start3A_1814 = tpu.memref_slice %arg9[%dma_start3A_1813] : memref<6400xf32, #tpu.memory_space<vmem>> -> memref<3200xf32, #tpu.memory_space<vmem>>
    tpu.enqueue_dma source(%dma_start3A_1814 : memref<3200xf32, #tpu.memory_space<vmem>>) target(%dma_start3A_1812 : memref<3200xf32, #tpu.memory_space<hbm>>) target_semaphore(%arg12 : memref<!tpu.dma_semaphore, #tpu.memory_space<semaphore_mem>>)
    %dma_wait3A_1815 = arith.constant 3200 : i32
    %dma_wait3A_1816 = tpu.memref_slice %arg9[%dma_wait3A_1815] : memref<6400xf32, #tpu.memory_space<vmem>> -> memref<3200xf32, #tpu.memory_space<vmem>>
    %dma_wait3A_1817 = tpu.memref_slice %arg4[%add3A_1778] : memref<5120000xf32, #tpu.memory_space<hbm>> -> memref<3200xf32, #tpu.memory_space<hbm>>
    %dma_wait3A_1818 = tpu.memref_slice %arg4[%add3A_1778] : memref<5120000xf32, #tpu.memory_space<hbm>> -> memref<3200xf32, #tpu.memory_space<hbm>>
    %dma_wait3A_1819 = arith.constant 3200 : i32
    %dma_wait3A_1820 = tpu.memref_slice %arg9[%dma_wait3A_1819] : memref<6400xf32, #tpu.memory_space<vmem>> -> memref<3200xf32, #tpu.memory_space<vmem>>
    tpu.wait_dma2 semaphore(%arg12 : memref<!tpu.dma_semaphore, #tpu.memory_space<semaphore_mem>>) src(%dma_wait3A_1820 : memref<3200xf32, #tpu.memory_space<vmem>>) dst(%dma_wait3A_1818 : memref<3200xf32, #tpu.memory_space<hbm>>)
    %mul3A_1821 = arith.constant 80000 : i32
    %mul3A_1822 = arith.muli %arg1, %mul3A_1821 : i32
    %add3A_1823 = arith.constant 9600 : i32
    %add3A_1824 = arith.addi %mul3A_1822, %add3A_1823 : i32
    %dma_start3A_1825 = arith.constant 3200 : i32
    %dma_start3A_1826 = tpu.memref_slice %arg9[%dma_start3A_1825] : memref<6400xf32, #tpu.memory_space<vmem>> -> memref<3200xf32, #tpu.memory_space<vmem>>
    %dma_start3A_1827 = tpu.memref_slice %arg10[%add3A_1824] : memref<1280128xf32, #tpu.memory_space<vmem_shared>> -> memref<3200xf32, #tpu.memory_space<vmem_shared>>
    %dma_start3A_1828 = arith.constant 3200 : i32
    %dma_start3A_1829 = tpu.memref_slice %arg9[%dma_start3A_1828] : memref<6400xf32, #tpu.memory_space<vmem>> -> memref<3200xf32, #tpu.memory_space<vmem>>
    %dma_start3A_1830 = tpu.memref_slice %arg10[%add3A_1824] : memref<1280128xf32, #tpu.memory_space<vmem_shared>> -> memref<3200xf32, #tpu.memory_space<vmem_shared>>
    tpu.enqueue_dma source(%dma_start3A_1830 : memref<3200xf32, #tpu.memory_space<vmem_shared>>) target(%dma_start3A_1829 : memref<3200xf32, #tpu.memory_space<vmem>>) target_semaphore(%arg11 : memref<!tpu.dma_semaphore, #tpu.memory_space<semaphore_mem>>)
    %dma_wait3A_1831 = arith.constant 3200 : i32
    %dma_wait3A_1832 = tpu.memref_slice %arg9[%dma_wait3A_1831] : memref<6400xf32, #tpu.memory_space<vmem>> -> memref<3200xf32, #tpu.memory_space<vmem>>
    %dma_wait3A_1833 = tpu.memref_slice %arg10[%add3A_1824] : memref<1280128xf32, #tpu.memory_space<vmem_shared>> -> memref<3200xf32, #tpu.memory_space<vmem_shared>>
    %dma_wait3A_1834 = arith.constant 3200 : i32
    %dma_wait3A_1835 = tpu.memref_slice %arg9[%dma_wait3A_1834] : memref<6400xf32, #tpu.memory_space<vmem>> -> memref<3200xf32, #tpu.memory_space<vmem>>
    %dma_wait3A_1836 = tpu.memref_slice %arg10[%add3A_1824] : memref<1280128xf32, #tpu.memory_space<vmem_shared>> -> memref<3200xf32, #tpu.memory_space<vmem_shared>>
    tpu.wait_dma2 semaphore(%arg11 : memref<!tpu.dma_semaphore, #tpu.memory_space<semaphore_mem>>) src(%dma_wait3A_1836 : memref<3200xf32, #tpu.memory_space<vmem_shared>>) dst(%dma_wait3A_1835 : memref<3200xf32, #tpu.memory_space<vmem>>)
    %add3A_1837 = arith.constant 9600 : i32
    %add3A_1838 = arith.addi %add3A_1736, %add3A_1837 : i32
    %dma_start3A_1839 = arith.constant 3200 : i32
    %dma_start3A_1840 = tpu.memref_slice %arg9[%dma_start3A_1839] : memref<6400xf32, #tpu.memory_space<vmem>> -> memref<3200xf32, #tpu.memory_space<vmem>>
    %dma_start3A_1841 = tpu.memref_slice %arg4[%add3A_1838] : memref<5120000xf32, #tpu.memory_space<hbm>> -> memref<3200xf32, #tpu.memory_space<hbm>>
    %dma_start3A_1842 = tpu.memref_slice %arg4[%add3A_1838] : memref<5120000xf32, #tpu.memory_space<hbm>> -> memref<3200xf32, #tpu.memory_space<hbm>>
    %dma_start3A_1843 = arith.constant 3200 : i32
    %dma_start3A_1844 = tpu.memref_slice %arg9[%dma_start3A_1843] : memref<6400xf32, #tpu.memory_space<vmem>> -> memref<3200xf32, #tpu.memory_space<vmem>>
    tpu.enqueue_dma source(%dma_start3A_1844 : memref<3200xf32, #tpu.memory_space<vmem>>) target(%dma_start3A_1842 : memref<3200xf32, #tpu.memory_space<hbm>>) target_semaphore(%arg12 : memref<!tpu.dma_semaphore, #tpu.memory_space<semaphore_mem>>)
    %dma_wait3A_1845 = arith.constant 0 : i32
    %dma_wait3A_1846 = tpu.memref_slice %arg9[%dma_wait3A_1845] : memref<6400xf32, #tpu.memory_space<vmem>> -> memref<3200xf32, #tpu.memory_space<vmem>>
    %dma_wait3A_1847 = tpu.memref_slice %arg4[%add3A_1808] : memref<5120000xf32, #tpu.memory_space<hbm>> -> memref<3200xf32, #tpu.memory_space<hbm>>
    %dma_wait3A_1848 = tpu.memref_slice %arg4[%add3A_1808] : memref<5120000xf32, #tpu.memory_space<hbm>> -> memref<3200xf32, #tpu.memory_space<hbm>>
    %dma_wait3A_1849 = arith.constant 0 : i32
    %dma_wait3A_1850 = tpu.memref_slice %arg9[%dma_wait3A_1849] : memref<6400xf32, #tpu.memory_space<vmem>> -> memref<3200xf32, #tpu.memory_space<vmem>>
    tpu.wait_dma2 semaphore(%arg12 : memref<!tpu.dma_semaphore, #tpu.memory_space<semaphore_mem>>) src(%dma_wait3A_1850 : memref<3200xf32, #tpu.memory_space<vmem>>) dst(%dma_wait3A_1848 : memref<3200xf32, #tpu.memory_space<hbm>>)
    %mul3A_1851 = arith.constant 80000 : i32
    %mul3A_1852 = arith.muli %arg1, %mul3A_1851 : i32
    %add3A_1853 = arith.constant 12800 : i32
    %add3A_1854 = arith.addi %mul3A_1852, %add3A_1853 : i32
    %dma_start3A_1855 = arith.constant 0 : i32
    %dma_start3A_1856 = tpu.memref_slice %arg9[%dma_start3A_1855] : memref<6400xf32, #tpu.memory_space<vmem>> -> memref<3200xf32, #tpu.memory_space<vmem>>
    %dma_start3A_1857 = tpu.memref_slice %arg10[%add3A_1854] : memref<1280128xf32, #tpu.memory_space<vmem_shared>> -> memref<3200xf32, #tpu.memory_space<vmem_shared>>
    %dma_start3A_1858 = arith.constant 0 : i32
    %dma_start3A_1859 = tpu.memref_slice %arg9[%dma_start3A_1858] : memref<6400xf32, #tpu.memory_space<vmem>> -> memref<3200xf32, #tpu.memory_space<vmem>>
    %dma_start3A_1860 = tpu.memref_slice %arg10[%add3A_1854] : memref<1280128xf32, #tpu.memory_space<vmem_shared>> -> memref<3200xf32, #tpu.memory_space<vmem_shared>>
    tpu.enqueue_dma source(%dma_start3A_1860 : memref<3200xf32, #tpu.memory_space<vmem_shared>>) target(%dma_start3A_1859 : memref<3200xf32, #tpu.memory_space<vmem>>) target_semaphore(%arg11 : memref<!tpu.dma_semaphore, #tpu.memory_space<semaphore_mem>>)
    %dma_wait3A_1861 = arith.constant 0 : i32
    %dma_wait3A_1862 = tpu.memref_slice %arg9[%dma_wait3A_1861] : memref<6400xf32, #tpu.memory_space<vmem>> -> memref<3200xf32, #tpu.memory_space<vmem>>
    %dma_wait3A_1863 = tpu.memref_slice %arg10[%add3A_1854] : memref<1280128xf32, #tpu.memory_space<vmem_shared>> -> memref<3200xf32, #tpu.memory_space<vmem_shared>>
    %dma_wait3A_1864 = arith.constant 0 : i32
    %dma_wait3A_1865 = tpu.memref_slice %arg9[%dma_wait3A_1864] : memref<6400xf32, #tpu.memory_space<vmem>> -> memref<3200xf32, #tpu.memory_space<vmem>>
    %dma_wait3A_1866 = tpu.memref_slice %arg10[%add3A_1854] : memref<1280128xf32, #tpu.memory_space<vmem_shared>> -> memref<3200xf32, #tpu.memory_space<vmem_shared>>
    tpu.wait_dma2 semaphore(%arg11 : memref<!tpu.dma_semaphore, #tpu.memory_space<semaphore_mem>>) src(%dma_wait3A_1866 : memref<3200xf32, #tpu.memory_space<vmem_shared>>) dst(%dma_wait3A_1865 : memref<3200xf32, #tpu.memory_space<vmem>>)
    %add3A_1867 = arith.constant 12800 : i32
    %add3A_1868 = arith.addi %add3A_1736, %add3A_1867 : i32
    %dma_start3A_1869 = arith.constant 0 : i32
    %dma_start3A_1870 = tpu.memref_slice %arg9[%dma_start3A_1869] : memref<6400xf32, #tpu.memory_space<vmem>> -> memref<3200xf32, #tpu.memory_space<vmem>>
    %dma_start3A_1871 = tpu.memref_slice %arg4[%add3A_1868] : memref<5120000xf32, #tpu.memory_space<hbm>> -> memref<3200xf32, #tpu.memory_space<hbm>>
    %dma_start3A_1872 = tpu.memref_slice %arg4[%add3A_1868] : memref<5120000xf32, #tpu.memory_space<hbm>> -> memref<3200xf32, #tpu.memory_space<hbm>>
    %dma_start3A_1873 = arith.constant 0 : i32
    %dma_start3A_1874 = tpu.memref_slice %arg9[%dma_start3A_1873] : memref<6400xf32, #tpu.memory_space<vmem>> -> memref<3200xf32, #tpu.memory_space<vmem>>
    tpu.enqueue_dma source(%dma_start3A_1874 : memref<3200xf32, #tpu.memory_space<vmem>>) target(%dma_start3A_1872 : memref<3200xf32, #tpu.memory_space<hbm>>) target_semaphore(%arg12 : memref<!tpu.dma_semaphore, #tpu.memory_space<semaphore_mem>>)
    %dma_wait3A_1875 = arith.constant 3200 : i32
    %dma_wait3A_1876 = tpu.memref_slice %arg9[%dma_wait3A_1875] : memref<6400xf32, #tpu.memory_space<vmem>> -> memref<3200xf32, #tpu.memory_space<vmem>>
    %dma_wait3A_1877 = tpu.memref_slice %arg4[%add3A_1838] : memref<5120000xf32, #tpu.memory_space<hbm>> -> memref<3200xf32, #tpu.memory_space<hbm>>
    %dma_wait3A_1878 = tpu.memref_slice %arg4[%add3A_1838] : memref<5120000xf32, #tpu.memory_space<hbm>> -> memref<3200xf32, #tpu.memory_space<hbm>>
    %dma_wait3A_1879 = arith.constant 3200 : i32
    %dma_wait3A_1880 = tpu.memref_slice %arg9[%dma_wait3A_1879] : memref<6400xf32, #tpu.memory_space<vmem>> -> memref<3200xf32, #tpu.memory_space<vmem>>
    tpu.wait_dma2 semaphore(%arg12 : memref<!tpu.dma_semaphore, #tpu.memory_space<semaphore_mem>>) src(%dma_wait3A_1880 : memref<3200xf32, #tpu.memory_space<vmem>>) dst(%dma_wait3A_1878 : memref<3200xf32, #tpu.memory_space<hbm>>)
    %mul3A_1881 = arith.constant 80000 : i32
    %mul3A_1882 = arith.muli %arg1, %mul3A_1881 : i32
    %add3A_1883 = arith.constant 16000 : i32
    %add3A_1884 = arith.addi %mul3A_1882, %add3A_1883 : i32
    %dma_start3A_1885 = arith.constant 3200 : i32
    %dma_start3A_1886 = tpu.memref_slice %arg9[%dma_start3A_1885] : memref<6400xf32, #tpu.memory_space<vmem>> -> memref<3200xf32, #tpu.memory_space<vmem>>
    %dma_start3A_1887 = tpu.memref_slice %arg10[%add3A_1884] : memref<1280128xf32, #tpu.memory_space<vmem_shared>> -> memref<3200xf32, #tpu.memory_space<vmem_shared>>
    %dma_start3A_1888 = arith.constant 3200 : i32
    %dma_start3A_1889 = tpu.memref_slice %arg9[%dma_start3A_1888] : memref<6400xf32, #tpu.memory_space<vmem>> -> memref<3200xf32, #tpu.memory_space<vmem>>
    %dma_start3A_1890 = tpu.memref_slice %arg10[%add3A_1884] : memref<1280128xf32, #tpu.memory_space<vmem_shared>> -> memref<3200xf32, #tpu.memory_space<vmem_shared>>
    tpu.enqueue_dma source(%dma_start3A_1890 : memref<3200xf32, #tpu.memory_space<vmem_shared>>) target(%dma_start3A_1889 : memref<3200xf32, #tpu.memory_space<vmem>>) target_semaphore(%arg11 : memref<!tpu.dma_semaphore, #tpu.memory_space<semaphore_mem>>)
    %dma_wait3A_1891 = arith.constant 3200 : i32
    %dma_wait3A_1892 = tpu.memref_slice %arg9[%dma_wait3A_1891] : memref<6400xf32, #tpu.memory_space<vmem>> -> memref<3200xf32, #tpu.memory_space<vmem>>
    %dma_wait3A_1893 = tpu.memref_slice %arg10[%add3A_1884] : memref<1280128xf32, #tpu.memory_space<vmem_shared>> -> memref<3200xf32, #tpu.memory_space<vmem_shared>>
    %dma_wait3A_1894 = arith.constant 3200 : i32
    %dma_wait3A_1895 = tpu.memref_slice %arg9[%dma_wait3A_1894] : memref<6400xf32, #tpu.memory_space<vmem>> -> memref<3200xf32, #tpu.memory_space<vmem>>
    %dma_wait3A_1896 = tpu.memref_slice %arg10[%add3A_1884] : memref<1280128xf32, #tpu.memory_space<vmem_shared>> -> memref<3200xf32, #tpu.memory_space<vmem_shared>>
    tpu.wait_dma2 semaphore(%arg11 : memref<!tpu.dma_semaphore, #tpu.memory_space<semaphore_mem>>) src(%dma_wait3A_1896 : memref<3200xf32, #tpu.memory_space<vmem_shared>>) dst(%dma_wait3A_1895 : memref<3200xf32, #tpu.memory_space<vmem>>)
    %add3A_1897 = arith.constant 16000 : i32
    %add3A_1898 = arith.addi %add3A_1736, %add3A_1897 : i32
    %dma_start3A_1899 = arith.constant 3200 : i32
    %dma_start3A_1900 = tpu.memref_slice %arg9[%dma_start3A_1899] : memref<6400xf32, #tpu.memory_space<vmem>> -> memref<3200xf32, #tpu.memory_space<vmem>>
    %dma_start3A_1901 = tpu.memref_slice %arg4[%add3A_1898] : memref<5120000xf32, #tpu.memory_space<hbm>> -> memref<3200xf32, #tpu.memory_space<hbm>>
    %dma_start3A_1902 = tpu.memref_slice %arg4[%add3A_1898] : memref<5120000xf32, #tpu.memory_space<hbm>> -> memref<3200xf32, #tpu.memory_space<hbm>>
    %dma_start3A_1903 = arith.constant 3200 : i32
    %dma_start3A_1904 = tpu.memref_slice %arg9[%dma_start3A_1903] : memref<6400xf32, #tpu.memory_space<vmem>> -> memref<3200xf32, #tpu.memory_space<vmem>>
    tpu.enqueue_dma source(%dma_start3A_1904 : memref<3200xf32, #tpu.memory_space<vmem>>) target(%dma_start3A_1902 : memref<3200xf32, #tpu.memory_space<hbm>>) target_semaphore(%arg12 : memref<!tpu.dma_semaphore, #tpu.memory_space<semaphore_mem>>)
    %dma_wait3A_1905 = arith.constant 0 : i32
    %dma_wait3A_1906 = tpu.memref_slice %arg9[%dma_wait3A_1905] : memref<6400xf32, #tpu.memory_space<vmem>> -> memref<3200xf32, #tpu.memory_space<vmem>>
    %dma_wait3A_1907 = tpu.memref_slice %arg4[%add3A_1868] : memref<5120000xf32, #tpu.memory_space<hbm>> -> memref<3200xf32, #tpu.memory_space<hbm>>
    %dma_wait3A_1908 = tpu.memref_slice %arg4[%add3A_1868] : memref<5120000xf32, #tpu.memory_space<hbm>> -> memref<3200xf32, #tpu.memory_space<hbm>>
    %dma_wait3A_1909 = arith.constant 0 : i32
    %dma_wait3A_1910 = tpu.memref_slice %arg9[%dma_wait3A_1909] : memref<6400xf32, #tpu.memory_space<vmem>> -> memref<3200xf32, #tpu.memory_space<vmem>>
    tpu.wait_dma2 semaphore(%arg12 : memref<!tpu.dma_semaphore, #tpu.memory_space<semaphore_mem>>) src(%dma_wait3A_1910 : memref<3200xf32, #tpu.memory_space<vmem>>) dst(%dma_wait3A_1908 : memref<3200xf32, #tpu.memory_space<hbm>>)
    %mul3A_1911 = arith.constant 80000 : i32
    %mul3A_1912 = arith.muli %arg1, %mul3A_1911 : i32
    %add3A_1913 = arith.constant 19200 : i32
    %add3A_1914 = arith.addi %mul3A_1912, %add3A_1913 : i32
    %dma_start3A_1915 = arith.constant 0 : i32
    %dma_start3A_1916 = tpu.memref_slice %arg9[%dma_start3A_1915] : memref<6400xf32, #tpu.memory_space<vmem>> -> memref<3200xf32, #tpu.memory_space<vmem>>
    %dma_start3A_1917 = tpu.memref_slice %arg10[%add3A_1914] : memref<1280128xf32, #tpu.memory_space<vmem_shared>> -> memref<3200xf32, #tpu.memory_space<vmem_shared>>
    %dma_start3A_1918 = arith.constant 0 : i32
    %dma_start3A_1919 = tpu.memref_slice %arg9[%dma_start3A_1918] : memref<6400xf32, #tpu.memory_space<vmem>> -> memref<3200xf32, #tpu.memory_space<vmem>>
    %dma_start3A_1920 = tpu.memref_slice %arg10[%add3A_1914] : memref<1280128xf32, #tpu.memory_space<vmem_shared>> -> memref<3200xf32, #tpu.memory_space<vmem_shared>>
    tpu.enqueue_dma source(%dma_start3A_1920 : memref<3200xf32, #tpu.memory_space<vmem_shared>>) target(%dma_start3A_1919 : memref<3200xf32, #tpu.memory_space<vmem>>) target_semaphore(%arg11 : memref<!tpu.dma_semaphore, #tpu.memory_space<semaphore_mem>>)
    %dma_wait3A_1921 = arith.constant 0 : i32
    %dma_wait3A_1922 = tpu.memref_slice %arg9[%dma_wait3A_1921] : memref<6400xf32, #tpu.memory_space<vmem>> -> memref<3200xf32, #tpu.memory_space<vmem>>
    %dma_wait3A_1923 = tpu.memref_slice %arg10[%add3A_1914] : memref<1280128xf32, #tpu.memory_space<vmem_shared>> -> memref<3200xf32, #tpu.memory_space<vmem_shared>>
    %dma_wait3A_1924 = arith.constant 0 : i32
    %dma_wait3A_1925 = tpu.memref_slice %arg9[%dma_wait3A_1924] : memref<6400xf32, #tpu.memory_space<vmem>> -> memref<3200xf32, #tpu.memory_space<vmem>>
    %dma_wait3A_1926 = tpu.memref_slice %arg10[%add3A_1914] : memref<1280128xf32, #tpu.memory_space<vmem_shared>> -> memref<3200xf32, #tpu.memory_space<vmem_shared>>
    tpu.wait_dma2 semaphore(%arg11 : memref<!tpu.dma_semaphore, #tpu.memory_space<semaphore_mem>>) src(%dma_wait3A_1926 : memref<3200xf32, #tpu.memory_space<vmem_shared>>) dst(%dma_wait3A_1925 : memref<3200xf32, #tpu.memory_space<vmem>>)
    %add3A_1927 = arith.constant 19200 : i32
    %add3A_1928 = arith.addi %add3A_1736, %add3A_1927 : i32
    %dma_start3A_1929 = arith.constant 0 : i32
    %dma_start3A_1930 = tpu.memref_slice %arg9[%dma_start3A_1929] : memref<6400xf32, #tpu.memory_space<vmem>> -> memref<3200xf32, #tpu.memory_space<vmem>>
    %dma_start3A_1931 = tpu.memref_slice %arg4[%add3A_1928] : memref<5120000xf32, #tpu.memory_space<hbm>> -> memref<3200xf32, #tpu.memory_space<hbm>>
    %dma_start3A_1932 = tpu.memref_slice %arg4[%add3A_1928] : memref<5120000xf32, #tpu.memory_space<hbm>> -> memref<3200xf32, #tpu.memory_space<hbm>>
    %dma_start3A_1933 = arith.constant 0 : i32
    %dma_start3A_1934 = tpu.memref_slice %arg9[%dma_start3A_1933] : memref<6400xf32, #tpu.memory_space<vmem>> -> memref<3200xf32, #tpu.memory_space<vmem>>
    tpu.enqueue_dma source(%dma_start3A_1934 : memref<3200xf32, #tpu.memory_space<vmem>>) target(%dma_start3A_1932 : memref<3200xf32, #tpu.memory_space<hbm>>) target_semaphore(%arg12 : memref<!tpu.dma_semaphore, #tpu.memory_space<semaphore_mem>>)
    %dma_wait3A_1935 = arith.constant 3200 : i32
    %dma_wait3A_1936 = tpu.memref_slice %arg9[%dma_wait3A_1935] : memref<6400xf32, #tpu.memory_space<vmem>> -> memref<3200xf32, #tpu.memory_space<vmem>>
    %dma_wait3A_1937 = tpu.memref_slice %arg4[%add3A_1898] : memref<5120000xf32, #tpu.memory_space<hbm>> -> memref<3200xf32, #tpu.memory_space<hbm>>
    %dma_wait3A_1938 = tpu.memref_slice %arg4[%add3A_1898] : memref<5120000xf32, #tpu.memory_space<hbm>> -> memref<3200xf32, #tpu.memory_space<hbm>>
    %dma_wait3A_1939 = arith.constant 3200 : i32
    %dma_wait3A_1940 = tpu.memref_slice %arg9[%dma_wait3A_1939] : memref<6400xf32, #tpu.memory_space<vmem>> -> memref<3200xf32, #tpu.memory_space<vmem>>
    tpu.wait_dma2 semaphore(%arg12 : memref<!tpu.dma_semaphore, #tpu.memory_space<semaphore_mem>>) src(%dma_wait3A_1940 : memref<3200xf32, #tpu.memory_space<vmem>>) dst(%dma_wait3A_1938 : memref<3200xf32, #tpu.memory_space<hbm>>)
    %mul3A_1941 = arith.constant 80000 : i32
    %mul3A_1942 = arith.muli %arg1, %mul3A_1941 : i32
    %add3A_1943 = arith.constant 22400 : i32
    %add3A_1944 = arith.addi %mul3A_1942, %add3A_1943 : i32
    %dma_start3A_1945 = arith.constant 3200 : i32
    %dma_start3A_1946 = tpu.memref_slice %arg9[%dma_start3A_1945] : memref<6400xf32, #tpu.memory_space<vmem>> -> memref<3200xf32, #tpu.memory_space<vmem>>
    %dma_start3A_1947 = tpu.memref_slice %arg10[%add3A_1944] : memref<1280128xf32, #tpu.memory_space<vmem_shared>> -> memref<3200xf32, #tpu.memory_space<vmem_shared>>
    %dma_start3A_1948 = arith.constant 3200 : i32
    %dma_start3A_1949 = tpu.memref_slice %arg9[%dma_start3A_1948] : memref<6400xf32, #tpu.memory_space<vmem>> -> memref<3200xf32, #tpu.memory_space<vmem>>
    %dma_start3A_1950 = tpu.memref_slice %arg10[%add3A_1944] : memref<1280128xf32, #tpu.memory_space<vmem_shared>> -> memref<3200xf32, #tpu.memory_space<vmem_shared>>
    tpu.enqueue_dma source(%dma_start3A_1950 : memref<3200xf32, #tpu.memory_space<vmem_shared>>) target(%dma_start3A_1949 : memref<3200xf32, #tpu.memory_space<vmem>>) target_semaphore(%arg11 : memref<!tpu.dma_semaphore, #tpu.memory_space<semaphore_mem>>)
    %dma_wait3A_1951 = arith.constant 3200 : i32
    %dma_wait3A_1952 = tpu.memref_slice %arg9[%dma_wait3A_1951] : memref<6400xf32, #tpu.memory_space<vmem>> -> memref<3200xf32, #tpu.memory_space<vmem>>
    %dma_wait3A_1953 = tpu.memref_slice %arg10[%add3A_1944] : memref<1280128xf32, #tpu.memory_space<vmem_shared>> -> memref<3200xf32, #tpu.memory_space<vmem_shared>>
    %dma_wait3A_1954 = arith.constant 3200 : i32
    %dma_wait3A_1955 = tpu.memref_slice %arg9[%dma_wait3A_1954] : memref<6400xf32, #tpu.memory_space<vmem>> -> memref<3200xf32, #tpu.memory_space<vmem>>
    %dma_wait3A_1956 = tpu.memref_slice %arg10[%add3A_1944] : memref<1280128xf32, #tpu.memory_space<vmem_shared>> -> memref<3200xf32, #tpu.memory_space<vmem_shared>>
    tpu.wait_dma2 semaphore(%arg11 : memref<!tpu.dma_semaphore, #tpu.memory_space<semaphore_mem>>) src(%dma_wait3A_1956 : memref<3200xf32, #tpu.memory_space<vmem_shared>>) dst(%dma_wait3A_1955 : memref<3200xf32, #tpu.memory_space<vmem>>)
    %add3A_1957 = arith.constant 22400 : i32
    %add3A_1958 = arith.addi %add3A_1736, %add3A_1957 : i32
    %dma_start3A_1959 = arith.constant 3200 : i32
    %dma_start3A_1960 = tpu.memref_slice %arg9[%dma_start3A_1959] : memref<6400xf32, #tpu.memory_space<vmem>> -> memref<3200xf32, #tpu.memory_space<vmem>>
    %dma_start3A_1961 = tpu.memref_slice %arg4[%add3A_1958] : memref<5120000xf32, #tpu.memory_space<hbm>> -> memref<3200xf32, #tpu.memory_space<hbm>>
    %dma_start3A_1962 = tpu.memref_slice %arg4[%add3A_1958] : memref<5120000xf32, #tpu.memory_space<hbm>> -> memref<3200xf32, #tpu.memory_space<hbm>>
    %dma_start3A_1963 = arith.constant 3200 : i32
    %dma_start3A_1964 = tpu.memref_slice %arg9[%dma_start3A_1963] : memref<6400xf32, #tpu.memory_space<vmem>> -> memref<3200xf32, #tpu.memory_space<vmem>>
    tpu.enqueue_dma source(%dma_start3A_1964 : memref<3200xf32, #tpu.memory_space<vmem>>) target(%dma_start3A_1962 : memref<3200xf32, #tpu.memory_space<hbm>>) target_semaphore(%arg12 : memref<!tpu.dma_semaphore, #tpu.memory_space<semaphore_mem>>)
    %dma_wait3A_1965 = arith.constant 0 : i32
    %dma_wait3A_1966 = tpu.memref_slice %arg9[%dma_wait3A_1965] : memref<6400xf32, #tpu.memory_space<vmem>> -> memref<3200xf32, #tpu.memory_space<vmem>>
    %dma_wait3A_1967 = tpu.memref_slice %arg4[%add3A_1928] : memref<5120000xf32, #tpu.memory_space<hbm>> -> memref<3200xf32, #tpu.memory_space<hbm>>
    %dma_wait3A_1968 = tpu.memref_slice %arg4[%add3A_1928] : memref<5120000xf32, #tpu.memory_space<hbm>> -> memref<3200xf32, #tpu.memory_space<hbm>>
    %dma_wait3A_1969 = arith.constant 0 : i32
    %dma_wait3A_1970 = tpu.memref_slice %arg9[%dma_wait3A_1969] : memref<6400xf32, #tpu.memory_space<vmem>> -> memref<3200xf32, #tpu.memory_space<vmem>>
    tpu.wait_dma2 semaphore(%arg12 : memref<!tpu.dma_semaphore, #tpu.memory_space<semaphore_mem>>) src(%dma_wait3A_1970 : memref<3200xf32, #tpu.memory_space<vmem>>) dst(%dma_wait3A_1968 : memref<3200xf32, #tpu.memory_space<hbm>>)
    %mul3A_1971 = arith.constant 80000 : i32
    %mul3A_1972 = arith.muli %arg1, %mul3A_1971 : i32
    %add3A_1973 = arith.constant 25600 : i32
    %add3A_1974 = arith.addi %mul3A_1972, %add3A_1973 : i32
    %dma_start3A_1975 = arith.constant 0 : i32
    %dma_start3A_1976 = tpu.memref_slice %arg9[%dma_start3A_1975] : memref<6400xf32, #tpu.memory_space<vmem>> -> memref<3200xf32, #tpu.memory_space<vmem>>
    %dma_start3A_1977 = tpu.memref_slice %arg10[%add3A_1974] : memref<1280128xf32, #tpu.memory_space<vmem_shared>> -> memref<3200xf32, #tpu.memory_space<vmem_shared>>
    %dma_start3A_1978 = arith.constant 0 : i32
    %dma_start3A_1979 = tpu.memref_slice %arg9[%dma_start3A_1978] : memref<6400xf32, #tpu.memory_space<vmem>> -> memref<3200xf32, #tpu.memory_space<vmem>>
    %dma_start3A_1980 = tpu.memref_slice %arg10[%add3A_1974] : memref<1280128xf32, #tpu.memory_space<vmem_shared>> -> memref<3200xf32, #tpu.memory_space<vmem_shared>>
    tpu.enqueue_dma source(%dma_start3A_1980 : memref<3200xf32, #tpu.memory_space<vmem_shared>>) target(%dma_start3A_1979 : memref<3200xf32, #tpu.memory_space<vmem>>) target_semaphore(%arg11 : memref<!tpu.dma_semaphore, #tpu.memory_space<semaphore_mem>>)
    %dma_wait3A_1981 = arith.constant 0 : i32
    %dma_wait3A_1982 = tpu.memref_slice %arg9[%dma_wait3A_1981] : memref<6400xf32, #tpu.memory_space<vmem>> -> memref<3200xf32, #tpu.memory_space<vmem>>
    %dma_wait3A_1983 = tpu.memref_slice %arg10[%add3A_1974] : memref<1280128xf32, #tpu.memory_space<vmem_shared>> -> memref<3200xf32, #tpu.memory_space<vmem_shared>>
    %dma_wait3A_1984 = arith.constant 0 : i32
    %dma_wait3A_1985 = tpu.memref_slice %arg9[%dma_wait3A_1984] : memref<6400xf32, #tpu.memory_space<vmem>> -> memref<3200xf32, #tpu.memory_space<vmem>>
    %dma_wait3A_1986 = tpu.memref_slice %arg10[%add3A_1974] : memref<1280128xf32, #tpu.memory_space<vmem_shared>> -> memref<3200xf32, #tpu.memory_space<vmem_shared>>
    tpu.wait_dma2 semaphore(%arg11 : memref<!tpu.dma_semaphore, #tpu.memory_space<semaphore_mem>>) src(%dma_wait3A_1986 : memref<3200xf32, #tpu.memory_space<vmem_shared>>) dst(%dma_wait3A_1985 : memref<3200xf32, #tpu.memory_space<vmem>>)
    %add3A_1987 = arith.constant 25600 : i32
    %add3A_1988 = arith.addi %add3A_1736, %add3A_1987 : i32
    %dma_start3A_1989 = arith.constant 0 : i32
    %dma_start3A_1990 = tpu.memref_slice %arg9[%dma_start3A_1989] : memref<6400xf32, #tpu.memory_space<vmem>> -> memref<3200xf32, #tpu.memory_space<vmem>>
    %dma_start3A_1991 = tpu.memref_slice %arg4[%add3A_1988] : memref<5120000xf32, #tpu.memory_space<hbm>> -> memref<3200xf32, #tpu.memory_space<hbm>>
    %dma_start3A_1992 = tpu.memref_slice %arg4[%add3A_1988] : memref<5120000xf32, #tpu.memory_space<hbm>> -> memref<3200xf32, #tpu.memory_space<hbm>>
    %dma_start3A_1993 = arith.constant 0 : i32
    %dma_start3A_1994 = tpu.memref_slice %arg9[%dma_start3A_1993] : memref<6400xf32, #tpu.memory_space<vmem>> -> memref<3200xf32, #tpu.memory_space<vmem>>
    tpu.enqueue_dma source(%dma_start3A_1994 : memref<3200xf32, #tpu.memory_space<vmem>>) target(%dma_start3A_1992 : memref<3200xf32, #tpu.memory_space<hbm>>) target_semaphore(%arg12 : memref<!tpu.dma_semaphore, #tpu.memory_space<semaphore_mem>>)
    %dma_wait3A_1995 = arith.constant 3200 : i32
    %dma_wait3A_1996 = tpu.memref_slice %arg9[%dma_wait3A_1995] : memref<6400xf32, #tpu.memory_space<vmem>> -> memref<3200xf32, #tpu.memory_space<vmem>>
    %dma_wait3A_1997 = tpu.memref_slice %arg4[%add3A_1958] : memref<5120000xf32, #tpu.memory_space<hbm>> -> memref<3200xf32, #tpu.memory_space<hbm>>
    %dma_wait3A_1998 = tpu.memref_slice %arg4[%add3A_1958] : memref<5120000xf32, #tpu.memory_space<hbm>> -> memref<3200xf32, #tpu.memory_space<hbm>>
    %dma_wait3A_1999 = arith.constant 3200 : i32
    %dma_wait3A_2000 = tpu.memref_slice %arg9[%dma_wait3A_1999] : memref<6400xf32, #tpu.memory_space<vmem>> -> memref<3200xf32, #tpu.memory_space<vmem>>
    tpu.wait_dma2 semaphore(%arg12 : memref<!tpu.dma_semaphore, #tpu.memory_space<semaphore_mem>>) src(%dma_wait3A_2000 : memref<3200xf32, #tpu.memory_space<vmem>>) dst(%dma_wait3A_1998 : memref<3200xf32, #tpu.memory_space<hbm>>)
    %mul3A_2001 = arith.constant 80000 : i32
    %mul3A_2002 = arith.muli %arg1, %mul3A_2001 : i32
    %add3A_2003 = arith.constant 28800 : i32
    %add3A_2004 = arith.addi %mul3A_2002, %add3A_2003 : i32
    %dma_start3A_2005 = arith.constant 3200 : i32
    %dma_start3A_2006 = tpu.memref_slice %arg9[%dma_start3A_2005] : memref<6400xf32, #tpu.memory_space<vmem>> -> memref<3200xf32, #tpu.memory_space<vmem>>
    %dma_start3A_2007 = tpu.memref_slice %arg10[%add3A_2004] : memref<1280128xf32, #tpu.memory_space<vmem_shared>> -> memref<3200xf32, #tpu.memory_space<vmem_shared>>
    %dma_start3A_2008 = arith.constant 3200 : i32
    %dma_start3A_2009 = tpu.memref_slice %arg9[%dma_start3A_2008] : memref<6400xf32, #tpu.memory_space<vmem>> -> memref<3200xf32, #tpu.memory_space<vmem>>
    %dma_start3A_2010 = tpu.memref_slice %arg10[%add3A_2004] : memref<1280128xf32, #tpu.memory_space<vmem_shared>> -> memref<3200xf32, #tpu.memory_space<vmem_shared>>
    tpu.enqueue_dma source(%dma_start3A_2010 : memref<3200xf32, #tpu.memory_space<vmem_shared>>) target(%dma_start3A_2009 : memref<3200xf32, #tpu.memory_space<vmem>>) target_semaphore(%arg11 : memref<!tpu.dma_semaphore, #tpu.memory_space<semaphore_mem>>)
    %dma_wait3A_2011 = arith.constant 3200 : i32
    %dma_wait3A_2012 = tpu.memref_slice %arg9[%dma_wait3A_2011] : memref<6400xf32, #tpu.memory_space<vmem>> -> memref<3200xf32, #tpu.memory_space<vmem>>
    %dma_wait3A_2013 = tpu.memref_slice %arg10[%add3A_2004] : memref<1280128xf32, #tpu.memory_space<vmem_shared>> -> memref<3200xf32, #tpu.memory_space<vmem_shared>>
    %dma_wait3A_2014 = arith.constant 3200 : i32
    %dma_wait3A_2015 = tpu.memref_slice %arg9[%dma_wait3A_2014] : memref<6400xf32, #tpu.memory_space<vmem>> -> memref<3200xf32, #tpu.memory_space<vmem>>
    %dma_wait3A_2016 = tpu.memref_slice %arg10[%add3A_2004] : memref<1280128xf32, #tpu.memory_space<vmem_shared>> -> memref<3200xf32, #tpu.memory_space<vmem_shared>>
    tpu.wait_dma2 semaphore(%arg11 : memref<!tpu.dma_semaphore, #tpu.memory_space<semaphore_mem>>) src(%dma_wait3A_2016 : memref<3200xf32, #tpu.memory_space<vmem_shared>>) dst(%dma_wait3A_2015 : memref<3200xf32, #tpu.memory_space<vmem>>)
    %add3A_2017 = arith.constant 28800 : i32
    %add3A_2018 = arith.addi %add3A_1736, %add3A_2017 : i32
    %dma_start3A_2019 = arith.constant 3200 : i32
    %dma_start3A_2020 = tpu.memref_slice %arg9[%dma_start3A_2019] : memref<6400xf32, #tpu.memory_space<vmem>> -> memref<3200xf32, #tpu.memory_space<vmem>>
    %dma_start3A_2021 = tpu.memref_slice %arg4[%add3A_2018] : memref<5120000xf32, #tpu.memory_space<hbm>> -> memref<3200xf32, #tpu.memory_space<hbm>>
    %dma_start3A_2022 = tpu.memref_slice %arg4[%add3A_2018] : memref<5120000xf32, #tpu.memory_space<hbm>> -> memref<3200xf32, #tpu.memory_space<hbm>>
    %dma_start3A_2023 = arith.constant 3200 : i32
    %dma_start3A_2024 = tpu.memref_slice %arg9[%dma_start3A_2023] : memref<6400xf32, #tpu.memory_space<vmem>> -> memref<3200xf32, #tpu.memory_space<vmem>>
    tpu.enqueue_dma source(%dma_start3A_2024 : memref<3200xf32, #tpu.memory_space<vmem>>) target(%dma_start3A_2022 : memref<3200xf32, #tpu.memory_space<hbm>>) target_semaphore(%arg12 : memref<!tpu.dma_semaphore, #tpu.memory_space<semaphore_mem>>)
    %dma_wait3A_2025 = arith.constant 0 : i32
    %dma_wait3A_2026 = tpu.memref_slice %arg9[%dma_wait3A_2025] : memref<6400xf32, #tpu.memory_space<vmem>> -> memref<3200xf32, #tpu.memory_space<vmem>>
    %dma_wait3A_2027 = tpu.memref_slice %arg4[%add3A_1988] : memref<5120000xf32, #tpu.memory_space<hbm>> -> memref<3200xf32, #tpu.memory_space<hbm>>
    %dma_wait3A_2028 = tpu.memref_slice %arg4[%add3A_1988] : memref<5120000xf32, #tpu.memory_space<hbm>> -> memref<3200xf32, #tpu.memory_space<hbm>>
    %dma_wait3A_2029 = arith.constant 0 : i32
    %dma_wait3A_2030 = tpu.memref_slice %arg9[%dma_wait3A_2029] : memref<6400xf32, #tpu.memory_space<vmem>> -> memref<3200xf32, #tpu.memory_space<vmem>>
    tpu.wait_dma2 semaphore(%arg12 : memref<!tpu.dma_semaphore, #tpu.memory_space<semaphore_mem>>) src(%dma_wait3A_2030 : memref<3200xf32, #tpu.memory_space<vmem>>) dst(%dma_wait3A_2028 : memref<3200xf32, #tpu.memory_space<hbm>>)
    %mul3A_2031 = arith.constant 80000 : i32
    %mul3A_2032 = arith.muli %arg1, %mul3A_2031 : i32
    %add3A_2033 = arith.constant 32000 : i32
    %add3A_2034 = arith.addi %mul3A_2032, %add3A_2033 : i32
    %dma_start3A_2035 = arith.constant 0 : i32
    %dma_start3A_2036 = tpu.memref_slice %arg9[%dma_start3A_2035] : memref<6400xf32, #tpu.memory_space<vmem>> -> memref<3200xf32, #tpu.memory_space<vmem>>
    %dma_start3A_2037 = tpu.memref_slice %arg10[%add3A_2034] : memref<1280128xf32, #tpu.memory_space<vmem_shared>> -> memref<3200xf32, #tpu.memory_space<vmem_shared>>
    %dma_start3A_2038 = arith.constant 0 : i32
    %dma_start3A_2039 = tpu.memref_slice %arg9[%dma_start3A_2038] : memref<6400xf32, #tpu.memory_space<vmem>> -> memref<3200xf32, #tpu.memory_space<vmem>>
    %dma_start3A_2040 = tpu.memref_slice %arg10[%add3A_2034] : memref<1280128xf32, #tpu.memory_space<vmem_shared>> -> memref<3200xf32, #tpu.memory_space<vmem_shared>>
    tpu.enqueue_dma source(%dma_start3A_2040 : memref<3200xf32, #tpu.memory_space<vmem_shared>>) target(%dma_start3A_2039 : memref<3200xf32, #tpu.memory_space<vmem>>) target_semaphore(%arg11 : memref<!tpu.dma_semaphore, #tpu.memory_space<semaphore_mem>>)
    %dma_wait3A_2041 = arith.constant 0 : i32
    %dma_wait3A_2042 = tpu.memref_slice %arg9[%dma_wait3A_2041] : memref<6400xf32, #tpu.memory_space<vmem>> -> memref<3200xf32, #tpu.memory_space<vmem>>
    %dma_wait3A_2043 = tpu.memref_slice %arg10[%add3A_2034] : memref<1280128xf32, #tpu.memory_space<vmem_shared>> -> memref<3200xf32, #tpu.memory_space<vmem_shared>>
    %dma_wait3A_2044 = arith.constant 0 : i32
    %dma_wait3A_2045 = tpu.memref_slice %arg9[%dma_wait3A_2044] : memref<6400xf32, #tpu.memory_space<vmem>> -> memref<3200xf32, #tpu.memory_space<vmem>>
    %dma_wait3A_2046 = tpu.memref_slice %arg10[%add3A_2034] : memref<1280128xf32, #tpu.memory_space<vmem_shared>> -> memref<3200xf32, #tpu.memory_space<vmem_shared>>
    tpu.wait_dma2 semaphore(%arg11 : memref<!tpu.dma_semaphore, #tpu.memory_space<semaphore_mem>>) src(%dma_wait3A_2046 : memref<3200xf32, #tpu.memory_space<vmem_shared>>) dst(%dma_wait3A_2045 : memref<3200xf32, #tpu.memory_space<vmem>>)
    %add3A_2047 = arith.constant 32000 : i32
    %add3A_2048 = arith.addi %add3A_1736, %add3A_2047 : i32
    %dma_start3A_2049 = arith.constant 0 : i32
    %dma_start3A_2050 = tpu.memref_slice %arg9[%dma_start3A_2049] : memref<6400xf32, #tpu.memory_space<vmem>> -> memref<3200xf32, #tpu.memory_space<vmem>>
    %dma_start3A_2051 = tpu.memref_slice %arg4[%add3A_2048] : memref<5120000xf32, #tpu.memory_space<hbm>> -> memref<3200xf32, #tpu.memory_space<hbm>>
    %dma_start3A_2052 = tpu.memref_slice %arg4[%add3A_2048] : memref<5120000xf32, #tpu.memory_space<hbm>> -> memref<3200xf32, #tpu.memory_space<hbm>>
    %dma_start3A_2053 = arith.constant 0 : i32
    %dma_start3A_2054 = tpu.memref_slice %arg9[%dma_start3A_2053] : memref<6400xf32, #tpu.memory_space<vmem>> -> memref<3200xf32, #tpu.memory_space<vmem>>
    tpu.enqueue_dma source(%dma_start3A_2054 : memref<3200xf32, #tpu.memory_space<vmem>>) target(%dma_start3A_2052 : memref<3200xf32, #tpu.memory_space<hbm>>) target_semaphore(%arg12 : memref<!tpu.dma_semaphore, #tpu.memory_space<semaphore_mem>>)
    %dma_wait3A_2055 = arith.constant 3200 : i32
    %dma_wait3A_2056 = tpu.memref_slice %arg9[%dma_wait3A_2055] : memref<6400xf32, #tpu.memory_space<vmem>> -> memref<3200xf32, #tpu.memory_space<vmem>>
    %dma_wait3A_2057 = tpu.memref_slice %arg4[%add3A_2018] : memref<5120000xf32, #tpu.memory_space<hbm>> -> memref<3200xf32, #tpu.memory_space<hbm>>
    %dma_wait3A_2058 = tpu.memref_slice %arg4[%add3A_2018] : memref<5120000xf32, #tpu.memory_space<hbm>> -> memref<3200xf32, #tpu.memory_space<hbm>>
    %dma_wait3A_2059 = arith.constant 3200 : i32
    %dma_wait3A_2060 = tpu.memref_slice %arg9[%dma_wait3A_2059] : memref<6400xf32, #tpu.memory_space<vmem>> -> memref<3200xf32, #tpu.memory_space<vmem>>
    tpu.wait_dma2 semaphore(%arg12 : memref<!tpu.dma_semaphore, #tpu.memory_space<semaphore_mem>>) src(%dma_wait3A_2060 : memref<3200xf32, #tpu.memory_space<vmem>>) dst(%dma_wait3A_2058 : memref<3200xf32, #tpu.memory_space<hbm>>)
    %mul3A_2061 = arith.constant 80000 : i32
    %mul3A_2062 = arith.muli %arg1, %mul3A_2061 : i32
    %add3A_2063 = arith.constant 35200 : i32
    %add3A_2064 = arith.addi %mul3A_2062, %add3A_2063 : i32
    %dma_start3A_2065 = arith.constant 3200 : i32
    %dma_start3A_2066 = tpu.memref_slice %arg9[%dma_start3A_2065] : memref<6400xf32, #tpu.memory_space<vmem>> -> memref<3200xf32, #tpu.memory_space<vmem>>
    %dma_start3A_2067 = tpu.memref_slice %arg10[%add3A_2064] : memref<1280128xf32, #tpu.memory_space<vmem_shared>> -> memref<3200xf32, #tpu.memory_space<vmem_shared>>
    %dma_start3A_2068 = arith.constant 3200 : i32
    %dma_start3A_2069 = tpu.memref_slice %arg9[%dma_start3A_2068] : memref<6400xf32, #tpu.memory_space<vmem>> -> memref<3200xf32, #tpu.memory_space<vmem>>
    %dma_start3A_2070 = tpu.memref_slice %arg10[%add3A_2064] : memref<1280128xf32, #tpu.memory_space<vmem_shared>> -> memref<3200xf32, #tpu.memory_space<vmem_shared>>
    tpu.enqueue_dma source(%dma_start3A_2070 : memref<3200xf32, #tpu.memory_space<vmem_shared>>) target(%dma_start3A_2069 : memref<3200xf32, #tpu.memory_space<vmem>>) target_semaphore(%arg11 : memref<!tpu.dma_semaphore, #tpu.memory_space<semaphore_mem>>)
    %dma_wait3A_2071 = arith.constant 3200 : i32
    %dma_wait3A_2072 = tpu.memref_slice %arg9[%dma_wait3A_2071] : memref<6400xf32, #tpu.memory_space<vmem>> -> memref<3200xf32, #tpu.memory_space<vmem>>
    %dma_wait3A_2073 = tpu.memref_slice %arg10[%add3A_2064] : memref<1280128xf32, #tpu.memory_space<vmem_shared>> -> memref<3200xf32, #tpu.memory_space<vmem_shared>>
    %dma_wait3A_2074 = arith.constant 3200 : i32
    %dma_wait3A_2075 = tpu.memref_slice %arg9[%dma_wait3A_2074] : memref<6400xf32, #tpu.memory_space<vmem>> -> memref<3200xf32, #tpu.memory_space<vmem>>
    %dma_wait3A_2076 = tpu.memref_slice %arg10[%add3A_2064] : memref<1280128xf32, #tpu.memory_space<vmem_shared>> -> memref<3200xf32, #tpu.memory_space<vmem_shared>>
    tpu.wait_dma2 semaphore(%arg11 : memref<!tpu.dma_semaphore, #tpu.memory_space<semaphore_mem>>) src(%dma_wait3A_2076 : memref<3200xf32, #tpu.memory_space<vmem_shared>>) dst(%dma_wait3A_2075 : memref<3200xf32, #tpu.memory_space<vmem>>)
    %add3A_2077 = arith.constant 35200 : i32
    %add3A_2078 = arith.addi %add3A_1736, %add3A_2077 : i32
    %dma_start3A_2079 = arith.constant 3200 : i32
    %dma_start3A_2080 = tpu.memref_slice %arg9[%dma_start3A_2079] : memref<6400xf32, #tpu.memory_space<vmem>> -> memref<3200xf32, #tpu.memory_space<vmem>>
    %dma_start3A_2081 = tpu.memref_slice %arg4[%add3A_2078] : memref<5120000xf32, #tpu.memory_space<hbm>> -> memref<3200xf32, #tpu.memory_space<hbm>>
    %dma_start3A_2082 = tpu.memref_slice %arg4[%add3A_2078] : memref<5120000xf32, #tpu.memory_space<hbm>> -> memref<3200xf32, #tpu.memory_space<hbm>>
    %dma_start3A_2083 = arith.constant 3200 : i32
    %dma_start3A_2084 = tpu.memref_slice %arg9[%dma_start3A_2083] : memref<6400xf32, #tpu.memory_space<vmem>> -> memref<3200xf32, #tpu.memory_space<vmem>>
    tpu.enqueue_dma source(%dma_start3A_2084 : memref<3200xf32, #tpu.memory_space<vmem>>) target(%dma_start3A_2082 : memref<3200xf32, #tpu.memory_space<hbm>>) target_semaphore(%arg12 : memref<!tpu.dma_semaphore, #tpu.memory_space<semaphore_mem>>)
    %dma_wait3A_2085 = arith.constant 0 : i32
    %dma_wait3A_2086 = tpu.memref_slice %arg9[%dma_wait3A_2085] : memref<6400xf32, #tpu.memory_space<vmem>> -> memref<3200xf32, #tpu.memory_space<vmem>>
    %dma_wait3A_2087 = tpu.memref_slice %arg4[%add3A_2048] : memref<5120000xf32, #tpu.memory_space<hbm>> -> memref<3200xf32, #tpu.memory_space<hbm>>
    %dma_wait3A_2088 = tpu.memref_slice %arg4[%add3A_2048] : memref<5120000xf32, #tpu.memory_space<hbm>> -> memref<3200xf32, #tpu.memory_space<hbm>>
    %dma_wait3A_2089 = arith.constant 0 : i32
    %dma_wait3A_2090 = tpu.memref_slice %arg9[%dma_wait3A_2089] : memref<6400xf32, #tpu.memory_space<vmem>> -> memref<3200xf32, #tpu.memory_space<vmem>>
    tpu.wait_dma2 semaphore(%arg12 : memref<!tpu.dma_semaphore, #tpu.memory_space<semaphore_mem>>) src(%dma_wait3A_2090 : memref<3200xf32, #tpu.memory_space<vmem>>) dst(%dma_wait3A_2088 : memref<3200xf32, #tpu.memory_space<hbm>>)
    %mul3A_2091 = arith.constant 80000 : i32
    %mul3A_2092 = arith.muli %arg1, %mul3A_2091 : i32
    %add3A_2093 = arith.constant 38400 : i32
    %add3A_2094 = arith.addi %mul3A_2092, %add3A_2093 : i32
    %dma_start3A_2095 = arith.constant 0 : i32
    %dma_start3A_2096 = tpu.memref_slice %arg9[%dma_start3A_2095] : memref<6400xf32, #tpu.memory_space<vmem>> -> memref<3200xf32, #tpu.memory_space<vmem>>
    %dma_start3A_2097 = tpu.memref_slice %arg10[%add3A_2094] : memref<1280128xf32, #tpu.memory_space<vmem_shared>> -> memref<3200xf32, #tpu.memory_space<vmem_shared>>
    %dma_start3A_2098 = arith.constant 0 : i32
    %dma_start3A_2099 = tpu.memref_slice %arg9[%dma_start3A_2098] : memref<6400xf32, #tpu.memory_space<vmem>> -> memref<3200xf32, #tpu.memory_space<vmem>>
    %dma_start3A_2100 = tpu.memref_slice %arg10[%add3A_2094] : memref<1280128xf32, #tpu.memory_space<vmem_shared>> -> memref<3200xf32, #tpu.memory_space<vmem_shared>>
    tpu.enqueue_dma source(%dma_start3A_2100 : memref<3200xf32, #tpu.memory_space<vmem_shared>>) target(%dma_start3A_2099 : memref<3200xf32, #tpu.memory_space<vmem>>) target_semaphore(%arg11 : memref<!tpu.dma_semaphore, #tpu.memory_space<semaphore_mem>>)
    %dma_wait3A_2101 = arith.constant 0 : i32
    %dma_wait3A_2102 = tpu.memref_slice %arg9[%dma_wait3A_2101] : memref<6400xf32, #tpu.memory_space<vmem>> -> memref<3200xf32, #tpu.memory_space<vmem>>
    %dma_wait3A_2103 = tpu.memref_slice %arg10[%add3A_2094] : memref<1280128xf32, #tpu.memory_space<vmem_shared>> -> memref<3200xf32, #tpu.memory_space<vmem_shared>>
    %dma_wait3A_2104 = arith.constant 0 : i32
    %dma_wait3A_2105 = tpu.memref_slice %arg9[%dma_wait3A_2104] : memref<6400xf32, #tpu.memory_space<vmem>> -> memref<3200xf32, #tpu.memory_space<vmem>>
    %dma_wait3A_2106 = tpu.memref_slice %arg10[%add3A_2094] : memref<1280128xf32, #tpu.memory_space<vmem_shared>> -> memref<3200xf32, #tpu.memory_space<vmem_shared>>
    tpu.wait_dma2 semaphore(%arg11 : memref<!tpu.dma_semaphore, #tpu.memory_space<semaphore_mem>>) src(%dma_wait3A_2106 : memref<3200xf32, #tpu.memory_space<vmem_shared>>) dst(%dma_wait3A_2105 : memref<3200xf32, #tpu.memory_space<vmem>>)
    %add3A_2107 = arith.constant 38400 : i32
    %add3A_2108 = arith.addi %add3A_1736, %add3A_2107 : i32
    %dma_start3A_2109 = arith.constant 0 : i32
    %dma_start3A_2110 = tpu.memref_slice %arg9[%dma_start3A_2109] : memref<6400xf32, #tpu.memory_space<vmem>> -> memref<3200xf32, #tpu.memory_space<vmem>>
    %dma_start3A_2111 = tpu.memref_slice %arg4[%add3A_2108] : memref<5120000xf32, #tpu.memory_space<hbm>> -> memref<3200xf32, #tpu.memory_space<hbm>>
    %dma_start3A_2112 = tpu.memref_slice %arg4[%add3A_2108] : memref<5120000xf32, #tpu.memory_space<hbm>> -> memref<3200xf32, #tpu.memory_space<hbm>>
    %dma_start3A_2113 = arith.constant 0 : i32
    %dma_start3A_2114 = tpu.memref_slice %arg9[%dma_start3A_2113] : memref<6400xf32, #tpu.memory_space<vmem>> -> memref<3200xf32, #tpu.memory_space<vmem>>
    tpu.enqueue_dma source(%dma_start3A_2114 : memref<3200xf32, #tpu.memory_space<vmem>>) target(%dma_start3A_2112 : memref<3200xf32, #tpu.memory_space<hbm>>) target_semaphore(%arg12 : memref<!tpu.dma_semaphore, #tpu.memory_space<semaphore_mem>>)
    %dma_wait3A_2115 = arith.constant 3200 : i32
    %dma_wait3A_2116 = tpu.memref_slice %arg9[%dma_wait3A_2115] : memref<6400xf32, #tpu.memory_space<vmem>> -> memref<3200xf32, #tpu.memory_space<vmem>>
    %dma_wait3A_2117 = tpu.memref_slice %arg4[%add3A_2078] : memref<5120000xf32, #tpu.memory_space<hbm>> -> memref<3200xf32, #tpu.memory_space<hbm>>
    %dma_wait3A_2118 = tpu.memref_slice %arg4[%add3A_2078] : memref<5120000xf32, #tpu.memory_space<hbm>> -> memref<3200xf32, #tpu.memory_space<hbm>>
    %dma_wait3A_2119 = arith.constant 3200 : i32
    %dma_wait3A_2120 = tpu.memref_slice %arg9[%dma_wait3A_2119] : memref<6400xf32, #tpu.memory_space<vmem>> -> memref<3200xf32, #tpu.memory_space<vmem>>
    tpu.wait_dma2 semaphore(%arg12 : memref<!tpu.dma_semaphore, #tpu.memory_space<semaphore_mem>>) src(%dma_wait3A_2120 : memref<3200xf32, #tpu.memory_space<vmem>>) dst(%dma_wait3A_2118 : memref<3200xf32, #tpu.memory_space<hbm>>)
    %mul3A_2121 = arith.constant 80000 : i32
    %mul3A_2122 = arith.muli %arg1, %mul3A_2121 : i32
    %add3A_2123 = arith.constant 41600 : i32
    %add3A_2124 = arith.addi %mul3A_2122, %add3A_2123 : i32
    %dma_start3A_2125 = arith.constant 3200 : i32
    %dma_start3A_2126 = tpu.memref_slice %arg9[%dma_start3A_2125] : memref<6400xf32, #tpu.memory_space<vmem>> -> memref<3200xf32, #tpu.memory_space<vmem>>
    %dma_start3A_2127 = tpu.memref_slice %arg10[%add3A_2124] : memref<1280128xf32, #tpu.memory_space<vmem_shared>> -> memref<3200xf32, #tpu.memory_space<vmem_shared>>
    %dma_start3A_2128 = arith.constant 3200 : i32
    %dma_start3A_2129 = tpu.memref_slice %arg9[%dma_start3A_2128] : memref<6400xf32, #tpu.memory_space<vmem>> -> memref<3200xf32, #tpu.memory_space<vmem>>
    %dma_start3A_2130 = tpu.memref_slice %arg10[%add3A_2124] : memref<1280128xf32, #tpu.memory_space<vmem_shared>> -> memref<3200xf32, #tpu.memory_space<vmem_shared>>
    tpu.enqueue_dma source(%dma_start3A_2130 : memref<3200xf32, #tpu.memory_space<vmem_shared>>) target(%dma_start3A_2129 : memref<3200xf32, #tpu.memory_space<vmem>>) target_semaphore(%arg11 : memref<!tpu.dma_semaphore, #tpu.memory_space<semaphore_mem>>)
    %dma_wait3A_2131 = arith.constant 3200 : i32
    %dma_wait3A_2132 = tpu.memref_slice %arg9[%dma_wait3A_2131] : memref<6400xf32, #tpu.memory_space<vmem>> -> memref<3200xf32, #tpu.memory_space<vmem>>
    %dma_wait3A_2133 = tpu.memref_slice %arg10[%add3A_2124] : memref<1280128xf32, #tpu.memory_space<vmem_shared>> -> memref<3200xf32, #tpu.memory_space<vmem_shared>>
    %dma_wait3A_2134 = arith.constant 3200 : i32
    %dma_wait3A_2135 = tpu.memref_slice %arg9[%dma_wait3A_2134] : memref<6400xf32, #tpu.memory_space<vmem>> -> memref<3200xf32, #tpu.memory_space<vmem>>
    %dma_wait3A_2136 = tpu.memref_slice %arg10[%add3A_2124] : memref<1280128xf32, #tpu.memory_space<vmem_shared>> -> memref<3200xf32, #tpu.memory_space<vmem_shared>>
    tpu.wait_dma2 semaphore(%arg11 : memref<!tpu.dma_semaphore, #tpu.memory_space<semaphore_mem>>) src(%dma_wait3A_2136 : memref<3200xf32, #tpu.memory_space<vmem_shared>>) dst(%dma_wait3A_2135 : memref<3200xf32, #tpu.memory_space<vmem>>)
    %add3A_2137 = arith.constant 41600 : i32
    %add3A_2138 = arith.addi %add3A_1736, %add3A_2137 : i32
    %dma_start3A_2139 = arith.constant 3200 : i32
    %dma_start3A_2140 = tpu.memref_slice %arg9[%dma_start3A_2139] : memref<6400xf32, #tpu.memory_space<vmem>> -> memref<3200xf32, #tpu.memory_space<vmem>>
    %dma_start3A_2141 = tpu.memref_slice %arg4[%add3A_2138] : memref<5120000xf32, #tpu.memory_space<hbm>> -> memref<3200xf32, #tpu.memory_space<hbm>>
    %dma_start3A_2142 = tpu.memref_slice %arg4[%add3A_2138] : memref<5120000xf32, #tpu.memory_space<hbm>> -> memref<3200xf32, #tpu.memory_space<hbm>>
    %dma_start3A_2143 = arith.constant 3200 : i32
    %dma_start3A_2144 = tpu.memref_slice %arg9[%dma_start3A_2143] : memref<6400xf32, #tpu.memory_space<vmem>> -> memref<3200xf32, #tpu.memory_space<vmem>>
    tpu.enqueue_dma source(%dma_start3A_2144 : memref<3200xf32, #tpu.memory_space<vmem>>) target(%dma_start3A_2142 : memref<3200xf32, #tpu.memory_space<hbm>>) target_semaphore(%arg12 : memref<!tpu.dma_semaphore, #tpu.memory_space<semaphore_mem>>)
    %dma_wait3A_2145 = arith.constant 0 : i32
    %dma_wait3A_2146 = tpu.memref_slice %arg9[%dma_wait3A_2145] : memref<6400xf32, #tpu.memory_space<vmem>> -> memref<3200xf32, #tpu.memory_space<vmem>>
    %dma_wait3A_2147 = tpu.memref_slice %arg4[%add3A_2108] : memref<5120000xf32, #tpu.memory_space<hbm>> -> memref<3200xf32, #tpu.memory_space<hbm>>
    %dma_wait3A_2148 = tpu.memref_slice %arg4[%add3A_2108] : memref<5120000xf32, #tpu.memory_space<hbm>> -> memref<3200xf32, #tpu.memory_space<hbm>>
    %dma_wait3A_2149 = arith.constant 0 : i32
    %dma_wait3A_2150 = tpu.memref_slice %arg9[%dma_wait3A_2149] : memref<6400xf32, #tpu.memory_space<vmem>> -> memref<3200xf32, #tpu.memory_space<vmem>>
    tpu.wait_dma2 semaphore(%arg12 : memref<!tpu.dma_semaphore, #tpu.memory_space<semaphore_mem>>) src(%dma_wait3A_2150 : memref<3200xf32, #tpu.memory_space<vmem>>) dst(%dma_wait3A_2148 : memref<3200xf32, #tpu.memory_space<hbm>>)
    %mul3A_2151 = arith.constant 80000 : i32
    %mul3A_2152 = arith.muli %arg1, %mul3A_2151 : i32
    %add3A_2153 = arith.constant 44800 : i32
    %add3A_2154 = arith.addi %mul3A_2152, %add3A_2153 : i32
    %dma_start3A_2155 = arith.constant 0 : i32
    %dma_start3A_2156 = tpu.memref_slice %arg9[%dma_start3A_2155] : memref<6400xf32, #tpu.memory_space<vmem>> -> memref<3200xf32, #tpu.memory_space<vmem>>
    %dma_start3A_2157 = tpu.memref_slice %arg10[%add3A_2154] : memref<1280128xf32, #tpu.memory_space<vmem_shared>> -> memref<3200xf32, #tpu.memory_space<vmem_shared>>
    %dma_start3A_2158 = arith.constant 0 : i32
    %dma_start3A_2159 = tpu.memref_slice %arg9[%dma_start3A_2158] : memref<6400xf32, #tpu.memory_space<vmem>> -> memref<3200xf32, #tpu.memory_space<vmem>>
    %dma_start3A_2160 = tpu.memref_slice %arg10[%add3A_2154] : memref<1280128xf32, #tpu.memory_space<vmem_shared>> -> memref<3200xf32, #tpu.memory_space<vmem_shared>>
    tpu.enqueue_dma source(%dma_start3A_2160 : memref<3200xf32, #tpu.memory_space<vmem_shared>>) target(%dma_start3A_2159 : memref<3200xf32, #tpu.memory_space<vmem>>) target_semaphore(%arg11 : memref<!tpu.dma_semaphore, #tpu.memory_space<semaphore_mem>>)
    %dma_wait3A_2161 = arith.constant 0 : i32
    %dma_wait3A_2162 = tpu.memref_slice %arg9[%dma_wait3A_2161] : memref<6400xf32, #tpu.memory_space<vmem>> -> memref<3200xf32, #tpu.memory_space<vmem>>
    %dma_wait3A_2163 = tpu.memref_slice %arg10[%add3A_2154] : memref<1280128xf32, #tpu.memory_space<vmem_shared>> -> memref<3200xf32, #tpu.memory_space<vmem_shared>>
    %dma_wait3A_2164 = arith.constant 0 : i32
    %dma_wait3A_2165 = tpu.memref_slice %arg9[%dma_wait3A_2164] : memref<6400xf32, #tpu.memory_space<vmem>> -> memref<3200xf32, #tpu.memory_space<vmem>>
    %dma_wait3A_2166 = tpu.memref_slice %arg10[%add3A_2154] : memref<1280128xf32, #tpu.memory_space<vmem_shared>> -> memref<3200xf32, #tpu.memory_space<vmem_shared>>
    tpu.wait_dma2 semaphore(%arg11 : memref<!tpu.dma_semaphore, #tpu.memory_space<semaphore_mem>>) src(%dma_wait3A_2166 : memref<3200xf32, #tpu.memory_space<vmem_shared>>) dst(%dma_wait3A_2165 : memref<3200xf32, #tpu.memory_space<vmem>>)
    %add3A_2167 = arith.constant 44800 : i32
    %add3A_2168 = arith.addi %add3A_1736, %add3A_2167 : i32
    %dma_start3A_2169 = arith.constant 0 : i32
    %dma_start3A_2170 = tpu.memref_slice %arg9[%dma_start3A_2169] : memref<6400xf32, #tpu.memory_space<vmem>> -> memref<3200xf32, #tpu.memory_space<vmem>>
    %dma_start3A_2171 = tpu.memref_slice %arg4[%add3A_2168] : memref<5120000xf32, #tpu.memory_space<hbm>> -> memref<3200xf32, #tpu.memory_space<hbm>>
    %dma_start3A_2172 = tpu.memref_slice %arg4[%add3A_2168] : memref<5120000xf32, #tpu.memory_space<hbm>> -> memref<3200xf32, #tpu.memory_space<hbm>>
    %dma_start3A_2173 = arith.constant 0 : i32
    %dma_start3A_2174 = tpu.memref_slice %arg9[%dma_start3A_2173] : memref<6400xf32, #tpu.memory_space<vmem>> -> memref<3200xf32, #tpu.memory_space<vmem>>
    tpu.enqueue_dma source(%dma_start3A_2174 : memref<3200xf32, #tpu.memory_space<vmem>>) target(%dma_start3A_2172 : memref<3200xf32, #tpu.memory_space<hbm>>) target_semaphore(%arg12 : memref<!tpu.dma_semaphore, #tpu.memory_space<semaphore_mem>>)
    %dma_wait3A_2175 = arith.constant 3200 : i32
    %dma_wait3A_2176 = tpu.memref_slice %arg9[%dma_wait3A_2175] : memref<6400xf32, #tpu.memory_space<vmem>> -> memref<3200xf32, #tpu.memory_space<vmem>>
    %dma_wait3A_2177 = tpu.memref_slice %arg4[%add3A_2138] : memref<5120000xf32, #tpu.memory_space<hbm>> -> memref<3200xf32, #tpu.memory_space<hbm>>
    %dma_wait3A_2178 = tpu.memref_slice %arg4[%add3A_2138] : memref<5120000xf32, #tpu.memory_space<hbm>> -> memref<3200xf32, #tpu.memory_space<hbm>>
    %dma_wait3A_2179 = arith.constant 3200 : i32
    %dma_wait3A_2180 = tpu.memref_slice %arg9[%dma_wait3A_2179] : memref<6400xf32, #tpu.memory_space<vmem>> -> memref<3200xf32, #tpu.memory_space<vmem>>
    tpu.wait_dma2 semaphore(%arg12 : memref<!tpu.dma_semaphore, #tpu.memory_space<semaphore_mem>>) src(%dma_wait3A_2180 : memref<3200xf32, #tpu.memory_space<vmem>>) dst(%dma_wait3A_2178 : memref<3200xf32, #tpu.memory_space<hbm>>)
    %mul3A_2181 = arith.constant 80000 : i32
    %mul3A_2182 = arith.muli %arg1, %mul3A_2181 : i32
    %add3A_2183 = arith.constant 48000 : i32
    %add3A_2184 = arith.addi %mul3A_2182, %add3A_2183 : i32
    %dma_start3A_2185 = arith.constant 3200 : i32
    %dma_start3A_2186 = tpu.memref_slice %arg9[%dma_start3A_2185] : memref<6400xf32, #tpu.memory_space<vmem>> -> memref<3200xf32, #tpu.memory_space<vmem>>
    %dma_start3A_2187 = tpu.memref_slice %arg10[%add3A_2184] : memref<1280128xf32, #tpu.memory_space<vmem_shared>> -> memref<3200xf32, #tpu.memory_space<vmem_shared>>
    %dma_start3A_2188 = arith.constant 3200 : i32
    %dma_start3A_2189 = tpu.memref_slice %arg9[%dma_start3A_2188] : memref<6400xf32, #tpu.memory_space<vmem>> -> memref<3200xf32, #tpu.memory_space<vmem>>
    %dma_start3A_2190 = tpu.memref_slice %arg10[%add3A_2184] : memref<1280128xf32, #tpu.memory_space<vmem_shared>> -> memref<3200xf32, #tpu.memory_space<vmem_shared>>
    tpu.enqueue_dma source(%dma_start3A_2190 : memref<3200xf32, #tpu.memory_space<vmem_shared>>) target(%dma_start3A_2189 : memref<3200xf32, #tpu.memory_space<vmem>>) target_semaphore(%arg11 : memref<!tpu.dma_semaphore, #tpu.memory_space<semaphore_mem>>)
    %dma_wait3A_2191 = arith.constant 3200 : i32
    %dma_wait3A_2192 = tpu.memref_slice %arg9[%dma_wait3A_2191] : memref<6400xf32, #tpu.memory_space<vmem>> -> memref<3200xf32, #tpu.memory_space<vmem>>
    %dma_wait3A_2193 = tpu.memref_slice %arg10[%add3A_2184] : memref<1280128xf32, #tpu.memory_space<vmem_shared>> -> memref<3200xf32, #tpu.memory_space<vmem_shared>>
    %dma_wait3A_2194 = arith.constant 3200 : i32
    %dma_wait3A_2195 = tpu.memref_slice %arg9[%dma_wait3A_2194] : memref<6400xf32, #tpu.memory_space<vmem>> -> memref<3200xf32, #tpu.memory_space<vmem>>
    %dma_wait3A_2196 = tpu.memref_slice %arg10[%add3A_2184] : memref<1280128xf32, #tpu.memory_space<vmem_shared>> -> memref<3200xf32, #tpu.memory_space<vmem_shared>>
    tpu.wait_dma2 semaphore(%arg11 : memref<!tpu.dma_semaphore, #tpu.memory_space<semaphore_mem>>) src(%dma_wait3A_2196 : memref<3200xf32, #tpu.memory_space<vmem_shared>>) dst(%dma_wait3A_2195 : memref<3200xf32, #tpu.memory_space<vmem>>)
    %add3A_2197 = arith.constant 48000 : i32
    %add3A_2198 = arith.addi %add3A_1736, %add3A_2197 : i32
    %dma_start3A_2199 = arith.constant 3200 : i32
    %dma_start3A_2200 = tpu.memref_slice %arg9[%dma_start3A_2199] : memref<6400xf32, #tpu.memory_space<vmem>> -> memref<3200xf32, #tpu.memory_space<vmem>>
    %dma_start3A_2201 = tpu.memref_slice %arg4[%add3A_2198] : memref<5120000xf32, #tpu.memory_space<hbm>> -> memref<3200xf32, #tpu.memory_space<hbm>>
    %dma_start3A_2202 = tpu.memref_slice %arg4[%add3A_2198] : memref<5120000xf32, #tpu.memory_space<hbm>> -> memref<3200xf32, #tpu.memory_space<hbm>>
    %dma_start3A_2203 = arith.constant 3200 : i32
    %dma_start3A_2204 = tpu.memref_slice %arg9[%dma_start3A_2203] : memref<6400xf32, #tpu.memory_space<vmem>> -> memref<3200xf32, #tpu.memory_space<vmem>>
    tpu.enqueue_dma source(%dma_start3A_2204 : memref<3200xf32, #tpu.memory_space<vmem>>) target(%dma_start3A_2202 : memref<3200xf32, #tpu.memory_space<hbm>>) target_semaphore(%arg12 : memref<!tpu.dma_semaphore, #tpu.memory_space<semaphore_mem>>)
    %dma_wait3A_2205 = arith.constant 0 : i32
    %dma_wait3A_2206 = tpu.memref_slice %arg9[%dma_wait3A_2205] : memref<6400xf32, #tpu.memory_space<vmem>> -> memref<3200xf32, #tpu.memory_space<vmem>>
    %dma_wait3A_2207 = tpu.memref_slice %arg4[%add3A_2168] : memref<5120000xf32, #tpu.memory_space<hbm>> -> memref<3200xf32, #tpu.memory_space<hbm>>
    %dma_wait3A_2208 = tpu.memref_slice %arg4[%add3A_2168] : memref<5120000xf32, #tpu.memory_space<hbm>> -> memref<3200xf32, #tpu.memory_space<hbm>>
    %dma_wait3A_2209 = arith.constant 0 : i32
    %dma_wait3A_2210 = tpu.memref_slice %arg9[%dma_wait3A_2209] : memref<6400xf32, #tpu.memory_space<vmem>> -> memref<3200xf32, #tpu.memory_space<vmem>>
    tpu.wait_dma2 semaphore(%arg12 : memref<!tpu.dma_semaphore, #tpu.memory_space<semaphore_mem>>) src(%dma_wait3A_2210 : memref<3200xf32, #tpu.memory_space<vmem>>) dst(%dma_wait3A_2208 : memref<3200xf32, #tpu.memory_space<hbm>>)
    %mul3A_2211 = arith.constant 80000 : i32
    %mul3A_2212 = arith.muli %arg1, %mul3A_2211 : i32
    %add3A_2213 = arith.constant 51200 : i32
    %add3A_2214 = arith.addi %mul3A_2212, %add3A_2213 : i32
    %dma_start3A_2215 = arith.constant 0 : i32
    %dma_start3A_2216 = tpu.memref_slice %arg9[%dma_start3A_2215] : memref<6400xf32, #tpu.memory_space<vmem>> -> memref<3200xf32, #tpu.memory_space<vmem>>
    %dma_start3A_2217 = tpu.memref_slice %arg10[%add3A_2214] : memref<1280128xf32, #tpu.memory_space<vmem_shared>> -> memref<3200xf32, #tpu.memory_space<vmem_shared>>
    %dma_start3A_2218 = arith.constant 0 : i32
    %dma_start3A_2219 = tpu.memref_slice %arg9[%dma_start3A_2218] : memref<6400xf32, #tpu.memory_space<vmem>> -> memref<3200xf32, #tpu.memory_space<vmem>>
    %dma_start3A_2220 = tpu.memref_slice %arg10[%add3A_2214] : memref<1280128xf32, #tpu.memory_space<vmem_shared>> -> memref<3200xf32, #tpu.memory_space<vmem_shared>>
    tpu.enqueue_dma source(%dma_start3A_2220 : memref<3200xf32, #tpu.memory_space<vmem_shared>>) target(%dma_start3A_2219 : memref<3200xf32, #tpu.memory_space<vmem>>) target_semaphore(%arg11 : memref<!tpu.dma_semaphore, #tpu.memory_space<semaphore_mem>>)
    %dma_wait3A_2221 = arith.constant 0 : i32
    %dma_wait3A_2222 = tpu.memref_slice %arg9[%dma_wait3A_2221] : memref<6400xf32, #tpu.memory_space<vmem>> -> memref<3200xf32, #tpu.memory_space<vmem>>
    %dma_wait3A_2223 = tpu.memref_slice %arg10[%add3A_2214] : memref<1280128xf32, #tpu.memory_space<vmem_shared>> -> memref<3200xf32, #tpu.memory_space<vmem_shared>>
    %dma_wait3A_2224 = arith.constant 0 : i32
    %dma_wait3A_2225 = tpu.memref_slice %arg9[%dma_wait3A_2224] : memref<6400xf32, #tpu.memory_space<vmem>> -> memref<3200xf32, #tpu.memory_space<vmem>>
    %dma_wait3A_2226 = tpu.memref_slice %arg10[%add3A_2214] : memref<1280128xf32, #tpu.memory_space<vmem_shared>> -> memref<3200xf32, #tpu.memory_space<vmem_shared>>
    tpu.wait_dma2 semaphore(%arg11 : memref<!tpu.dma_semaphore, #tpu.memory_space<semaphore_mem>>) src(%dma_wait3A_2226 : memref<3200xf32, #tpu.memory_space<vmem_shared>>) dst(%dma_wait3A_2225 : memref<3200xf32, #tpu.memory_space<vmem>>)
    %add3A_2227 = arith.constant 51200 : i32
    %add3A_2228 = arith.addi %add3A_1736, %add3A_2227 : i32
    %dma_start3A_2229 = arith.constant 0 : i32
    %dma_start3A_2230 = tpu.memref_slice %arg9[%dma_start3A_2229] : memref<6400xf32, #tpu.memory_space<vmem>> -> memref<3200xf32, #tpu.memory_space<vmem>>
    %dma_start3A_2231 = tpu.memref_slice %arg4[%add3A_2228] : memref<5120000xf32, #tpu.memory_space<hbm>> -> memref<3200xf32, #tpu.memory_space<hbm>>
    %dma_start3A_2232 = tpu.memref_slice %arg4[%add3A_2228] : memref<5120000xf32, #tpu.memory_space<hbm>> -> memref<3200xf32, #tpu.memory_space<hbm>>
    %dma_start3A_2233 = arith.constant 0 : i32
    %dma_start3A_2234 = tpu.memref_slice %arg9[%dma_start3A_2233] : memref<6400xf32, #tpu.memory_space<vmem>> -> memref<3200xf32, #tpu.memory_space<vmem>>
    tpu.enqueue_dma source(%dma_start3A_2234 : memref<3200xf32, #tpu.memory_space<vmem>>) target(%dma_start3A_2232 : memref<3200xf32, #tpu.memory_space<hbm>>) target_semaphore(%arg12 : memref<!tpu.dma_semaphore, #tpu.memory_space<semaphore_mem>>)
    %dma_wait3A_2235 = arith.constant 3200 : i32
    %dma_wait3A_2236 = tpu.memref_slice %arg9[%dma_wait3A_2235] : memref<6400xf32, #tpu.memory_space<vmem>> -> memref<3200xf32, #tpu.memory_space<vmem>>
    %dma_wait3A_2237 = tpu.memref_slice %arg4[%add3A_2198] : memref<5120000xf32, #tpu.memory_space<hbm>> -> memref<3200xf32, #tpu.memory_space<hbm>>
    %dma_wait3A_2238 = tpu.memref_slice %arg4[%add3A_2198] : memref<5120000xf32, #tpu.memory_space<hbm>> -> memref<3200xf32, #tpu.memory_space<hbm>>
    %dma_wait3A_2239 = arith.constant 3200 : i32
    %dma_wait3A_2240 = tpu.memref_slice %arg9[%dma_wait3A_2239] : memref<6400xf32, #tpu.memory_space<vmem>> -> memref<3200xf32, #tpu.memory_space<vmem>>
    tpu.wait_dma2 semaphore(%arg12 : memref<!tpu.dma_semaphore, #tpu.memory_space<semaphore_mem>>) src(%dma_wait3A_2240 : memref<3200xf32, #tpu.memory_space<vmem>>) dst(%dma_wait3A_2238 : memref<3200xf32, #tpu.memory_space<hbm>>)
    %mul3A_2241 = arith.constant 80000 : i32
    %mul3A_2242 = arith.muli %arg1, %mul3A_2241 : i32
    %add3A_2243 = arith.constant 54400 : i32
    %add3A_2244 = arith.addi %mul3A_2242, %add3A_2243 : i32
    %dma_start3A_2245 = arith.constant 3200 : i32
    %dma_start3A_2246 = tpu.memref_slice %arg9[%dma_start3A_2245] : memref<6400xf32, #tpu.memory_space<vmem>> -> memref<3200xf32, #tpu.memory_space<vmem>>
    %dma_start3A_2247 = tpu.memref_slice %arg10[%add3A_2244] : memref<1280128xf32, #tpu.memory_space<vmem_shared>> -> memref<3200xf32, #tpu.memory_space<vmem_shared>>
    %dma_start3A_2248 = arith.constant 3200 : i32
    %dma_start3A_2249 = tpu.memref_slice %arg9[%dma_start3A_2248] : memref<6400xf32, #tpu.memory_space<vmem>> -> memref<3200xf32, #tpu.memory_space<vmem>>
    %dma_start3A_2250 = tpu.memref_slice %arg10[%add3A_2244] : memref<1280128xf32, #tpu.memory_space<vmem_shared>> -> memref<3200xf32, #tpu.memory_space<vmem_shared>>
    tpu.enqueue_dma source(%dma_start3A_2250 : memref<3200xf32, #tpu.memory_space<vmem_shared>>) target(%dma_start3A_2249 : memref<3200xf32, #tpu.memory_space<vmem>>) target_semaphore(%arg11 : memref<!tpu.dma_semaphore, #tpu.memory_space<semaphore_mem>>)
    %dma_wait3A_2251 = arith.constant 3200 : i32
    %dma_wait3A_2252 = tpu.memref_slice %arg9[%dma_wait3A_2251] : memref<6400xf32, #tpu.memory_space<vmem>> -> memref<3200xf32, #tpu.memory_space<vmem>>
    %dma_wait3A_2253 = tpu.memref_slice %arg10[%add3A_2244] : memref<1280128xf32, #tpu.memory_space<vmem_shared>> -> memref<3200xf32, #tpu.memory_space<vmem_shared>>
    %dma_wait3A_2254 = arith.constant 3200 : i32
    %dma_wait3A_2255 = tpu.memref_slice %arg9[%dma_wait3A_2254] : memref<6400xf32, #tpu.memory_space<vmem>> -> memref<3200xf32, #tpu.memory_space<vmem>>
    %dma_wait3A_2256 = tpu.memref_slice %arg10[%add3A_2244] : memref<1280128xf32, #tpu.memory_space<vmem_shared>> -> memref<3200xf32, #tpu.memory_space<vmem_shared>>
    tpu.wait_dma2 semaphore(%arg11 : memref<!tpu.dma_semaphore, #tpu.memory_space<semaphore_mem>>) src(%dma_wait3A_2256 : memref<3200xf32, #tpu.memory_space<vmem_shared>>) dst(%dma_wait3A_2255 : memref<3200xf32, #tpu.memory_space<vmem>>)
    %add3A_2257 = arith.constant 54400 : i32
    %add3A_2258 = arith.addi %add3A_1736, %add3A_2257 : i32
    %dma_start3A_2259 = arith.constant 3200 : i32
    %dma_start3A_2260 = tpu.memref_slice %arg9[%dma_start3A_2259] : memref<6400xf32, #tpu.memory_space<vmem>> -> memref<3200xf32, #tpu.memory_space<vmem>>
    %dma_start3A_2261 = tpu.memref_slice %arg4[%add3A_2258] : memref<5120000xf32, #tpu.memory_space<hbm>> -> memref<3200xf32, #tpu.memory_space<hbm>>
    %dma_start3A_2262 = tpu.memref_slice %arg4[%add3A_2258] : memref<5120000xf32, #tpu.memory_space<hbm>> -> memref<3200xf32, #tpu.memory_space<hbm>>
    %dma_start3A_2263 = arith.constant 3200 : i32
    %dma_start3A_2264 = tpu.memref_slice %arg9[%dma_start3A_2263] : memref<6400xf32, #tpu.memory_space<vmem>> -> memref<3200xf32, #tpu.memory_space<vmem>>
    tpu.enqueue_dma source(%dma_start3A_2264 : memref<3200xf32, #tpu.memory_space<vmem>>) target(%dma_start3A_2262 : memref<3200xf32, #tpu.memory_space<hbm>>) target_semaphore(%arg12 : memref<!tpu.dma_semaphore, #tpu.memory_space<semaphore_mem>>)
    %dma_wait3A_2265 = arith.constant 0 : i32
    %dma_wait3A_2266 = tpu.memref_slice %arg9[%dma_wait3A_2265] : memref<6400xf32, #tpu.memory_space<vmem>> -> memref<3200xf32, #tpu.memory_space<vmem>>
    %dma_wait3A_2267 = tpu.memref_slice %arg4[%add3A_2228] : memref<5120000xf32, #tpu.memory_space<hbm>> -> memref<3200xf32, #tpu.memory_space<hbm>>
    %dma_wait3A_2268 = tpu.memref_slice %arg4[%add3A_2228] : memref<5120000xf32, #tpu.memory_space<hbm>> -> memref<3200xf32, #tpu.memory_space<hbm>>
    %dma_wait3A_2269 = arith.constant 0 : i32
    %dma_wait3A_2270 = tpu.memref_slice %arg9[%dma_wait3A_2269] : memref<6400xf32, #tpu.memory_space<vmem>> -> memref<3200xf32, #tpu.memory_space<vmem>>
    tpu.wait_dma2 semaphore(%arg12 : memref<!tpu.dma_semaphore, #tpu.memory_space<semaphore_mem>>) src(%dma_wait3A_2270 : memref<3200xf32, #tpu.memory_space<vmem>>) dst(%dma_wait3A_2268 : memref<3200xf32, #tpu.memory_space<hbm>>)
    %mul3A_2271 = arith.constant 80000 : i32
    %mul3A_2272 = arith.muli %arg1, %mul3A_2271 : i32
    %add3A_2273 = arith.constant 57600 : i32
    %add3A_2274 = arith.addi %mul3A_2272, %add3A_2273 : i32
    %dma_start3A_2275 = arith.constant 0 : i32
    %dma_start3A_2276 = tpu.memref_slice %arg9[%dma_start3A_2275] : memref<6400xf32, #tpu.memory_space<vmem>> -> memref<3200xf32, #tpu.memory_space<vmem>>
    %dma_start3A_2277 = tpu.memref_slice %arg10[%add3A_2274] : memref<1280128xf32, #tpu.memory_space<vmem_shared>> -> memref<3200xf32, #tpu.memory_space<vmem_shared>>
    %dma_start3A_2278 = arith.constant 0 : i32
    %dma_start3A_2279 = tpu.memref_slice %arg9[%dma_start3A_2278] : memref<6400xf32, #tpu.memory_space<vmem>> -> memref<3200xf32, #tpu.memory_space<vmem>>
    %dma_start3A_2280 = tpu.memref_slice %arg10[%add3A_2274] : memref<1280128xf32, #tpu.memory_space<vmem_shared>> -> memref<3200xf32, #tpu.memory_space<vmem_shared>>
    tpu.enqueue_dma source(%dma_start3A_2280 : memref<3200xf32, #tpu.memory_space<vmem_shared>>) target(%dma_start3A_2279 : memref<3200xf32, #tpu.memory_space<vmem>>) target_semaphore(%arg11 : memref<!tpu.dma_semaphore, #tpu.memory_space<semaphore_mem>>)
    %dma_wait3A_2281 = arith.constant 0 : i32
    %dma_wait3A_2282 = tpu.memref_slice %arg9[%dma_wait3A_2281] : memref<6400xf32, #tpu.memory_space<vmem>> -> memref<3200xf32, #tpu.memory_space<vmem>>
    %dma_wait3A_2283 = tpu.memref_slice %arg10[%add3A_2274] : memref<1280128xf32, #tpu.memory_space<vmem_shared>> -> memref<3200xf32, #tpu.memory_space<vmem_shared>>
    %dma_wait3A_2284 = arith.constant 0 : i32
    %dma_wait3A_2285 = tpu.memref_slice %arg9[%dma_wait3A_2284] : memref<6400xf32, #tpu.memory_space<vmem>> -> memref<3200xf32, #tpu.memory_space<vmem>>
    %dma_wait3A_2286 = tpu.memref_slice %arg10[%add3A_2274] : memref<1280128xf32, #tpu.memory_space<vmem_shared>> -> memref<3200xf32, #tpu.memory_space<vmem_shared>>
    tpu.wait_dma2 semaphore(%arg11 : memref<!tpu.dma_semaphore, #tpu.memory_space<semaphore_mem>>) src(%dma_wait3A_2286 : memref<3200xf32, #tpu.memory_space<vmem_shared>>) dst(%dma_wait3A_2285 : memref<3200xf32, #tpu.memory_space<vmem>>)
    %add3A_2287 = arith.constant 57600 : i32
    %add3A_2288 = arith.addi %add3A_1736, %add3A_2287 : i32
    %dma_start3A_2289 = arith.constant 0 : i32
    %dma_start3A_2290 = tpu.memref_slice %arg9[%dma_start3A_2289] : memref<6400xf32, #tpu.memory_space<vmem>> -> memref<3200xf32, #tpu.memory_space<vmem>>
    %dma_start3A_2291 = tpu.memref_slice %arg4[%add3A_2288] : memref<5120000xf32, #tpu.memory_space<hbm>> -> memref<3200xf32, #tpu.memory_space<hbm>>
    %dma_start3A_2292 = tpu.memref_slice %arg4[%add3A_2288] : memref<5120000xf32, #tpu.memory_space<hbm>> -> memref<3200xf32, #tpu.memory_space<hbm>>
    %dma_start3A_2293 = arith.constant 0 : i32
    %dma_start3A_2294 = tpu.memref_slice %arg9[%dma_start3A_2293] : memref<6400xf32, #tpu.memory_space<vmem>> -> memref<3200xf32, #tpu.memory_space<vmem>>
    tpu.enqueue_dma source(%dma_start3A_2294 : memref<3200xf32, #tpu.memory_space<vmem>>) target(%dma_start3A_2292 : memref<3200xf32, #tpu.memory_space<hbm>>) target_semaphore(%arg12 : memref<!tpu.dma_semaphore, #tpu.memory_space<semaphore_mem>>)
    %dma_wait3A_2295 = arith.constant 3200 : i32
    %dma_wait3A_2296 = tpu.memref_slice %arg9[%dma_wait3A_2295] : memref<6400xf32, #tpu.memory_space<vmem>> -> memref<3200xf32, #tpu.memory_space<vmem>>
    %dma_wait3A_2297 = tpu.memref_slice %arg4[%add3A_2258] : memref<5120000xf32, #tpu.memory_space<hbm>> -> memref<3200xf32, #tpu.memory_space<hbm>>
    %dma_wait3A_2298 = tpu.memref_slice %arg4[%add3A_2258] : memref<5120000xf32, #tpu.memory_space<hbm>> -> memref<3200xf32, #tpu.memory_space<hbm>>
    %dma_wait3A_2299 = arith.constant 3200 : i32
    %dma_wait3A_2300 = tpu.memref_slice %arg9[%dma_wait3A_2299] : memref<6400xf32, #tpu.memory_space<vmem>> -> memref<3200xf32, #tpu.memory_space<vmem>>
    tpu.wait_dma2 semaphore(%arg12 : memref<!tpu.dma_semaphore, #tpu.memory_space<semaphore_mem>>) src(%dma_wait3A_2300 : memref<3200xf32, #tpu.memory_space<vmem>>) dst(%dma_wait3A_2298 : memref<3200xf32, #tpu.memory_space<hbm>>)
    %mul3A_2301 = arith.constant 80000 : i32
    %mul3A_2302 = arith.muli %arg1, %mul3A_2301 : i32
    %add3A_2303 = arith.constant 60800 : i32
    %add3A_2304 = arith.addi %mul3A_2302, %add3A_2303 : i32
    %dma_start3A_2305 = arith.constant 3200 : i32
    %dma_start3A_2306 = tpu.memref_slice %arg9[%dma_start3A_2305] : memref<6400xf32, #tpu.memory_space<vmem>> -> memref<3200xf32, #tpu.memory_space<vmem>>
    %dma_start3A_2307 = tpu.memref_slice %arg10[%add3A_2304] : memref<1280128xf32, #tpu.memory_space<vmem_shared>> -> memref<3200xf32, #tpu.memory_space<vmem_shared>>
    %dma_start3A_2308 = arith.constant 3200 : i32
    %dma_start3A_2309 = tpu.memref_slice %arg9[%dma_start3A_2308] : memref<6400xf32, #tpu.memory_space<vmem>> -> memref<3200xf32, #tpu.memory_space<vmem>>
    %dma_start3A_2310 = tpu.memref_slice %arg10[%add3A_2304] : memref<1280128xf32, #tpu.memory_space<vmem_shared>> -> memref<3200xf32, #tpu.memory_space<vmem_shared>>
    tpu.enqueue_dma source(%dma_start3A_2310 : memref<3200xf32, #tpu.memory_space<vmem_shared>>) target(%dma_start3A_2309 : memref<3200xf32, #tpu.memory_space<vmem>>) target_semaphore(%arg11 : memref<!tpu.dma_semaphore, #tpu.memory_space<semaphore_mem>>)
    %dma_wait3A_2311 = arith.constant 3200 : i32
    %dma_wait3A_2312 = tpu.memref_slice %arg9[%dma_wait3A_2311] : memref<6400xf32, #tpu.memory_space<vmem>> -> memref<3200xf32, #tpu.memory_space<vmem>>
    %dma_wait3A_2313 = tpu.memref_slice %arg10[%add3A_2304] : memref<1280128xf32, #tpu.memory_space<vmem_shared>> -> memref<3200xf32, #tpu.memory_space<vmem_shared>>
    %dma_wait3A_2314 = arith.constant 3200 : i32
    %dma_wait3A_2315 = tpu.memref_slice %arg9[%dma_wait3A_2314] : memref<6400xf32, #tpu.memory_space<vmem>> -> memref<3200xf32, #tpu.memory_space<vmem>>
    %dma_wait3A_2316 = tpu.memref_slice %arg10[%add3A_2304] : memref<1280128xf32, #tpu.memory_space<vmem_shared>> -> memref<3200xf32, #tpu.memory_space<vmem_shared>>
    tpu.wait_dma2 semaphore(%arg11 : memref<!tpu.dma_semaphore, #tpu.memory_space<semaphore_mem>>) src(%dma_wait3A_2316 : memref<3200xf32, #tpu.memory_space<vmem_shared>>) dst(%dma_wait3A_2315 : memref<3200xf32, #tpu.memory_space<vmem>>)
    %add3A_2317 = arith.constant 60800 : i32
    %add3A_2318 = arith.addi %add3A_1736, %add3A_2317 : i32
    %dma_start3A_2319 = arith.constant 3200 : i32
    %dma_start3A_2320 = tpu.memref_slice %arg9[%dma_start3A_2319] : memref<6400xf32, #tpu.memory_space<vmem>> -> memref<3200xf32, #tpu.memory_space<vmem>>
    %dma_start3A_2321 = tpu.memref_slice %arg4[%add3A_2318] : memref<5120000xf32, #tpu.memory_space<hbm>> -> memref<3200xf32, #tpu.memory_space<hbm>>
    %dma_start3A_2322 = tpu.memref_slice %arg4[%add3A_2318] : memref<5120000xf32, #tpu.memory_space<hbm>> -> memref<3200xf32, #tpu.memory_space<hbm>>
    %dma_start3A_2323 = arith.constant 3200 : i32
    %dma_start3A_2324 = tpu.memref_slice %arg9[%dma_start3A_2323] : memref<6400xf32, #tpu.memory_space<vmem>> -> memref<3200xf32, #tpu.memory_space<vmem>>
    tpu.enqueue_dma source(%dma_start3A_2324 : memref<3200xf32, #tpu.memory_space<vmem>>) target(%dma_start3A_2322 : memref<3200xf32, #tpu.memory_space<hbm>>) target_semaphore(%arg12 : memref<!tpu.dma_semaphore, #tpu.memory_space<semaphore_mem>>)
    %dma_wait3A_2325 = arith.constant 0 : i32
    %dma_wait3A_2326 = tpu.memref_slice %arg9[%dma_wait3A_2325] : memref<6400xf32, #tpu.memory_space<vmem>> -> memref<3200xf32, #tpu.memory_space<vmem>>
    %dma_wait3A_2327 = tpu.memref_slice %arg4[%add3A_2288] : memref<5120000xf32, #tpu.memory_space<hbm>> -> memref<3200xf32, #tpu.memory_space<hbm>>
    %dma_wait3A_2328 = tpu.memref_slice %arg4[%add3A_2288] : memref<5120000xf32, #tpu.memory_space<hbm>> -> memref<3200xf32, #tpu.memory_space<hbm>>
    %dma_wait3A_2329 = arith.constant 0 : i32
    %dma_wait3A_2330 = tpu.memref_slice %arg9[%dma_wait3A_2329] : memref<6400xf32, #tpu.memory_space<vmem>> -> memref<3200xf32, #tpu.memory_space<vmem>>
    tpu.wait_dma2 semaphore(%arg12 : memref<!tpu.dma_semaphore, #tpu.memory_space<semaphore_mem>>) src(%dma_wait3A_2330 : memref<3200xf32, #tpu.memory_space<vmem>>) dst(%dma_wait3A_2328 : memref<3200xf32, #tpu.memory_space<hbm>>)
    %mul3A_2331 = arith.constant 80000 : i32
    %mul3A_2332 = arith.muli %arg1, %mul3A_2331 : i32
    %add3A_2333 = arith.constant 64000 : i32
    %add3A_2334 = arith.addi %mul3A_2332, %add3A_2333 : i32
    %dma_start3A_2335 = arith.constant 0 : i32
    %dma_start3A_2336 = tpu.memref_slice %arg9[%dma_start3A_2335] : memref<6400xf32, #tpu.memory_space<vmem>> -> memref<3200xf32, #tpu.memory_space<vmem>>
    %dma_start3A_2337 = tpu.memref_slice %arg10[%add3A_2334] : memref<1280128xf32, #tpu.memory_space<vmem_shared>> -> memref<3200xf32, #tpu.memory_space<vmem_shared>>
    %dma_start3A_2338 = arith.constant 0 : i32
    %dma_start3A_2339 = tpu.memref_slice %arg9[%dma_start3A_2338] : memref<6400xf32, #tpu.memory_space<vmem>> -> memref<3200xf32, #tpu.memory_space<vmem>>
    %dma_start3A_2340 = tpu.memref_slice %arg10[%add3A_2334] : memref<1280128xf32, #tpu.memory_space<vmem_shared>> -> memref<3200xf32, #tpu.memory_space<vmem_shared>>
    tpu.enqueue_dma source(%dma_start3A_2340 : memref<3200xf32, #tpu.memory_space<vmem_shared>>) target(%dma_start3A_2339 : memref<3200xf32, #tpu.memory_space<vmem>>) target_semaphore(%arg11 : memref<!tpu.dma_semaphore, #tpu.memory_space<semaphore_mem>>)
    %dma_wait3A_2341 = arith.constant 0 : i32
    %dma_wait3A_2342 = tpu.memref_slice %arg9[%dma_wait3A_2341] : memref<6400xf32, #tpu.memory_space<vmem>> -> memref<3200xf32, #tpu.memory_space<vmem>>
    %dma_wait3A_2343 = tpu.memref_slice %arg10[%add3A_2334] : memref<1280128xf32, #tpu.memory_space<vmem_shared>> -> memref<3200xf32, #tpu.memory_space<vmem_shared>>
    %dma_wait3A_2344 = arith.constant 0 : i32
    %dma_wait3A_2345 = tpu.memref_slice %arg9[%dma_wait3A_2344] : memref<6400xf32, #tpu.memory_space<vmem>> -> memref<3200xf32, #tpu.memory_space<vmem>>
    %dma_wait3A_2346 = tpu.memref_slice %arg10[%add3A_2334] : memref<1280128xf32, #tpu.memory_space<vmem_shared>> -> memref<3200xf32, #tpu.memory_space<vmem_shared>>
    tpu.wait_dma2 semaphore(%arg11 : memref<!tpu.dma_semaphore, #tpu.memory_space<semaphore_mem>>) src(%dma_wait3A_2346 : memref<3200xf32, #tpu.memory_space<vmem_shared>>) dst(%dma_wait3A_2345 : memref<3200xf32, #tpu.memory_space<vmem>>)
    %add3A_2347 = arith.constant 64000 : i32
    %add3A_2348 = arith.addi %add3A_1736, %add3A_2347 : i32
    %dma_start3A_2349 = arith.constant 0 : i32
    %dma_start3A_2350 = tpu.memref_slice %arg9[%dma_start3A_2349] : memref<6400xf32, #tpu.memory_space<vmem>> -> memref<3200xf32, #tpu.memory_space<vmem>>
    %dma_start3A_2351 = tpu.memref_slice %arg4[%add3A_2348] : memref<5120000xf32, #tpu.memory_space<hbm>> -> memref<3200xf32, #tpu.memory_space<hbm>>
    %dma_start3A_2352 = tpu.memref_slice %arg4[%add3A_2348] : memref<5120000xf32, #tpu.memory_space<hbm>> -> memref<3200xf32, #tpu.memory_space<hbm>>
    %dma_start3A_2353 = arith.constant 0 : i32
    %dma_start3A_2354 = tpu.memref_slice %arg9[%dma_start3A_2353] : memref<6400xf32, #tpu.memory_space<vmem>> -> memref<3200xf32, #tpu.memory_space<vmem>>
    tpu.enqueue_dma source(%dma_start3A_2354 : memref<3200xf32, #tpu.memory_space<vmem>>) target(%dma_start3A_2352 : memref<3200xf32, #tpu.memory_space<hbm>>) target_semaphore(%arg12 : memref<!tpu.dma_semaphore, #tpu.memory_space<semaphore_mem>>)
    %dma_wait3A_2355 = arith.constant 3200 : i32
    %dma_wait3A_2356 = tpu.memref_slice %arg9[%dma_wait3A_2355] : memref<6400xf32, #tpu.memory_space<vmem>> -> memref<3200xf32, #tpu.memory_space<vmem>>
    %dma_wait3A_2357 = tpu.memref_slice %arg4[%add3A_2318] : memref<5120000xf32, #tpu.memory_space<hbm>> -> memref<3200xf32, #tpu.memory_space<hbm>>
    %dma_wait3A_2358 = tpu.memref_slice %arg4[%add3A_2318] : memref<5120000xf32, #tpu.memory_space<hbm>> -> memref<3200xf32, #tpu.memory_space<hbm>>
    %dma_wait3A_2359 = arith.constant 3200 : i32
    %dma_wait3A_2360 = tpu.memref_slice %arg9[%dma_wait3A_2359] : memref<6400xf32, #tpu.memory_space<vmem>> -> memref<3200xf32, #tpu.memory_space<vmem>>
    tpu.wait_dma2 semaphore(%arg12 : memref<!tpu.dma_semaphore, #tpu.memory_space<semaphore_mem>>) src(%dma_wait3A_2360 : memref<3200xf32, #tpu.memory_space<vmem>>) dst(%dma_wait3A_2358 : memref<3200xf32, #tpu.memory_space<hbm>>)
    %mul3A_2361 = arith.constant 80000 : i32
    %mul3A_2362 = arith.muli %arg1, %mul3A_2361 : i32
    %add3A_2363 = arith.constant 67200 : i32
    %add3A_2364 = arith.addi %mul3A_2362, %add3A_2363 : i32
    %dma_start3A_2365 = arith.constant 3200 : i32
    %dma_start3A_2366 = tpu.memref_slice %arg9[%dma_start3A_2365] : memref<6400xf32, #tpu.memory_space<vmem>> -> memref<3200xf32, #tpu.memory_space<vmem>>
    %dma_start3A_2367 = tpu.memref_slice %arg10[%add3A_2364] : memref<1280128xf32, #tpu.memory_space<vmem_shared>> -> memref<3200xf32, #tpu.memory_space<vmem_shared>>
    %dma_start3A_2368 = arith.constant 3200 : i32
    %dma_start3A_2369 = tpu.memref_slice %arg9[%dma_start3A_2368] : memref<6400xf32, #tpu.memory_space<vmem>> -> memref<3200xf32, #tpu.memory_space<vmem>>
    %dma_start3A_2370 = tpu.memref_slice %arg10[%add3A_2364] : memref<1280128xf32, #tpu.memory_space<vmem_shared>> -> memref<3200xf32, #tpu.memory_space<vmem_shared>>
    tpu.enqueue_dma source(%dma_start3A_2370 : memref<3200xf32, #tpu.memory_space<vmem_shared>>) target(%dma_start3A_2369 : memref<3200xf32, #tpu.memory_space<vmem>>) target_semaphore(%arg11 : memref<!tpu.dma_semaphore, #tpu.memory_space<semaphore_mem>>)
    %dma_wait3A_2371 = arith.constant 3200 : i32
    %dma_wait3A_2372 = tpu.memref_slice %arg9[%dma_wait3A_2371] : memref<6400xf32, #tpu.memory_space<vmem>> -> memref<3200xf32, #tpu.memory_space<vmem>>
    %dma_wait3A_2373 = tpu.memref_slice %arg10[%add3A_2364] : memref<1280128xf32, #tpu.memory_space<vmem_shared>> -> memref<3200xf32, #tpu.memory_space<vmem_shared>>
    %dma_wait3A_2374 = arith.constant 3200 : i32
    %dma_wait3A_2375 = tpu.memref_slice %arg9[%dma_wait3A_2374] : memref<6400xf32, #tpu.memory_space<vmem>> -> memref<3200xf32, #tpu.memory_space<vmem>>
    %dma_wait3A_2376 = tpu.memref_slice %arg10[%add3A_2364] : memref<1280128xf32, #tpu.memory_space<vmem_shared>> -> memref<3200xf32, #tpu.memory_space<vmem_shared>>
    tpu.wait_dma2 semaphore(%arg11 : memref<!tpu.dma_semaphore, #tpu.memory_space<semaphore_mem>>) src(%dma_wait3A_2376 : memref<3200xf32, #tpu.memory_space<vmem_shared>>) dst(%dma_wait3A_2375 : memref<3200xf32, #tpu.memory_space<vmem>>)
    %add3A_2377 = arith.constant 67200 : i32
    %add3A_2378 = arith.addi %add3A_1736, %add3A_2377 : i32
    %dma_start3A_2379 = arith.constant 3200 : i32
    %dma_start3A_2380 = tpu.memref_slice %arg9[%dma_start3A_2379] : memref<6400xf32, #tpu.memory_space<vmem>> -> memref<3200xf32, #tpu.memory_space<vmem>>
    %dma_start3A_2381 = tpu.memref_slice %arg4[%add3A_2378] : memref<5120000xf32, #tpu.memory_space<hbm>> -> memref<3200xf32, #tpu.memory_space<hbm>>
    %dma_start3A_2382 = tpu.memref_slice %arg4[%add3A_2378] : memref<5120000xf32, #tpu.memory_space<hbm>> -> memref<3200xf32, #tpu.memory_space<hbm>>
    %dma_start3A_2383 = arith.constant 3200 : i32
    %dma_start3A_2384 = tpu.memref_slice %arg9[%dma_start3A_2383] : memref<6400xf32, #tpu.memory_space<vmem>> -> memref<3200xf32, #tpu.memory_space<vmem>>
    tpu.enqueue_dma source(%dma_start3A_2384 : memref<3200xf32, #tpu.memory_space<vmem>>) target(%dma_start3A_2382 : memref<3200xf32, #tpu.memory_space<hbm>>) target_semaphore(%arg12 : memref<!tpu.dma_semaphore, #tpu.memory_space<semaphore_mem>>)
    %dma_wait3A_2385 = arith.constant 0 : i32
    %dma_wait3A_2386 = tpu.memref_slice %arg9[%dma_wait3A_2385] : memref<6400xf32, #tpu.memory_space<vmem>> -> memref<3200xf32, #tpu.memory_space<vmem>>
    %dma_wait3A_2387 = tpu.memref_slice %arg4[%add3A_2348] : memref<5120000xf32, #tpu.memory_space<hbm>> -> memref<3200xf32, #tpu.memory_space<hbm>>
    %dma_wait3A_2388 = tpu.memref_slice %arg4[%add3A_2348] : memref<5120000xf32, #tpu.memory_space<hbm>> -> memref<3200xf32, #tpu.memory_space<hbm>>
    %dma_wait3A_2389 = arith.constant 0 : i32
    %dma_wait3A_2390 = tpu.memref_slice %arg9[%dma_wait3A_2389] : memref<6400xf32, #tpu.memory_space<vmem>> -> memref<3200xf32, #tpu.memory_space<vmem>>
    tpu.wait_dma2 semaphore(%arg12 : memref<!tpu.dma_semaphore, #tpu.memory_space<semaphore_mem>>) src(%dma_wait3A_2390 : memref<3200xf32, #tpu.memory_space<vmem>>) dst(%dma_wait3A_2388 : memref<3200xf32, #tpu.memory_space<hbm>>)
    %mul3A_2391 = arith.constant 80000 : i32
    %mul3A_2392 = arith.muli %arg1, %mul3A_2391 : i32
    %add3A_2393 = arith.constant 70400 : i32
    %add3A_2394 = arith.addi %mul3A_2392, %add3A_2393 : i32
    %dma_start3A_2395 = arith.constant 0 : i32
    %dma_start3A_2396 = tpu.memref_slice %arg9[%dma_start3A_2395] : memref<6400xf32, #tpu.memory_space<vmem>> -> memref<3200xf32, #tpu.memory_space<vmem>>
    %dma_start3A_2397 = tpu.memref_slice %arg10[%add3A_2394] : memref<1280128xf32, #tpu.memory_space<vmem_shared>> -> memref<3200xf32, #tpu.memory_space<vmem_shared>>
    %dma_start3A_2398 = arith.constant 0 : i32
    %dma_start3A_2399 = tpu.memref_slice %arg9[%dma_start3A_2398] : memref<6400xf32, #tpu.memory_space<vmem>> -> memref<3200xf32, #tpu.memory_space<vmem>>
    %dma_start3A_2400 = tpu.memref_slice %arg10[%add3A_2394] : memref<1280128xf32, #tpu.memory_space<vmem_shared>> -> memref<3200xf32, #tpu.memory_space<vmem_shared>>
    tpu.enqueue_dma source(%dma_start3A_2400 : memref<3200xf32, #tpu.memory_space<vmem_shared>>) target(%dma_start3A_2399 : memref<3200xf32, #tpu.memory_space<vmem>>) target_semaphore(%arg11 : memref<!tpu.dma_semaphore, #tpu.memory_space<semaphore_mem>>)
    %dma_wait3A_2401 = arith.constant 0 : i32
    %dma_wait3A_2402 = tpu.memref_slice %arg9[%dma_wait3A_2401] : memref<6400xf32, #tpu.memory_space<vmem>> -> memref<3200xf32, #tpu.memory_space<vmem>>
    %dma_wait3A_2403 = tpu.memref_slice %arg10[%add3A_2394] : memref<1280128xf32, #tpu.memory_space<vmem_shared>> -> memref<3200xf32, #tpu.memory_space<vmem_shared>>
    %dma_wait3A_2404 = arith.constant 0 : i32
    %dma_wait3A_2405 = tpu.memref_slice %arg9[%dma_wait3A_2404] : memref<6400xf32, #tpu.memory_space<vmem>> -> memref<3200xf32, #tpu.memory_space<vmem>>
    %dma_wait3A_2406 = tpu.memref_slice %arg10[%add3A_2394] : memref<1280128xf32, #tpu.memory_space<vmem_shared>> -> memref<3200xf32, #tpu.memory_space<vmem_shared>>
    tpu.wait_dma2 semaphore(%arg11 : memref<!tpu.dma_semaphore, #tpu.memory_space<semaphore_mem>>) src(%dma_wait3A_2406 : memref<3200xf32, #tpu.memory_space<vmem_shared>>) dst(%dma_wait3A_2405 : memref<3200xf32, #tpu.memory_space<vmem>>)
    %add3A_2407 = arith.constant 70400 : i32
    %add3A_2408 = arith.addi %add3A_1736, %add3A_2407 : i32
    %dma_start3A_2409 = arith.constant 0 : i32
    %dma_start3A_2410 = tpu.memref_slice %arg9[%dma_start3A_2409] : memref<6400xf32, #tpu.memory_space<vmem>> -> memref<3200xf32, #tpu.memory_space<vmem>>
    %dma_start3A_2411 = tpu.memref_slice %arg4[%add3A_2408] : memref<5120000xf32, #tpu.memory_space<hbm>> -> memref<3200xf32, #tpu.memory_space<hbm>>
    %dma_start3A_2412 = tpu.memref_slice %arg4[%add3A_2408] : memref<5120000xf32, #tpu.memory_space<hbm>> -> memref<3200xf32, #tpu.memory_space<hbm>>
    %dma_start3A_2413 = arith.constant 0 : i32
    %dma_start3A_2414 = tpu.memref_slice %arg9[%dma_start3A_2413] : memref<6400xf32, #tpu.memory_space<vmem>> -> memref<3200xf32, #tpu.memory_space<vmem>>
    tpu.enqueue_dma source(%dma_start3A_2414 : memref<3200xf32, #tpu.memory_space<vmem>>) target(%dma_start3A_2412 : memref<3200xf32, #tpu.memory_space<hbm>>) target_semaphore(%arg12 : memref<!tpu.dma_semaphore, #tpu.memory_space<semaphore_mem>>)
    %dma_wait3A_2415 = arith.constant 3200 : i32
    %dma_wait3A_2416 = tpu.memref_slice %arg9[%dma_wait3A_2415] : memref<6400xf32, #tpu.memory_space<vmem>> -> memref<3200xf32, #tpu.memory_space<vmem>>
    %dma_wait3A_2417 = tpu.memref_slice %arg4[%add3A_2378] : memref<5120000xf32, #tpu.memory_space<hbm>> -> memref<3200xf32, #tpu.memory_space<hbm>>
    %dma_wait3A_2418 = tpu.memref_slice %arg4[%add3A_2378] : memref<5120000xf32, #tpu.memory_space<hbm>> -> memref<3200xf32, #tpu.memory_space<hbm>>
    %dma_wait3A_2419 = arith.constant 3200 : i32
    %dma_wait3A_2420 = tpu.memref_slice %arg9[%dma_wait3A_2419] : memref<6400xf32, #tpu.memory_space<vmem>> -> memref<3200xf32, #tpu.memory_space<vmem>>
    tpu.wait_dma2 semaphore(%arg12 : memref<!tpu.dma_semaphore, #tpu.memory_space<semaphore_mem>>) src(%dma_wait3A_2420 : memref<3200xf32, #tpu.memory_space<vmem>>) dst(%dma_wait3A_2418 : memref<3200xf32, #tpu.memory_space<hbm>>)
    %mul3A_2421 = arith.constant 80000 : i32
    %mul3A_2422 = arith.muli %arg1, %mul3A_2421 : i32
    %add3A_2423 = arith.constant 73600 : i32
    %add3A_2424 = arith.addi %mul3A_2422, %add3A_2423 : i32
    %dma_start3A_2425 = arith.constant 3200 : i32
    %dma_start3A_2426 = tpu.memref_slice %arg9[%dma_start3A_2425] : memref<6400xf32, #tpu.memory_space<vmem>> -> memref<3200xf32, #tpu.memory_space<vmem>>
    %dma_start3A_2427 = tpu.memref_slice %arg10[%add3A_2424] : memref<1280128xf32, #tpu.memory_space<vmem_shared>> -> memref<3200xf32, #tpu.memory_space<vmem_shared>>
    %dma_start3A_2428 = arith.constant 3200 : i32
    %dma_start3A_2429 = tpu.memref_slice %arg9[%dma_start3A_2428] : memref<6400xf32, #tpu.memory_space<vmem>> -> memref<3200xf32, #tpu.memory_space<vmem>>
    %dma_start3A_2430 = tpu.memref_slice %arg10[%add3A_2424] : memref<1280128xf32, #tpu.memory_space<vmem_shared>> -> memref<3200xf32, #tpu.memory_space<vmem_shared>>
    tpu.enqueue_dma source(%dma_start3A_2430 : memref<3200xf32, #tpu.memory_space<vmem_shared>>) target(%dma_start3A_2429 : memref<3200xf32, #tpu.memory_space<vmem>>) target_semaphore(%arg11 : memref<!tpu.dma_semaphore, #tpu.memory_space<semaphore_mem>>)
    %dma_wait3A_2431 = arith.constant 3200 : i32
    %dma_wait3A_2432 = tpu.memref_slice %arg9[%dma_wait3A_2431] : memref<6400xf32, #tpu.memory_space<vmem>> -> memref<3200xf32, #tpu.memory_space<vmem>>
    %dma_wait3A_2433 = tpu.memref_slice %arg10[%add3A_2424] : memref<1280128xf32, #tpu.memory_space<vmem_shared>> -> memref<3200xf32, #tpu.memory_space<vmem_shared>>
    %dma_wait3A_2434 = arith.constant 3200 : i32
    %dma_wait3A_2435 = tpu.memref_slice %arg9[%dma_wait3A_2434] : memref<6400xf32, #tpu.memory_space<vmem>> -> memref<3200xf32, #tpu.memory_space<vmem>>
    %dma_wait3A_2436 = tpu.memref_slice %arg10[%add3A_2424] : memref<1280128xf32, #tpu.memory_space<vmem_shared>> -> memref<3200xf32, #tpu.memory_space<vmem_shared>>
    tpu.wait_dma2 semaphore(%arg11 : memref<!tpu.dma_semaphore, #tpu.memory_space<semaphore_mem>>) src(%dma_wait3A_2436 : memref<3200xf32, #tpu.memory_space<vmem_shared>>) dst(%dma_wait3A_2435 : memref<3200xf32, #tpu.memory_space<vmem>>)
    %add3A_2437 = arith.constant 73600 : i32
    %add3A_2438 = arith.addi %add3A_1736, %add3A_2437 : i32
    %dma_start3A_2439 = arith.constant 3200 : i32
    %dma_start3A_2440 = tpu.memref_slice %arg9[%dma_start3A_2439] : memref<6400xf32, #tpu.memory_space<vmem>> -> memref<3200xf32, #tpu.memory_space<vmem>>
    %dma_start3A_2441 = tpu.memref_slice %arg4[%add3A_2438] : memref<5120000xf32, #tpu.memory_space<hbm>> -> memref<3200xf32, #tpu.memory_space<hbm>>
    %dma_start3A_2442 = tpu.memref_slice %arg4[%add3A_2438] : memref<5120000xf32, #tpu.memory_space<hbm>> -> memref<3200xf32, #tpu.memory_space<hbm>>
    %dma_start3A_2443 = arith.constant 3200 : i32
    %dma_start3A_2444 = tpu.memref_slice %arg9[%dma_start3A_2443] : memref<6400xf32, #tpu.memory_space<vmem>> -> memref<3200xf32, #tpu.memory_space<vmem>>
    tpu.enqueue_dma source(%dma_start3A_2444 : memref<3200xf32, #tpu.memory_space<vmem>>) target(%dma_start3A_2442 : memref<3200xf32, #tpu.memory_space<hbm>>) target_semaphore(%arg12 : memref<!tpu.dma_semaphore, #tpu.memory_space<semaphore_mem>>)
    %dma_wait3A_2445 = arith.constant 0 : i32
    %dma_wait3A_2446 = tpu.memref_slice %arg9[%dma_wait3A_2445] : memref<6400xf32, #tpu.memory_space<vmem>> -> memref<3200xf32, #tpu.memory_space<vmem>>
    %dma_wait3A_2447 = tpu.memref_slice %arg4[%add3A_2408] : memref<5120000xf32, #tpu.memory_space<hbm>> -> memref<3200xf32, #tpu.memory_space<hbm>>
    %dma_wait3A_2448 = tpu.memref_slice %arg4[%add3A_2408] : memref<5120000xf32, #tpu.memory_space<hbm>> -> memref<3200xf32, #tpu.memory_space<hbm>>
    %dma_wait3A_2449 = arith.constant 0 : i32
    %dma_wait3A_2450 = tpu.memref_slice %arg9[%dma_wait3A_2449] : memref<6400xf32, #tpu.memory_space<vmem>> -> memref<3200xf32, #tpu.memory_space<vmem>>
    tpu.wait_dma2 semaphore(%arg12 : memref<!tpu.dma_semaphore, #tpu.memory_space<semaphore_mem>>) src(%dma_wait3A_2450 : memref<3200xf32, #tpu.memory_space<vmem>>) dst(%dma_wait3A_2448 : memref<3200xf32, #tpu.memory_space<hbm>>)
    %mul3A_2451 = arith.constant 80000 : i32
    %mul3A_2452 = arith.muli %arg1, %mul3A_2451 : i32
    %add3A_2453 = arith.constant 76800 : i32
    %add3A_2454 = arith.addi %mul3A_2452, %add3A_2453 : i32
    %dma_start3A_2455 = arith.constant 0 : i32
    %dma_start3A_2456 = tpu.memref_slice %arg9[%dma_start3A_2455] : memref<6400xf32, #tpu.memory_space<vmem>> -> memref<3200xf32, #tpu.memory_space<vmem>>
    %dma_start3A_2457 = tpu.memref_slice %arg10[%add3A_2454] : memref<1280128xf32, #tpu.memory_space<vmem_shared>> -> memref<3200xf32, #tpu.memory_space<vmem_shared>>
    %dma_start3A_2458 = arith.constant 0 : i32
    %dma_start3A_2459 = tpu.memref_slice %arg9[%dma_start3A_2458] : memref<6400xf32, #tpu.memory_space<vmem>> -> memref<3200xf32, #tpu.memory_space<vmem>>
    %dma_start3A_2460 = tpu.memref_slice %arg10[%add3A_2454] : memref<1280128xf32, #tpu.memory_space<vmem_shared>> -> memref<3200xf32, #tpu.memory_space<vmem_shared>>
    tpu.enqueue_dma source(%dma_start3A_2460 : memref<3200xf32, #tpu.memory_space<vmem_shared>>) target(%dma_start3A_2459 : memref<3200xf32, #tpu.memory_space<vmem>>) target_semaphore(%arg11 : memref<!tpu.dma_semaphore, #tpu.memory_space<semaphore_mem>>)
    %dma_wait3A_2461 = arith.constant 0 : i32
    %dma_wait3A_2462 = tpu.memref_slice %arg9[%dma_wait3A_2461] : memref<6400xf32, #tpu.memory_space<vmem>> -> memref<3200xf32, #tpu.memory_space<vmem>>
    %dma_wait3A_2463 = tpu.memref_slice %arg10[%add3A_2454] : memref<1280128xf32, #tpu.memory_space<vmem_shared>> -> memref<3200xf32, #tpu.memory_space<vmem_shared>>
    %dma_wait3A_2464 = arith.constant 0 : i32
    %dma_wait3A_2465 = tpu.memref_slice %arg9[%dma_wait3A_2464] : memref<6400xf32, #tpu.memory_space<vmem>> -> memref<3200xf32, #tpu.memory_space<vmem>>
    %dma_wait3A_2466 = tpu.memref_slice %arg10[%add3A_2454] : memref<1280128xf32, #tpu.memory_space<vmem_shared>> -> memref<3200xf32, #tpu.memory_space<vmem_shared>>
    tpu.wait_dma2 semaphore(%arg11 : memref<!tpu.dma_semaphore, #tpu.memory_space<semaphore_mem>>) src(%dma_wait3A_2466 : memref<3200xf32, #tpu.memory_space<vmem_shared>>) dst(%dma_wait3A_2465 : memref<3200xf32, #tpu.memory_space<vmem>>)
    %add3A_2467 = arith.constant 76800 : i32
    %add3A_2468 = arith.addi %add3A_1736, %add3A_2467 : i32
    %dma_start3A_2469 = arith.constant 0 : i32
    %dma_start3A_2470 = tpu.memref_slice %arg9[%dma_start3A_2469] : memref<6400xf32, #tpu.memory_space<vmem>> -> memref<3200xf32, #tpu.memory_space<vmem>>
    %dma_start3A_2471 = tpu.memref_slice %arg4[%add3A_2468] : memref<5120000xf32, #tpu.memory_space<hbm>> -> memref<3200xf32, #tpu.memory_space<hbm>>
    %dma_start3A_2472 = tpu.memref_slice %arg4[%add3A_2468] : memref<5120000xf32, #tpu.memory_space<hbm>> -> memref<3200xf32, #tpu.memory_space<hbm>>
    %dma_start3A_2473 = arith.constant 0 : i32
    %dma_start3A_2474 = tpu.memref_slice %arg9[%dma_start3A_2473] : memref<6400xf32, #tpu.memory_space<vmem>> -> memref<3200xf32, #tpu.memory_space<vmem>>
    tpu.enqueue_dma source(%dma_start3A_2474 : memref<3200xf32, #tpu.memory_space<vmem>>) target(%dma_start3A_2472 : memref<3200xf32, #tpu.memory_space<hbm>>) target_semaphore(%arg12 : memref<!tpu.dma_semaphore, #tpu.memory_space<semaphore_mem>>)
    %dma_wait3A_2475 = arith.constant 0 : i32
    %dma_wait3A_2476 = tpu.memref_slice %arg9[%dma_wait3A_2475] : memref<6400xf32, #tpu.memory_space<vmem>> -> memref<3200xf32, #tpu.memory_space<vmem>>
    %dma_wait3A_2477 = tpu.memref_slice %arg4[%add3A_2468] : memref<5120000xf32, #tpu.memory_space<hbm>> -> memref<3200xf32, #tpu.memory_space<hbm>>
    %dma_wait3A_2478 = tpu.memref_slice %arg4[%add3A_2468] : memref<5120000xf32, #tpu.memory_space<hbm>> -> memref<3200xf32, #tpu.memory_space<hbm>>
    %dma_wait3A_2479 = arith.constant 0 : i32
    %dma_wait3A_2480 = tpu.memref_slice %arg9[%dma_wait3A_2479] : memref<6400xf32, #tpu.memory_space<vmem>> -> memref<3200xf32, #tpu.memory_space<vmem>>
    tpu.wait_dma2 semaphore(%arg12 : memref<!tpu.dma_semaphore, #tpu.memory_space<semaphore_mem>>) src(%dma_wait3A_2480 : memref<3200xf32, #tpu.memory_space<vmem>>) dst(%dma_wait3A_2478 : memref<3200xf32, #tpu.memory_space<hbm>>)
    %dma_wait3A_2481 = arith.constant 3200 : i32
    %dma_wait3A_2482 = tpu.memref_slice %arg9[%dma_wait3A_2481] : memref<6400xf32, #tpu.memory_space<vmem>> -> memref<3200xf32, #tpu.memory_space<vmem>>
    %dma_wait3A_2483 = tpu.memref_slice %arg4[%add3A_2438] : memref<5120000xf32, #tpu.memory_space<hbm>> -> memref<3200xf32, #tpu.memory_space<hbm>>
    %dma_wait3A_2484 = tpu.memref_slice %arg4[%add3A_2438] : memref<5120000xf32, #tpu.memory_space<hbm>> -> memref<3200xf32, #tpu.memory_space<hbm>>
    %dma_wait3A_2485 = arith.constant 3200 : i32
    %dma_wait3A_2486 = tpu.memref_slice %arg9[%dma_wait3A_2485] : memref<6400xf32, #tpu.memory_space<vmem>> -> memref<3200xf32, #tpu.memory_space<vmem>>
    tpu.wait_dma2 semaphore(%arg12 : memref<!tpu.dma_semaphore, #tpu.memory_space<semaphore_mem>>) src(%dma_wait3A_2486 : memref<3200xf32, #tpu.memory_space<vmem>>) dst(%dma_wait3A_2484 : memref<3200xf32, #tpu.memory_space<hbm>>)
    %barrier3A_2487 = arith.constant 0 : index
    tpu.barrier barrier_id(%barrier3A_2487)
    return
  }
}

module attributes {stable_mosaic.version = 14 : i64} {
  func.func @_dense_body(%arg0: i32, %arg1: memref<2000x512xf32, #tpu.memory_space<vmem>>, %arg2: memref<2000x512xf32, #tpu.memory_space<vmem>>, %arg3: memref<500x128xf32, #tpu.memory_space<vmem>>, %arg4: memref<128x128xf32, #tpu.memory_space<vmem>>, %arg5: memref<2000x128xf32, #tpu.memory_space<vmem>>) attributes {dimension_semantics = [#tpu.dimension_semantics<arbitrary>], iteration_bounds = array<i64: 5>, scalar_prefetch = 0 : i64, scratch_operands = 0 : i64, tpu.core_type = #tpu.core_type<tc>, window_params = [{transform_indices = @transform_0, window_bounds = array<i64: 2000, 512>}, {transform_indices = @transform_1, window_bounds = array<i64: 2000, 512>}, {pipeline_mode = #tpu.pipeline_mode<synchronous>, transform_indices = @transform_2, window_bounds = array<i64: 500, 128>}, {pipeline_mode = #tpu.pipeline_mode<synchronous>, transform_indices = @transform_3, window_bounds = array<i64: 128, 128>}, {transform_indices = @transform_4, window_bounds = array<i64: 2000, 128>}]} {
    %get3A = arith.constant 0 : index
    %get3A_0 = arith.constant 0 : index
    %get3A_1 = vector.load %arg1[%get3A, %get3A_0] : memref<2000x512xf32, #tpu.memory_space<vmem>>, vector<2000x512xf32>
    %get3A_2 = arith.constant 0 : index
    %get3A_3 = arith.constant 0 : index
    %get3A_4 = vector.load %arg2[%get3A_2, %get3A_3] : memref<2000x512xf32, #tpu.memory_space<vmem>>, vector<2000x512xf32>
    %get3A_5 = arith.constant 0 : index
    %get3A_6 = arith.constant 0 : index
    %get3A_7 = vector.load %arg3[%get3A_5, %get3A_6] : memref<500x128xf32, #tpu.memory_space<vmem>>, vector<500x128xf32>
    %broadcast_in_dim3A = arith.constant 0.000000e+00 : f32
    %broadcast_in_dim3A_8 = vector.broadcast %broadcast_in_dim3A : f32 to vector<12x128xf32>
    %concatenate3A = tpu.concatenate %get3A_7, %broadcast_in_dim3A_8 in 0 : vector<500x128xf32>, vector<12x128xf32> -> vector<512x128xf32>
    %gt3A = arith.constant 0.000000e+00 : f32
    %gt3A_9 = vector.broadcast %gt3A : f32 to vector<2000x512xf32>
    %gt3A_10 = arith.cmpf ogt, %get3A_4, %gt3A_9 : vector<2000x512xf32>
    %jit3A = arith.constant 0xFF800000 : f32
    %broadcast_in_dim3A_11 = vector.broadcast %jit3A : f32 to vector<2000x512xf32>
    %select_n3A = arith.select %gt3A_10, %get3A_1, %broadcast_in_dim3A_11 : vector<2000x512xi1>, vector<2000x512xf32>
    %reduce_max3A = arith.constant dense<0xFF800000> : vector<2000xf32>
    %reduce_max3A_12 = vector.multi_reduction <maximumf>, %select_n3A, %reduce_max3A [1] : vector<2000x512xf32> to vector<2000xf32>
    %broadcast_in_dim3A_13 = vector.shape_cast %reduce_max3A_12 : vector<2000xf32> to vector<2000x1xf32>
    %sub3A = vector.broadcast %broadcast_in_dim3A_13 : vector<2000x1xf32> to vector<2000x512xf32>
    %sub3A_14 = arith.subf %get3A_1, %sub3A : vector<2000x512xf32>
    %jit3A_15 = arith.constant -3.000000e+01 : f32
    %broadcast_in_dim3A_16 = vector.broadcast %jit3A_15 : f32 to vector<2000x512xf32>
    %select_n3A_17 = arith.select %gt3A_10, %sub3A_14, %broadcast_in_dim3A_16 : vector<2000x512xi1>, vector<2000x512xf32>
    %exp3A = math.exp %select_n3A_17 : vector<2000x512xf32>
    %mul3A = arith.mulf %get3A_4, %exp3A : vector<2000x512xf32>
    %reduce_sum3A = arith.constant dense<0.000000e+00> : vector<2000xf32>
    %reduce_sum3A_18 = vector.multi_reduction <add>, %mul3A, %reduce_sum3A [1] : vector<2000x512xf32> to vector<2000xf32>
    %broadcast_in_dim3A_19 = vector.shape_cast %reduce_sum3A_18 : vector<2000xf32> to vector<2000x1xf32>
    %gt3A_20 = arith.constant 0.000000e+00 : f32
    %gt3A_21 = vector.broadcast %gt3A_20 : f32 to vector<2000x1xf32>
    %gt3A_22 = arith.cmpf ogt, %broadcast_in_dim3A_19, %gt3A_21 : vector<2000x1xf32>
    %div3A = vector.broadcast %broadcast_in_dim3A_19 : vector<2000x1xf32> to vector<2000x512xf32>
    %div3A_23 = arith.divf %mul3A, %div3A : vector<2000x512xf32>
    %jit3A_24 = arith.constant 0.000000e+00 : f32
    %broadcast_in_dim3A_25 = vector.shape_cast %gt3A_22 : vector<2000x1xi1> to vector<2000x1xi1>
    %broadcast_in_dim3A_26 = vector.broadcast %broadcast_in_dim3A_25 : vector<2000x1xi1> to vector<2000x512xi1>
    %broadcast_in_dim3A_27 = vector.broadcast %jit3A_24 : f32 to vector<2000x512xf32>
    %select_n3A_28 = arith.select %broadcast_in_dim3A_26, %div3A_23, %broadcast_in_dim3A_27 : vector<2000x512xi1>, vector<2000x512xf32>
    %dot_general3A = arith.constant dense<0.000000e+00> : vector<2000x128xf32>
    %dot_general3A_29 = tpu.matmul %select_n3A_28, %concatenate3A, %dot_general3A {dimension_numbers = #tpu.dot_dimension_numbers<[1], [0], [0], [1], [0, 0, 1, 1], [], []>, transpose_lhs_hint = false} : vector<2000x512xf32>, vector<512x128xf32>, vector<2000x128xf32> -> vector<2000x128xf32>
    %get3A_30 = arith.constant 0 : index
    %get3A_31 = arith.constant 0 : index
    %get3A_32 = vector.load %arg4[%get3A_30, %get3A_31] : memref<128x128xf32, #tpu.memory_space<vmem>>, vector<128x128xf32>
    %dot_general3A_33 = arith.constant dense<0.000000e+00> : vector<2000x128xf32>
    %dot_general3A_34 = tpu.matmul %dot_general3A_29, %get3A_32, %dot_general3A_33 {dimension_numbers = #tpu.dot_dimension_numbers<[1], [0], [0], [1], [0, 0, 1, 1], [], []>, transpose_lhs_hint = false} : vector<2000x128xf32>, vector<128x128xf32>, vector<2000x128xf32> -> vector<2000x128xf32>
    %tanh3A = math.tanh %dot_general3A_34 : vector<2000x128xf32>
    %swap3A = arith.constant 0 : index
    %swap3A_35 = arith.constant 0 : index
    %swap3A_36 = vector.load %arg5[%swap3A, %swap3A_35] : memref<2000x128xf32, #tpu.memory_space<vmem>>, vector<2000x128xf32>
    tpu.vector_store %arg5[%swap3A, %swap3A_35], %tanh3A {strides = array<i32>} : memref<2000x128xf32, #tpu.memory_space<vmem>>, vector<2000x128xf32>,
    return
  }
  func.func @transform_0(%arg0: i32) -> (i32, i32) {
    %c0_i32 = arith.constant 0 : i32
    %c0_i32_0 = arith.constant 0 : i32
    return %arg0, %c0_i32 : i32, i32
  }
  func.func @transform_1(%arg0: i32) -> (i32, i32) {
    %c0_i32 = arith.constant 0 : i32
    %c0_i32_0 = arith.constant 0 : i32
    return %arg0, %c0_i32 : i32, i32
  }
  func.func @transform_2(%arg0: i32) -> (i32, i32) {
    %c0_i32 = arith.constant 0 : i32
    %c0_i32_0 = arith.constant 0 : i32
    %c0_i32_1 = arith.constant 0 : i32
    return %c0_i32, %c0_i32_0 : i32, i32
  }
  func.func @transform_3(%arg0: i32) -> (i32, i32) {
    %c0_i32 = arith.constant 0 : i32
    %c0_i32_0 = arith.constant 0 : i32
    %c0_i32_1 = arith.constant 0 : i32
    return %c0_i32, %c0_i32_0 : i32, i32
  }
  func.func @transform_4(%arg0: i32) -> (i32, i32) {
    %c0_i32 = arith.constant 0 : i32
    %c0_i32_0 = arith.constant 0 : i32
    return %arg0, %c0_i32 : i32, i32
  }
}

module attributes {stable_mosaic.version = 14 : i64} {
  func.func @_logits_body(%arg0: i32, %arg1: memref<2000x128xf32, #tpu.memory_space<vmem>>, %arg2: memref<500x128xf32, #tpu.memory_space<vmem>>, %arg3: memref<2000x512xf32, #tpu.memory_space<vmem>>) attributes {dimension_semantics = [#tpu.dimension_semantics<arbitrary>], iteration_bounds = array<i64: 5>, scalar_prefetch = 0 : i64, scratch_operands = 0 : i64, tpu.core_type = #tpu.core_type<tc>, window_params = [{transform_indices = @transform_0, window_bounds = array<i64: 2000, 128>}, {pipeline_mode = #tpu.pipeline_mode<synchronous>, transform_indices = @transform_1, window_bounds = array<i64: 500, 128>}, {transform_indices = @transform_2, window_bounds = array<i64: 2000, 512>}]} {
    %get3A = arith.constant 0 : index
    %get3A_0 = arith.constant 0 : index
    %get3A_1 = vector.load %arg2[%get3A, %get3A_0] : memref<500x128xf32, #tpu.memory_space<vmem>>, vector<500x128xf32>
    %broadcast_in_dim3A = arith.constant 0.000000e+00 : f32
    %broadcast_in_dim3A_2 = vector.broadcast %broadcast_in_dim3A : f32 to vector<12x128xf32>
    %concatenate3A = tpu.concatenate %get3A_1, %broadcast_in_dim3A_2 in 0 : vector<500x128xf32>, vector<12x128xf32> -> vector<512x128xf32>
    %get3A_3 = arith.constant 0 : index
    %get3A_4 = arith.constant 0 : index
    %get3A_5 = vector.load %arg1[%get3A_3, %get3A_4] : memref<2000x128xf32, #tpu.memory_space<vmem>>, vector<2000x128xf32>
    %dot_general3A = arith.constant dense<0.000000e+00> : vector<2000x512xf32>
    %dot_general3A_6 = tpu.matmul %get3A_5, %concatenate3A, %dot_general3A {dimension_numbers = #tpu.dot_dimension_numbers<[1], [1], [0], [0], [0, 0, 1, 0], [], []>, precision = #tpu.contract_precision<fp32>, transpose_lhs_hint = false} : vector<2000x128xf32>, vector<512x128xf32>, vector<2000x512xf32> -> vector<2000x512xf32>
    %swap3A = arith.constant 0 : index
    %swap3A_7 = arith.constant 0 : index
    %swap3A_8 = vector.load %arg3[%swap3A, %swap3A_7] : memref<2000x512xf32, #tpu.memory_space<vmem>>, vector<2000x512xf32>
    tpu.vector_store %arg3[%swap3A, %swap3A_7], %dot_general3A_6 {strides = array<i32>} : memref<2000x512xf32, #tpu.memory_space<vmem>>, vector<2000x512xf32>,
    return
  }
  func.func @transform_0(%arg0: i32) -> (i32, i32) {
    %c0_i32 = arith.constant 0 : i32
    %c0_i32_0 = arith.constant 0 : i32
    return %arg0, %c0_i32 : i32, i32
  }
  func.func @transform_1(%arg0: i32) -> (i32, i32) {
    %c0_i32 = arith.constant 0 : i32
    %c0_i32_0 = arith.constant 0 : i32
    %c0_i32_1 = arith.constant 0 : i32
    return %c0_i32, %c0_i32_0 : i32, i32
  }
  func.func @transform_2(%arg0: i32) -> (i32, i32) {
    %c0_i32 = arith.constant 0 : i32
    %c0_i32_0 = arith.constant 0 : i32
    return %arg0, %c0_i32 : i32, i32
  }
}

</mosaic_0001>

<sc_bundles>
// kernel: kernel.5.cloned.1.call-start
scs
__scs_entry_jumppad:
0x0: {  	(pc) =	sbr.rel $0x88, $3  }
0x1: {  	(tag) =	ssettag $0x0;
	lr =	simm.s32 $0x1  }
0x2: {  	[smem:$0x3F9C] =	sst lr;
	_ =	strace $0xD0000000  }
0x3: {  	_ = 	snop  }
0x4: {  	_ = 	snop  }
0x5: {  	_ = 	snop  }
0x6: {  	_ = 	snop  }
0x7: {  	_ = 	snop  }
__scs_overlays_trampoline_lowered:
0x8: {  	[smem:$0x3FAB] =	sst s0  }
0x9: {  	[smem:$0x3FAC] =	sst s1  }
0xa: {  	[smem:$0x3FAD] =	sst s2  }
0xb: {  	[smem:$0x3FAE] =	sst s3  }
0xc: {  	[smem:$0x3FAF] =	sst s4  }
0xd: {  	[smem:$0x3FB0] =	sst s5  }
0xe: {  	[smem:$0x3FB1] =	sst s6  }
0xf: {  	[smem:$0x3FB2] =	sst s7  }
0x10: {  	[smem:$0x3FB3] =	sst s8  }
0x11: {  	[smem:$0x3FB4] =	sst s9;
	s0 =	simm.s32 @!p0 $0x0  }
0x12: {  	s1 =	sld [smem:$0x3F9A];
	s0 =	simm.s32 @p0 $0x1  }
0x13: {  	[smem:$0x3FB5] =	sst s0;
	s0 =	simm.s32 @!p1 $0x0  }
0x14: {  	s2 =	sld [smem:$0x3F99];
	s0 =	simm.s32 @p1 $0x1  }
0x15: {  	[smem:$0x3FB6] =	sst s0;
	s0 =	simm.s32 @!p2 $0x0  }
0x16: {  	s3 =	sld [smem:$0x3FDB];
	s0 =	simm.s32 @p2 $0x1  }
0x17: {  	s4 =	simm.s32 $0x1BF5;
	[smem:$0x3FB8] =	sst s0  }
0x18: {  	s0 =	sld [smem:$0x3F9B];
	_ =	swait.ge [sflag:s4], $0x0  }
0x19: {  	s7 =	sld [smem:$0x3F9C]  }
0x1a: {  	s8 =	sadd.s32 $0xFFFFE003, lr  }
0x1b: {  	s9 =	sadd.s32 $0xFFFFFEF7, lr;
	s5 =	simm.s32 $0xFFFFFFFF;
	p2 =	slt.u32 s8, $0xFFFFF086  }
0x1c: {  	p1 =	slt.u32 s9, $0xF7A;
	s5 =	simm.s32 @!p2 $0x0  }
0x1d: {  	s5 =	simm.s32 @p1 $0x1;
	p0 =	seq.s32 s7, s2  }
0x1e: {  	s7 =	smul.u32 @!p0 $0xF7A, s2;
	p2 =	seq.s32 @!p0 s5, $0x0  }
0x1f: {  	s9 =	smul.u32 $0xF7A, s1;
	s8 =	simm.s32 @!p0 $0x1BF5;
	p2 =	por !p2, p0  }
0x20: {  	[sflag:s8] =	ssyncset.s32 @!p0 $0xFFFFF086;
	s6 =	sadd.s32 @!p0 s3, s7;
	s7 =	simm.s32 @!p0 $0x108  }
0x21: {  	s3 =	sadd.s32 s3, s9;
	s6 =	sadd.s32 @!p0 $0x88, s6;
	s7 =	simm.s32 @p2 $0x1082  }
0x22: {  	[simem:s7], [sflag:s8] =	dma.local @!p0 [hbm:s6], $0xF7A  }
0x23: {  	s9 =	sor.u32 $0xD0000000, s2;
	s6 =	simm.s32 $0x108;
	_ =	swait.ge @!p0 [sflag:s8], $0x0  }
0x24: {  	s3 =	sadd.s32 $0x88, s3;
	s6 =	simm.s32 @!p1 $0x1082;
	[sflag:s4] =	ssyncset.s32 $0xFFFFF086  }
0x25: {  	[simem:s6], [sflag:s4] =	dma.local [hbm:s3], $0xF7A  }
0x26: {  	[smem:$0x3F9C] =	sst s1;
	(tag) =	ssettag s2;
	_ =	strace s9  }
0x27: {  	s1 =	sld [smem:$0x3FAC]  }
0x28: {  	s2 =	sld [smem:$0x3FAD]  }
0x29: {  	s4 =	sld [smem:$0x3FAF]  }
0x2a: {  	p0 =	seq.s32 s5, $0x0;
	s5 =	sld [smem:$0x3FB0]  }
0x2b: {  	s6 =	sld [smem:$0x3FB1]  }
0x2c: {  	s7 =	sld [smem:$0x3FB2]  }
0x2d: {  	s3 =	simm.s32 $0x108;
	s8 =	sld [smem:$0x3FB3]  }
0x2e: {  	s3 =	simm.s32 @!p0 $0x1082;
	s9 =	sld [smem:$0x3FB4]  }
0x2f: {  	lr =	sadd.s32 s0, s3;
	s0 =	sld [smem:$0x3FAB]  }
0x30: {  	s3 =	sld [smem:$0x3FAE]  }
0x31: {  	[smem:$0x3FB7] =	sst s10  }
0x32: {  	s10 =	sld [smem:$0x3FB5];
	_ =	sdelay $0x3  }
0x33: {  	p0 =	seq.s32 s10, $0x1;
	s10 =	sld [smem:$0x3FB7];
	_ =	sdelay $0x3  }
0x34: {  	[smem:$0x3FB7] =	sst s10  }
0x35: {  	s10 =	sld [smem:$0x3FB6];
	_ =	sdelay $0x3  }
0x36: {  	p1 =	seq.s32 s10, $0x1;
	s10 =	sld [smem:$0x3FB7];
	_ =	sdelay $0x3  }
0x37: {  	[smem:$0x3FB7] =	sst s10  }
0x38: {  	s10 =	sld [smem:$0x3FB8]  }
0x39: {  	_ = 	snop;
	(pc) =	sbr.ind lr, $3  }
0x3a: {  	_ = 	snop  }
0x3b: {  	_ = 	snop  }
0x3c: {  	p2 =	seq.s32 s10, $0x1;
	s10 =	sld [smem:$0x3FB7]  }
0x3d: {  	_ =	shalt  }
0x3e: {  	_ =	shalt  }
0x3f: {  	_ =	shalt  }
0x40: {  	_ =	shalt  }
0x41: {  	_ =	shalt  }
0x42: {  	_ =	shalt  }
0x43: {  	_ =	shalt  }
0x44: {  	_ =	shalt  }
0x45: {  	_ =	shalt  }
0x46: {  	_ =	shalt  }
0x47: {  	_ =	shalt  }
0x48: {  	_ =	shalt  }
0x49: {  	_ =	shalt  }
0x4a: {  	_ =	shalt  }
0x4b: {  	_ =	shalt  }
0x4c: {  	_ =	shalt  }
0x4d: {  	_ =	shalt  }
0x4e: {  	_ =	shalt  }
0x4f: {  	_ =	shalt  }
0x50: {  	_ =	shalt  }
0x51: {  	_ =	shalt  }
0x52: {  	_ =	shalt  }
0x53: {  	_ =	shalt  }
0x54: {  	_ =	shalt  }
0x55: {  	_ =	shalt  }
0x56: {  	_ =	shalt  }
0x57: {  	_ =	shalt  }
0x58: {  	_ =	shalt  }
0x59: {  	_ =	shalt  }
0x5a: {  	_ =	shalt  }
0x5b: {  	_ =	shalt  }
0x5c: {  	_ =	shalt  }
0x5d: {  	_ =	shalt  }
0x5e: {  	_ =	shalt  }
0x5f: {  	_ =	shalt  }
0x60: {  	_ =	shalt  }
0x61: {  	_ =	shalt  }
0x62: {  	_ =	shalt  }
0x63: {  	_ =	shalt  }
0x64: {  	_ =	shalt  }
0x65: {  	_ =	shalt  }
0x66: {  	_ =	shalt  }
0x67: {  	_ =	shalt  }
0x68: {  	_ =	shalt  }
0x69: {  	_ =	shalt  }
0x6a: {  	_ =	shalt  }
0x6b: {  	_ =	shalt  }
0x6c: {  	_ =	shalt  }
0x6d: {  	_ =	shalt  }
0x6e: {  	_ =	shalt  }
0x6f: {  	_ =	shalt  }
0x70: {  	_ =	shalt  }
0x71: {  	_ =	shalt  }
0x72: {  	_ =	shalt  }
0x73: {  	_ =	shalt  }
0x74: {  	_ =	shalt  }
0x75: {  	_ =	shalt  }
0x76: {  	_ =	shalt  }
0x77: {  	_ =	shalt  }
0x78: {  	_ =	shalt  }
0x79: {  	_ =	shalt  }
0x7a: {  	_ =	shalt  }
0x7b: {  	_ =	shalt  }
0x7c: {  	_ =	shalt  }
0x7d: {  	_ =	shalt  }
0x7e: {  	_ =	shalt  }
0x7f: {  	_ =	shalt  }
0x80: {  	_ =	shalt  }
0x81: {  	_ =	shalt  }
0x82: {  	_ =	shalt  }
0x83: {  	_ =	shalt  }
0x84: {  	_ =	shalt  }
0x85: {  	_ =	shalt  }
0x86: {  	_ =	shalt  }
0x87: {  	_ =	shalt  }
.Lfunc_end0:
.L_simem_size_0:
called_computation_lowered:
.L_overlay_start_0:
0x88: {  	s2 =	sld [smem:$0x3FD9]  }
0x89: {  	s3 =	sld [smem:$0x3FFE];
	_ =	sdelay $0x1  }
0x8a: {  	s1 =	srdreg.scid  }
0x8b: {  	s0 =	sand.u32 $0x1, s1  }
0x8c: {  	s17 =	sshll.u32 s0, $0xA;
	s2 =	sadd.s32 s3, s2  }
0x8d: {  	s2 =	sadd.s32 s2, s17  }
0x8e: {  	[smem:$0x3FC3] =	sst s2  }
0x8f: {  	_ = 	snop  }
0x90: {  	s2 =	sld [smem:$0x3FC5]  }
0x91: {  	s18 =	sld [smem:$0x3FD0];
	(tm) =	ssettm $0x1  }
0x92: {  	s4 =	sld [smem:$0x3FFB];
	_ =	sdelay $0x3  }
0x93: {  	_ =	strace s4  }
0x94: {  	s4 =	sld [smem:$0x3FFC];
	_ =	sdelay $0x3  }
0x95: {  	_ =	strace s4  }
0x96: {  	s4 =	sld [smem:$0x3FFD];
	_ =	sdelay $0x3  }
0x97: {  	_ =	strace s4  }
0x98: {  	_ =	strace $0x8FFFFFFF  }
0x99: {  	s19 =	sld [smem:$0x3FDB];
	_ =	sdelay $0x1  }
0x9a: {  	s5 =	simm.s32 $_scs_section_size  }
0x9b: {  	s6 =	simm.s32 $_size__tile_overlayer_lowered;
	s7 =	simm.s32 $_tile_overlayer_lowered  }
0x9c: {  	s22 =	simm.s32 $0x1BFF;
	s21 =	sshll.u32 s7, $0x1;
	s4 =	sadd.s32 s5, s19  }
0x9d: {  	s8 =	simm.s32 $0x0;
	s20 =	sshll.u32 s6, $0x1;
	s6 =	sadd.s32 s21, s4  }
0x9e: {  	[timem:s8], [sflag:s22] =	dma.local [hbm:s6], s20  }
0x9f: {  	_ =	swait.ge [sflag:s22], s20  }
0xa0: {  	s5 =	ssub.s32 $0x0, s20;
	[sflag:s22] =	ssyncset.done $0x0  }
0xa1: {  	[sflag:s22] =	ssyncadd.s32 s5;
	_ =	sdelay $0x1  }
0xa2: {  	s23 =	simm.s32 $0x1B8B  }
0xa3: {  	_ =	swait.ge [sflag:s23], $0x1  }
0xa4: {  	[sflag:s23] =	ssyncset.done $0x0  }
0xa5: {  	s25 =	simm.s32 $0x1B8E;
	s24 =	sld [smem:$0x3FFE];
	[sflag:s23] =	ssyncadd.s32 $0xFFFFFFFF  }
0xa6: {  	s26 =	simm.s32 $execute0_lowered;
	[smem:$0x3FD2] =	sst s25  }
0xa7: {  	s6 =	sshll.u32 s26, $0x1;
	_ =	strace $0x80000046;
	[dreg:$0x1] =	wrdreg $0xFFFFFFFF  }
0xa8: {  	s28 =	simm.s32 $_size_execute0_lowered;
	s4 =	sadd.s32 s4, s6;
	[dreg:$0x0] =	wrdreg $0x0  }
0xa9: {  	s6 =	sshll.u32 s28, $0x1;
	[dreg:$0x2] =	wrdreg s4  }
0xaa: {  	[dreg:$0x3] =	wrdreg s6  }
0xab: {  	[dreg:$0x4] =	wrdreg $0xC0  }
0xac: {  	_ =	task [dreg:s8], $0x5FFFF  }
0xad: {  	[dreg:$0x1] =	wrdreg $0xFFFFFFFF  }
0xae: {  	[dreg:$0x0] =	wrdreg $0x60  }
0xaf: {  	[dreg:$0x2] =	wrdreg s18  }
0xb0: {  	[dreg:$0x3] =	wrdreg s2  }
0xb1: {  	[dreg:$0x4] =	wrdreg s24  }
0xb2: {  	[dreg:$0x5] =	wrdreg $0x70800  }
0xb3: {  	[dreg:$0x6] =	wrdreg $0x9  }
0xb4: {  	_ =	task.clear_ibuf [dreg:s8], $0x7FFFF;
	_ =	strace $0x90000046  }
0xb5: {  	s29 =	simm.s32 $0x9;
	_ =	strace $0x80000048  }
0xb6: {  	_ =	swait.ge [sflag:s29], $0x1  }
0xb7: {  	[sflag:s29] =	ssyncadd.s32 $0xFFFFFFFF  }
0xb8: {  	_ =	strace $0x90000048  }
0xb9: {  	_ =	sfence  }
0xba: {  	s30 =	sld [smem:$0x0];
	_ =	sdelay $0x2  }
0xbb: {  	s31 =	sshll.u32 s1, $0xD;
	s1 =	sshrl.u32 s1, $0x2  }
0xbc: {  	s3 =	sand.u32 $0x4000, s31;
	s1 =	sadd.s32 s1, s30  }
0xbd: {  	s0 =	sor.u32 s3, s0;
	s1 =	sshll.u32 s1, $0x11  }
0xbe: {  	s0 =	sor.u32 s1, s0  }
0xbf: {  	s0 =	sadd.s32 $0x8F2B, s0  }
0xc0: {  	[sflag:s0] =	ssyncadd.remote.s32 $0x1  }
0xc1: {  	_ =	sfence.sel $0xFFFF  }
0xc2: {  	[dreg:$0x0] =	wrdreg $0xFFFFFFFF;
	(pc) =	sbr.abs _section_cstart, $3  }
0xc3: {  	[dreg:$0x1] =	wrdreg $0xFFFFFFFF  }
0xc4: {  	_ =	task.clear_ibuf [dreg:s8], $0x2FFFF;
	_ =	strace $0x9FFFFFFF  }
0xc5: {  	(tm) =	ssettm $0x7FFFFFFF  }
tec
execute0_lowered:
.L_overlay_start_1:
0x0: {  	(tag) =	ssettag $0x1  }
0x1: {  	s0 =	rddreg [dreg:$0x0];
	s9 =	stileid.u32  }
0x2: {  	s1 =	rddreg [dreg:$0x1];
	s6 =	smul.u32 $0x4E20, s9  }
0x3: {  	s4 =	rddreg [dreg:$0x2];
	s3 =	simm.s32 $0x0  }
0x4: {  	[smem:$0x7FF] =	sst s3;
	s24 =	smul.u32 $0x13880, s9;
	s6 =	sshrl.u32 s6, $0x3  }
0x5: {  	s2 =	rddreg [dreg:$0x3];
	_ =	strace $0x80000047;
	s0 =	sadd.s32 s0, s6  }
0x6: {  	s15 =	sadd.s32 s24, s2;
	s1 =	sadd.s32 s1, s6;
	[dreg:$0x5] =	wrdreg s0  }
0x7: {  	s28 =	sadd.s32 $0xC80, s15;
	[dreg:$0x6] =	wrdreg s1  }
0x8: {  	s29 =	sadd.s32 $0x1900, s15;
	[dreg:$0x10] =	wrdreg s28  }
0x9: {  	s9 =	sadd.s32 $0x3200, s15;
	[dreg:$0x11] =	wrdreg s29  }
0xa: {  	s10 =	sadd.s32 $0x3E80, s15;
	[dreg:$0x13] =	wrdreg s9  }
0xb: {  	s12 =	sadd.s32 $0x4B00, s15;
	[dreg:$0x16] =	wrdreg s10  }
0xc: {  	s13 =	sadd.s32 $0x5780, s15;
	[dreg:$0x18] =	wrdreg s12  }
0xd: {  	s14 =	sadd.s32 $0x6400, s15;
	[dreg:$0x19] =	wrdreg s13  }
0xe: {  	s19 =	sadd.s32 $0xFA, s1;
	[dreg:$0x1a] =	wrdreg s14  }
0xf: {  	s20 =	sadd.s32 $0x1F4, s1;
	[dreg:$0x7] =	wrdreg s19  }
0x10: {  	s5 =	srdreg.scid;
	s21 =	sadd.s32 $0x2EE, s1;
	[dreg:$0x8] =	wrdreg s20  }
0x11: {  	s5 =	sand.u32 $0x1, s5;
	s22 =	sadd.s32 $0x3E8, s1;
	[dreg:$0x9] =	wrdreg s21  }
0x12: {  	s4 =	sadd.s32 $0xE00, s4;
	s23 =	sadd.s32 $0x4E2, s1;
	[dreg:$0xa] =	wrdreg s22  }
0x13: {  	s7 =	ssub.s32 $0x2, s5;
	s6 =	sadd.s32 $0x5DC, s1;
	[dreg:$0xb] =	wrdreg s23  }
0x14: {  	s5 =	smul.u32 $0x271000, s5;
	s25 =	sadd.s32 $0x6D6, s1;
	[dreg:$0xc] =	wrdreg s6  }
0x15: {  	s8 =	sshrl.u32 s7, $0x1;
	s26 =	sadd.s32 $0x7D0, s1;
	[dreg:$0xd] =	wrdreg s25  }
0x16: {  	s7 =	ssub.s32 s7, s8;
	s1 =	sadd.s32 $0x8CA, s1;
	[dreg:$0xe] =	wrdreg s26  }
0x17: {  	s16 =	sadd.s32 $0x138800, s5;
	s11 =	smax.u32 s7, $0x1;
	[dreg:$0xf] =	wrdreg s1  }
0x18: {  	s8 =	sadd.s32 s24, s5;
	s6 =	sadd.s32 $0x2580, s15;
	[dreg:$0x17] =	wrdreg s11  }
0x19: {  	s0 =	sadd.s32 s24, s16;
	s19 =	sadd.s32 $0x7080, s15;
	[dreg:$0x12] =	wrdreg s6  }
0x1a: {  	s1 =	sshrl.u32 s8, $0x3;
	s20 =	sadd.s32 $0x7D00, s15;
	[dreg:$0x1b] =	wrdreg s19  }
0x1b: {  	s0 =	sshrl.u32 s0, $0x3;
	s17 =	sadd.s32 s4, s1;
	[dreg:$0x1c] =	wrdreg s20  }
0x1c: {  	s18 =	sadd.s32 s4, s0;
	[dreg:$0x14] =	wrdreg s17  }
0x1d: {  	s19 =	sadd.s32 $0x190, s17;
	[dreg:$0x15] =	wrdreg s18  }
0x1e: {  	s21 =	sadd.s32 $0x320, s17;
	[dreg:$0x1d] =	wrdreg s19  }
0x1f: {  	s22 =	sadd.s32 $0x4B0, s17;
	[dreg:$0x1e] =	wrdreg s21  }
0x20: {  	s23 =	sadd.s32 $0x640, s17;
	[dreg:$0x1f] =	wrdreg s22  }
0x21: {  	s24 =	sadd.s32 $0x7D0, s17;
	[smem:$0x7D1] =	sst s23  }
0x22: {  	s25 =	sadd.s32 $0x960, s17;
	[smem:$0x7D2] =	sst s24  }
0x23: {  	s26 =	sadd.s32 $0xAF0, s17;
	[smem:$0x7D3] =	sst s25  }
0x24: {  	s28 =	sadd.s32 $0xC80, s17;
	[smem:$0x7D4] =	sst s26  }
0x25: {  	s29 =	sadd.s32 $0xE10, s17;
	[smem:$0x7D5] =	sst s28  }
0x26: {  	s20 =	sadd.s32 $0xFA0, s17;
	[smem:$0x7D6] =	sst s29  }
0x27: {  	[smem:$0x7D7] =	sst s20;
	s21 =	sadd.s32 $0x1130, s17  }
0x28: {  	s22 =	sadd.s32 $0x12C0, s17;
	[smem:$0x7D8] =	sst s21  }
0x29: {  	s23 =	sadd.s32 $0x1450, s17;
	[smem:$0x7D9] =	sst s22  }
0x2a: {  	s24 =	sadd.s32 $0x15E0, s17;
	[smem:$0x7DA] =	sst s23  }
0x2b: {  	s25 =	sadd.s32 $0x1770, s17;
	[smem:$0x7DB] =	sst s24  }
0x2c: {  	s26 =	sadd.s32 $0x1900, s17;
	[smem:$0x7DC] =	sst s25  }
0x2d: {  	s28 =	sadd.s32 $0x1A90, s17;
	[smem:$0x7DD] =	sst s26  }
0x2e: {  	s29 =	sadd.s32 $0x1C20, s17;
	[smem:$0x7DE] =	sst s28  }
0x2f: {  	s20 =	sadd.s32 $0x1DB0, s17;
	[smem:$0x7DF] =	sst s29  }
0x30: {  	s19 =	sadd.s32 $0x7D0, s18;
	[smem:$0x7E0] =	sst s20  }
0x31: {  	s21 =	sadd.s32 $0x1F40, s17;
	[smem:$0x7EA] =	sst s19  }
0x32: {  	s22 =	sadd.s32 $0x20D0, s17;
	[smem:$0x7E1] =	sst s21  }
0x33: {  	s23 =	sadd.s32 $0x2260, s17;
	[smem:$0x7E2] =	sst s22  }
0x34: {  	s24 =	sadd.s32 $0x23F0, s17;
	[smem:$0x7E3] =	sst s23  }
0x35: {  	s17 =	sadd.s32 $0x2580, s17;
	[smem:$0x7E4] =	sst s24  }
0x36: {  	s25 =	sadd.s32 $0x190, s18;
	[smem:$0x7E5] =	sst s17  }
0x37: {  	s26 =	sadd.s32 $0x320, s18;
	[smem:$0x7E6] =	sst s25  }
0x38: {  	s28 =	sadd.s32 $0x4B0, s18;
	[smem:$0x7E7] =	sst s26  }
0x39: {  	s29 =	sadd.s32 $0x640, s18;
	[smem:$0x7E8] =	sst s28  }
0x3a: {  	s30 =	sadd.s32 $0x8980, s15;
	s20 =	sadd.s32 $0x960, s18;
	[smem:$0x7E9] =	sst s29  }
0x3b: {  	s31 =	sadd.s32 $0x9600, s15;
	s19 =	sadd.s32 $0x1770, s18;
	[smem:$0x7EB] =	sst s20  }
0x3c: {  	v1 =	vmov s5;
	s5 =	simm.s32 $0x4F00;
	s21 =	sadd.s32 $0xAF0, s18;
	[smem:$0x7F4] =	sst s19  }
0x3d: {  	s7 =	sadd.s32 $0xD480, s15;
	s22 =	sadd.s32 $0xC80, s18;
	[smem:$0x7EC] =	sst s21  }
0x3e: {  	s9 =	sadd.s32 $0xED80, s15;
	s23 =	sadd.s32 $0xE10, s18;
	[smem:$0x7ED] =	sst s22  }
0x3f: {  	s10 =	sadd.s32 $0xFA00, s15;
	s24 =	sadd.s32 $0xFA0, s18;
	[smem:$0x7EE] =	sst s23  }
0x40: {  	s12 =	sadd.s32 $0x11300, s15;
	s25 =	sadd.s32 $0x1130, s18;
	[smem:$0x7EF] =	sst s24  }
0x41: {  	s13 =	sadd.s32 $0x11F80, s15;
	s26 =	sadd.s32 $0x12C0, s18;
	[smem:$0x7F0] =	sst s25  }
0x42: {  	s14 =	sadd.s32 $0x12C00, s15;
	s28 =	sadd.s32 $0x1450, s18;
	[smem:$0x7F1] =	sst s26  }
0x43: {  	v4 =	vmov s16;
	s16 =	simm.s32 $0x1;
	s29 =	sadd.s32 $0x15E0, s18;
	[smem:$0x7F2] =	sst s28  }
0x44: {  	s8 =	sadd.s32 $0xE100, s15;
	s20 =	sadd.s32 $0x1900, s18;
	[smem:$0x7F3] =	sst s29  }
0x45: {  	s11 =	sadd.s32 $0x10680, s15;
	[smem:$0x7F5] =	sst s20;
	s21 =	sadd.s32 $0x1A90, s18  }
0x46: {  	s0 =	sadd.s32 $0xA280, s15;
	s22 =	sadd.s32 $0x1C20, s18;
	[smem:$0x7F6] =	sst s21  }
0x47: {  	s1 =	sadd.s32 $0xAF00, s15;
	s23 =	sadd.s32 $0x1DB0, s18;
	[smem:$0x7F7] =	sst s22  }
0x48: {  	s4 =	sadd.s32 $0xBB80, s15;
	s24 =	sadd.s32 $0x1F40, s18;
	[smem:$0x7F8] =	sst s23  }
0x49: {  	v12 =	vlaneseq.u32;
	s6 =	sadd.s32 $0xC800, s15;
	s25 =	sadd.s32 $0x20D0, s18;
	[smem:$0x7F9] =	sst s24  }
0x4a: {  	v0 =	vor.u32 $0x138800, v12;
	v2 =	vor.u32 $0x138810, v12;
	s17 =	simm.s32 $0x80;
	s26 =	sadd.s32 $0x2260, s18;
	[smem:$0x7FA] =	sst s25  }
0x4b: {  	v3 =	vor.u32 $0x138820, v12;
	s19 =	simm.s32 $0x5700;
	s28 =	sadd.s32 $0x23F0, s18;
	[smem:$0x7FB] =	sst s26  }
0x4c: {  	v5 =	vimm.s32 $0xFFFFFFFF;
	v6 =	vor.u32 $0x138830, v12;
	s29 =	sadd.s32 $0x2580, s18;
	s20 =	simm.s32 $0x5780;
	[smem:$0x7FC] =	sst s28  }
0x4d: {  	v7 =	vimm.f32 $1.000000000e+00;
	v8 =	vor.u32 $0x138840, v12;
	v9 =	vor.u32 $0x138850, v12;
	s18 =	simm.s32 $0x4E80;
	[smem:$0x7FD] =	sst s29;
	s23 =	simm.s32 $0x3  }
0x4e: {  	v10 =	vimm.f32 $0.0e+00;
	v11 =	vor.u32 $0x138860, v12;
	v12 =	vor.u32 $0x138870, v12;
	s21 =	simm.s32 $0x6400;
	s22 =	simm.s32 $0x2;
	s24 =	simm.s32 $0x0  }
.LBB2_1:
0x4f: {  	s25 =	rddreg [dreg:$0x5]  }
0x50: {  	[tilespmem:s3], [sflag:$0x3] =	stream.linear.gather [hbm4b:s25+s3], $0x4E20, $0x38;
	[tilespmem:$0x1A908] =	vst v63  }
0x51: {  	_ =	swait.ge [sflag:s23], $0x4E20  }
0x52: {  	[sflag:s23] =	ssyncset.done $0x0  }
0x53: {  	s29 =	rddreg [dreg:$0x6];
	[sflag:s23] =	ssyncadd.s32 $0xFFFFB1E0  }
0x54: {  	[tilespmem:s5], [sflag:$0x3] =	stream.linear.gather [hbm4b:s29+s3], $0x7D0, $0x38;
	[tilespmem:$0x1A908] =	vst v63  }
0x55: {  	_ =	swait.ge [sflag:s23], $0x7D0  }
0x56: {  	[sflag:s23] =	ssyncset.done $0x0  }
0x57: {  	s26 =	simm.s32 $0x40;
	s25 =	simm.s32 $0x0;
	[sflag:s23] =	ssyncadd.s32 $0xFFFFF830  }
.LBB2_2:
0x58: {  	p0 =	sne.s32 s26, $0x1F00;
	v13 =	vld [tilespmem:s25+$0x0]  }
0x59: {  	v14 =	vld [tilespmem:s25+$0x4F00];
	_ =	sdelay $0x1  }
.Ltmp0:
0x5a: {  	(pc) =	sbr.rel @p0 .LBB2_2-.Ltmp0, $4  }
0x5b: {  	_ = 	snop  }
0x5c: {  	v13 =	vshll.u32 v13, $0x9  }
0x5d: {  	v13 =	vadd.s32 v14, v13  }
0x5e: {  	[tilespmem:s25+$0x0] =	vst v13;
	s25 =	sshra.s32 s26, $0x2;
	s26 =	sadd.s32 $0x40, s26  }
0x5f: {  	v13 =	vld [tilespmem:s25+$0x0]  }
0x60: {  	v14 =	vld [tilespmem:s25+$0x4F00];
	_ =	sdelay $0x3  }
0x61: {  	v13 =	vshll.u32 v13, $0x9  }
0x62: {  	v13 =	vadd.s32 v14, v13  }
0x63: {  	s29 =	simm.s32 $0x0;
	s26 =	rddreg [dreg:$0x7];
	[tilespmem:s25+$0x0] =	vst v13  }
0x64: {  	[tilespmem:s5], [sflag:$0x3] =	stream.linear.gather [hbm4b:s26+s29], $0x7D0, $0x38;
	[tilespmem:$0x1A908] =	vst v63  }
0x65: {  	_ =	swait.ge [sflag:s23], $0x7D0  }
0x66: {  	[sflag:s23] =	ssyncset.done $0x0  }
0x67: {  	s25 =	simm.s32 $0x0;
	s26 =	simm.s32 $0x40;
	[sflag:s23] =	ssyncadd.s32 $0xFFFFF830  }
.LBB2_4:
0x68: {  	p0 =	sne.s32 s26, $0x1F00;
	v13 =	vld [tilespmem:s25+$0x7D0]  }
0x69: {  	v14 =	vld [tilespmem:s25+$0x4F00];
	_ =	sdelay $0x1  }
.Ltmp1:
0x6a: {  	(pc) =	sbr.rel @p0 .LBB2_4-.Ltmp1, $4  }
0x6b: {  	_ = 	snop  }
0x6c: {  	v13 =	vshll.u32 v13, $0x9  }
0x6d: {  	v13 =	vadd.s32 v14, v13  }
0x6e: {  	[tilespmem:s25+$0x7D0] =	vst v13;
	s25 =	sshra.s32 s26, $0x2;
	s26 =	sadd.s32 $0x40, s26  }
0x6f: {  	v13 =	vld [tilespmem:s25+$0x7D0]  }
0x70: {  	v14 =	vld [tilespmem:s25+$0x4F00];
	_ =	sdelay $0x3  }
0x71: {  	v13 =	vshll.u32 v13, $0x9  }
0x72: {  	v13 =	vadd.s32 v14, v13  }
0x73: {  	s29 =	simm.s32 $0x0;
	s26 =	rddreg [dreg:$0x8];
	[tilespmem:s25+$0x7D0] =	vst v13  }
0x74: {  	[tilespmem:s5], [sflag:$0x3] =	stream.linear.gather [hbm4b:s26+s29], $0x7D0, $0x38;
	[tilespmem:$0x1A908] =	vst v63  }
0x75: {  	_ =	swait.ge [sflag:s23], $0x7D0  }
0x76: {  	[sflag:s23] =	ssyncset.done $0x0  }
0x77: {  	s25 =	simm.s32 $0x0;
	s26 =	simm.s32 $0x40;
	[sflag:s23] =	ssyncadd.s32 $0xFFFFF830  }
.LBB2_6:
0x78: {  	p0 =	sne.s32 s26, $0x1F00;
	v13 =	vld [tilespmem:s25+$0xFA0]  }
0x79: {  	v14 =	vld [tilespmem:s25+$0x4F00];
	_ =	sdelay $0x1  }
.Ltmp2:
0x7a: {  	(pc) =	sbr.rel @p0 .LBB2_6-.Ltmp2, $4  }
0x7b: {  	_ = 	snop  }
0x7c: {  	v13 =	vshll.u32 v13, $0x9  }
0x7d: {  	v13 =	vadd.s32 v14, v13  }
0x7e: {  	[tilespmem:s25+$0xFA0] =	vst v13;
	s25 =	sshra.s32 s26, $0x2;
	s26 =	sadd.s32 $0x40, s26  }
0x7f: {  	v13 =	vld [tilespmem:s25+$0xFA0]  }
0x80: {  	v14 =	vld [tilespmem:s25+$0x4F00];
	_ =	sdelay $0x3  }
0x81: {  	v13 =	vshll.u32 v13, $0x9  }
0x82: {  	v13 =	vadd.s32 v14, v13  }
0x83: {  	s29 =	simm.s32 $0x0;
	s26 =	rddreg [dreg:$0x9];
	[tilespmem:s25+$0xFA0] =	vst v13  }
0x84: {  	[tilespmem:s5], [sflag:$0x3] =	stream.linear.gather [hbm4b:s26+s29], $0x7D0, $0x38;
	[tilespmem:$0x1A908] =	vst v63  }
0x85: {  	_ =	swait.ge [sflag:s23], $0x7D0  }
0x86: {  	[sflag:s23] =	ssyncset.done $0x0  }
0x87: {  	s25 =	simm.s32 $0x0;
	s26 =	simm.s32 $0x40;
	[sflag:s23] =	ssyncadd.s32 $0xFFFFF830  }
.LBB2_8:
0x88: {  	p0 =	sne.s32 s26, $0x1F00;
	v13 =	vld [tilespmem:s25+$0x1770]  }
0x89: {  	v14 =	vld [tilespmem:s25+$0x4F00];
	_ =	sdelay $0x1  }
.Ltmp3:
0x8a: {  	(pc) =	sbr.rel @p0 .LBB2_8-.Ltmp3, $4  }
0x8b: {  	_ = 	snop  }
0x8c: {  	v13 =	vshll.u32 v13, $0x9  }
0x8d: {  	v13 =	vadd.s32 v14, v13  }
0x8e: {  	[tilespmem:s25+$0x1770] =	vst v13;
	s25 =	sshra.s32 s26, $0x2;
	s26 =	sadd.s32 $0x40, s26  }
0x8f: {  	v13 =	vld [tilespmem:s25+$0x1770]  }
0x90: {  	v14 =	vld [tilespmem:s25+$0x4F00];
	_ =	sdelay $0x3  }
0x91: {  	v13 =	vshll.u32 v13, $0x9  }
0x92: {  	v13 =	vadd.s32 v14, v13  }
0x93: {  	s29 =	simm.s32 $0x0;
	s26 =	rddreg [dreg:$0xa];
	[tilespmem:s25+$0x1770] =	vst v13  }
0x94: {  	[tilespmem:s5], [sflag:$0x3] =	stream.linear.gather [hbm4b:s26+s29], $0x7D0, $0x38;
	[tilespmem:$0x1A908] =	vst v63  }
0x95: {  	_ =	swait.ge [sflag:s23], $0x7D0  }
0x96: {  	[sflag:s23] =	ssyncset.done $0x0  }
0x97: {  	s25 =	simm.s32 $0x0;
	s26 =	simm.s32 $0x40;
	[sflag:s23] =	ssyncadd.s32 $0xFFFFF830  }
.LBB2_10:
0x98: {  	p0 =	sne.s32 s26, $0x1F00;
	v13 =	vld [tilespmem:s25+$0x1F40]  }
0x99: {  	v14 =	vld [tilespmem:s25+$0x4F00];
	_ =	sdelay $0x1  }
.Ltmp4:
0x9a: {  	(pc) =	sbr.rel @p0 .LBB2_10-.Ltmp4, $4  }
0x9b: {  	_ = 	snop  }
0x9c: {  	v13 =	vshll.u32 v13, $0x9  }
0x9d: {  	v13 =	vadd.s32 v14, v13  }
0x9e: {  	[tilespmem:s25+$0x1F40] =	vst v13;
	s25 =	sshra.s32 s26, $0x2;
	s26 =	sadd.s32 $0x40, s26  }
0x9f: {  	v13 =	vld [tilespmem:s25+$0x1F40]  }
0xa0: {  	v14 =	vld [tilespmem:s25+$0x4F00];
	_ =	sdelay $0x3  }
0xa1: {  	v13 =	vshll.u32 v13, $0x9  }
0xa2: {  	v13 =	vadd.s32 v14, v13  }
0xa3: {  	s29 =	simm.s32 $0x0;
	s26 =	rddreg [dreg:$0xb];
	[tilespmem:s25+$0x1F40] =	vst v13  }
0xa4: {  	[tilespmem:s5], [sflag:$0x3] =	stream.linear.gather [hbm4b:s26+s29], $0x7D0, $0x38;
	[tilespmem:$0x1A908] =	vst v63  }
0xa5: {  	_ =	swait.ge [sflag:s23], $0x7D0  }
0xa6: {  	[sflag:s23] =	ssyncset.done $0x0  }
0xa7: {  	s25 =	simm.s32 $0x0;
	s26 =	simm.s32 $0x40;
	[sflag:s23] =	ssyncadd.s32 $0xFFFFF830  }
.LBB2_12:
0xa8: {  	p0 =	sne.s32 s26, $0x1F00;
	v13 =	vld [tilespmem:s25+$0x2710]  }
0xa9: {  	v14 =	vld [tilespmem:s25+$0x4F00];
	_ =	sdelay $0x1  }
.Ltmp5:
0xaa: {  	(pc) =	sbr.rel @p0 .LBB2_12-.Ltmp5, $4  }
0xab: {  	_ = 	snop  }
0xac: {  	v13 =	vshll.u32 v13, $0x9  }
0xad: {  	v13 =	vadd.s32 v14, v13  }
0xae: {  	[tilespmem:s25+$0x2710] =	vst v13;
	s25 =	sshra.s32 s26, $0x2;
	s26 =	sadd.s32 $0x40, s26  }
0xaf: {  	v13 =	vld [tilespmem:s25+$0x2710]  }
0xb0: {  	v14 =	vld [tilespmem:s25+$0x4F00];
	_ =	sdelay $0x3  }
0xb1: {  	v13 =	vshll.u32 v13, $0x9  }
0xb2: {  	v13 =	vadd.s32 v14, v13  }
0xb3: {  	s29 =	simm.s32 $0x0;
	s26 =	rddreg [dreg:$0xc];
	[tilespmem:s25+$0x2710] =	vst v13  }
0xb4: {  	[tilespmem:s5], [sflag:$0x3] =	stream.linear.gather [hbm4b:s26+s29], $0x7D0, $0x38;
	[tilespmem:$0x1A908] =	vst v63  }
0xb5: {  	_ =	swait.ge [sflag:s23], $0x7D0  }
0xb6: {  	[sflag:s23] =	ssyncset.done $0x0  }
0xb7: {  	s25 =	simm.s32 $0x0;
	s26 =	simm.s32 $0x40;
	[sflag:s23] =	ssyncadd.s32 $0xFFFFF830  }
.LBB2_14:
0xb8: {  	p0 =	sne.s32 s26, $0x1F00;
	v13 =	vld [tilespmem:s25+$0x2EE0]  }
0xb9: {  	v14 =	vld [tilespmem:s25+$0x4F00];
	_ =	sdelay $0x1  }
.Ltmp6:
0xba: {  	(pc) =	sbr.rel @p0 .LBB2_14-.Ltmp6, $4  }
0xbb: {  	_ = 	snop  }
0xbc: {  	v13 =	vshll.u32 v13, $0x9  }
0xbd: {  	v13 =	vadd.s32 v14, v13  }
0xbe: {  	[tilespmem:s25+$0x2EE0] =	vst v13;
	s25 =	sshra.s32 s26, $0x2;
	s26 =	sadd.s32 $0x40, s26  }
0xbf: {  	v13 =	vld [tilespmem:s25+$0x2EE0]  }
0xc0: {  	v14 =	vld [tilespmem:s25+$0x4F00];
	_ =	sdelay $0x3  }
0xc1: {  	v13 =	vshll.u32 v13, $0x9  }
0xc2: {  	v13 =	vadd.s32 v14, v13  }
0xc3: {  	s29 =	simm.s32 $0x0;
	s26 =	rddreg [dreg:$0xd];
	[tilespmem:s25+$0x2EE0] =	vst v13  }
0xc4: {  	[tilespmem:s5], [sflag:$0x3] =	stream.linear.gather [hbm4b:s26+s29], $0x7D0, $0x38;
	[tilespmem:$0x1A908] =	vst v63  }
0xc5: {  	_ =	swait.ge [sflag:s23], $0x7D0  }
0xc6: {  	[sflag:s23] =	ssyncset.done $0x0  }
0xc7: {  	s25 =	simm.s32 $0x0;
	s26 =	simm.s32 $0x40;
	[sflag:s23] =	ssyncadd.s32 $0xFFFFF830  }
.LBB2_16:
0xc8: {  	p0 =	sne.s32 s26, $0x1F00;
	v13 =	vld [tilespmem:s25+$0x36B0]  }
0xc9: {  	v14 =	vld [tilespmem:s25+$0x4F00];
	_ =	sdelay $0x1  }
.Ltmp7:
0xca: {  	(pc) =	sbr.rel @p0 .LBB2_16-.Ltmp7, $4  }
0xcb: {  	_ = 	snop  }
0xcc: {  	v13 =	vshll.u32 v13, $0x9  }
0xcd: {  	v13 =	vadd.s32 v14, v13  }
0xce: {  	[tilespmem:s25+$0x36B0] =	vst v13;
	s25 =	sshra.s32 s26, $0x2;
	s26 =	sadd.s32 $0x40, s26  }
0xcf: {  	v13 =	vld [tilespmem:s25+$0x36B0]  }
0xd0: {  	v14 =	vld [tilespmem:s25+$0x4F00];
	_ =	sdelay $0x3  }
0xd1: {  	v13 =	vshll.u32 v13, $0x9  }
0xd2: {  	v13 =	vadd.s32 v14, v13  }
0xd3: {  	s26 =	simm.s32 $0x0;
	s28 =	rddreg [dreg:$0xe];
	[tilespmem:s25+$0x36B0] =	vst v13;
	s25 =	simm.s32 $0x4F00  }
0xd4: {  	[tilespmem:s25], [sflag:$0x3] =	stream.linear.gather [hbm4b:s28+s26], $0x7D0, $0x38;
	[tilespmem:$0x1A908] =	vst v63  }
0xd5: {  	_ =	swait.ge [sflag:s23], $0x7D0  }
0xd6: {  	[sflag:s23] =	ssyncset.done $0x0  }
0xd7: {  	s29 =	sand.u32 $0x7F0, s26;
	[sflag:s23] =	ssyncadd.s32 $0xFFFFF830  }
0xd8: {  	v13 =	vld [tilespmem:s29+$0x3E80]  }
0xd9: {  	v14 =	vld [tilespmem:s25+$0x0];
	_ =	sdelay $0x3  }
0xda: {  	v13 =	vshll.u32 v13, $0x9  }
0xdb: {  	s26 =	simm.s32 $0x10;
	v13 =	vadd.s32 v14, v13  }
0xdc: {  	s28 =	simm.s32 $0x20;
	s26 =	sand.u32 $0x7F0, s26;
	[tilespmem:s29+$0x3E80] =	vst v13  }
.LBB2_18:
0xdd: {  	p0 =	sne.s32 s28, $0x7C0;
	v13 =	vld [tilespmem:s26+$0x3E80];
	s25 =	sadd.s32 $0x10, s25  }
0xde: {  	v14 =	vld [tilespmem:s25+$0x0];
	_ =	sdelay $0x1  }
.Ltmp8:
0xdf: {  	(pc) =	sbr.rel @p0 .LBB2_18-.Ltmp8, $4  }
0xe0: {  	_ = 	snop  }
0xe1: {  	v13 =	vshll.u32 v13, $0x9  }
0xe2: {  	v13 =	vadd.s32 v14, v13  }
0xe3: {  	[tilespmem:s26+$0x3E80] =	vst v13;
	s26 =	sand.u32 $0x7F0, s28;
	s28 =	sadd.s32 $0x10, s28  }
0xe4: {  	v13 =	vld [tilespmem:s26+$0x3E80];
	s25 =	sadd.s32 $0x10, s25  }
0xe5: {  	v14 =	vld [tilespmem:s25+$0x0];
	_ =	sdelay $0x3  }
0xe6: {  	v13 =	vshll.u32 v13, $0x9  }
0xe7: {  	v13 =	vadd.s32 v14, v13  }
0xe8: {  	s28 =	simm.s32 $0x0;
	s29 =	rddreg [dreg:$0xf];
	[tilespmem:s26+$0x3E80] =	vst v13  }
0xe9: {  	[tilespmem:s5], [sflag:$0x3] =	stream.linear.gather [hbm4b:s29+s28], $0x7D0, $0x38;
	[tilespmem:$0x1A908] =	vst v63  }
0xea: {  	_ =	swait.ge [sflag:s23], $0x7D0  }
0xeb: {  	[sflag:s23] =	ssyncset.done $0x0  }
0xec: {  	s25 =	simm.s32 $0x0;
	s26 =	simm.s32 $0x40;
	[sflag:s23] =	ssyncadd.s32 $0xFFFFF830  }
.LBB2_20:
0xed: {  	p0 =	sne.s32 s26, $0x1F00;
	v13 =	vld [tilespmem:s25+$0x4650]  }
0xee: {  	v14 =	vld [tilespmem:s25+$0x4F00];
	_ =	sdelay $0x1  }
.Ltmp9:
0xef: {  	(pc) =	sbr.rel @p0 .LBB2_20-.Ltmp9, $4  }
0xf0: {  	_ = 	snop  }
0xf1: {  	v13 =	vshll.u32 v13, $0x9  }
0xf2: {  	v13 =	vadd.s32 v14, v13  }
0xf3: {  	[tilespmem:s25+$0x4650] =	vst v13;
	s25 =	sshra.s32 s26, $0x2;
	s26 =	sadd.s32 $0x40, s26  }
0xf4: {  	v13 =	vld [tilespmem:s25+$0x4650]  }
0xf5: {  	v14 =	vld [tilespmem:s25+$0x4F00];
	_ =	sdelay $0x3  }
0xf6: {  	v13 =	vshll.u32 v13, $0x9  }
0xf7: {  	v13 =	vadd.s32 v14, v13  }
0xf8: {  	[tilespmem:s25+$0x4650] =	vst v13  }
0xf9: {  	[tilespmem:$0x4E20] =	vst v5  }
0xfa: {  	[tilespmem:$0x4E30] =	vst v5  }
0xfb: {  	[tilespmem:$0x4E40] =	vst v5  }
0xfc: {  	[tilespmem:$0x4E50] =	vst v5  }
0xfd: {  	[tilespmem:$0x4E60] =	vst v5  }
0xfe: {  	[tilespmem:$0x4E70] =	vst v5  }
0xff: {  	[tilespmem:$0x5700] =	vst v7  }
0x100: {  	[tilespmem:$0x5710] =	vst v7  }
0x101: {  	[tilespmem:$0x5720] =	vst v7  }
0x102: {  	[tilespmem:$0x5730] =	vst v7  }
0x103: {  	[tilespmem:$0x5740] =	vst v7  }
0x104: {  	[tilespmem:$0x5750] =	vst v7  }
0x105: {  	[tilespmem:$0x5760] =	vst v7  }
0x106: {  	s26 =	simm.s32 $0x0;
	s25 =	simm.s32 $0x40;
	[tilespmem:$0x5770] =	vst v7  }
.LBB2_22:
0x107: {  	p0 =	sne.s32 s25, $0x63C0;
	[tilespmem:s26+$0x5780] =	vst v10;
	s26 =	smov.u32 s25;
	s25 =	sadd.s32 $0x40, s25  }
.Ltmp10:
0x108: {  	(pc) =	sbr.rel @p0 .LBB2_22-.Ltmp10, $2  }
0x109: {  	_ =	sdelay $0x2  }
0x10a: {  	s26 =	sshra.s32 s26, $0x2  }
0x10b: {  	[tilespmem:s26+$0x5780] =	vst v10  }
0x10c: {  	[spmem:s15] =	stream.linear.scatter [tilespmem:s20], [sflag:$0x1], $0xC80, $0x38;
	[tilespmem:$0x1A908] =	vst v63  }
0x10d: {  	s25 =	rddreg [dreg:$0x10]  }
0x10e: {  	[spmem:s25] =	stream.linear.scatter [tilespmem:s21], [sflag:$0x1], $0xC80, $0x38;
	[tilespmem:$0x1A908] =	vst v63  }
0x10f: {  	s29 =	rddreg [dreg:$0x11]  }
0x110: {  	[spmem:s29] =	stream.linear.scatter [tilespmem:s20], [sflag:$0x1], $0xC80, $0x38;
	[tilespmem:$0x1A908] =	vst v63  }
0x111: {  	s26 =	rddreg [dreg:$0x12]  }
0x112: {  	[spmem:s26] =	stream.linear.scatter [tilespmem:s21], [sflag:$0x1], $0xC80, $0x38;
	[tilespmem:$0x1A908] =	vst v63  }
0x113: {  	_ =	swait.ge [sflag:s16], $0xC80  }
0x114: {  	[sflag:s16] =	ssyncset.done $0x0  }
0x115: {  	s28 =	rddreg [dreg:$0x13];
	[sflag:s16] =	ssyncadd.s32 $0xFFFFF380  }
0x116: {  	[spmem:s28] =	stream.linear.scatter [tilespmem:s20], [sflag:$0x1], $0xC80, $0x38;
	[tilespmem:$0x1A908] =	vst v63  }
0x117: {  	_ =	swait.ge [sflag:s16], $0xC80  }
0x118: {  	[sflag:s16] =	ssyncset.done $0x0  }
0x119: {  	s29 =	rddreg [dreg:$0x16];
	[sflag:s16] =	ssyncadd.s32 $0xFFFFF380  }
0x11a: {  	[spmem:s29] =	stream.linear.scatter [tilespmem:s21], [sflag:$0x1], $0xC80, $0x38;
	[tilespmem:$0x1A908] =	vst v63  }
0x11b: {  	_ =	swait.ge [sflag:s16], $0xC80  }
0x11c: {  	[sflag:s16] =	ssyncset.done $0x0  }
0x11d: {  	s26 =	rddreg [dreg:$0x18];
	[sflag:s16] =	ssyncadd.s32 $0xFFFFF380  }
0x11e: {  	[spmem:s26] =	stream.linear.scatter [tilespmem:s20], [sflag:$0x1], $0xC80, $0x38;
	[tilespmem:$0x1A908] =	vst v63  }
0x11f: {  	_ =	swait.ge [sflag:s16], $0xC80  }
0x120: {  	[sflag:s16] =	ssyncset.done $0x0  }
0x121: {  	s28 =	rddreg [dreg:$0x19];
	[sflag:s16] =	ssyncadd.s32 $0xFFFFF380  }
0x122: {  	[spmem:s28] =	stream.linear.scatter [tilespmem:s21], [sflag:$0x1], $0xC80, $0x38;
	[tilespmem:$0x1A908] =	vst v63  }
0x123: {  	_ =	swait.ge [sflag:s16], $0xC80  }
0x124: {  	[sflag:s16] =	ssyncset.done $0x0  }
0x125: {  	s29 =	rddreg [dreg:$0x1a];
	[sflag:s16] =	ssyncadd.s32 $0xFFFFF380  }
0x126: {  	[spmem:s29] =	stream.linear.scatter [tilespmem:s20], [sflag:$0x1], $0xC80, $0x38;
	[tilespmem:$0x1A908] =	vst v63  }
0x127: {  	_ =	swait.ge [sflag:s16], $0xC80  }
0x128: {  	[sflag:s16] =	ssyncset.done $0x0  }
0x129: {  	s26 =	rddreg [dreg:$0x1b];
	[sflag:s16] =	ssyncadd.s32 $0xFFFFF380  }
0x12a: {  	[spmem:s26] =	stream.linear.scatter [tilespmem:s21], [sflag:$0x1], $0xC80, $0x38;
	[tilespmem:$0x1A908] =	vst v63  }
0x12b: {  	_ =	swait.ge [sflag:s16], $0xC80  }
0x12c: {  	[sflag:s16] =	ssyncset.done $0x0  }
0x12d: {  	s28 =	rddreg [dreg:$0x1c];
	[sflag:s16] =	ssyncadd.s32 $0xFFFFF380  }
0x12e: {  	[spmem:s28] =	stream.linear.scatter [tilespmem:s20], [sflag:$0x1], $0xC80, $0x38;
	[tilespmem:$0x1A908] =	vst v63  }
0x12f: {  	_ =	swait.ge [sflag:s16], $0xC80  }
0x130: {  	[sflag:s16] =	ssyncset.done $0x0  }
0x131: {  	[sflag:s16] =	ssyncadd.s32 $0xFFFFF380  }
0x132: {  	[spmem:s30] =	stream.linear.scatter [tilespmem:s21], [sflag:$0x1], $0xC80, $0x38;
	[tilespmem:$0x1A908] =	vst v63  }
0x133: {  	_ =	swait.ge [sflag:s16], $0xC80  }
0x134: {  	[sflag:s16] =	ssyncset.done $0x0  }
0x135: {  	[sflag:s16] =	ssyncadd.s32 $0xFFFFF380  }
0x136: {  	[spmem:s31] =	stream.linear.scatter [tilespmem:s20], [sflag:$0x1], $0xC80, $0x38;
	[tilespmem:$0x1A908] =	vst v63  }
0x137: {  	_ =	swait.ge [sflag:s16], $0xC80  }
0x138: {  	[sflag:s16] =	ssyncset.done $0x0  }
0x139: {  	[sflag:s16] =	ssyncadd.s32 $0xFFFFF380  }
0x13a: {  	[spmem:s0] =	stream.linear.scatter [tilespmem:s21], [sflag:$0x1], $0xC80, $0x38;
	[tilespmem:$0x1A908] =	vst v63  }
0x13b: {  	_ =	swait.ge [sflag:s16], $0xC80  }
0x13c: {  	[sflag:s16] =	ssyncset.done $0x0  }
0x13d: {  	[sflag:s16] =	ssyncadd.s32 $0xFFFFF380  }
0x13e: {  	[spmem:s1] =	stream.linear.scatter [tilespmem:s20], [sflag:$0x1], $0xC80, $0x38;
	[tilespmem:$0x1A908] =	vst v63  }
0x13f: {  	_ =	swait.ge [sflag:s16], $0xC80  }
0x140: {  	[sflag:s16] =	ssyncset.done $0x0  }
0x141: {  	[sflag:s16] =	ssyncadd.s32 $0xFFFFF380  }
0x142: {  	[spmem:s4] =	stream.linear.scatter [tilespmem:s21], [sflag:$0x1], $0xC80, $0x38;
	[tilespmem:$0x1A908] =	vst v63  }
0x143: {  	_ =	swait.ge [sflag:s16], $0xC80  }
0x144: {  	[sflag:s16] =	ssyncset.done $0x0  }
0x145: {  	[sflag:s16] =	ssyncadd.s32 $0xFFFFF380  }
0x146: {  	[spmem:s6] =	stream.linear.scatter [tilespmem:s20], [sflag:$0x1], $0xC80, $0x38;
	[tilespmem:$0x1A908] =	vst v63  }
0x147: {  	_ =	swait.ge [sflag:s16], $0xC80  }
0x148: {  	[sflag:s16] =	ssyncset.done $0x0  }
0x149: {  	[sflag:s16] =	ssyncadd.s32 $0xFFFFF380  }
0x14a: {  	[spmem:s7] =	stream.linear.scatter [tilespmem:s21], [sflag:$0x1], $0xC80, $0x38;
	[tilespmem:$0x1A908] =	vst v63  }
0x14b: {  	_ =	swait.ge [sflag:s16], $0xC80  }
0x14c: {  	[sflag:s16] =	ssyncset.done $0x0  }
0x14d: {  	[sflag:s16] =	ssyncadd.s32 $0xFFFFF380  }
0x14e: {  	[spmem:s8] =	stream.linear.scatter [tilespmem:s20], [sflag:$0x1], $0xC80, $0x38;
	[tilespmem:$0x1A908] =	vst v63  }
0x14f: {  	_ =	swait.ge [sflag:s16], $0xC80  }
0x150: {  	[sflag:s16] =	ssyncset.done $0x0  }
0x151: {  	[sflag:s16] =	ssyncadd.s32 $0xFFFFF380  }
0x152: {  	[spmem:s9] =	stream.linear.scatter [tilespmem:s21], [sflag:$0x1], $0xC80, $0x38;
	[tilespmem:$0x1A908] =	vst v63  }
0x153: {  	_ =	swait.ge [sflag:s16], $0xC80  }
0x154: {  	[sflag:s16] =	ssyncset.done $0x0  }
0x155: {  	[sflag:s16] =	ssyncadd.s32 $0xFFFFF380  }
0x156: {  	[spmem:s10] =	stream.linear.scatter [tilespmem:s20], [sflag:$0x1], $0xC80, $0x38;
	[tilespmem:$0x1A908] =	vst v63  }
0x157: {  	_ =	swait.ge [sflag:s16], $0xC80  }
0x158: {  	[sflag:s16] =	ssyncset.done $0x0  }
0x159: {  	[sflag:s16] =	ssyncadd.s32 $0xFFFFF380  }
0x15a: {  	[spmem:s11] =	stream.linear.scatter [tilespmem:s21], [sflag:$0x1], $0xC80, $0x38;
	[tilespmem:$0x1A908] =	vst v63  }
0x15b: {  	_ =	swait.ge [sflag:s16], $0xC80  }
0x15c: {  	[sflag:s16] =	ssyncset.done $0x0  }
0x15d: {  	[sflag:s16] =	ssyncadd.s32 $0xFFFFF380  }
0x15e: {  	[spmem:s12] =	stream.linear.scatter [tilespmem:s20], [sflag:$0x1], $0xC80, $0x38;
	[tilespmem:$0x1A908] =	vst v63  }
0x15f: {  	_ =	swait.ge [sflag:s16], $0xC80  }
0x160: {  	[sflag:s16] =	ssyncset.done $0x0  }
0x161: {  	[sflag:s16] =	ssyncadd.s32 $0xFFFFF380  }
0x162: {  	[spmem:s13] =	stream.linear.scatter [tilespmem:s21], [sflag:$0x1], $0xC80, $0x38;
	[tilespmem:$0x1A908] =	vst v63  }
0x163: {  	_ =	swait.ge [sflag:s16], $0xC80  }
0x164: {  	[sflag:s16] =	ssyncset.done $0x0  }
0x165: {  	[sflag:s16] =	ssyncadd.s32 $0xFFFFF380  }
0x166: {  	[spmem:s14] =	stream.linear.scatter [tilespmem:s20], [sflag:$0x1], $0xC80, $0x38;
	[tilespmem:$0x1A908] =	vst v63  }
0x167: {  	_ =	swait.ge [sflag:s16], $0xC80  }
0x168: {  	[sflag:s16] =	ssyncset.done $0x0  }
0x169: {  	[sflag:s16] =	ssyncadd.s32 $0xFFFFF380  }
0x16a: {  	_ =	swait.ge [sflag:s16], $0xC80  }
0x16b: {  	[sflag:s16] =	ssyncset.done $0x0  }
0x16c: {  	[sflag:s16] =	ssyncadd.s32 $0xFFFFF380  }
0x16d: {  	_ =	swait.ge [sflag:s16], $0xC80  }
0x16e: {  	[sflag:s16] =	ssyncset.done $0x0  }
0x16f: {  	[sflag:s16] =	ssyncadd.s32 $0xFFFFF380  }
0x170: {  	_ =	swait.ge [sflag:s16], $0xC80  }
0x171: {  	[sflag:s16] =	ssyncset.done $0x0  }
0x172: {  	[sflag:s16] =	ssyncadd.s32 $0xFFFFF380  }
0x173: {  	s29 =	simm.s32 $0x0;
	[bflag:$0x0] =	sbarrier.arrive $0xFFFF  }
0x174: {  	v13 =	vld [tilespmem:s29+$0x0];
	_ =	sdelay $0x4  }
0x175: {  	v13 =	vsub.s32 v13, v1  }
0x176: {  	vm0 =	vlt.u32 v13, $0x138800  }
0x177: {  	v13 =	vsel vm0, v13, v0  }
0x178: {  	[tilespmem:$0x4E80] =	vst v13  }
0x179: {  	v13 =	vld [tilespmem:s29+$0x10];
	_ =	sdelay $0x4  }
0x17a: {  	v13 =	vsub.s32 v13, v1  }
0x17b: {  	vm9 =	vlt.u32 v13, $0x138800  }
0x17c: {  	v13 =	vsel vm9, v13, v2  }
0x17d: {  	[tilespmem:$0x4E90] =	vst v13  }
0x17e: {  	v13 =	vld [tilespmem:s29+$0x20];
	_ =	sdelay $0x4  }
0x17f: {  	v13 =	vsub.s32 v13, v1  }
0x180: {  	vm10 =	vlt.u32 v13, $0x138800  }
0x181: {  	v13 =	vsel vm10, v13, v3  }
0x182: {  	[tilespmem:$0x4EA0] =	vst v13  }
0x183: {  	v13 =	vld [tilespmem:s29+$0x30];
	_ =	sdelay $0x4  }
0x184: {  	v13 =	vsub.s32 v13, v1  }
0x185: {  	vm11 =	vlt.u32 v13, $0x138800  }
0x186: {  	v13 =	vsel vm11, v13, v6  }
0x187: {  	[tilespmem:$0x4EB0] =	vst v13  }
0x188: {  	v13 =	vld [tilespmem:s29+$0x40];
	_ =	sdelay $0x4  }
0x189: {  	v13 =	vsub.s32 v13, v1  }
0x18a: {  	vm12 =	vlt.u32 v13, $0x138800  }
0x18b: {  	v13 =	vsel vm12, v13, v8  }
0x18c: {  	[tilespmem:$0x4EC0] =	vst v13  }
0x18d: {  	v13 =	vld [tilespmem:s29+$0x50];
	_ =	sdelay $0x4  }
0x18e: {  	v13 =	vsub.s32 v13, v1  }
0x18f: {  	vm13 =	vlt.u32 v13, $0x138800  }
0x190: {  	v13 =	vsel vm13, v13, v9  }
0x191: {  	[tilespmem:$0x4ED0] =	vst v13  }
0x192: {  	v13 =	vld [tilespmem:s29+$0x60];
	_ =	sdelay $0x4  }
0x193: {  	v13 =	vsub.s32 v13, v1  }
0x194: {  	vm14 =	vlt.u32 v13, $0x138800  }
0x195: {  	v13 =	vsel vm14, v13, v11  }
0x196: {  	[tilespmem:$0x4EE0] =	vst v13  }
0x197: {  	v13 =	vld [tilespmem:s29+$0x70];
	_ =	sdelay $0x4  }
0x198: {  	v13 =	vsub.s32 v13, v1  }
0x199: {  	vm15 =	vlt.u32 v13, $0x138800  }
0x19a: {  	v13 =	vsel vm15, v13, v12  }
0x19b: {  	[tilespmem:$0x4EF0] =	vst v13  }
0x19c: {  	[spmem:s2] =	stream.indirect.scatter.add.f32 [tilespmem:s19], [sflag:$0x3], $0x1, s18, s17, $0xb8;
	[tilespmem:$0x1A908] =	vst v63  }
0x19d: {  	_ =	swait.ge [sflag:s23], $0x80  }
0x19e: {  	s25 =	simm.s32 $0x200;
	s26 =	simm.s32 $0x400;
	[sflag:s23] =	ssyncset.done $0x0  }
.LBB2_24:
0x19f: {  	s28 =	sshra.s32 s25, $0x2  }
0x1a0: {  	[sflag:s23] =	ssyncadd.s32 $0xFFFFFF80;
	s25 =	smov.u32 s26;
	s29 =	sadd.s32 $0x200, s26  }
0x1a1: {  	p0 =	sne.s32 s26, $0x13800;
	v13 =	vld [tilespmem:s28+$0x0];
	_ =	sdelay $0x4  }
0x1a2: {  	v13 =	vsub.s32 v13, v1  }
0x1a3: {  	vm0 =	vlt.u32 v13, $0x138800  }
0x1a4: {  	v13 =	vsel vm0, v13, v0  }
0x1a5: {  	[tilespmem:$0x4E80] =	vst v13  }
0x1a6: {  	v13 =	vld [tilespmem:s28+$0x10];
	_ =	sdelay $0x4  }
0x1a7: {  	v13 =	vsub.s32 v13, v1  }
0x1a8: {  	vm0 =	vlt.u32 v13, $0x138800  }
0x1a9: {  	v13 =	vsel vm0, v13, v2  }
0x1aa: {  	[tilespmem:$0x4E90] =	vst v13  }
0x1ab: {  	v13 =	vld [tilespmem:s28+$0x20];
	_ =	sdelay $0x4  }
0x1ac: {  	v13 =	vsub.s32 v13, v1  }
0x1ad: {  	vm0 =	vlt.u32 v13, $0x138800  }
0x1ae: {  	v13 =	vsel vm0, v13, v3  }
0x1af: {  	[tilespmem:$0x4EA0] =	vst v13  }
0x1b0: {  	v13 =	vld [tilespmem:s28+$0x30];
	_ =	sdelay $0x4  }
0x1b1: {  	v13 =	vsub.s32 v13, v1  }
0x1b2: {  	vm0 =	vlt.u32 v13, $0x138800  }
0x1b3: {  	v13 =	vsel vm0, v13, v6  }
0x1b4: {  	[tilespmem:$0x4EB0] =	vst v13  }
0x1b5: {  	v13 =	vld [tilespmem:s28+$0x40];
	_ =	sdelay $0x4  }
0x1b6: {  	v13 =	vsub.s32 v13, v1  }
0x1b7: {  	vm0 =	vlt.u32 v13, $0x138800  }
0x1b8: {  	v13 =	vsel vm0, v13, v8  }
0x1b9: {  	[tilespmem:$0x4EC0] =	vst v13  }
0x1ba: {  	v13 =	vld [tilespmem:s28+$0x50];
	_ =	sdelay $0x4  }
0x1bb: {  	v13 =	vsub.s32 v13, v1  }
0x1bc: {  	vm0 =	vlt.u32 v13, $0x138800  }
0x1bd: {  	v13 =	vsel vm0, v13, v9  }
0x1be: {  	[tilespmem:$0x4ED0] =	vst v13  }
0x1bf: {  	v13 =	vld [tilespmem:s28+$0x60];
	_ =	sdelay $0x4  }
0x1c0: {  	v13 =	vsub.s32 v13, v1  }
0x1c1: {  	vm0 =	vlt.u32 v13, $0x138800  }
0x1c2: {  	v13 =	vsel vm0, v13, v11  }
0x1c3: {  	[tilespmem:$0x4EE0] =	vst v13  }
0x1c4: {  	v13 =	vld [tilespmem:s28+$0x70];
	_ =	sdelay $0x4  }
0x1c5: {  	v13 =	vsub.s32 v13, v1  }
0x1c6: {  	vm0 =	vlt.u32 v13, $0x138800  }
.Ltmp11:
0x1c7: {  	v13 =	vsel vm0, v13, v12;
	(pc) =	sbr.rel @p0 .LBB2_24-.Ltmp11, $4  }
0x1c8: {  	[tilespmem:$0x4EF0] =	vst v13  }
0x1c9: {  	[spmem:s2] =	stream.indirect.scatter.add.f32 [tilespmem:s19], [sflag:$0x3], $0x1, s18, s17, $0xb8;
	[tilespmem:$0x1A908] =	vst v63  }
0x1ca: {  	_ =	swait.ge [sflag:s23], $0x80  }
0x1cb: {  	s26 =	smov.u32 s29;
	[sflag:s23] =	ssyncset.done $0x0  }
0x1cc: {  	s25 =	sshra.s32 s25, $0x2;
	[sflag:s23] =	ssyncadd.s32 $0xFFFFFF80  }
0x1cd: {  	v13 =	vld [tilespmem:s25+$0x0];
	_ =	sdelay $0x4  }
0x1ce: {  	v13 =	vsub.s32 v13, v1  }
0x1cf: {  	vm0 =	vlt.u32 v13, $0x138800  }
0x1d0: {  	v13 =	vsel vm0, v13, v0  }
0x1d1: {  	[tilespmem:$0x4E80] =	vst v13  }
0x1d2: {  	v13 =	vld [tilespmem:s25+$0x10];
	_ =	sdelay $0x4  }
0x1d3: {  	v13 =	vsub.s32 v13, v1  }
0x1d4: {  	vm9 =	vlt.u32 v13, $0x138800  }
0x1d5: {  	v13 =	vsel vm9, v13, v2  }
0x1d6: {  	[tilespmem:$0x4E90] =	vst v13  }
0x1d7: {  	v13 =	vld [tilespmem:s25+$0x20];
	_ =	sdelay $0x4  }
0x1d8: {  	v13 =	vsub.s32 v13, v1  }
0x1d9: {  	vm10 =	vlt.u32 v13, $0x138800  }
0x1da: {  	v13 =	vsel vm10, v13, v3  }
0x1db: {  	[tilespmem:$0x4EA0] =	vst v13  }
0x1dc: {  	v13 =	vld [tilespmem:s25+$0x30];
	_ =	sdelay $0x4  }
0x1dd: {  	v13 =	vsub.s32 v13, v1  }
0x1de: {  	vm11 =	vlt.u32 v13, $0x138800  }
0x1df: {  	v13 =	vsel vm11, v13, v6  }
0x1e0: {  	[tilespmem:$0x4EB0] =	vst v13  }
0x1e1: {  	v13 =	vld [tilespmem:s25+$0x40];
	_ =	sdelay $0x4  }
0x1e2: {  	v13 =	vsub.s32 v13, v1  }
0x1e3: {  	vm12 =	vlt.u32 v13, $0x138800  }
0x1e4: {  	v13 =	vsel vm12, v13, v8  }
0x1e5: {  	[tilespmem:$0x4EC0] =	vst v13  }
0x1e6: {  	v13 =	vld [tilespmem:s25+$0x50];
	_ =	sdelay $0x4  }
0x1e7: {  	v13 =	vsub.s32 v13, v1  }
0x1e8: {  	vm13 =	vlt.u32 v13, $0x138800  }
0x1e9: {  	v13 =	vsel vm13, v13, v9  }
0x1ea: {  	[tilespmem:$0x4ED0] =	vst v13  }
0x1eb: {  	v13 =	vld [tilespmem:s25+$0x60];
	_ =	sdelay $0x4  }
0x1ec: {  	v13 =	vsub.s32 v13, v1  }
0x1ed: {  	vm14 =	vlt.u32 v13, $0x138800  }
0x1ee: {  	v13 =	vsel vm14, v13, v11  }
0x1ef: {  	[tilespmem:$0x4EE0] =	vst v13  }
0x1f0: {  	v13 =	vld [tilespmem:s25+$0x70];
	_ =	sdelay $0x4  }
0x1f1: {  	v13 =	vsub.s32 v13, v1  }
0x1f2: {  	vm15 =	vlt.u32 v13, $0x138800  }
0x1f3: {  	v13 =	vsel vm15, v13, v12  }
0x1f4: {  	[tilespmem:$0x4EF0] =	vst v13  }
0x1f5: {  	[spmem:s2] =	stream.indirect.scatter.add.f32 [tilespmem:s19], [sflag:$0x3], $0x1, s18, s17, $0xb8;
	[tilespmem:$0x1A908] =	vst v63  }
0x1f6: {  	_ =	swait.ge [sflag:s23], $0x80  }
0x1f7: {  	[sflag:s23] =	ssyncset.done $0x0  }
0x1f8: {  	[sflag:s23] =	ssyncadd.s32 $0xFFFFFF80  }
0x1f9: {  	[bflag:$0x0] =	sbarrier.arrive $0xFFFF  }
0x1fa: {  	[tilespmem:s20], [sflag:$0x1] =	stream.linear.gather [spmem:s15], $0xC80, $0x38;
	[tilespmem:$0x1A908] =	vst v63  }
0x1fb: {  	_ =	swait.ge [sflag:s16], $0xC80  }
0x1fc: {  	[sflag:s16] =	ssyncset.done $0x0  }
0x1fd: {  	s25 =	simm.s32 $0x0;
	s26 =	rddreg [dreg:$0x14];
	[sflag:s16] =	ssyncadd.s32 $0xFFFFF380  }
0x1fe: {  	[hbm4b:s26+s25] =	stream.linear.scatter [tilespmem:s20], [sflag:$0x2], $0xC80, $0x38;
	[tilespmem:$0x1A908] =	vst v63  }
0x1ff: {  	s28 =	rddreg [dreg:$0x10]  }
0x200: {  	[tilespmem:s21], [sflag:$0x1] =	stream.linear.gather [spmem:s28], $0xC80, $0x38;
	[tilespmem:$0x1A908] =	vst v63  }
0x201: {  	_ =	swait.ge [sflag:s16], $0xC80  }
0x202: {  	[sflag:s16] =	ssyncset.done $0x0  }
0x203: {  	s29 =	rddreg [dreg:$0x1d];
	[sflag:s16] =	ssyncadd.s32 $0xFFFFF380  }
0x204: {  	[hbm4b:s29+s25] =	stream.linear.scatter [tilespmem:s21], [sflag:$0x2], $0xC80, $0x38;
	[tilespmem:$0x1A908] =	vst v63  }
0x205: {  	_ =	swait.ge [sflag:s22], $0xC80  }
0x206: {  	[sflag:s22] =	ssyncset.done $0x0  }
0x207: {  	s28 =	rddreg [dreg:$0x11];
	[sflag:s22] =	ssyncadd.s32 $0xFFFFF380  }
0x208: {  	[tilespmem:s20], [sflag:$0x1] =	stream.linear.gather [spmem:s28], $0xC80, $0x38;
	[tilespmem:$0x1A908] =	vst v63  }
0x209: {  	_ =	swait.ge [sflag:s16], $0xC80  }
0x20a: {  	[sflag:s16] =	ssyncset.done $0x0  }
0x20b: {  	s29 =	rddreg [dreg:$0x1e];
	[sflag:s16] =	ssyncadd.s32 $0xFFFFF380  }
0x20c: {  	[hbm4b:s29+s25] =	stream.linear.scatter [tilespmem:s20], [sflag:$0x2], $0xC80, $0x38;
	[tilespmem:$0x1A908] =	vst v63  }
0x20d: {  	_ =	swait.ge [sflag:s22], $0xC80  }
0x20e: {  	[sflag:s22] =	ssyncset.done $0x0  }
0x20f: {  	s28 =	rddreg [dreg:$0x12];
	[sflag:s22] =	ssyncadd.s32 $0xFFFFF380  }
0x210: {  	[tilespmem:s21], [sflag:$0x1] =	stream.linear.gather [spmem:s28], $0xC80, $0x38;
	[tilespmem:$0x1A908] =	vst v63  }
0x211: {  	_ =	swait.ge [sflag:s16], $0xC80  }
0x212: {  	[sflag:s16] =	ssyncset.done $0x0  }
0x213: {  	s29 =	rddreg [dreg:$0x1f];
	[sflag:s16] =	ssyncadd.s32 $0xFFFFF380  }
0x214: {  	[hbm4b:s29+s25] =	stream.linear.scatter [tilespmem:s21], [sflag:$0x2], $0xC80, $0x38;
	[tilespmem:$0x1A908] =	vst v63  }
0x215: {  	_ =	swait.ge [sflag:s22], $0xC80  }
0x216: {  	[sflag:s22] =	ssyncset.done $0x0  }
0x217: {  	s28 =	rddreg [dreg:$0x13];
	[sflag:s22] =	ssyncadd.s32 $0xFFFFF380  }
0x218: {  	[tilespmem:s20], [sflag:$0x1] =	stream.linear.gather [spmem:s28], $0xC80, $0x38;
	[tilespmem:$0x1A908] =	vst v63  }
0x219: {  	_ =	swait.ge [sflag:s16], $0xC80  }
0x21a: {  	s29 =	sld [smem:$0x7D1]  }
0x21b: {  	[sflag:s16] =	ssyncset.done $0x0  }
0x21c: {  	[sflag:s16] =	ssyncadd.s32 $0xFFFFF380  }
0x21d: {  	[hbm4b:s29+s25] =	stream.linear.scatter [tilespmem:s20], [sflag:$0x2], $0xC80, $0x38;
	[tilespmem:$0x1A908] =	vst v63  }
0x21e: {  	_ =	swait.ge [sflag:s22], $0xC80  }
0x21f: {  	[sflag:s22] =	ssyncset.done $0x0  }
0x220: {  	s28 =	rddreg [dreg:$0x16];
	[sflag:s22] =	ssyncadd.s32 $0xFFFFF380  }
0x221: {  	[tilespmem:s21], [sflag:$0x1] =	stream.linear.gather [spmem:s28], $0xC80, $0x38;
	[tilespmem:$0x1A908] =	vst v63  }
0x222: {  	_ =	swait.ge [sflag:s16], $0xC80  }
0x223: {  	s29 =	sld [smem:$0x7D2]  }
0x224: {  	[sflag:s16] =	ssyncset.done $0x0  }
0x225: {  	[sflag:s16] =	ssyncadd.s32 $0xFFFFF380  }
0x226: {  	[hbm4b:s29+s25] =	stream.linear.scatter [tilespmem:s21], [sflag:$0x2], $0xC80, $0x38;
	[tilespmem:$0x1A908] =	vst v63  }
0x227: {  	_ =	swait.ge [sflag:s22], $0xC80  }
0x228: {  	[sflag:s22] =	ssyncset.done $0x0  }
0x229: {  	s28 =	rddreg [dreg:$0x18];
	[sflag:s22] =	ssyncadd.s32 $0xFFFFF380  }
0x22a: {  	[tilespmem:s20], [sflag:$0x1] =	stream.linear.gather [spmem:s28], $0xC80, $0x38;
	[tilespmem:$0x1A908] =	vst v63  }
0x22b: {  	_ =	swait.ge [sflag:s16], $0xC80  }
0x22c: {  	s29 =	sld [smem:$0x7D3]  }
0x22d: {  	[sflag:s16] =	ssyncset.done $0x0  }
0x22e: {  	[sflag:s16] =	ssyncadd.s32 $0xFFFFF380  }
0x22f: {  	[hbm4b:s29+s25] =	stream.linear.scatter [tilespmem:s20], [sflag:$0x2], $0xC80, $0x38;
	[tilespmem:$0x1A908] =	vst v63  }
0x230: {  	_ =	swait.ge [sflag:s22], $0xC80  }
0x231: {  	[sflag:s22] =	ssyncset.done $0x0  }
0x232: {  	s28 =	rddreg [dreg:$0x19];
	[sflag:s22] =	ssyncadd.s32 $0xFFFFF380  }
0x233: {  	[tilespmem:s21], [sflag:$0x1] =	stream.linear.gather [spmem:s28], $0xC80, $0x38;
	[tilespmem:$0x1A908] =	vst v63  }
0x234: {  	_ =	swait.ge [sflag:s16], $0xC80  }
0x235: {  	s29 =	sld [smem:$0x7D4]  }
0x236: {  	[sflag:s16] =	ssyncset.done $0x0  }
0x237: {  	[sflag:s16] =	ssyncadd.s32 $0xFFFFF380  }
0x238: {  	[hbm4b:s29+s25] =	stream.linear.scatter [tilespmem:s21], [sflag:$0x2], $0xC80, $0x38;
	[tilespmem:$0x1A908] =	vst v63  }
0x239: {  	_ =	swait.ge [sflag:s22], $0xC80  }
0x23a: {  	[sflag:s22] =	ssyncset.done $0x0  }
0x23b: {  	s28 =	rddreg [dreg:$0x1a];
	[sflag:s22] =	ssyncadd.s32 $0xFFFFF380  }
0x23c: {  	[tilespmem:s20], [sflag:$0x1] =	stream.linear.gather [spmem:s28], $0xC80, $0x38;
	[tilespmem:$0x1A908] =	vst v63  }
0x23d: {  	_ =	swait.ge [sflag:s16], $0xC80  }
0x23e: {  	s29 =	sld [smem:$0x7D5]  }
0x23f: {  	[sflag:s16] =	ssyncset.done $0x0  }
0x240: {  	[sflag:s16] =	ssyncadd.s32 $0xFFFFF380  }
0x241: {  	[hbm4b:s29+s25] =	stream.linear.scatter [tilespmem:s20], [sflag:$0x2], $0xC80, $0x38;
	[tilespmem:$0x1A908] =	vst v63  }
0x242: {  	_ =	swait.ge [sflag:s22], $0xC80  }
0x243: {  	[sflag:s22] =	ssyncset.done $0x0  }
0x244: {  	s28 =	rddreg [dreg:$0x1b];
	[sflag:s22] =	ssyncadd.s32 $0xFFFFF380  }
0x245: {  	[tilespmem:s21], [sflag:$0x1] =	stream.linear.gather [spmem:s28], $0xC80, $0x38;
	[tilespmem:$0x1A908] =	vst v63  }
0x246: {  	_ =	swait.ge [sflag:s16], $0xC80  }
0x247: {  	s29 =	sld [smem:$0x7D6]  }
0x248: {  	[sflag:s16] =	ssyncset.done $0x0  }
0x249: {  	[sflag:s16] =	ssyncadd.s32 $0xFFFFF380  }
0x24a: {  	[hbm4b:s29+s25] =	stream.linear.scatter [tilespmem:s21], [sflag:$0x2], $0xC80, $0x38;
	[tilespmem:$0x1A908] =	vst v63  }
0x24b: {  	_ =	swait.ge [sflag:s22], $0xC80  }
0x24c: {  	[sflag:s22] =	ssyncset.done $0x0  }
0x24d: {  	s28 =	rddreg [dreg:$0x1c];
	[sflag:s22] =	ssyncadd.s32 $0xFFFFF380  }
0x24e: {  	[tilespmem:s20], [sflag:$0x1] =	stream.linear.gather [spmem:s28], $0xC80, $0x38;
	[tilespmem:$0x1A908] =	vst v63  }
0x24f: {  	_ =	swait.ge [sflag:s16], $0xC80  }
0x250: {  	s29 =	sld [smem:$0x7D7]  }
0x251: {  	[sflag:s16] =	ssyncset.done $0x0  }
0x252: {  	[sflag:s16] =	ssyncadd.s32 $0xFFFFF380  }
0x253: {  	[hbm4b:s29+s25] =	stream.linear.scatter [tilespmem:s20], [sflag:$0x2], $0xC80, $0x38;
	[tilespmem:$0x1A908] =	vst v63  }
0x254: {  	_ =	swait.ge [sflag:s22], $0xC80  }
0x255: {  	[sflag:s22] =	ssyncset.done $0x0  }
0x256: {  	[sflag:s22] =	ssyncadd.s32 $0xFFFFF380  }
0x257: {  	[tilespmem:s21], [sflag:$0x1] =	stream.linear.gather [spmem:s30], $0xC80, $0x38;
	[tilespmem:$0x1A908] =	vst v63  }
0x258: {  	_ =	swait.ge [sflag:s16], $0xC80  }
0x259: {  	s28 =	sld [smem:$0x7D8]  }
0x25a: {  	[sflag:s16] =	ssyncset.done $0x0  }
0x25b: {  	[sflag:s16] =	ssyncadd.s32 $0xFFFFF380  }
0x25c: {  	[hbm4b:s28+s25] =	stream.linear.scatter [tilespmem:s21], [sflag:$0x2], $0xC80, $0x38;
	[tilespmem:$0x1A908] =	vst v63  }
0x25d: {  	_ =	swait.ge [sflag:s22], $0xC80  }
0x25e: {  	[sflag:s22] =	ssyncset.done $0x0  }
0x25f: {  	[sflag:s22] =	ssyncadd.s32 $0xFFFFF380  }
0x260: {  	[tilespmem:s20], [sflag:$0x1] =	stream.linear.gather [spmem:s31], $0xC80, $0x38;
	[tilespmem:$0x1A908] =	vst v63  }
0x261: {  	_ =	swait.ge [sflag:s16], $0xC80  }
0x262: {  	s29 =	sld [smem:$0x7D9]  }
0x263: {  	[sflag:s16] =	ssyncset.done $0x0  }
0x264: {  	[sflag:s16] =	ssyncadd.s32 $0xFFFFF380  }
0x265: {  	[hbm4b:s29+s25] =	stream.linear.scatter [tilespmem:s20], [sflag:$0x2], $0xC80, $0x38;
	[tilespmem:$0x1A908] =	vst v63  }
0x266: {  	_ =	swait.ge [sflag:s22], $0xC80  }
0x267: {  	[sflag:s22] =	ssyncset.done $0x0  }
0x268: {  	[sflag:s22] =	ssyncadd.s32 $0xFFFFF380  }
0x269: {  	[tilespmem:s21], [sflag:$0x1] =	stream.linear.gather [spmem:s0], $0xC80, $0x38;
	[tilespmem:$0x1A908] =	vst v63  }
0x26a: {  	_ =	swait.ge [sflag:s16], $0xC80  }
0x26b: {  	s28 =	sld [smem:$0x7DA]  }
0x26c: {  	[sflag:s16] =	ssyncset.done $0x0  }
0x26d: {  	[sflag:s16] =	ssyncadd.s32 $0xFFFFF380  }
0x26e: {  	[hbm4b:s28+s25] =	stream.linear.scatter [tilespmem:s21], [sflag:$0x2], $0xC80, $0x38;
	[tilespmem:$0x1A908] =	vst v63  }
0x26f: {  	_ =	swait.ge [sflag:s22], $0xC80  }
0x270: {  	[sflag:s22] =	ssyncset.done $0x0  }
0x271: {  	[sflag:s22] =	ssyncadd.s32 $0xFFFFF380  }
0x272: {  	[tilespmem:s20], [sflag:$0x1] =	stream.linear.gather [spmem:s1], $0xC80, $0x38;
	[tilespmem:$0x1A908] =	vst v63  }
0x273: {  	_ =	swait.ge [sflag:s16], $0xC80  }
0x274: {  	s29 =	sld [smem:$0x7DB]  }
0x275: {  	[sflag:s16] =	ssyncset.done $0x0  }
0x276: {  	[sflag:s16] =	ssyncadd.s32 $0xFFFFF380  }
0x277: {  	[hbm4b:s29+s25] =	stream.linear.scatter [tilespmem:s20], [sflag:$0x2], $0xC80, $0x38;
	[tilespmem:$0x1A908] =	vst v63  }
0x278: {  	_ =	swait.ge [sflag:s22], $0xC80  }
0x279: {  	[sflag:s22] =	ssyncset.done $0x0  }
0x27a: {  	[sflag:s22] =	ssyncadd.s32 $0xFFFFF380  }
0x27b: {  	[tilespmem:s21], [sflag:$0x1] =	stream.linear.gather [spmem:s4], $0xC80, $0x38;
	[tilespmem:$0x1A908] =	vst v63  }
0x27c: {  	_ =	swait.ge [sflag:s16], $0xC80  }
0x27d: {  	s28 =	sld [smem:$0x7DC]  }
0x27e: {  	[sflag:s16] =	ssyncset.done $0x0  }
0x27f: {  	[sflag:s16] =	ssyncadd.s32 $0xFFFFF380  }
0x280: {  	[hbm4b:s28+s25] =	stream.linear.scatter [tilespmem:s21], [sflag:$0x2], $0xC80, $0x38;
	[tilespmem:$0x1A908] =	vst v63  }
0x281: {  	_ =	swait.ge [sflag:s22], $0xC80  }
0x282: {  	[sflag:s22] =	ssyncset.done $0x0  }
0x283: {  	[sflag:s22] =	ssyncadd.s32 $0xFFFFF380  }
0x284: {  	[tilespmem:s20], [sflag:$0x1] =	stream.linear.gather [spmem:s6], $0xC80, $0x38;
	[tilespmem:$0x1A908] =	vst v63  }
0x285: {  	_ =	swait.ge [sflag:s16], $0xC80  }
0x286: {  	s29 =	sld [smem:$0x7DD]  }
0x287: {  	[sflag:s16] =	ssyncset.done $0x0  }
0x288: {  	[sflag:s16] =	ssyncadd.s32 $0xFFFFF380  }
0x289: {  	[hbm4b:s29+s25] =	stream.linear.scatter [tilespmem:s20], [sflag:$0x2], $0xC80, $0x38;
	[tilespmem:$0x1A908] =	vst v63  }
0x28a: {  	_ =	swait.ge [sflag:s22], $0xC80  }
0x28b: {  	[sflag:s22] =	ssyncset.done $0x0  }
0x28c: {  	[sflag:s22] =	ssyncadd.s32 $0xFFFFF380  }
0x28d: {  	[tilespmem:s21], [sflag:$0x1] =	stream.linear.gather [spmem:s7], $0xC80, $0x38;
	[tilespmem:$0x1A908] =	vst v63  }
0x28e: {  	_ =	swait.ge [sflag:s16], $0xC80  }
0x28f: {  	s28 =	sld [smem:$0x7DE]  }
0x290: {  	[sflag:s16] =	ssyncset.done $0x0  }
0x291: {  	[sflag:s16] =	ssyncadd.s32 $0xFFFFF380  }
0x292: {  	[hbm4b:s28+s25] =	stream.linear.scatter [tilespmem:s21], [sflag:$0x2], $0xC80, $0x38;
	[tilespmem:$0x1A908] =	vst v63  }
0x293: {  	_ =	swait.ge [sflag:s22], $0xC80  }
0x294: {  	[sflag:s22] =	ssyncset.done $0x0  }
0x295: {  	[sflag:s22] =	ssyncadd.s32 $0xFFFFF380  }
0x296: {  	[tilespmem:s20], [sflag:$0x1] =	stream.linear.gather [spmem:s8], $0xC80, $0x38;
	[tilespmem:$0x1A908] =	vst v63  }
0x297: {  	_ =	swait.ge [sflag:s16], $0xC80  }
0x298: {  	s29 =	sld [smem:$0x7DF]  }
0x299: {  	[sflag:s16] =	ssyncset.done $0x0  }
0x29a: {  	[sflag:s16] =	ssyncadd.s32 $0xFFFFF380  }
0x29b: {  	[hbm4b:s29+s25] =	stream.linear.scatter [tilespmem:s20], [sflag:$0x2], $0xC80, $0x38;
	[tilespmem:$0x1A908] =	vst v63  }
0x29c: {  	_ =	swait.ge [sflag:s22], $0xC80  }
0x29d: {  	[sflag:s22] =	ssyncset.done $0x0  }
0x29e: {  	[sflag:s22] =	ssyncadd.s32 $0xFFFFF380  }
0x29f: {  	[tilespmem:s21], [sflag:$0x1] =	stream.linear.gather [spmem:s9], $0xC80, $0x38;
	[tilespmem:$0x1A908] =	vst v63  }
0x2a0: {  	_ =	swait.ge [sflag:s16], $0xC80  }
0x2a1: {  	s28 =	sld [smem:$0x7E0]  }
0x2a2: {  	[sflag:s16] =	ssyncset.done $0x0  }
0x2a3: {  	[sflag:s16] =	ssyncadd.s32 $0xFFFFF380  }
0x2a4: {  	[hbm4b:s28+s25] =	stream.linear.scatter [tilespmem:s21], [sflag:$0x2], $0xC80, $0x38;
	[tilespmem:$0x1A908] =	vst v63  }
0x2a5: {  	_ =	swait.ge [sflag:s22], $0xC80  }
0x2a6: {  	[sflag:s22] =	ssyncset.done $0x0  }
0x2a7: {  	[sflag:s22] =	ssyncadd.s32 $0xFFFFF380  }
0x2a8: {  	[tilespmem:s20], [sflag:$0x1] =	stream.linear.gather [spmem:s10], $0xC80, $0x38;
	[tilespmem:$0x1A908] =	vst v63  }
0x2a9: {  	_ =	swait.ge [sflag:s16], $0xC80  }
0x2aa: {  	s29 =	sld [smem:$0x7E1]  }
0x2ab: {  	[sflag:s16] =	ssyncset.done $0x0  }
0x2ac: {  	[sflag:s16] =	ssyncadd.s32 $0xFFFFF380  }
0x2ad: {  	[hbm4b:s29+s25] =	stream.linear.scatter [tilespmem:s20], [sflag:$0x2], $0xC80, $0x38;
	[tilespmem:$0x1A908] =	vst v63  }
0x2ae: {  	_ =	swait.ge [sflag:s22], $0xC80  }
0x2af: {  	[sflag:s22] =	ssyncset.done $0x0  }
0x2b0: {  	[sflag:s22] =	ssyncadd.s32 $0xFFFFF380  }
0x2b1: {  	[tilespmem:s21], [sflag:$0x1] =	stream.linear.gather [spmem:s11], $0xC80, $0x38;
	[tilespmem:$0x1A908] =	vst v63  }
0x2b2: {  	_ =	swait.ge [sflag:s16], $0xC80  }
0x2b3: {  	s28 =	sld [smem:$0x7E2]  }
0x2b4: {  	[sflag:s16] =	ssyncset.done $0x0  }
0x2b5: {  	[sflag:s16] =	ssyncadd.s32 $0xFFFFF380  }
0x2b6: {  	[hbm4b:s28+s25] =	stream.linear.scatter [tilespmem:s21], [sflag:$0x2], $0xC80, $0x38;
	[tilespmem:$0x1A908] =	vst v63  }
0x2b7: {  	_ =	swait.ge [sflag:s22], $0xC80  }
0x2b8: {  	[sflag:s22] =	ssyncset.done $0x0  }
0x2b9: {  	[sflag:s22] =	ssyncadd.s32 $0xFFFFF380  }
0x2ba: {  	[tilespmem:s20], [sflag:$0x1] =	stream.linear.gather [spmem:s12], $0xC80, $0x38;
	[tilespmem:$0x1A908] =	vst v63  }
0x2bb: {  	_ =	swait.ge [sflag:s16], $0xC80  }
0x2bc: {  	s29 =	sld [smem:$0x7E3]  }
0x2bd: {  	[sflag:s16] =	ssyncset.done $0x0  }
0x2be: {  	[sflag:s16] =	ssyncadd.s32 $0xFFFFF380  }
0x2bf: {  	[hbm4b:s29+s25] =	stream.linear.scatter [tilespmem:s20], [sflag:$0x2], $0xC80, $0x38;
	[tilespmem:$0x1A908] =	vst v63  }
0x2c0: {  	_ =	swait.ge [sflag:s22], $0xC80  }
0x2c1: {  	[sflag:s22] =	ssyncset.done $0x0  }
0x2c2: {  	[sflag:s22] =	ssyncadd.s32 $0xFFFFF380  }
0x2c3: {  	[tilespmem:s21], [sflag:$0x1] =	stream.linear.gather [spmem:s13], $0xC80, $0x38;
	[tilespmem:$0x1A908] =	vst v63  }
0x2c4: {  	_ =	swait.ge [sflag:s16], $0xC80  }
0x2c5: {  	s28 =	sld [smem:$0x7E4]  }
0x2c6: {  	[sflag:s16] =	ssyncset.done $0x0  }
0x2c7: {  	[sflag:s16] =	ssyncadd.s32 $0xFFFFF380  }
0x2c8: {  	[hbm4b:s28+s25] =	stream.linear.scatter [tilespmem:s21], [sflag:$0x2], $0xC80, $0x38;
	[tilespmem:$0x1A908] =	vst v63  }
0x2c9: {  	_ =	swait.ge [sflag:s22], $0xC80  }
0x2ca: {  	[sflag:s22] =	ssyncset.done $0x0  }
0x2cb: {  	[sflag:s22] =	ssyncadd.s32 $0xFFFFF380  }
0x2cc: {  	[tilespmem:s20], [sflag:$0x1] =	stream.linear.gather [spmem:s14], $0xC80, $0x38;
	[tilespmem:$0x1A908] =	vst v63  }
0x2cd: {  	_ =	swait.ge [sflag:s16], $0xC80  }
0x2ce: {  	s29 =	sld [smem:$0x7E5]  }
0x2cf: {  	[sflag:s16] =	ssyncset.done $0x0  }
0x2d0: {  	[sflag:s16] =	ssyncadd.s32 $0xFFFFF380  }
0x2d1: {  	[hbm4b:s29+s25] =	stream.linear.scatter [tilespmem:s20], [sflag:$0x2], $0xC80, $0x38;
	[tilespmem:$0x1A908] =	vst v63  }
0x2d2: {  	_ =	swait.ge [sflag:s22], $0xC80  }
0x2d3: {  	[sflag:s22] =	ssyncset.done $0x0  }
0x2d4: {  	[sflag:s22] =	ssyncadd.s32 $0xFFFFF380  }
0x2d5: {  	_ =	swait.ge [sflag:s22], $0xC80  }
0x2d6: {  	[sflag:s22] =	ssyncset.done $0x0  }
0x2d7: {  	[sflag:s22] =	ssyncadd.s32 $0xFFFFF380  }
0x2d8: {  	s26 =	simm.s32 $0x0;
	s25 =	simm.s32 $0x40;
	[bflag:$0x0] =	sbarrier.arrive $0xFFFF  }
.LBB2_26:
0x2d9: {  	p0 =	sne.s32 s25, $0x63C0;
	[tilespmem:s26+$0x5780] =	vst v10;
	s26 =	smov.u32 s25;
	s25 =	sadd.s32 $0x40, s25  }
.Ltmp12:
0x2da: {  	(pc) =	sbr.rel @p0 .LBB2_26-.Ltmp12, $2  }
0x2db: {  	_ =	sdelay $0x2  }
0x2dc: {  	s26 =	sshra.s32 s26, $0x2  }
0x2dd: {  	[tilespmem:s26+$0x5780] =	vst v10  }
0x2de: {  	[spmem:s15] =	stream.linear.scatter [tilespmem:s20], [sflag:$0x1], $0xC80, $0x38;
	[tilespmem:$0x1A908] =	vst v63  }
0x2df: {  	s25 =	rddreg [dreg:$0x10]  }
0x2e0: {  	[spmem:s25] =	stream.linear.scatter [tilespmem:s21], [sflag:$0x1], $0xC80, $0x38;
	[tilespmem:$0x1A908] =	vst v63  }
0x2e1: {  	s26 =	rddreg [dreg:$0x11]  }
0x2e2: {  	[spmem:s26] =	stream.linear.scatter [tilespmem:s20], [sflag:$0x1], $0xC80, $0x38;
	[tilespmem:$0x1A908] =	vst v63  }
0x2e3: {  	s28 =	rddreg [dreg:$0x12]  }
0x2e4: {  	[spmem:s28] =	stream.linear.scatter [tilespmem:s21], [sflag:$0x1], $0xC80, $0x38;
	[tilespmem:$0x1A908] =	vst v63  }
0x2e5: {  	_ =	swait.ge [sflag:s16], $0xC80  }
0x2e6: {  	[sflag:s16] =	ssyncset.done $0x0  }
0x2e7: {  	s26 =	rddreg [dreg:$0x13];
	[sflag:s16] =	ssyncadd.s32 $0xFFFFF380  }
0x2e8: {  	[spmem:s26] =	stream.linear.scatter [tilespmem:s20], [sflag:$0x1], $0xC80, $0x38;
	[tilespmem:$0x1A908] =	vst v63  }
0x2e9: {  	_ =	swait.ge [sflag:s16], $0xC80  }
0x2ea: {  	[sflag:s16] =	ssyncset.done $0x0  }
0x2eb: {  	s28 =	rddreg [dreg:$0x16];
	[sflag:s16] =	ssyncadd.s32 $0xFFFFF380  }
0x2ec: {  	[spmem:s28] =	stream.linear.scatter [tilespmem:s21], [sflag:$0x1], $0xC80, $0x38;
	[tilespmem:$0x1A908] =	vst v63  }
0x2ed: {  	_ =	swait.ge [sflag:s16], $0xC80  }
0x2ee: {  	[sflag:s16] =	ssyncset.done $0x0  }
0x2ef: {  	s26 =	rddreg [dreg:$0x18];
	[sflag:s16] =	ssyncadd.s32 $0xFFFFF380  }
0x2f0: {  	[spmem:s26] =	stream.linear.scatter [tilespmem:s20], [sflag:$0x1], $0xC80, $0x38;
	[tilespmem:$0x1A908] =	vst v63  }
0x2f1: {  	_ =	swait.ge [sflag:s16], $0xC80  }
0x2f2: {  	[sflag:s16] =	ssyncset.done $0x0  }
0x2f3: {  	s28 =	rddreg [dreg:$0x19];
	[sflag:s16] =	ssyncadd.s32 $0xFFFFF380  }
0x2f4: {  	[spmem:s28] =	stream.linear.scatter [tilespmem:s21], [sflag:$0x1], $0xC80, $0x38;
	[tilespmem:$0x1A908] =	vst v63  }
0x2f5: {  	_ =	swait.ge [sflag:s16], $0xC80  }
0x2f6: {  	[sflag:s16] =	ssyncset.done $0x0  }
0x2f7: {  	s26 =	rddreg [dreg:$0x1a];
	[sflag:s16] =	ssyncadd.s32 $0xFFFFF380  }
0x2f8: {  	[spmem:s26] =	stream.linear.scatter [tilespmem:s20], [sflag:$0x1], $0xC80, $0x38;
	[tilespmem:$0x1A908] =	vst v63  }
0x2f9: {  	_ =	swait.ge [sflag:s16], $0xC80  }
0x2fa: {  	[sflag:s16] =	ssyncset.done $0x0  }
0x2fb: {  	s28 =	rddreg [dreg:$0x1b];
	[sflag:s16] =	ssyncadd.s32 $0xFFFFF380  }
0x2fc: {  	[spmem:s28] =	stream.linear.scatter [tilespmem:s21], [sflag:$0x1], $0xC80, $0x38;
	[tilespmem:$0x1A908] =	vst v63  }
0x2fd: {  	_ =	swait.ge [sflag:s16], $0xC80  }
0x2fe: {  	[sflag:s16] =	ssyncset.done $0x0  }
0x2ff: {  	s26 =	rddreg [dreg:$0x1c];
	[sflag:s16] =	ssyncadd.s32 $0xFFFFF380  }
0x300: {  	[spmem:s26] =	stream.linear.scatter [tilespmem:s20], [sflag:$0x1], $0xC80, $0x38;
	[tilespmem:$0x1A908] =	vst v63  }
0x301: {  	_ =	swait.ge [sflag:s16], $0xC80  }
0x302: {  	[sflag:s16] =	ssyncset.done $0x0  }
0x303: {  	[sflag:s16] =	ssyncadd.s32 $0xFFFFF380  }
0x304: {  	[spmem:s30] =	stream.linear.scatter [tilespmem:s21], [sflag:$0x1], $0xC80, $0x38;
	[tilespmem:$0x1A908] =	vst v63  }
0x305: {  	_ =	swait.ge [sflag:s16], $0xC80  }
0x306: {  	[sflag:s16] =	ssyncset.done $0x0  }
0x307: {  	[sflag:s16] =	ssyncadd.s32 $0xFFFFF380  }
0x308: {  	[spmem:s31] =	stream.linear.scatter [tilespmem:s20], [sflag:$0x1], $0xC80, $0x38;
	[tilespmem:$0x1A908] =	vst v63  }
0x309: {  	_ =	swait.ge [sflag:s16], $0xC80  }
0x30a: {  	[sflag:s16] =	ssyncset.done $0x0  }
0x30b: {  	[sflag:s16] =	ssyncadd.s32 $0xFFFFF380  }
0x30c: {  	[spmem:s0] =	stream.linear.scatter [tilespmem:s21], [sflag:$0x1], $0xC80, $0x38;
	[tilespmem:$0x1A908] =	vst v63  }
0x30d: {  	_ =	swait.ge [sflag:s16], $0xC80  }
0x30e: {  	[sflag:s16] =	ssyncset.done $0x0  }
0x30f: {  	[sflag:s16] =	ssyncadd.s32 $0xFFFFF380  }
0x310: {  	[spmem:s1] =	stream.linear.scatter [tilespmem:s20], [sflag:$0x1], $0xC80, $0x38;
	[tilespmem:$0x1A908] =	vst v63  }
0x311: {  	_ =	swait.ge [sflag:s16], $0xC80  }
0x312: {  	[sflag:s16] =	ssyncset.done $0x0  }
0x313: {  	[sflag:s16] =	ssyncadd.s32 $0xFFFFF380  }
0x314: {  	[spmem:s4] =	stream.linear.scatter [tilespmem:s21], [sflag:$0x1], $0xC80, $0x38;
	[tilespmem:$0x1A908] =	vst v63  }
0x315: {  	_ =	swait.ge [sflag:s16], $0xC80  }
0x316: {  	[sflag:s16] =	ssyncset.done $0x0  }
0x317: {  	[sflag:s16] =	ssyncadd.s32 $0xFFFFF380  }
0x318: {  	[spmem:s6] =	stream.linear.scatter [tilespmem:s20], [sflag:$0x1], $0xC80, $0x38;
	[tilespmem:$0x1A908] =	vst v63  }
0x319: {  	_ =	swait.ge [sflag:s16], $0xC80  }
0x31a: {  	[sflag:s16] =	ssyncset.done $0x0  }
0x31b: {  	[sflag:s16] =	ssyncadd.s32 $0xFFFFF380  }
0x31c: {  	[spmem:s7] =	stream.linear.scatter [tilespmem:s21], [sflag:$0x1], $0xC80, $0x38;
	[tilespmem:$0x1A908] =	vst v63  }
0x31d: {  	_ =	swait.ge [sflag:s16], $0xC80  }
0x31e: {  	[sflag:s16] =	ssyncset.done $0x0  }
0x31f: {  	[sflag:s16] =	ssyncadd.s32 $0xFFFFF380  }
0x320: {  	[spmem:s8] =	stream.linear.scatter [tilespmem:s20], [sflag:$0x1], $0xC80, $0x38;
	[tilespmem:$0x1A908] =	vst v63  }
0x321: {  	_ =	swait.ge [sflag:s16], $0xC80  }
0x322: {  	[sflag:s16] =	ssyncset.done $0x0  }
0x323: {  	[sflag:s16] =	ssyncadd.s32 $0xFFFFF380  }
0x324: {  	[spmem:s9] =	stream.linear.scatter [tilespmem:s21], [sflag:$0x1], $0xC80, $0x38;
	[tilespmem:$0x1A908] =	vst v63  }
0x325: {  	_ =	swait.ge [sflag:s16], $0xC80  }
0x326: {  	[sflag:s16] =	ssyncset.done $0x0  }
0x327: {  	[sflag:s16] =	ssyncadd.s32 $0xFFFFF380  }
0x328: {  	[spmem:s10] =	stream.linear.scatter [tilespmem:s20], [sflag:$0x1], $0xC80, $0x38;
	[tilespmem:$0x1A908] =	vst v63  }
0x329: {  	_ =	swait.ge [sflag:s16], $0xC80  }
0x32a: {  	[sflag:s16] =	ssyncset.done $0x0  }
0x32b: {  	[sflag:s16] =	ssyncadd.s32 $0xFFFFF380  }
0x32c: {  	[spmem:s11] =	stream.linear.scatter [tilespmem:s21], [sflag:$0x1], $0xC80, $0x38;
	[tilespmem:$0x1A908] =	vst v63  }
0x32d: {  	_ =	swait.ge [sflag:s16], $0xC80  }
0x32e: {  	[sflag:s16] =	ssyncset.done $0x0  }
0x32f: {  	[sflag:s16] =	ssyncadd.s32 $0xFFFFF380  }
0x330: {  	[spmem:s12] =	stream.linear.scatter [tilespmem:s20], [sflag:$0x1], $0xC80, $0x38;
	[tilespmem:$0x1A908] =	vst v63  }
0x331: {  	_ =	swait.ge [sflag:s16], $0xC80  }
0x332: {  	[sflag:s16] =	ssyncset.done $0x0  }
0x333: {  	[sflag:s16] =	ssyncadd.s32 $0xFFFFF380  }
0x334: {  	[spmem:s13] =	stream.linear.scatter [tilespmem:s21], [sflag:$0x1], $0xC80, $0x38;
	[tilespmem:$0x1A908] =	vst v63  }
0x335: {  	_ =	swait.ge [sflag:s16], $0xC80  }
0x336: {  	[sflag:s16] =	ssyncset.done $0x0  }
0x337: {  	[sflag:s16] =	ssyncadd.s32 $0xFFFFF380  }
0x338: {  	[spmem:s14] =	stream.linear.scatter [tilespmem:s20], [sflag:$0x1], $0xC80, $0x38;
	[tilespmem:$0x1A908] =	vst v63  }
0x339: {  	_ =	swait.ge [sflag:s16], $0xC80  }
0x33a: {  	[sflag:s16] =	ssyncset.done $0x0  }
0x33b: {  	[sflag:s16] =	ssyncadd.s32 $0xFFFFF380  }
0x33c: {  	_ =	swait.ge [sflag:s16], $0xC80  }
0x33d: {  	[sflag:s16] =	ssyncset.done $0x0  }
0x33e: {  	[sflag:s16] =	ssyncadd.s32 $0xFFFFF380  }
0x33f: {  	_ =	swait.ge [sflag:s16], $0xC80  }
0x340: {  	[sflag:s16] =	ssyncset.done $0x0  }
0x341: {  	[sflag:s16] =	ssyncadd.s32 $0xFFFFF380  }
0x342: {  	_ =	swait.ge [sflag:s16], $0xC80  }
0x343: {  	[sflag:s16] =	ssyncset.done $0x0  }
0x344: {  	[sflag:s16] =	ssyncadd.s32 $0xFFFFF380  }
0x345: {  	s28 =	simm.s32 $0x0;
	[bflag:$0x0] =	sbarrier.arrive $0xFFFF  }
0x346: {  	v13 =	vld [tilespmem:s28+$0x0];
	_ =	sdelay $0x4  }
0x347: {  	v13 =	vsub.s32 v13, v4  }
0x348: {  	vm0 =	vlt.u32 v13, $0x138800  }
0x349: {  	v13 =	vsel vm0, v13, v0  }
0x34a: {  	[tilespmem:$0x4E80] =	vst v13  }
0x34b: {  	v13 =	vld [tilespmem:s28+$0x10];
	_ =	sdelay $0x4  }
0x34c: {  	v13 =	vsub.s32 v13, v4  }
0x34d: {  	vm9 =	vlt.u32 v13, $0x138800  }
0x34e: {  	v13 =	vsel vm9, v13, v2  }
0x34f: {  	[tilespmem:$0x4E90] =	vst v13  }
0x350: {  	v13 =	vld [tilespmem:s28+$0x20];
	_ =	sdelay $0x4  }
0x351: {  	v13 =	vsub.s32 v13, v4  }
0x352: {  	vm10 =	vlt.u32 v13, $0x138800  }
0x353: {  	v13 =	vsel vm10, v13, v3  }
0x354: {  	[tilespmem:$0x4EA0] =	vst v13  }
0x355: {  	v13 =	vld [tilespmem:s28+$0x30];
	_ =	sdelay $0x4  }
0x356: {  	v13 =	vsub.s32 v13, v4  }
0x357: {  	vm11 =	vlt.u32 v13, $0x138800  }
0x358: {  	v13 =	vsel vm11, v13, v6  }
0x359: {  	[tilespmem:$0x4EB0] =	vst v13  }
0x35a: {  	v13 =	vld [tilespmem:s28+$0x40];
	_ =	sdelay $0x4  }
0x35b: {  	v13 =	vsub.s32 v13, v4  }
0x35c: {  	vm12 =	vlt.u32 v13, $0x138800  }
0x35d: {  	v13 =	vsel vm12, v13, v8  }
0x35e: {  	[tilespmem:$0x4EC0] =	vst v13  }
0x35f: {  	v13 =	vld [tilespmem:s28+$0x50];
	_ =	sdelay $0x4  }
0x360: {  	v13 =	vsub.s32 v13, v4  }
0x361: {  	vm13 =	vlt.u32 v13, $0x138800  }
0x362: {  	v13 =	vsel vm13, v13, v9  }
0x363: {  	[tilespmem:$0x4ED0] =	vst v13  }
0x364: {  	v13 =	vld [tilespmem:s28+$0x60];
	_ =	sdelay $0x4  }
0x365: {  	v13 =	vsub.s32 v13, v4  }
0x366: {  	vm14 =	vlt.u32 v13, $0x138800  }
0x367: {  	v13 =	vsel vm14, v13, v11  }
0x368: {  	[tilespmem:$0x4EE0] =	vst v13  }
0x369: {  	v13 =	vld [tilespmem:s28+$0x70];
	_ =	sdelay $0x4  }
0x36a: {  	v13 =	vsub.s32 v13, v4  }
0x36b: {  	vm15 =	vlt.u32 v13, $0x138800  }
0x36c: {  	v13 =	vsel vm15, v13, v12  }
0x36d: {  	[tilespmem:$0x4EF0] =	vst v13  }
0x36e: {  	[spmem:s2] =	stream.indirect.scatter.add.f32 [tilespmem:s19], [sflag:$0x3], $0x1, s18, s17, $0xb8;
	[tilespmem:$0x1A908] =	vst v63  }
0x36f: {  	_ =	swait.ge [sflag:s23], $0x80  }
0x370: {  	s29 =	simm.s32 $0x400;
	s25 =	simm.s32 $0x200;
	[sflag:s23] =	ssyncset.done $0x0  }
.LBB2_28:
0x371: {  	s28 =	sshra.s32 s25, $0x2  }
0x372: {  	[sflag:s23] =	ssyncadd.s32 $0xFFFFFF80;
	s25 =	smov.u32 s29;
	s26 =	sadd.s32 $0x200, s29  }
0x373: {  	p0 =	sne.s32 s29, $0x13800;
	v13 =	vld [tilespmem:s28+$0x0];
	_ =	sdelay $0x4  }
0x374: {  	v13 =	vsub.s32 v13, v4  }
0x375: {  	vm0 =	vlt.u32 v13, $0x138800  }
0x376: {  	v13 =	vsel vm0, v13, v0  }
0x377: {  	[tilespmem:$0x4E80] =	vst v13  }
0x378: {  	v13 =	vld [tilespmem:s28+$0x10];
	_ =	sdelay $0x4  }
0x379: {  	v13 =	vsub.s32 v13, v4  }
0x37a: {  	vm0 =	vlt.u32 v13, $0x138800  }
0x37b: {  	v13 =	vsel vm0, v13, v2  }
0x37c: {  	[tilespmem:$0x4E90] =	vst v13  }
0x37d: {  	v13 =	vld [tilespmem:s28+$0x20];
	_ =	sdelay $0x4  }
0x37e: {  	v13 =	vsub.s32 v13, v4  }
0x37f: {  	vm0 =	vlt.u32 v13, $0x138800  }
0x380: {  	v13 =	vsel vm0, v13, v3  }
0x381: {  	[tilespmem:$0x4EA0] =	vst v13  }
0x382: {  	v13 =	vld [tilespmem:s28+$0x30];
	_ =	sdelay $0x4  }
0x383: {  	v13 =	vsub.s32 v13, v4  }
0x384: {  	vm0 =	vlt.u32 v13, $0x138800  }
0x385: {  	v13 =	vsel vm0, v13, v6  }
0x386: {  	[tilespmem:$0x4EB0] =	vst v13  }
0x387: {  	v13 =	vld [tilespmem:s28+$0x40];
	_ =	sdelay $0x4  }
0x388: {  	v13 =	vsub.s32 v13, v4  }
0x389: {  	vm0 =	vlt.u32 v13, $0x138800  }
0x38a: {  	v13 =	vsel vm0, v13, v8  }
0x38b: {  	[tilespmem:$0x4EC0] =	vst v13  }
0x38c: {  	v13 =	vld [tilespmem:s28+$0x50];
	_ =	sdelay $0x4  }
0x38d: {  	v13 =	vsub.s32 v13, v4  }
0x38e: {  	vm0 =	vlt.u32 v13, $0x138800  }
0x38f: {  	v13 =	vsel vm0, v13, v9  }
0x390: {  	[tilespmem:$0x4ED0] =	vst v13  }
0x391: {  	v13 =	vld [tilespmem:s28+$0x60];
	_ =	sdelay $0x4  }
0x392: {  	v13 =	vsub.s32 v13, v4  }
0x393: {  	vm0 =	vlt.u32 v13, $0x138800  }
0x394: {  	v13 =	vsel vm0, v13, v11  }
0x395: {  	[tilespmem:$0x4EE0] =	vst v13  }
0x396: {  	v13 =	vld [tilespmem:s28+$0x70];
	_ =	sdelay $0x4  }
0x397: {  	v13 =	vsub.s32 v13, v4  }
0x398: {  	vm0 =	vlt.u32 v13, $0x138800  }
.Ltmp13:
0x399: {  	v13 =	vsel vm0, v13, v12;
	(pc) =	sbr.rel @p0 .LBB2_28-.Ltmp13, $4  }
0x39a: {  	[tilespmem:$0x4EF0] =	vst v13  }
0x39b: {  	[spmem:s2] =	stream.indirect.scatter.add.f32 [tilespmem:s19], [sflag:$0x3], $0x1, s18, s17, $0xb8;
	[tilespmem:$0x1A908] =	vst v63  }
0x39c: {  	_ =	swait.ge [sflag:s23], $0x80  }
0x39d: {  	s29 =	smov.u32 s26;
	[sflag:s23] =	ssyncset.done $0x0  }
0x39e: {  	s25 =	sshra.s32 s25, $0x2;
	[sflag:s23] =	ssyncadd.s32 $0xFFFFFF80  }
0x39f: {  	v13 =	vld [tilespmem:s25+$0x0];
	_ =	sdelay $0x4  }
0x3a0: {  	v13 =	vsub.s32 v13, v4  }
0x3a1: {  	vm0 =	vlt.u32 v13, $0x138800  }
0x3a2: {  	v13 =	vsel vm0, v13, v0  }
0x3a3: {  	[tilespmem:$0x4E80] =	vst v13  }
0x3a4: {  	v13 =	vld [tilespmem:s25+$0x10];
	_ =	sdelay $0x4  }
0x3a5: {  	v13 =	vsub.s32 v13, v4  }
0x3a6: {  	vm9 =	vlt.u32 v13, $0x138800  }
0x3a7: {  	v13 =	vsel vm9, v13, v2  }
0x3a8: {  	[tilespmem:$0x4E90] =	vst v13  }
0x3a9: {  	v13 =	vld [tilespmem:s25+$0x20];
	_ =	sdelay $0x4  }
0x3aa: {  	v13 =	vsub.s32 v13, v4  }
0x3ab: {  	vm10 =	vlt.u32 v13, $0x138800  }
0x3ac: {  	v13 =	vsel vm10, v13, v3  }
0x3ad: {  	[tilespmem:$0x4EA0] =	vst v13  }
0x3ae: {  	v13 =	vld [tilespmem:s25+$0x30];
	_ =	sdelay $0x4  }
0x3af: {  	v13 =	vsub.s32 v13, v4  }
0x3b0: {  	vm11 =	vlt.u32 v13, $0x138800  }
0x3b1: {  	v13 =	vsel vm11, v13, v6  }
0x3b2: {  	[tilespmem:$0x4EB0] =	vst v13  }
0x3b3: {  	v13 =	vld [tilespmem:s25+$0x40];
	_ =	sdelay $0x4  }
0x3b4: {  	v13 =	vsub.s32 v13, v4  }
0x3b5: {  	vm12 =	vlt.u32 v13, $0x138800  }
0x3b6: {  	v13 =	vsel vm12, v13, v8  }
0x3b7: {  	[tilespmem:$0x4EC0] =	vst v13  }
0x3b8: {  	v13 =	vld [tilespmem:s25+$0x50];
	_ =	sdelay $0x4  }
0x3b9: {  	v13 =	vsub.s32 v13, v4  }
0x3ba: {  	vm13 =	vlt.u32 v13, $0x138800  }
0x3bb: {  	v13 =	vsel vm13, v13, v9  }
0x3bc: {  	[tilespmem:$0x4ED0] =	vst v13  }
0x3bd: {  	v13 =	vld [tilespmem:s25+$0x60];
	_ =	sdelay $0x4  }
0x3be: {  	v13 =	vsub.s32 v13, v4  }
0x3bf: {  	vm14 =	vlt.u32 v13, $0x138800  }
0x3c0: {  	v13 =	vsel vm14, v13, v11  }
0x3c1: {  	[tilespmem:$0x4EE0] =	vst v13  }
0x3c2: {  	v13 =	vld [tilespmem:s25+$0x70];
	_ =	sdelay $0x4  }
0x3c3: {  	v13 =	vsub.s32 v13, v4  }
0x3c4: {  	vm15 =	vlt.u32 v13, $0x138800  }
0x3c5: {  	v13 =	vsel vm15, v13, v12  }
0x3c6: {  	[tilespmem:$0x4EF0] =	vst v13  }
0x3c7: {  	[spmem:s2] =	stream.indirect.scatter.add.f32 [tilespmem:s19], [sflag:$0x3], $0x1, s18, s17, $0xb8;
	[tilespmem:$0x1A908] =	vst v63  }
0x3c8: {  	_ =	swait.ge [sflag:s23], $0x80  }
0x3c9: {  	[sflag:s23] =	ssyncset.done $0x0  }
0x3ca: {  	[sflag:s23] =	ssyncadd.s32 $0xFFFFFF80  }
0x3cb: {  	[bflag:$0x0] =	sbarrier.arrive $0xFFFF  }
0x3cc: {  	[tilespmem:s20], [sflag:$0x1] =	stream.linear.gather [spmem:s15], $0xC80, $0x38;
	[tilespmem:$0x1A908] =	vst v63  }
0x3cd: {  	_ =	swait.ge [sflag:s16], $0xC80  }
0x3ce: {  	[sflag:s16] =	ssyncset.done $0x0  }
0x3cf: {  	s26 =	rddreg [dreg:$0x15];
	[sflag:s16] =	ssyncadd.s32 $0xFFFFF380  }
0x3d0: {  	[hbm4b:s26+s3] =	stream.linear.scatter [tilespmem:s20], [sflag:$0x2], $0xC80, $0x38;
	[tilespmem:$0x1A908] =	vst v63  }
0x3d1: {  	s28 =	rddreg [dreg:$0x10]  }
0x3d2: {  	[tilespmem:s21], [sflag:$0x1] =	stream.linear.gather [spmem:s28], $0xC80, $0x38;
	[tilespmem:$0x1A908] =	vst v63  }
0x3d3: {  	_ =	swait.ge [sflag:s16], $0xC80  }
0x3d4: {  	s29 =	sld [smem:$0x7E6]  }
0x3d5: {  	[sflag:s16] =	ssyncset.done $0x0  }
0x3d6: {  	[sflag:s16] =	ssyncadd.s32 $0xFFFFF380  }
0x3d7: {  	[hbm4b:s29+s3] =	stream.linear.scatter [tilespmem:s21], [sflag:$0x2], $0xC80, $0x38;
	[tilespmem:$0x1A908] =	vst v63  }
0x3d8: {  	_ =	swait.ge [sflag:s22], $0xC80  }
0x3d9: {  	[sflag:s22] =	ssyncset.done $0x0  }
0x3da: {  	s26 =	rddreg [dreg:$0x11];
	[sflag:s22] =	ssyncadd.s32 $0xFFFFF380  }
0x3db: {  	[tilespmem:s20], [sflag:$0x1] =	stream.linear.gather [spmem:s26], $0xC80, $0x38;
	[tilespmem:$0x1A908] =	vst v63  }
0x3dc: {  	_ =	swait.ge [sflag:s16], $0xC80  }
0x3dd: {  	s28 =	sld [smem:$0x7E7]  }
0x3de: {  	[sflag:s16] =	ssyncset.done $0x0  }
0x3df: {  	[sflag:s16] =	ssyncadd.s32 $0xFFFFF380  }
0x3e0: {  	[hbm4b:s28+s3] =	stream.linear.scatter [tilespmem:s20], [sflag:$0x2], $0xC80, $0x38;
	[tilespmem:$0x1A908] =	vst v63  }
0x3e1: {  	_ =	swait.ge [sflag:s22], $0xC80  }
0x3e2: {  	[sflag:s22] =	ssyncset.done $0x0  }
0x3e3: {  	s29 =	rddreg [dreg:$0x12];
	[sflag:s22] =	ssyncadd.s32 $0xFFFFF380  }
0x3e4: {  	[tilespmem:s21], [sflag:$0x1] =	stream.linear.gather [spmem:s29], $0xC80, $0x38;
	[tilespmem:$0x1A908] =	vst v63  }
0x3e5: {  	_ =	swait.ge [sflag:s16], $0xC80  }
0x3e6: {  	s26 =	sld [smem:$0x7E8]  }
0x3e7: {  	[sflag:s16] =	ssyncset.done $0x0  }
0x3e8: {  	[sflag:s16] =	ssyncadd.s32 $0xFFFFF380  }
0x3e9: {  	[hbm4b:s26+s3] =	stream.linear.scatter [tilespmem:s21], [sflag:$0x2], $0xC80, $0x38;
	[tilespmem:$0x1A908] =	vst v63  }
0x3ea: {  	_ =	swait.ge [sflag:s22], $0xC80  }
0x3eb: {  	[sflag:s22] =	ssyncset.done $0x0  }
0x3ec: {  	s28 =	rddreg [dreg:$0x13];
	[sflag:s22] =	ssyncadd.s32 $0xFFFFF380  }
0x3ed: {  	[tilespmem:s20], [sflag:$0x1] =	stream.linear.gather [spmem:s28], $0xC80, $0x38;
	[tilespmem:$0x1A908] =	vst v63  }
0x3ee: {  	_ =	swait.ge [sflag:s16], $0xC80  }
0x3ef: {  	s29 =	sld [smem:$0x7E9]  }
0x3f0: {  	[sflag:s16] =	ssyncset.done $0x0  }
0x3f1: {  	[sflag:s16] =	ssyncadd.s32 $0xFFFFF380  }
0x3f2: {  	[hbm4b:s29+s3] =	stream.linear.scatter [tilespmem:s20], [sflag:$0x2], $0xC80, $0x38;
	[tilespmem:$0x1A908] =	vst v63  }
0x3f3: {  	_ =	swait.ge [sflag:s22], $0xC80  }
0x3f4: {  	[sflag:s22] =	ssyncset.done $0x0  }
0x3f5: {  	s26 =	rddreg [dreg:$0x16];
	[sflag:s22] =	ssyncadd.s32 $0xFFFFF380  }
0x3f6: {  	[tilespmem:s21], [sflag:$0x1] =	stream.linear.gather [spmem:s26], $0xC80, $0x38;
	[tilespmem:$0x1A908] =	vst v63  }
0x3f7: {  	_ =	swait.ge [sflag:s16], $0xC80  }
0x3f8: {  	s28 =	sld [smem:$0x7EA]  }
0x3f9: {  	[sflag:s16] =	ssyncset.done $0x0  }
0x3fa: {  	[sflag:s16] =	ssyncadd.s32 $0xFFFFF380  }
0x3fb: {  	[hbm4b:s28+s3] =	stream.linear.scatter [tilespmem:s21], [sflag:$0x2], $0xC80, $0x38;
	[tilespmem:$0x1A908] =	vst v63  }
0x3fc: {  	_ =	swait.ge [sflag:s22], $0xC80  }
0x3fd: {  	[sflag:s22] =	ssyncset.done $0x0  }
0x3fe: {  	s29 =	rddreg [dreg:$0x18];
	[sflag:s22] =	ssyncadd.s32 $0xFFFFF380  }
0x3ff: {  	[tilespmem:s20], [sflag:$0x1] =	stream.linear.gather [spmem:s29], $0xC80, $0x38;
	[tilespmem:$0x1A908] =	vst v63  }
0x400: {  	_ =	swait.ge [sflag:s16], $0xC80  }
0x401: {  	s26 =	sld [smem:$0x7EB]  }
0x402: {  	[sflag:s16] =	ssyncset.done $0x0  }
0x403: {  	[sflag:s16] =	ssyncadd.s32 $0xFFFFF380  }
0x404: {  	[hbm4b:s26+s3] =	stream.linear.scatter [tilespmem:s20], [sflag:$0x2], $0xC80, $0x38;
	[tilespmem:$0x1A908] =	vst v63  }
0x405: {  	_ =	swait.ge [sflag:s22], $0xC80  }
0x406: {  	[sflag:s22] =	ssyncset.done $0x0  }
0x407: {  	s28 =	rddreg [dreg:$0x19];
	[sflag:s22] =	ssyncadd.s32 $0xFFFFF380  }
0x408: {  	[tilespmem:s21], [sflag:$0x1] =	stream.linear.gather [spmem:s28], $0xC80, $0x38;
	[tilespmem:$0x1A908] =	vst v63  }
0x409: {  	_ =	swait.ge [sflag:s16], $0xC80  }
0x40a: {  	s29 =	sld [smem:$0x7EC]  }
0x40b: {  	[sflag:s16] =	ssyncset.done $0x0  }
0x40c: {  	[sflag:s16] =	ssyncadd.s32 $0xFFFFF380  }
0x40d: {  	[hbm4b:s29+s3] =	stream.linear.scatter [tilespmem:s21], [sflag:$0x2], $0xC80, $0x38;
	[tilespmem:$0x1A908] =	vst v63  }
0x40e: {  	_ =	swait.ge [sflag:s22], $0xC80  }
0x40f: {  	[sflag:s22] =	ssyncset.done $0x0  }
0x410: {  	s26 =	rddreg [dreg:$0x1a];
	[sflag:s22] =	ssyncadd.s32 $0xFFFFF380  }
0x411: {  	[tilespmem:s20], [sflag:$0x1] =	stream.linear.gather [spmem:s26], $0xC80, $0x38;
	[tilespmem:$0x1A908] =	vst v63  }
0x412: {  	_ =	swait.ge [sflag:s16], $0xC80  }
0x413: {  	s28 =	sld [smem:$0x7ED]  }
0x414: {  	[sflag:s16] =	ssyncset.done $0x0  }
0x415: {  	[sflag:s16] =	ssyncadd.s32 $0xFFFFF380  }
0x416: {  	[hbm4b:s28+s3] =	stream.linear.scatter [tilespmem:s20], [sflag:$0x2], $0xC80, $0x38;
	[tilespmem:$0x1A908] =	vst v63  }
0x417: {  	_ =	swait.ge [sflag:s22], $0xC80  }
0x418: {  	[sflag:s22] =	ssyncset.done $0x0  }
0x419: {  	s29 =	rddreg [dreg:$0x1b];
	[sflag:s22] =	ssyncadd.s32 $0xFFFFF380  }
0x41a: {  	[tilespmem:s21], [sflag:$0x1] =	stream.linear.gather [spmem:s29], $0xC80, $0x38;
	[tilespmem:$0x1A908] =	vst v63  }
0x41b: {  	_ =	swait.ge [sflag:s16], $0xC80  }
0x41c: {  	s26 =	sld [smem:$0x7EE]  }
0x41d: {  	[sflag:s16] =	ssyncset.done $0x0  }
0x41e: {  	[sflag:s16] =	ssyncadd.s32 $0xFFFFF380  }
0x41f: {  	[hbm4b:s26+s3] =	stream.linear.scatter [tilespmem:s21], [sflag:$0x2], $0xC80, $0x38;
	[tilespmem:$0x1A908] =	vst v63  }
0x420: {  	_ =	swait.ge [sflag:s22], $0xC80  }
0x421: {  	[sflag:s22] =	ssyncset.done $0x0  }
0x422: {  	s28 =	rddreg [dreg:$0x1c];
	[sflag:s22] =	ssyncadd.s32 $0xFFFFF380  }
0x423: {  	[tilespmem:s20], [sflag:$0x1] =	stream.linear.gather [spmem:s28], $0xC80, $0x38;
	[tilespmem:$0x1A908] =	vst v63  }
0x424: {  	_ =	swait.ge [sflag:s16], $0xC80  }
0x425: {  	s29 =	sld [smem:$0x7EF]  }
0x426: {  	[sflag:s16] =	ssyncset.done $0x0  }
0x427: {  	[sflag:s16] =	ssyncadd.s32 $0xFFFFF380  }
0x428: {  	[hbm4b:s29+s3] =	stream.linear.scatter [tilespmem:s20], [sflag:$0x2], $0xC80, $0x38;
	[tilespmem:$0x1A908] =	vst v63  }
0x429: {  	_ =	swait.ge [sflag:s22], $0xC80  }
0x42a: {  	[sflag:s22] =	ssyncset.done $0x0  }
0x42b: {  	[sflag:s22] =	ssyncadd.s32 $0xFFFFF380  }
0x42c: {  	[tilespmem:s21], [sflag:$0x1] =	stream.linear.gather [spmem:s30], $0xC80, $0x38;
	[tilespmem:$0x1A908] =	vst v63  }
0x42d: {  	_ =	swait.ge [sflag:s16], $0xC80  }
0x42e: {  	s26 =	sld [smem:$0x7F0]  }
0x42f: {  	[sflag:s16] =	ssyncset.done $0x0  }
0x430: {  	[sflag:s16] =	ssyncadd.s32 $0xFFFFF380  }
0x431: {  	[hbm4b:s26+s3] =	stream.linear.scatter [tilespmem:s21], [sflag:$0x2], $0xC80, $0x38;
	[tilespmem:$0x1A908] =	vst v63  }
0x432: {  	_ =	swait.ge [sflag:s22], $0xC80  }
0x433: {  	[sflag:s22] =	ssyncset.done $0x0  }
0x434: {  	[sflag:s22] =	ssyncadd.s32 $0xFFFFF380  }
0x435: {  	[tilespmem:s20], [sflag:$0x1] =	stream.linear.gather [spmem:s31], $0xC80, $0x38;
	[tilespmem:$0x1A908] =	vst v63  }
0x436: {  	_ =	swait.ge [sflag:s16], $0xC80  }
0x437: {  	s28 =	sld [smem:$0x7F1]  }
0x438: {  	[sflag:s16] =	ssyncset.done $0x0  }
0x439: {  	[sflag:s16] =	ssyncadd.s32 $0xFFFFF380  }
0x43a: {  	[hbm4b:s28+s3] =	stream.linear.scatter [tilespmem:s20], [sflag:$0x2], $0xC80, $0x38;
	[tilespmem:$0x1A908] =	vst v63  }
0x43b: {  	_ =	swait.ge [sflag:s22], $0xC80  }
0x43c: {  	[sflag:s22] =	ssyncset.done $0x0  }
0x43d: {  	[sflag:s22] =	ssyncadd.s32 $0xFFFFF380  }
0x43e: {  	[tilespmem:s21], [sflag:$0x1] =	stream.linear.gather [spmem:s0], $0xC80, $0x38;
	[tilespmem:$0x1A908] =	vst v63  }
0x43f: {  	_ =	swait.ge [sflag:s16], $0xC80  }
0x440: {  	s29 =	sld [smem:$0x7F2]  }
0x441: {  	[sflag:s16] =	ssyncset.done $0x0  }
0x442: {  	[sflag:s16] =	ssyncadd.s32 $0xFFFFF380  }
0x443: {  	[hbm4b:s29+s3] =	stream.linear.scatter [tilespmem:s21], [sflag:$0x2], $0xC80, $0x38;
	[tilespmem:$0x1A908] =	vst v63  }
0x444: {  	_ =	swait.ge [sflag:s22], $0xC80  }
0x445: {  	[sflag:s22] =	ssyncset.done $0x0  }
0x446: {  	[sflag:s22] =	ssyncadd.s32 $0xFFFFF380  }
0x447: {  	[tilespmem:s20], [sflag:$0x1] =	stream.linear.gather [spmem:s1], $0xC80, $0x38;
	[tilespmem:$0x1A908] =	vst v63  }
0x448: {  	_ =	swait.ge [sflag:s16], $0xC80  }
0x449: {  	s26 =	sld [smem:$0x7F3]  }
0x44a: {  	[sflag:s16] =	ssyncset.done $0x0  }
0x44b: {  	[sflag:s16] =	ssyncadd.s32 $0xFFFFF380  }
0x44c: {  	[hbm4b:s26+s3] =	stream.linear.scatter [tilespmem:s20], [sflag:$0x2], $0xC80, $0x38;
	[tilespmem:$0x1A908] =	vst v63  }
0x44d: {  	_ =	swait.ge [sflag:s22], $0xC80  }
0x44e: {  	[sflag:s22] =	ssyncset.done $0x0  }
0x44f: {  	[sflag:s22] =	ssyncadd.s32 $0xFFFFF380  }
0x450: {  	[tilespmem:s21], [sflag:$0x1] =	stream.linear.gather [spmem:s4], $0xC80, $0x38;
	[tilespmem:$0x1A908] =	vst v63  }
0x451: {  	_ =	swait.ge [sflag:s16], $0xC80  }
0x452: {  	s28 =	sld [smem:$0x7F4]  }
0x453: {  	[sflag:s16] =	ssyncset.done $0x0  }
0x454: {  	[sflag:s16] =	ssyncadd.s32 $0xFFFFF380  }
0x455: {  	[hbm4b:s28+s3] =	stream.linear.scatter [tilespmem:s21], [sflag:$0x2], $0xC80, $0x38;
	[tilespmem:$0x1A908] =	vst v63  }
0x456: {  	_ =	swait.ge [sflag:s22], $0xC80  }
0x457: {  	[sflag:s22] =	ssyncset.done $0x0  }
0x458: {  	[sflag:s22] =	ssyncadd.s32 $0xFFFFF380  }
0x459: {  	[tilespmem:s20], [sflag:$0x1] =	stream.linear.gather [spmem:s6], $0xC80, $0x38;
	[tilespmem:$0x1A908] =	vst v63  }
0x45a: {  	_ =	swait.ge [sflag:s16], $0xC80  }
0x45b: {  	s29 =	sld [smem:$0x7F5]  }
0x45c: {  	[sflag:s16] =	ssyncset.done $0x0  }
0x45d: {  	[sflag:s16] =	ssyncadd.s32 $0xFFFFF380  }
0x45e: {  	[hbm4b:s29+s3] =	stream.linear.scatter [tilespmem:s20], [sflag:$0x2], $0xC80, $0x38;
	[tilespmem:$0x1A908] =	vst v63  }
0x45f: {  	_ =	swait.ge [sflag:s22], $0xC80  }
0x460: {  	[sflag:s22] =	ssyncset.done $0x0  }
0x461: {  	[sflag:s22] =	ssyncadd.s32 $0xFFFFF380  }
0x462: {  	[tilespmem:s21], [sflag:$0x1] =	stream.linear.gather [spmem:s7], $0xC80, $0x38;
	[tilespmem:$0x1A908] =	vst v63  }
0x463: {  	_ =	swait.ge [sflag:s16], $0xC80  }
0x464: {  	s26 =	sld [smem:$0x7F6]  }
0x465: {  	[sflag:s16] =	ssyncset.done $0x0  }
0x466: {  	[sflag:s16] =	ssyncadd.s32 $0xFFFFF380  }
0x467: {  	[hbm4b:s26+s3] =	stream.linear.scatter [tilespmem:s21], [sflag:$0x2], $0xC80, $0x38;
	[tilespmem:$0x1A908] =	vst v63  }
0x468: {  	_ =	swait.ge [sflag:s22], $0xC80  }
0x469: {  	[sflag:s22] =	ssyncset.done $0x0  }
0x46a: {  	[sflag:s22] =	ssyncadd.s32 $0xFFFFF380  }
0x46b: {  	[tilespmem:s20], [sflag:$0x1] =	stream.linear.gather [spmem:s8], $0xC80, $0x38;
	[tilespmem:$0x1A908] =	vst v63  }
0x46c: {  	_ =	swait.ge [sflag:s16], $0xC80  }
0x46d: {  	s28 =	sld [smem:$0x7F7]  }
0x46e: {  	[sflag:s16] =	ssyncset.done $0x0  }
0x46f: {  	[sflag:s16] =	ssyncadd.s32 $0xFFFFF380  }
0x470: {  	[hbm4b:s28+s3] =	stream.linear.scatter [tilespmem:s20], [sflag:$0x2], $0xC80, $0x38;
	[tilespmem:$0x1A908] =	vst v63  }
0x471: {  	_ =	swait.ge [sflag:s22], $0xC80  }
0x472: {  	[sflag:s22] =	ssyncset.done $0x0  }
0x473: {  	[sflag:s22] =	ssyncadd.s32 $0xFFFFF380  }
0x474: {  	[tilespmem:s21], [sflag:$0x1] =	stream.linear.gather [spmem:s9], $0xC80, $0x38;
	[tilespmem:$0x1A908] =	vst v63  }
0x475: {  	_ =	swait.ge [sflag:s16], $0xC80  }
0x476: {  	s29 =	sld [smem:$0x7F8]  }
0x477: {  	[sflag:s16] =	ssyncset.done $0x0  }
0x478: {  	[sflag:s16] =	ssyncadd.s32 $0xFFFFF380  }
0x479: {  	[hbm4b:s29+s3] =	stream.linear.scatter [tilespmem:s21], [sflag:$0x2], $0xC80, $0x38;
	[tilespmem:$0x1A908] =	vst v63  }
0x47a: {  	_ =	swait.ge [sflag:s22], $0xC80  }
0x47b: {  	[sflag:s22] =	ssyncset.done $0x0  }
0x47c: {  	[sflag:s22] =	ssyncadd.s32 $0xFFFFF380  }
0x47d: {  	[tilespmem:s20], [sflag:$0x1] =	stream.linear.gather [spmem:s10], $0xC80, $0x38;
	[tilespmem:$0x1A908] =	vst v63  }
0x47e: {  	_ =	swait.ge [sflag:s16], $0xC80  }
0x47f: {  	s26 =	sld [smem:$0x7F9]  }
0x480: {  	[sflag:s16] =	ssyncset.done $0x0  }
0x481: {  	[sflag:s16] =	ssyncadd.s32 $0xFFFFF380  }
0x482: {  	[hbm4b:s26+s3] =	stream.linear.scatter [tilespmem:s20], [sflag:$0x2], $0xC80, $0x38;
	[tilespmem:$0x1A908] =	vst v63  }
0x483: {  	_ =	swait.ge [sflag:s22], $0xC80  }
0x484: {  	[sflag:s22] =	ssyncset.done $0x0  }
0x485: {  	[sflag:s22] =	ssyncadd.s32 $0xFFFFF380  }
0x486: {  	[tilespmem:s21], [sflag:$0x1] =	stream.linear.gather [spmem:s11], $0xC80, $0x38;
	[tilespmem:$0x1A908] =	vst v63  }
0x487: {  	_ =	swait.ge [sflag:s16], $0xC80  }
0x488: {  	s28 =	sld [smem:$0x7FA]  }
0x489: {  	[sflag:s16] =	ssyncset.done $0x0  }
0x48a: {  	[sflag:s16] =	ssyncadd.s32 $0xFFFFF380  }
0x48b: {  	[hbm4b:s28+s3] =	stream.linear.scatter [tilespmem:s21], [sflag:$0x2], $0xC80, $0x38;
	[tilespmem:$0x1A908] =	vst v63  }
0x48c: {  	_ =	swait.ge [sflag:s22], $0xC80  }
0x48d: {  	[sflag:s22] =	ssyncset.done $0x0  }
0x48e: {  	[sflag:s22] =	ssyncadd.s32 $0xFFFFF380  }
0x48f: {  	[tilespmem:s20], [sflag:$0x1] =	stream.linear.gather [spmem:s12], $0xC80, $0x38;
	[tilespmem:$0x1A908] =	vst v63  }
0x490: {  	_ =	swait.ge [sflag:s16], $0xC80  }
0x491: {  	s29 =	sld [smem:$0x7FB]  }
0x492: {  	[sflag:s16] =	ssyncset.done $0x0  }
0x493: {  	[sflag:s16] =	ssyncadd.s32 $0xFFFFF380  }
0x494: {  	[hbm4b:s29+s3] =	stream.linear.scatter [tilespmem:s20], [sflag:$0x2], $0xC80, $0x38;
	[tilespmem:$0x1A908] =	vst v63  }
0x495: {  	_ =	swait.ge [sflag:s22], $0xC80  }
0x496: {  	[sflag:s22] =	ssyncset.done $0x0  }
0x497: {  	[sflag:s22] =	ssyncadd.s32 $0xFFFFF380  }
0x498: {  	[tilespmem:s21], [sflag:$0x1] =	stream.linear.gather [spmem:s13], $0xC80, $0x38;
	[tilespmem:$0x1A908] =	vst v63  }
0x499: {  	_ =	swait.ge [sflag:s16], $0xC80  }
0x49a: {  	s26 =	sld [smem:$0x7FC]  }
0x49b: {  	[sflag:s16] =	ssyncset.done $0x0  }
0x49c: {  	[sflag:s16] =	ssyncadd.s32 $0xFFFFF380  }
0x49d: {  	[hbm4b:s26+s3] =	stream.linear.scatter [tilespmem:s21], [sflag:$0x2], $0xC80, $0x38;
	[tilespmem:$0x1A908] =	vst v63  }
0x49e: {  	_ =	swait.ge [sflag:s22], $0xC80  }
0x49f: {  	[sflag:s22] =	ssyncset.done $0x0  }
0x4a0: {  	[sflag:s22] =	ssyncadd.s32 $0xFFFFF380  }
0x4a1: {  	[tilespmem:s20], [sflag:$0x1] =	stream.linear.gather [spmem:s14], $0xC80, $0x38;
	[tilespmem:$0x1A908] =	vst v63  }
0x4a2: {  	_ =	swait.ge [sflag:s16], $0xC80  }
0x4a3: {  	s28 =	sld [smem:$0x7FD]  }
0x4a4: {  	[sflag:s16] =	ssyncset.done $0x0  }
0x4a5: {  	[sflag:s16] =	ssyncadd.s32 $0xFFFFF380  }
0x4a6: {  	[hbm4b:s28+s3] =	stream.linear.scatter [tilespmem:s20], [sflag:$0x2], $0xC80, $0x38;
	[tilespmem:$0x1A908] =	vst v63  }
0x4a7: {  	_ =	swait.ge [sflag:s22], $0xC80  }
0x4a8: {  	[sflag:s22] =	ssyncset.done $0x0  }
0x4a9: {  	[sflag:s22] =	ssyncadd.s32 $0xFFFFF380  }
0x4aa: {  	_ =	swait.ge [sflag:s22], $0xC80  }
0x4ab: {  	s24 =	sadd.s32 $0x1, s24;
	s29 =	rddreg [dreg:$0x17]  }
0x4ac: {  	p0 =	sne.s32 s24, s29  }
.Ltmp14:
0x4ad: {  	_ = 	snop;
	(pc) =	sbr.rel @p0 .LBB2_1-.Ltmp14, $3  }
0x4ae: {  	[sflag:s22] =	ssyncset.done $0x0  }
0x4af: {  	[sflag:s22] =	ssyncadd.s32 $0xFFFFF380  }
0x4b0: {  	[bflag:$0x0] =	sbarrier.arrive $0xFFFF;
	_ =	sdelay $0x1  }
0x4b1: {  	_ =	sfence.sel $0x180000  }
0x4b2: {  	[bflag:$0x0] =	sbarrier.arrive $0xFFFF  }
0x4b3: {  	_ =	strace $0x90000047  }
0x4b4: {  	s0 =	stileid.u32;
	[bflag:$0x2] =	sbarrier.arrive $0xFFFF  }
0x4b5: {  	p0 =	sne.s32 s0, $0x0;
	s0 =	rddreg [dreg:$0x4]  }
0x4b6: {  	s0 =	sadd.s32 @!p0 $0x100000, s0  }
0x4b7: {  	[sflag:s0] =	ssyncadd.tile.s32 @!p0 $0x1;
	_ =	shalt  }
.Lfunc_end2:
_tile_overlayer_lowered:
.L_overlay_start_2:
0x4b8: {  	(tag) =	ssettag $0x2  }
0x4b9: {  	s0 =	rddreg [dreg:$0x0];
	s2 =	stileid.u32  }
0x4ba: {  	s1 =	rddreg [dreg:$0x1];
	p0 =	sne.s32 s2, $0x0  }
0x4bb: {  	s3 =	rddreg [dreg:$0x2];
	[bflag:$0x3] =	sbarrier.arrive $0xFFFF;
	s2 =	simm.s32 @!p0 $0x1C03  }
0x4bc: {  	[timem:s3], [sflag:s2] =	dma.local @!p0 [hbm:s0], s1  }
0x4bd: {  	s0 =	simm.s32 @!p0 $0x3  }
0x4be: {  	_ =	swait.ge @!p0 [sflag:s0], s1  }
0x4bf: {  	s1 =	ssub.s32 @!p0 $0x0, s1;
	[sflag:s0] =	ssyncset.done @!p0 $0x0  }
0x4c0: {  	[sflag:s0] =	ssyncadd.s32 @!p0 s1  }
0x4c1: {  	[bflag:$0x3] =	sbarrier.arrive $0xFFFF  }
0x4c2: {  	_ =	shalt  }

</sc_bundles>
